<compile_context>
chip_gen: v7x
topology: tpu7x:2x2x1
jax: 0.10.2.dev20260603
libtpu: 0.0.44.dev20260713+nightly
codegen_flags: <defaults>
</compile_context>

<pallas_src>
import functools

import jax
import jax.numpy as jnp
from jax import lax
from jax.experimental import pallas as pl
from jax.experimental.pallas import tpu as pltpu
from jax.experimental.pallas import tpu_sc as plsc

R, C = 128, 32768
LANES = 16
CHUNK = C // 4
NCHUNK = C // CHUNK


def _build_sc_kernel():
    mesh = plsc.VectorSubcoreMesh(core_axis_name="c", subcore_axis_name="s")
    info = plsc.get_sparse_core_info()
    nc, ns = info.num_cores, info.num_subcores
    nw = nc * ns
    rpw = R // nw
    T = rpw * NCHUNK

    @functools.partial(
        pl.kernel,
        mesh=mesh,
        compiler_params=pltpu.CompilerParams(needs_layout_passes=False),
        out_type=jax.ShapeDtypeStruct((R, C), jnp.float32),
        scratch_types=[
            pltpu.VMEM((CHUNK,), jnp.float32),
            pltpu.VMEM((CHUNK,), jnp.float32),
            pltpu.VMEM((CHUNK,), jnp.int32),
            pltpu.VMEM((CHUNK,), jnp.int32),
            pltpu.VMEM((CHUNK,), jnp.float32),
            pltpu.VMEM((CHUNK,), jnp.float32),
            pltpu.SemaphoreType.DMA,
            pltpu.SemaphoreType.DMA,
            pltpu.SemaphoreType.DMA,
            pltpu.SemaphoreType.DMA,
            pltpu.SemaphoreType.DMA,
            pltpu.SemaphoreType.DMA,
        ],
    )
    def k(x_hbm, m_hbm, out_hbm, x_v0, x_v1, m_v0, m_v1, o_v0, o_v1,
          sx0, sx1, sm0, sm1, so0, so1):
        x_v, m_v, o_v = (x_v0, x_v1), (m_v0, m_v1), (o_v0, o_v1)
        sx, sm, so = (sx0, sx1), (sm0, sm1), (so0, so1)
        wid = lax.axis_index("s") * nc + lax.axis_index("c")
        row0 = wid * rpw

        def x_slc(t):
            return x_hbm.at[row0 + t // NCHUNK, pl.ds((t % NCHUNK) * CHUNK, CHUNK)]

        def o_slc(t):
            return out_hbm.at[row0 + t // NCHUNK, pl.ds((t % NCHUNK) * CHUNK, CHUNK)]

        def m_slc(r):
            return m_hbm.at[pl.ds(pl.multiple_of((row0 + r) * CHUNK, CHUNK), CHUNK)]

        pltpu.async_copy(x_slc(0), x_v[0], sx[0])
        pltpu.async_copy(m_slc(0), m_v[0], sm[0])

        zero = jnp.zeros((LANES,), jnp.float32)
        carry = jnp.float32(0.0)

        for t in range(T):
            b = t % 2
            q = t % NCHUNK
            r = t // NCHUNK
            mbuf = r % 2

            pltpu.make_async_copy(x_slc(t), x_v[b], sx[b]).wait()
            if t + 1 < T:
                pltpu.async_copy(x_slc(t + 1), x_v[1 - b], sx[1 - b])
            if q == 0:
                if r + 1 < rpw:
                    pltpu.async_copy(m_slc(r + 1), m_v[1 - mbuf], sm[1 - mbuf])
                pltpu.make_async_copy(m_slc(r), m_v[mbuf], sm[mbuf]).wait()
                carry = jnp.float32(0.0)
            if t >= 2:
                pltpu.make_async_copy(o_v[b], o_slc(t - 2), so[b]).wait()

            xb, mb, ob = x_v[b], m_v[mbuf], o_v[b]
            bitmask = jnp.int32(1 << (8 * q))

            @plsc.parallel_loop(0, CHUNK // LANES, unroll=8, carry=carry)
            def vec_body(g, cy):
                off = g * LANES
                bit = (mb[pl.ds(off, LANES)] & bitmask) != 0
                s = plsc.cumsum(jnp.where(bit, xb[pl.ds(off, LANES)], zero))
                ob[pl.ds(off, LANES)] = s + cy
                return cy + s[15]

            carry = vec_body
            pltpu.async_copy(o_v[b], o_slc(t), so[b])

        pltpu.make_async_copy(o_v[0], o_slc(T - 2), so[0]).wait()
        pltpu.make_async_copy(o_v[1], o_slc(T - 1), so[1]).wait()

    return k


_sc_kernel = _build_sc_kernel()


@jax.jit
def kernel(x, mask):
    mw = (mask[:, :CHUNK].astype(jnp.int32)
          | (mask[:, CHUNK:2 * CHUNK].astype(jnp.int32) << 8)
          | (mask[:, 2 * CHUNK:3 * CHUNK].astype(jnp.int32) << 16)
          | (mask[:, 3 * CHUNK:].astype(jnp.int32) << 24))
    return _sc_kernel(x, mw.reshape(R * CHUNK))

# --- scband reference (transcript-rebuilt; emitter-appended) ---
"""Pipeline reference for scband-model-new-63582695850200 (READ-ONLY COPY).

The authoritative reference and input builder live on the scoring server;
editing this copy changes nothing except your own understanding.
"""

import jax, jax.numpy as jnp
import numpy as np


def setup_inputs(seed: int = 0) -> dict:
    key = jax.random.key(seed)
    k1, k2 = jax.random.split(key)
    x = jax.random.normal(k1, (128, 32768), dtype=jnp.float32)
    mask = jax.random.randint(k2, (128, 32768), 0, 2).astype(jnp.bool_)
    return {"x": x, "mask": mask}


def reference(x, mask):
    # Masked cumulative sum along dim=1: sum x[i] where mask[i] is True,
    # carried cumulatively across the sequence dimension.
    return jnp.cumsum(x * mask, axis=1)

if __name__ == "__main__":
    import jax
    _d = setup_inputs()
    print(jax.jit(kernel)(*tuple(_d.values())))

</pallas_src>

<mosaic_0001>
#map = affine_map<(d0, d1) -> (0, 0)>
#map1 = affine_map<(d0, d1) -> (0)>
module attributes {stable_mosaic.version = 14 : i64} {
  func.func @k(%arg0: i32, %arg1: i32, %arg2: memref<128x32768xf32, #tpu.memory_space<hbm>>, %arg3: memref<1048576xi32, #tpu.memory_space<hbm>>, %arg4: memref<128x32768xf32, #tpu.memory_space<hbm>>, %arg5: memref<8192xf32, #tpu.memory_space<vmem>>, %arg6: memref<8192xf32, #tpu.memory_space<vmem>>, %arg7: memref<8192xi32, #tpu.memory_space<vmem>>, %arg8: memref<8192xi32, #tpu.memory_space<vmem>>, %arg9: memref<8192xf32, #tpu.memory_space<vmem>>, %arg10: memref<8192xf32, #tpu.memory_space<vmem>>, %arg11: memref<!tpu.dma_semaphore, #tpu.memory_space<semaphore_mem>>, %arg12: memref<!tpu.dma_semaphore, #tpu.memory_space<semaphore_mem>>, %arg13: memref<!tpu.dma_semaphore, #tpu.memory_space<semaphore_mem>>, %arg14: memref<!tpu.dma_semaphore, #tpu.memory_space<semaphore_mem>>, %arg15: memref<!tpu.dma_semaphore, #tpu.memory_space<semaphore_mem>>, %arg16: memref<!tpu.dma_semaphore, #tpu.memory_space<semaphore_mem>>) attributes {dimension_semantics = [#tpu.dimension_semantics<core_parallel>, #tpu.dimension_semantics<subcore_parallel>], iteration_bounds = array<i64: 2, 16>, scalar_prefetch = 0 : i64, scratch_operands = 12 : i64, tpu.core_type = #tpu.core_type<sc_vector_subcore>, window_params = [{transform_indices = #map}, {transform_indices = #map1}, {transform_indices = #map}]} {
    %mul3A = arith.constant 2 : i32
    %mul3A_0 = arith.muli %arg1, %mul3A : i32
    %add3A = arith.addi %mul3A_0, %arg0 : i32
    %mul3A_1 = arith.constant 4 : i32
    %mul3A_2 = arith.muli %add3A, %mul3A_1 : i32
    %add3A_3 = arith.constant 0 : i32
    %add3A_4 = arith.addi %mul3A_2, %add3A_3 : i32
    %dma_start3A = arith.constant 0 : i32
    %dma_start3A_5 = tpu.memref_slice %arg2[%add3A_4, %dma_start3A] : memref<128x32768xf32, #tpu.memory_space<hbm>> -> memref<1x8192xf32, #tpu.memory_space<hbm>>
    %dma_start3A_6 = tpu.memref_squeeze %dma_start3A_5 : memref<1x8192xf32, #tpu.memory_space<hbm>> -> memref<8192xf32, #tpu.memory_space<hbm>>
    %dma_start3A_7 = arith.constant 0 : i32
    %dma_start3A_8 = tpu.memref_slice %arg2[%add3A_4, %dma_start3A_7] : memref<128x32768xf32, #tpu.memory_space<hbm>> -> memref<1x8192xf32, #tpu.memory_space<hbm>>
    %dma_start3A_9 = tpu.memref_squeeze %dma_start3A_8 : memref<1x8192xf32, #tpu.memory_space<hbm>> -> memref<8192xf32, #tpu.memory_space<hbm>>
    tpu.enqueue_dma source(%dma_start3A_9 : memref<8192xf32, #tpu.memory_space<hbm>>) target(%arg5 : memref<8192xf32, #tpu.memory_space<vmem>>) target_semaphore(%arg11 : memref<!tpu.dma_semaphore, #tpu.memory_space<semaphore_mem>>)
    %add3A_10 = arith.constant 0 : i32
    %add3A_11 = arith.addi %mul3A_2, %add3A_10 : i32
    %mul3A_12 = arith.constant 8192 : i32
    %mul3A_13 = arith.muli %add3A_11, %mul3A_12 : i32
    %multiple_of3A = tpu.assume_multiple %mul3A_13, 8192 : i32
    %dma_start3A_14 = tpu.memref_slice %arg3[%multiple_of3A] : memref<1048576xi32, #tpu.memory_space<hbm>> -> memref<8192xi32, #tpu.memory_space<hbm>>
    %dma_start3A_15 = tpu.memref_slice %arg3[%multiple_of3A] : memref<1048576xi32, #tpu.memory_space<hbm>> -> memref<8192xi32, #tpu.memory_space<hbm>>
    tpu.enqueue_dma source(%dma_start3A_15 : memref<8192xi32, #tpu.memory_space<hbm>>) target(%arg7 : memref<8192xi32, #tpu.memory_space<vmem>>) target_semaphore(%arg13 : memref<!tpu.dma_semaphore, #tpu.memory_space<semaphore_mem>>)
    %broadcast_in_dim3A = arith.constant 0.000000e+00 : f32
    %broadcast_in_dim3A_16 = vector.broadcast %broadcast_in_dim3A : f32 to vector<16xf32>
    %add3A_17 = arith.constant 0 : i32
    %add3A_18 = arith.addi %mul3A_2, %add3A_17 : i32
    %dma_wait3A = arith.constant 0 : i32
    %dma_wait3A_19 = tpu.memref_slice %arg2[%add3A_18, %dma_wait3A] : memref<128x32768xf32, #tpu.memory_space<hbm>> -> memref<1x8192xf32, #tpu.memory_space<hbm>>
    %dma_wait3A_20 = tpu.memref_squeeze %dma_wait3A_19 : memref<1x8192xf32, #tpu.memory_space<hbm>> -> memref<8192xf32, #tpu.memory_space<hbm>>
    %dma_wait3A_21 = arith.constant 0 : i32
    %dma_wait3A_22 = tpu.memref_slice %arg2[%add3A_18, %dma_wait3A_21] : memref<128x32768xf32, #tpu.memory_space<hbm>> -> memref<1x8192xf32, #tpu.memory_space<hbm>>
    %dma_wait3A_23 = tpu.memref_squeeze %dma_wait3A_22 : memref<1x8192xf32, #tpu.memory_space<hbm>> -> memref<8192xf32, #tpu.memory_space<hbm>>
    tpu.wait_dma2 semaphore(%arg11 : memref<!tpu.dma_semaphore, #tpu.memory_space<semaphore_mem>>) src(%dma_wait3A_23 : memref<8192xf32, #tpu.memory_space<hbm>>) dst(%arg5 : memref<8192xf32, #tpu.memory_space<vmem>>)
    %add3A_24 = arith.constant 0 : i32
    %add3A_25 = arith.addi %mul3A_2, %add3A_24 : i32
    %dma_start3A_26 = arith.constant 8192 : i32
    %dma_start3A_27 = tpu.memref_slice %arg2[%add3A_25, %dma_start3A_26] : memref<128x32768xf32, #tpu.memory_space<hbm>> -> memref<1x8192xf32, #tpu.memory_space<hbm>>
    %dma_start3A_28 = tpu.memref_squeeze %dma_start3A_27 : memref<1x8192xf32, #tpu.memory_space<hbm>> -> memref<8192xf32, #tpu.memory_space<hbm>>
    %dma_start3A_29 = arith.constant 8192 : i32
    %dma_start3A_30 = tpu.memref_slice %arg2[%add3A_25, %dma_start3A_29] : memref<128x32768xf32, #tpu.memory_space<hbm>> -> memref<1x8192xf32, #tpu.memory_space<hbm>>
    %dma_start3A_31 = tpu.memref_squeeze %dma_start3A_30 : memref<1x8192xf32, #tpu.memory_space<hbm>> -> memref<8192xf32, #tpu.memory_space<hbm>>
    tpu.enqueue_dma source(%dma_start3A_31 : memref<8192xf32, #tpu.memory_space<hbm>>) target(%arg6 : memref<8192xf32, #tpu.memory_space<vmem>>) target_semaphore(%arg12 : memref<!tpu.dma_semaphore, #tpu.memory_space<semaphore_mem>>)
    %add3A_32 = arith.constant 1 : i32
    %add3A_33 = arith.addi %mul3A_2, %add3A_32 : i32
    %mul3A_34 = arith.constant 8192 : i32
    %mul3A_35 = arith.muli %add3A_33, %mul3A_34 : i32
    %multiple_of3A_36 = tpu.assume_multiple %mul3A_35, 8192 : i32
    %dma_start3A_37 = tpu.memref_slice %arg3[%multiple_of3A_36] : memref<1048576xi32, #tpu.memory_space<hbm>> -> memref<8192xi32, #tpu.memory_space<hbm>>
    %dma_start3A_38 = tpu.memref_slice %arg3[%multiple_of3A_36] : memref<1048576xi32, #tpu.memory_space<hbm>> -> memref<8192xi32, #tpu.memory_space<hbm>>
    tpu.enqueue_dma source(%dma_start3A_38 : memref<8192xi32, #tpu.memory_space<hbm>>) target(%arg8 : memref<8192xi32, #tpu.memory_space<vmem>>) target_semaphore(%arg14 : memref<!tpu.dma_semaphore, #tpu.memory_space<semaphore_mem>>)
    %add3A_39 = arith.constant 0 : i32
    %add3A_40 = arith.addi %mul3A_2, %add3A_39 : i32
    %mul3A_41 = arith.constant 8192 : i32
    %mul3A_42 = arith.muli %add3A_40, %mul3A_41 : i32
    %multiple_of3A_43 = tpu.assume_multiple %mul3A_42, 8192 : i32
    %dma_wait3A_44 = tpu.memref_slice %arg3[%multiple_of3A_43] : memref<1048576xi32, #tpu.memory_space<hbm>> -> memref<8192xi32, #tpu.memory_space<hbm>>
    %dma_wait3A_45 = tpu.memref_slice %arg3[%multiple_of3A_43] : memref<1048576xi32, #tpu.memory_space<hbm>> -> memref<8192xi32, #tpu.memory_space<hbm>>
    tpu.wait_dma2 semaphore(%arg13 : memref<!tpu.dma_semaphore, #tpu.memory_space<semaphore_mem>>) src(%dma_wait3A_45 : memref<8192xi32, #tpu.memory_space<hbm>>) dst(%arg7 : memref<8192xi32, #tpu.memory_space<vmem>>)
    %parallel_loop3A = arith.constant 0 : i32
    %parallel_loop3A_46 = arith.constant 512 : i32
    %parallel_loop3A_47 = arith.constant 1 : i32
    %parallel_loop3A_48 = arith.constant 1 : i32
    %parallel_loop3A_49 = arith.constant 0.000000e+00 : f32
    %parallel_loop3A_50 = scf.for %parallel_loop3A_652 = %parallel_loop3A to %parallel_loop3A_46 step %parallel_loop3A_47 iter_args(%parallel_loop3A_653 = %parallel_loop3A_49) -> (f32)  : i32 {
      %parallel_loop3A_654 = arith.constant 16 : i32
      %parallel_loop3A_655 = arith.muli %parallel_loop3A_652, %parallel_loop3A_654 : i32
      %parallel_loop3A_656 = arith.index_cast %parallel_loop3A_655 : i32 to index
      %parallel_loop3A_657 = tpu.vector_load %arg7[%parallel_loop3A_656] {strides = array<i32>} : memref<8192xi32, #tpu.memory_space<vmem>>, vector<16xi32>,
      %parallel_loop3A_658 = vector.broadcast %parallel_loop3A_48 : i32 to vector<16xi32>
      %parallel_loop3A_659 = arith.andi %parallel_loop3A_657, %parallel_loop3A_658 : vector<16xi32>
      %parallel_loop3A_660 = arith.constant 0 : i32
      %parallel_loop3A_661 = vector.broadcast %parallel_loop3A_660 : i32 to vector<16xi32>
      %parallel_loop3A_662 = arith.cmpi ne, %parallel_loop3A_659, %parallel_loop3A_661 : vector<16xi32>
      %parallel_loop3A_663 = arith.index_cast %parallel_loop3A_655 : i32 to index
      %parallel_loop3A_664 = tpu.vector_load %arg5[%parallel_loop3A_663] {strides = array<i32>} : memref<8192xf32, #tpu.memory_space<vmem>>, vector<16xf32>,
      %parallel_loop3A_665 = arith.select %parallel_loop3A_662, %parallel_loop3A_664, %broadcast_in_dim3A_16 : vector<16xi1>, vector<16xf32>
      %parallel_loop3A_666 = arith.constant true
      %parallel_loop3A_667 = vector.broadcast %parallel_loop3A_666 : i1 to vector<16xi1>
      %parallel_loop3A_668 = tpu.scan <sum>, %parallel_loop3A_665 masked %parallel_loop3A_667 : vector<16xf32>, vector<16xi1> -> vector<16xf32>
      %parallel_loop3A_669 = vector.broadcast %parallel_loop3A_653 : f32 to vector<16xf32>
      %parallel_loop3A_670 = arith.addf %parallel_loop3A_668, %parallel_loop3A_669 : vector<16xf32>
      %parallel_loop3A_671 = arith.index_cast %parallel_loop3A_655 : i32 to index
      %parallel_loop3A_672 = tpu.vector_load %arg9[%parallel_loop3A_671] {strides = array<i32>} : memref<8192xf32, #tpu.memory_space<vmem>>, vector<16xf32>,
      tpu.vector_store %arg9[%parallel_loop3A_671], %parallel_loop3A_670 {strides = array<i32>} : memref<8192xf32, #tpu.memory_space<vmem>>, vector<16xf32>,
      %parallel_loop3A_673 = vector.extract_strided_slice %parallel_loop3A_668 {offsets = [15], sizes = [1], strides = [1]} : vector<16xf32> to vector<1xf32>
      %parallel_loop3A_674 = vector.extract %parallel_loop3A_673[0] : f32 from vector<1xf32>
      %parallel_loop3A_675 = arith.addf %parallel_loop3A_653, %parallel_loop3A_674 : f32
      scf.yield %parallel_loop3A_675 : f32
    } {sc.loop_unroll_factor = 8 : i64, sc.parallel_access}
    %add3A_51 = arith.constant 0 : i32
    %add3A_52 = arith.addi %mul3A_2, %add3A_51 : i32
    %dma_start3A_53 = arith.constant 0 : i32
    %dma_start3A_54 = tpu.memref_slice %arg4[%add3A_52, %dma_start3A_53] : memref<128x32768xf32, #tpu.memory_space<hbm>> -> memref<1x8192xf32, #tpu.memory_space<hbm>>
    %dma_start3A_55 = tpu.memref_squeeze %dma_start3A_54 : memref<1x8192xf32, #tpu.memory_space<hbm>> -> memref<8192xf32, #tpu.memory_space<hbm>>
    %dma_start3A_56 = arith.constant 0 : i32
    %dma_start3A_57 = tpu.memref_slice %arg4[%add3A_52, %dma_start3A_56] : memref<128x32768xf32, #tpu.memory_space<hbm>> -> memref<1x8192xf32, #tpu.memory_space<hbm>>
    %dma_start3A_58 = tpu.memref_squeeze %dma_start3A_57 : memref<1x8192xf32, #tpu.memory_space<hbm>> -> memref<8192xf32, #tpu.memory_space<hbm>>
    tpu.enqueue_dma source(%arg9 : memref<8192xf32, #tpu.memory_space<vmem>>) target(%dma_start3A_58 : memref<8192xf32, #tpu.memory_space<hbm>>) target_semaphore(%arg15 : memref<!tpu.dma_semaphore, #tpu.memory_space<semaphore_mem>>)
    %add3A_59 = arith.constant 0 : i32
    %add3A_60 = arith.addi %mul3A_2, %add3A_59 : i32
    %dma_wait3A_61 = arith.constant 8192 : i32
    %dma_wait3A_62 = tpu.memref_slice %arg2[%add3A_60, %dma_wait3A_61] : memref<128x32768xf32, #tpu.memory_space<hbm>> -> memref<1x8192xf32, #tpu.memory_space<hbm>>
    %dma_wait3A_63 = tpu.memref_squeeze %dma_wait3A_62 : memref<1x8192xf32, #tpu.memory_space<hbm>> -> memref<8192xf32, #tpu.memory_space<hbm>>
    %dma_wait3A_64 = arith.constant 8192 : i32
    %dma_wait3A_65 = tpu.memref_slice %arg2[%add3A_60, %dma_wait3A_64] : memref<128x32768xf32, #tpu.memory_space<hbm>> -> memref<1x8192xf32, #tpu.memory_space<hbm>>
    %dma_wait3A_66 = tpu.memref_squeeze %dma_wait3A_65 : memref<1x8192xf32, #tpu.memory_space<hbm>> -> memref<8192xf32, #tpu.memory_space<hbm>>
    tpu.wait_dma2 semaphore(%arg12 : memref<!tpu.dma_semaphore, #tpu.memory_space<semaphore_mem>>) src(%dma_wait3A_66 : memref<8192xf32, #tpu.memory_space<hbm>>) dst(%arg6 : memref<8192xf32, #tpu.memory_space<vmem>>)
    %add3A_67 = arith.constant 0 : i32
    %add3A_68 = arith.addi %mul3A_2, %add3A_67 : i32
    %dma_start3A_69 = arith.constant 16384 : i32
    %dma_start3A_70 = tpu.memref_slice %arg2[%add3A_68, %dma_start3A_69] : memref<128x32768xf32, #tpu.memory_space<hbm>> -> memref<1x8192xf32, #tpu.memory_space<hbm>>
    %dma_start3A_71 = tpu.memref_squeeze %dma_start3A_70 : memref<1x8192xf32, #tpu.memory_space<hbm>> -> memref<8192xf32, #tpu.memory_space<hbm>>
    %dma_start3A_72 = arith.constant 16384 : i32
    %dma_start3A_73 = tpu.memref_slice %arg2[%add3A_68, %dma_start3A_72] : memref<128x32768xf32, #tpu.memory_space<hbm>> -> memref<1x8192xf32, #tpu.memory_space<hbm>>
    %dma_start3A_74 = tpu.memref_squeeze %dma_start3A_73 : memref<1x8192xf32, #tpu.memory_space<hbm>> -> memref<8192xf32, #tpu.memory_space<hbm>>
    tpu.enqueue_dma source(%dma_start3A_74 : memref<8192xf32, #tpu.memory_space<hbm>>) target(%arg5 : memref<8192xf32, #tpu.memory_space<vmem>>) target_semaphore(%arg11 : memref<!tpu.dma_semaphore, #tpu.memory_space<semaphore_mem>>)
    %parallel_loop3A_75 = arith.constant 0 : i32
    %parallel_loop3A_76 = arith.constant 512 : i32
    %parallel_loop3A_77 = arith.constant 1 : i32
    %parallel_loop3A_78 = arith.constant 256 : i32
    %parallel_loop3A_79 = scf.for %parallel_loop3A_652 = %parallel_loop3A_75 to %parallel_loop3A_76 step %parallel_loop3A_77 iter_args(%parallel_loop3A_653 = %parallel_loop3A_50) -> (f32)  : i32 {
      %parallel_loop3A_654 = arith.constant 16 : i32
      %parallel_loop3A_655 = arith.muli %parallel_loop3A_652, %parallel_loop3A_654 : i32
      %parallel_loop3A_656 = arith.index_cast %parallel_loop3A_655 : i32 to index
      %parallel_loop3A_657 = tpu.vector_load %arg7[%parallel_loop3A_656] {strides = array<i32>} : memref<8192xi32, #tpu.memory_space<vmem>>, vector<16xi32>,
      %parallel_loop3A_658 = vector.broadcast %parallel_loop3A_78 : i32 to vector<16xi32>
      %parallel_loop3A_659 = arith.andi %parallel_loop3A_657, %parallel_loop3A_658 : vector<16xi32>
      %parallel_loop3A_660 = arith.constant 0 : i32
      %parallel_loop3A_661 = vector.broadcast %parallel_loop3A_660 : i32 to vector<16xi32>
      %parallel_loop3A_662 = arith.cmpi ne, %parallel_loop3A_659, %parallel_loop3A_661 : vector<16xi32>
      %parallel_loop3A_663 = arith.index_cast %parallel_loop3A_655 : i32 to index
      %parallel_loop3A_664 = tpu.vector_load %arg6[%parallel_loop3A_663] {strides = array<i32>} : memref<8192xf32, #tpu.memory_space<vmem>>, vector<16xf32>,
      %parallel_loop3A_665 = arith.select %parallel_loop3A_662, %parallel_loop3A_664, %broadcast_in_dim3A_16 : vector<16xi1>, vector<16xf32>
      %parallel_loop3A_666 = arith.constant true
      %parallel_loop3A_667 = vector.broadcast %parallel_loop3A_666 : i1 to vector<16xi1>
      %parallel_loop3A_668 = tpu.scan <sum>, %parallel_loop3A_665 masked %parallel_loop3A_667 : vector<16xf32>, vector<16xi1> -> vector<16xf32>
      %parallel_loop3A_669 = vector.broadcast %parallel_loop3A_653 : f32 to vector<16xf32>
      %parallel_loop3A_670 = arith.addf %parallel_loop3A_668, %parallel_loop3A_669 : vector<16xf32>
      %parallel_loop3A_671 = arith.index_cast %parallel_loop3A_655 : i32 to index
      %parallel_loop3A_672 = tpu.vector_load %arg10[%parallel_loop3A_671] {strides = array<i32>} : memref<8192xf32, #tpu.memory_space<vmem>>, vector<16xf32>,
      tpu.vector_store %arg10[%parallel_loop3A_671], %parallel_loop3A_670 {strides = array<i32>} : memref<8192xf32, #tpu.memory_space<vmem>>, vector<16xf32>,
      %parallel_loop3A_673 = vector.extract_strided_slice %parallel_loop3A_668 {offsets = [15], sizes = [1], strides = [1]} : vector<16xf32> to vector<1xf32>
      %parallel_loop3A_674 = vector.extract %parallel_loop3A_673[0] : f32 from vector<1xf32>
      %parallel_loop3A_675 = arith.addf %parallel_loop3A_653, %parallel_loop3A_674 : f32
      scf.yield %parallel_loop3A_675 : f32
    } {sc.loop_unroll_factor = 8 : i64, sc.parallel_access}
    %add3A_80 = arith.constant 0 : i32
    %add3A_81 = arith.addi %mul3A_2, %add3A_80 : i32
    %dma_start3A_82 = arith.constant 8192 : i32
    %dma_start3A_83 = tpu.memref_slice %arg4[%add3A_81, %dma_start3A_82] : memref<128x32768xf32, #tpu.memory_space<hbm>> -> memref<1x8192xf32, #tpu.memory_space<hbm>>
    %dma_start3A_84 = tpu.memref_squeeze %dma_start3A_83 : memref<1x8192xf32, #tpu.memory_space<hbm>> -> memref<8192xf32, #tpu.memory_space<hbm>>
    %dma_start3A_85 = arith.constant 8192 : i32
    %dma_start3A_86 = tpu.memref_slice %arg4[%add3A_81, %dma_start3A_85] : memref<128x32768xf32, #tpu.memory_space<hbm>> -> memref<1x8192xf32, #tpu.memory_space<hbm>>
    %dma_start3A_87 = tpu.memref_squeeze %dma_start3A_86 : memref<1x8192xf32, #tpu.memory_space<hbm>> -> memref<8192xf32, #tpu.memory_space<hbm>>
    tpu.enqueue_dma source(%arg10 : memref<8192xf32, #tpu.memory_space<vmem>>) target(%dma_start3A_87 : memref<8192xf32, #tpu.memory_space<hbm>>) target_semaphore(%arg16 : memref<!tpu.dma_semaphore, #tpu.memory_space<semaphore_mem>>)
    %add3A_88 = arith.constant 0 : i32
    %add3A_89 = arith.addi %mul3A_2, %add3A_88 : i32
    %dma_wait3A_90 = arith.constant 16384 : i32
    %dma_wait3A_91 = tpu.memref_slice %arg2[%add3A_89, %dma_wait3A_90] : memref<128x32768xf32, #tpu.memory_space<hbm>> -> memref<1x8192xf32, #tpu.memory_space<hbm>>
    %dma_wait3A_92 = tpu.memref_squeeze %dma_wait3A_91 : memref<1x8192xf32, #tpu.memory_space<hbm>> -> memref<8192xf32, #tpu.memory_space<hbm>>
    %dma_wait3A_93 = arith.constant 16384 : i32
    %dma_wait3A_94 = tpu.memref_slice %arg2[%add3A_89, %dma_wait3A_93] : memref<128x32768xf32, #tpu.memory_space<hbm>> -> memref<1x8192xf32, #tpu.memory_space<hbm>>
    %dma_wait3A_95 = tpu.memref_squeeze %dma_wait3A_94 : memref<1x8192xf32, #tpu.memory_space<hbm>> -> memref<8192xf32, #tpu.memory_space<hbm>>
    tpu.wait_dma2 semaphore(%arg11 : memref<!tpu.dma_semaphore, #tpu.memory_space<semaphore_mem>>) src(%dma_wait3A_95 : memref<8192xf32, #tpu.memory_space<hbm>>) dst(%arg5 : memref<8192xf32, #tpu.memory_space<vmem>>)
    %add3A_96 = arith.constant 0 : i32
    %add3A_97 = arith.addi %mul3A_2, %add3A_96 : i32
    %dma_start3A_98 = arith.constant 24576 : i32
    %dma_start3A_99 = tpu.memref_slice %arg2[%add3A_97, %dma_start3A_98] : memref<128x32768xf32, #tpu.memory_space<hbm>> -> memref<1x8192xf32, #tpu.memory_space<hbm>>
    %dma_start3A_100 = tpu.memref_squeeze %dma_start3A_99 : memref<1x8192xf32, #tpu.memory_space<hbm>> -> memref<8192xf32, #tpu.memory_space<hbm>>
    %dma_start3A_101 = arith.constant 24576 : i32
    %dma_start3A_102 = tpu.memref_slice %arg2[%add3A_97, %dma_start3A_101] : memref<128x32768xf32, #tpu.memory_space<hbm>> -> memref<1x8192xf32, #tpu.memory_space<hbm>>
    %dma_start3A_103 = tpu.memref_squeeze %dma_start3A_102 : memref<1x8192xf32, #tpu.memory_space<hbm>> -> memref<8192xf32, #tpu.memory_space<hbm>>
    tpu.enqueue_dma source(%dma_start3A_103 : memref<8192xf32, #tpu.memory_space<hbm>>) target(%arg6 : memref<8192xf32, #tpu.memory_space<vmem>>) target_semaphore(%arg12 : memref<!tpu.dma_semaphore, #tpu.memory_space<semaphore_mem>>)
    %add3A_104 = arith.constant 0 : i32
    %add3A_105 = arith.addi %mul3A_2, %add3A_104 : i32
    %dma_wait3A_106 = arith.constant 0 : i32
    %dma_wait3A_107 = tpu.memref_slice %arg4[%add3A_105, %dma_wait3A_106] : memref<128x32768xf32, #tpu.memory_space<hbm>> -> memref<1x8192xf32, #tpu.memory_space<hbm>>
    %dma_wait3A_108 = tpu.memref_squeeze %dma_wait3A_107 : memref<1x8192xf32, #tpu.memory_space<hbm>> -> memref<8192xf32, #tpu.memory_space<hbm>>
    %dma_wait3A_109 = arith.constant 0 : i32
    %dma_wait3A_110 = tpu.memref_slice %arg4[%add3A_105, %dma_wait3A_109] : memref<128x32768xf32, #tpu.memory_space<hbm>> -> memref<1x8192xf32, #tpu.memory_space<hbm>>
    %dma_wait3A_111 = tpu.memref_squeeze %dma_wait3A_110 : memref<1x8192xf32, #tpu.memory_space<hbm>> -> memref<8192xf32, #tpu.memory_space<hbm>>
    tpu.wait_dma2 semaphore(%arg15 : memref<!tpu.dma_semaphore, #tpu.memory_space<semaphore_mem>>) src(%arg9 : memref<8192xf32, #tpu.memory_space<vmem>>) dst(%dma_wait3A_111 : memref<8192xf32, #tpu.memory_space<hbm>>)
    %parallel_loop3A_112 = arith.constant 0 : i32
    %parallel_loop3A_113 = arith.constant 512 : i32
    %parallel_loop3A_114 = arith.constant 1 : i32
    %parallel_loop3A_115 = arith.constant 65536 : i32
    %parallel_loop3A_116 = scf.for %parallel_loop3A_652 = %parallel_loop3A_112 to %parallel_loop3A_113 step %parallel_loop3A_114 iter_args(%parallel_loop3A_653 = %parallel_loop3A_79) -> (f32)  : i32 {
      %parallel_loop3A_654 = arith.constant 16 : i32
      %parallel_loop3A_655 = arith.muli %parallel_loop3A_652, %parallel_loop3A_654 : i32
      %parallel_loop3A_656 = arith.index_cast %parallel_loop3A_655 : i32 to index
      %parallel_loop3A_657 = tpu.vector_load %arg7[%parallel_loop3A_656] {strides = array<i32>} : memref<8192xi32, #tpu.memory_space<vmem>>, vector<16xi32>,
      %parallel_loop3A_658 = vector.broadcast %parallel_loop3A_115 : i32 to vector<16xi32>
      %parallel_loop3A_659 = arith.andi %parallel_loop3A_657, %parallel_loop3A_658 : vector<16xi32>
      %parallel_loop3A_660 = arith.constant 0 : i32
      %parallel_loop3A_661 = vector.broadcast %parallel_loop3A_660 : i32 to vector<16xi32>
      %parallel_loop3A_662 = arith.cmpi ne, %parallel_loop3A_659, %parallel_loop3A_661 : vector<16xi32>
      %parallel_loop3A_663 = arith.index_cast %parallel_loop3A_655 : i32 to index
      %parallel_loop3A_664 = tpu.vector_load %arg5[%parallel_loop3A_663] {strides = array<i32>} : memref<8192xf32, #tpu.memory_space<vmem>>, vector<16xf32>,
      %parallel_loop3A_665 = arith.select %parallel_loop3A_662, %parallel_loop3A_664, %broadcast_in_dim3A_16 : vector<16xi1>, vector<16xf32>
      %parallel_loop3A_666 = arith.constant true
      %parallel_loop3A_667 = vector.broadcast %parallel_loop3A_666 : i1 to vector<16xi1>
      %parallel_loop3A_668 = tpu.scan <sum>, %parallel_loop3A_665 masked %parallel_loop3A_667 : vector<16xf32>, vector<16xi1> -> vector<16xf32>
      %parallel_loop3A_669 = vector.broadcast %parallel_loop3A_653 : f32 to vector<16xf32>
      %parallel_loop3A_670 = arith.addf %parallel_loop3A_668, %parallel_loop3A_669 : vector<16xf32>
      %parallel_loop3A_671 = arith.index_cast %parallel_loop3A_655 : i32 to index
      %parallel_loop3A_672 = tpu.vector_load %arg9[%parallel_loop3A_671] {strides = array<i32>} : memref<8192xf32, #tpu.memory_space<vmem>>, vector<16xf32>,
      tpu.vector_store %arg9[%parallel_loop3A_671], %parallel_loop3A_670 {strides = array<i32>} : memref<8192xf32, #tpu.memory_space<vmem>>, vector<16xf32>,
      %parallel_loop3A_673 = vector.extract_strided_slice %parallel_loop3A_668 {offsets = [15], sizes = [1], strides = [1]} : vector<16xf32> to vector<1xf32>
      %parallel_loop3A_674 = vector.extract %parallel_loop3A_673[0] : f32 from vector<1xf32>
      %parallel_loop3A_675 = arith.addf %parallel_loop3A_653, %parallel_loop3A_674 : f32
      scf.yield %parallel_loop3A_675 : f32
    } {sc.loop_unroll_factor = 8 : i64, sc.parallel_access}
    %add3A_117 = arith.constant 0 : i32
    %add3A_118 = arith.addi %mul3A_2, %add3A_117 : i32
    %dma_start3A_119 = arith.constant 16384 : i32
    %dma_start3A_120 = tpu.memref_slice %arg4[%add3A_118, %dma_start3A_119] : memref<128x32768xf32, #tpu.memory_space<hbm>> -> memref<1x8192xf32, #tpu.memory_space<hbm>>
    %dma_start3A_121 = tpu.memref_squeeze %dma_start3A_120 : memref<1x8192xf32, #tpu.memory_space<hbm>> -> memref<8192xf32, #tpu.memory_space<hbm>>
    %dma_start3A_122 = arith.constant 16384 : i32
    %dma_start3A_123 = tpu.memref_slice %arg4[%add3A_118, %dma_start3A_122] : memref<128x32768xf32, #tpu.memory_space<hbm>> -> memref<1x8192xf32, #tpu.memory_space<hbm>>
    %dma_start3A_124 = tpu.memref_squeeze %dma_start3A_123 : memref<1x8192xf32, #tpu.memory_space<hbm>> -> memref<8192xf32, #tpu.memory_space<hbm>>
    tpu.enqueue_dma source(%arg9 : memref<8192xf32, #tpu.memory_space<vmem>>) target(%dma_start3A_124 : memref<8192xf32, #tpu.memory_space<hbm>>) target_semaphore(%arg15 : memref<!tpu.dma_semaphore, #tpu.memory_space<semaphore_mem>>)
    %add3A_125 = arith.constant 0 : i32
    %add3A_126 = arith.addi %mul3A_2, %add3A_125 : i32
    %dma_wait3A_127 = arith.constant 24576 : i32
    %dma_wait3A_128 = tpu.memref_slice %arg2[%add3A_126, %dma_wait3A_127] : memref<128x32768xf32, #tpu.memory_space<hbm>> -> memref<1x8192xf32, #tpu.memory_space<hbm>>
    %dma_wait3A_129 = tpu.memref_squeeze %dma_wait3A_128 : memref<1x8192xf32, #tpu.memory_space<hbm>> -> memref<8192xf32, #tpu.memory_space<hbm>>
    %dma_wait3A_130 = arith.constant 24576 : i32
    %dma_wait3A_131 = tpu.memref_slice %arg2[%add3A_126, %dma_wait3A_130] : memref<128x32768xf32, #tpu.memory_space<hbm>> -> memref<1x8192xf32, #tpu.memory_space<hbm>>
    %dma_wait3A_132 = tpu.memref_squeeze %dma_wait3A_131 : memref<1x8192xf32, #tpu.memory_space<hbm>> -> memref<8192xf32, #tpu.memory_space<hbm>>
    tpu.wait_dma2 semaphore(%arg12 : memref<!tpu.dma_semaphore, #tpu.memory_space<semaphore_mem>>) src(%dma_wait3A_132 : memref<8192xf32, #tpu.memory_space<hbm>>) dst(%arg6 : memref<8192xf32, #tpu.memory_space<vmem>>)
    %add3A_133 = arith.constant 1 : i32
    %add3A_134 = arith.addi %mul3A_2, %add3A_133 : i32
    %dma_start3A_135 = arith.constant 0 : i32
    %dma_start3A_136 = tpu.memref_slice %arg2[%add3A_134, %dma_start3A_135] : memref<128x32768xf32, #tpu.memory_space<hbm>> -> memref<1x8192xf32, #tpu.memory_space<hbm>>
    %dma_start3A_137 = tpu.memref_squeeze %dma_start3A_136 : memref<1x8192xf32, #tpu.memory_space<hbm>> -> memref<8192xf32, #tpu.memory_space<hbm>>
    %dma_start3A_138 = arith.constant 0 : i32
    %dma_start3A_139 = tpu.memref_slice %arg2[%add3A_134, %dma_start3A_138] : memref<128x32768xf32, #tpu.memory_space<hbm>> -> memref<1x8192xf32, #tpu.memory_space<hbm>>
    %dma_start3A_140 = tpu.memref_squeeze %dma_start3A_139 : memref<1x8192xf32, #tpu.memory_space<hbm>> -> memref<8192xf32, #tpu.memory_space<hbm>>
    tpu.enqueue_dma source(%dma_start3A_140 : memref<8192xf32, #tpu.memory_space<hbm>>) target(%arg5 : memref<8192xf32, #tpu.memory_space<vmem>>) target_semaphore(%arg11 : memref<!tpu.dma_semaphore, #tpu.memory_space<semaphore_mem>>)
    %add3A_141 = arith.constant 0 : i32
    %add3A_142 = arith.addi %mul3A_2, %add3A_141 : i32
    %dma_wait3A_143 = arith.constant 8192 : i32
    %dma_wait3A_144 = tpu.memref_slice %arg4[%add3A_142, %dma_wait3A_143] : memref<128x32768xf32, #tpu.memory_space<hbm>> -> memref<1x8192xf32, #tpu.memory_space<hbm>>
    %dma_wait3A_145 = tpu.memref_squeeze %dma_wait3A_144 : memref<1x8192xf32, #tpu.memory_space<hbm>> -> memref<8192xf32, #tpu.memory_space<hbm>>
    %dma_wait3A_146 = arith.constant 8192 : i32
    %dma_wait3A_147 = tpu.memref_slice %arg4[%add3A_142, %dma_wait3A_146] : memref<128x32768xf32, #tpu.memory_space<hbm>> -> memref<1x8192xf32, #tpu.memory_space<hbm>>
    %dma_wait3A_148 = tpu.memref_squeeze %dma_wait3A_147 : memref<1x8192xf32, #tpu.memory_space<hbm>> -> memref<8192xf32, #tpu.memory_space<hbm>>
    tpu.wait_dma2 semaphore(%arg16 : memref<!tpu.dma_semaphore, #tpu.memory_space<semaphore_mem>>) src(%arg10 : memref<8192xf32, #tpu.memory_space<vmem>>) dst(%dma_wait3A_148 : memref<8192xf32, #tpu.memory_space<hbm>>)
    %parallel_loop3A_149 = arith.constant 0 : i32
    %parallel_loop3A_150 = arith.constant 512 : i32
    %parallel_loop3A_151 = arith.constant 1 : i32
    %parallel_loop3A_152 = arith.constant 16777216 : i32
    %parallel_loop3A_153 = scf.for %parallel_loop3A_652 = %parallel_loop3A_149 to %parallel_loop3A_150 step %parallel_loop3A_151 iter_args(%parallel_loop3A_653 = %parallel_loop3A_116) -> (f32)  : i32 {
      %parallel_loop3A_654 = arith.constant 16 : i32
      %parallel_loop3A_655 = arith.muli %parallel_loop3A_652, %parallel_loop3A_654 : i32
      %parallel_loop3A_656 = arith.index_cast %parallel_loop3A_655 : i32 to index
      %parallel_loop3A_657 = tpu.vector_load %arg7[%parallel_loop3A_656] {strides = array<i32>} : memref<8192xi32, #tpu.memory_space<vmem>>, vector<16xi32>,
      %parallel_loop3A_658 = vector.broadcast %parallel_loop3A_152 : i32 to vector<16xi32>
      %parallel_loop3A_659 = arith.andi %parallel_loop3A_657, %parallel_loop3A_658 : vector<16xi32>
      %parallel_loop3A_660 = arith.constant 0 : i32
      %parallel_loop3A_661 = vector.broadcast %parallel_loop3A_660 : i32 to vector<16xi32>
      %parallel_loop3A_662 = arith.cmpi ne, %parallel_loop3A_659, %parallel_loop3A_661 : vector<16xi32>
      %parallel_loop3A_663 = arith.index_cast %parallel_loop3A_655 : i32 to index
      %parallel_loop3A_664 = tpu.vector_load %arg6[%parallel_loop3A_663] {strides = array<i32>} : memref<8192xf32, #tpu.memory_space<vmem>>, vector<16xf32>,
      %parallel_loop3A_665 = arith.select %parallel_loop3A_662, %parallel_loop3A_664, %broadcast_in_dim3A_16 : vector<16xi1>, vector<16xf32>
      %parallel_loop3A_666 = arith.constant true
      %parallel_loop3A_667 = vector.broadcast %parallel_loop3A_666 : i1 to vector<16xi1>
      %parallel_loop3A_668 = tpu.scan <sum>, %parallel_loop3A_665 masked %parallel_loop3A_667 : vector<16xf32>, vector<16xi1> -> vector<16xf32>
      %parallel_loop3A_669 = vector.broadcast %parallel_loop3A_653 : f32 to vector<16xf32>
      %parallel_loop3A_670 = arith.addf %parallel_loop3A_668, %parallel_loop3A_669 : vector<16xf32>
      %parallel_loop3A_671 = arith.index_cast %parallel_loop3A_655 : i32 to index
      %parallel_loop3A_672 = tpu.vector_load %arg10[%parallel_loop3A_671] {strides = array<i32>} : memref<8192xf32, #tpu.memory_space<vmem>>, vector<16xf32>,
      tpu.vector_store %arg10[%parallel_loop3A_671], %parallel_loop3A_670 {strides = array<i32>} : memref<8192xf32, #tpu.memory_space<vmem>>, vector<16xf32>,
      %parallel_loop3A_673 = vector.extract_strided_slice %parallel_loop3A_668 {offsets = [15], sizes = [1], strides = [1]} : vector<16xf32> to vector<1xf32>
      %parallel_loop3A_674 = vector.extract %parallel_loop3A_673[0] : f32 from vector<1xf32>
      %parallel_loop3A_675 = arith.addf %parallel_loop3A_653, %parallel_loop3A_674 : f32
      scf.yield %parallel_loop3A_675 : f32
    } {sc.loop_unroll_factor = 8 : i64, sc.parallel_access}
    %add3A_154 = arith.constant 0 : i32
    %add3A_155 = arith.addi %mul3A_2, %add3A_154 : i32
    %dma_start3A_156 = arith.constant 24576 : i32
    %dma_start3A_157 = tpu.memref_slice %arg4[%add3A_155, %dma_start3A_156] : memref<128x32768xf32, #tpu.memory_space<hbm>> -> memref<1x8192xf32, #tpu.memory_space<hbm>>
    %dma_start3A_158 = tpu.memref_squeeze %dma_start3A_157 : memref<1x8192xf32, #tpu.memory_space<hbm>> -> memref<8192xf32, #tpu.memory_space<hbm>>
    %dma_start3A_159 = arith.constant 24576 : i32
    %dma_start3A_160 = tpu.memref_slice %arg4[%add3A_155, %dma_start3A_159] : memref<128x32768xf32, #tpu.memory_space<hbm>> -> memref<1x8192xf32, #tpu.memory_space<hbm>>
    %dma_start3A_161 = tpu.memref_squeeze %dma_start3A_160 : memref<1x8192xf32, #tpu.memory_space<hbm>> -> memref<8192xf32, #tpu.memory_space<hbm>>
    tpu.enqueue_dma source(%arg10 : memref<8192xf32, #tpu.memory_space<vmem>>) target(%dma_start3A_161 : memref<8192xf32, #tpu.memory_space<hbm>>) target_semaphore(%arg16 : memref<!tpu.dma_semaphore, #tpu.memory_space<semaphore_mem>>)
    %add3A_162 = arith.constant 1 : i32
    %add3A_163 = arith.addi %mul3A_2, %add3A_162 : i32
    %dma_wait3A_164 = arith.constant 0 : i32
    %dma_wait3A_165 = tpu.memref_slice %arg2[%add3A_163, %dma_wait3A_164] : memref<128x32768xf32, #tpu.memory_space<hbm>> -> memref<1x8192xf32, #tpu.memory_space<hbm>>
    %dma_wait3A_166 = tpu.memref_squeeze %dma_wait3A_165 : memref<1x8192xf32, #tpu.memory_space<hbm>> -> memref<8192xf32, #tpu.memory_space<hbm>>
    %dma_wait3A_167 = arith.constant 0 : i32
    %dma_wait3A_168 = tpu.memref_slice %arg2[%add3A_163, %dma_wait3A_167] : memref<128x32768xf32, #tpu.memory_space<hbm>> -> memref<1x8192xf32, #tpu.memory_space<hbm>>
    %dma_wait3A_169 = tpu.memref_squeeze %dma_wait3A_168 : memref<1x8192xf32, #tpu.memory_space<hbm>> -> memref<8192xf32, #tpu.memory_space<hbm>>
    tpu.wait_dma2 semaphore(%arg11 : memref<!tpu.dma_semaphore, #tpu.memory_space<semaphore_mem>>) src(%dma_wait3A_169 : memref<8192xf32, #tpu.memory_space<hbm>>) dst(%arg5 : memref<8192xf32, #tpu.memory_space<vmem>>)
    %add3A_170 = arith.constant 1 : i32
    %add3A_171 = arith.addi %mul3A_2, %add3A_170 : i32
    %dma_start3A_172 = arith.constant 8192 : i32
    %dma_start3A_173 = tpu.memref_slice %arg2[%add3A_171, %dma_start3A_172] : memref<128x32768xf32, #tpu.memory_space<hbm>> -> memref<1x8192xf32, #tpu.memory_space<hbm>>
    %dma_start3A_174 = tpu.memref_squeeze %dma_start3A_173 : memref<1x8192xf32, #tpu.memory_space<hbm>> -> memref<8192xf32, #tpu.memory_space<hbm>>
    %dma_start3A_175 = arith.constant 8192 : i32
    %dma_start3A_176 = tpu.memref_slice %arg2[%add3A_171, %dma_start3A_175] : memref<128x32768xf32, #tpu.memory_space<hbm>> -> memref<1x8192xf32, #tpu.memory_space<hbm>>
    %dma_start3A_177 = tpu.memref_squeeze %dma_start3A_176 : memref<1x8192xf32, #tpu.memory_space<hbm>> -> memref<8192xf32, #tpu.memory_space<hbm>>
    tpu.enqueue_dma source(%dma_start3A_177 : memref<8192xf32, #tpu.memory_space<hbm>>) target(%arg6 : memref<8192xf32, #tpu.memory_space<vmem>>) target_semaphore(%arg12 : memref<!tpu.dma_semaphore, #tpu.memory_space<semaphore_mem>>)
    %add3A_178 = arith.constant 2 : i32
    %add3A_179 = arith.addi %mul3A_2, %add3A_178 : i32
    %mul3A_180 = arith.constant 8192 : i32
    %mul3A_181 = arith.muli %add3A_179, %mul3A_180 : i32
    %multiple_of3A_182 = tpu.assume_multiple %mul3A_181, 8192 : i32
    %dma_start3A_183 = tpu.memref_slice %arg3[%multiple_of3A_182] : memref<1048576xi32, #tpu.memory_space<hbm>> -> memref<8192xi32, #tpu.memory_space<hbm>>
    %dma_start3A_184 = tpu.memref_slice %arg3[%multiple_of3A_182] : memref<1048576xi32, #tpu.memory_space<hbm>> -> memref<8192xi32, #tpu.memory_space<hbm>>
    tpu.enqueue_dma source(%dma_start3A_184 : memref<8192xi32, #tpu.memory_space<hbm>>) target(%arg7 : memref<8192xi32, #tpu.memory_space<vmem>>) target_semaphore(%arg13 : memref<!tpu.dma_semaphore, #tpu.memory_space<semaphore_mem>>)
    %add3A_185 = arith.constant 1 : i32
    %add3A_186 = arith.addi %mul3A_2, %add3A_185 : i32
    %mul3A_187 = arith.constant 8192 : i32
    %mul3A_188 = arith.muli %add3A_186, %mul3A_187 : i32
    %multiple_of3A_189 = tpu.assume_multiple %mul3A_188, 8192 : i32
    %dma_wait3A_190 = tpu.memref_slice %arg3[%multiple_of3A_189] : memref<1048576xi32, #tpu.memory_space<hbm>> -> memref<8192xi32, #tpu.memory_space<hbm>>
    %dma_wait3A_191 = tpu.memref_slice %arg3[%multiple_of3A_189] : memref<1048576xi32, #tpu.memory_space<hbm>> -> memref<8192xi32, #tpu.memory_space<hbm>>
    tpu.wait_dma2 semaphore(%arg14 : memref<!tpu.dma_semaphore, #tpu.memory_space<semaphore_mem>>) src(%dma_wait3A_191 : memref<8192xi32, #tpu.memory_space<hbm>>) dst(%arg8 : memref<8192xi32, #tpu.memory_space<vmem>>)
    %add3A_192 = arith.constant 0 : i32
    %add3A_193 = arith.addi %mul3A_2, %add3A_192 : i32
    %dma_wait3A_194 = arith.constant 16384 : i32
    %dma_wait3A_195 = tpu.memref_slice %arg4[%add3A_193, %dma_wait3A_194] : memref<128x32768xf32, #tpu.memory_space<hbm>> -> memref<1x8192xf32, #tpu.memory_space<hbm>>
    %dma_wait3A_196 = tpu.memref_squeeze %dma_wait3A_195 : memref<1x8192xf32, #tpu.memory_space<hbm>> -> memref<8192xf32, #tpu.memory_space<hbm>>
    %dma_wait3A_197 = arith.constant 16384 : i32
    %dma_wait3A_198 = tpu.memref_slice %arg4[%add3A_193, %dma_wait3A_197] : memref<128x32768xf32, #tpu.memory_space<hbm>> -> memref<1x8192xf32, #tpu.memory_space<hbm>>
    %dma_wait3A_199 = tpu.memref_squeeze %dma_wait3A_198 : memref<1x8192xf32, #tpu.memory_space<hbm>> -> memref<8192xf32, #tpu.memory_space<hbm>>
    tpu.wait_dma2 semaphore(%arg15 : memref<!tpu.dma_semaphore, #tpu.memory_space<semaphore_mem>>) src(%arg9 : memref<8192xf32, #tpu.memory_space<vmem>>) dst(%dma_wait3A_199 : memref<8192xf32, #tpu.memory_space<hbm>>)
    %parallel_loop3A_200 = arith.constant 0 : i32
    %parallel_loop3A_201 = arith.constant 512 : i32
    %parallel_loop3A_202 = arith.constant 1 : i32
    %parallel_loop3A_203 = arith.constant 1 : i32
    %parallel_loop3A_204 = arith.constant 0.000000e+00 : f32
    %parallel_loop3A_205 = scf.for %parallel_loop3A_652 = %parallel_loop3A_200 to %parallel_loop3A_201 step %parallel_loop3A_202 iter_args(%parallel_loop3A_653 = %parallel_loop3A_204) -> (f32)  : i32 {
      %parallel_loop3A_654 = arith.constant 16 : i32
      %parallel_loop3A_655 = arith.muli %parallel_loop3A_652, %parallel_loop3A_654 : i32
      %parallel_loop3A_656 = arith.index_cast %parallel_loop3A_655 : i32 to index
      %parallel_loop3A_657 = tpu.vector_load %arg8[%parallel_loop3A_656] {strides = array<i32>} : memref<8192xi32, #tpu.memory_space<vmem>>, vector<16xi32>,
      %parallel_loop3A_658 = vector.broadcast %parallel_loop3A_203 : i32 to vector<16xi32>
      %parallel_loop3A_659 = arith.andi %parallel_loop3A_657, %parallel_loop3A_658 : vector<16xi32>
      %parallel_loop3A_660 = arith.constant 0 : i32
      %parallel_loop3A_661 = vector.broadcast %parallel_loop3A_660 : i32 to vector<16xi32>
      %parallel_loop3A_662 = arith.cmpi ne, %parallel_loop3A_659, %parallel_loop3A_661 : vector<16xi32>
      %parallel_loop3A_663 = arith.index_cast %parallel_loop3A_655 : i32 to index
      %parallel_loop3A_664 = tpu.vector_load %arg5[%parallel_loop3A_663] {strides = array<i32>} : memref<8192xf32, #tpu.memory_space<vmem>>, vector<16xf32>,
      %parallel_loop3A_665 = arith.select %parallel_loop3A_662, %parallel_loop3A_664, %broadcast_in_dim3A_16 : vector<16xi1>, vector<16xf32>
      %parallel_loop3A_666 = arith.constant true
      %parallel_loop3A_667 = vector.broadcast %parallel_loop3A_666 : i1 to vector<16xi1>
      %parallel_loop3A_668 = tpu.scan <sum>, %parallel_loop3A_665 masked %parallel_loop3A_667 : vector<16xf32>, vector<16xi1> -> vector<16xf32>
      %parallel_loop3A_669 = vector.broadcast %parallel_loop3A_653 : f32 to vector<16xf32>
      %parallel_loop3A_670 = arith.addf %parallel_loop3A_668, %parallel_loop3A_669 : vector<16xf32>
      %parallel_loop3A_671 = arith.index_cast %parallel_loop3A_655 : i32 to index
      %parallel_loop3A_672 = tpu.vector_load %arg9[%parallel_loop3A_671] {strides = array<i32>} : memref<8192xf32, #tpu.memory_space<vmem>>, vector<16xf32>,
      tpu.vector_store %arg9[%parallel_loop3A_671], %parallel_loop3A_670 {strides = array<i32>} : memref<8192xf32, #tpu.memory_space<vmem>>, vector<16xf32>,
      %parallel_loop3A_673 = vector.extract_strided_slice %parallel_loop3A_668 {offsets = [15], sizes = [1], strides = [1]} : vector<16xf32> to vector<1xf32>
      %parallel_loop3A_674 = vector.extract %parallel_loop3A_673[0] : f32 from vector<1xf32>
      %parallel_loop3A_675 = arith.addf %parallel_loop3A_653, %parallel_loop3A_674 : f32
      scf.yield %parallel_loop3A_675 : f32
    } {sc.loop_unroll_factor = 8 : i64, sc.parallel_access}
    %add3A_206 = arith.constant 1 : i32
    %add3A_207 = arith.addi %mul3A_2, %add3A_206 : i32
    %dma_start3A_208 = arith.constant 0 : i32
    %dma_start3A_209 = tpu.memref_slice %arg4[%add3A_207, %dma_start3A_208] : memref<128x32768xf32, #tpu.memory_space<hbm>> -> memref<1x8192xf32, #tpu.memory_space<hbm>>
    %dma_start3A_210 = tpu.memref_squeeze %dma_start3A_209 : memref<1x8192xf32, #tpu.memory_space<hbm>> -> memref<8192xf32, #tpu.memory_space<hbm>>
    %dma_start3A_211 = arith.constant 0 : i32
    %dma_start3A_212 = tpu.memref_slice %arg4[%add3A_207, %dma_start3A_211] : memref<128x32768xf32, #tpu.memory_space<hbm>> -> memref<1x8192xf32, #tpu.memory_space<hbm>>
    %dma_start3A_213 = tpu.memref_squeeze %dma_start3A_212 : memref<1x8192xf32, #tpu.memory_space<hbm>> -> memref<8192xf32, #tpu.memory_space<hbm>>
    tpu.enqueue_dma source(%arg9 : memref<8192xf32, #tpu.memory_space<vmem>>) target(%dma_start3A_213 : memref<8192xf32, #tpu.memory_space<hbm>>) target_semaphore(%arg15 : memref<!tpu.dma_semaphore, #tpu.memory_space<semaphore_mem>>)
    %add3A_214 = arith.constant 1 : i32
    %add3A_215 = arith.addi %mul3A_2, %add3A_214 : i32
    %dma_wait3A_216 = arith.constant 8192 : i32
    %dma_wait3A_217 = tpu.memref_slice %arg2[%add3A_215, %dma_wait3A_216] : memref<128x32768xf32, #tpu.memory_space<hbm>> -> memref<1x8192xf32, #tpu.memory_space<hbm>>
    %dma_wait3A_218 = tpu.memref_squeeze %dma_wait3A_217 : memref<1x8192xf32, #tpu.memory_space<hbm>> -> memref<8192xf32, #tpu.memory_space<hbm>>
    %dma_wait3A_219 = arith.constant 8192 : i32
    %dma_wait3A_220 = tpu.memref_slice %arg2[%add3A_215, %dma_wait3A_219] : memref<128x32768xf32, #tpu.memory_space<hbm>> -> memref<1x8192xf32, #tpu.memory_space<hbm>>
    %dma_wait3A_221 = tpu.memref_squeeze %dma_wait3A_220 : memref<1x8192xf32, #tpu.memory_space<hbm>> -> memref<8192xf32, #tpu.memory_space<hbm>>
    tpu.wait_dma2 semaphore(%arg12 : memref<!tpu.dma_semaphore, #tpu.memory_space<semaphore_mem>>) src(%dma_wait3A_221 : memref<8192xf32, #tpu.memory_space<hbm>>) dst(%arg6 : memref<8192xf32, #tpu.memory_space<vmem>>)
    %add3A_222 = arith.constant 1 : i32
    %add3A_223 = arith.addi %mul3A_2, %add3A_222 : i32
    %dma_start3A_224 = arith.constant 16384 : i32
    %dma_start3A_225 = tpu.memref_slice %arg2[%add3A_223, %dma_start3A_224] : memref<128x32768xf32, #tpu.memory_space<hbm>> -> memref<1x8192xf32, #tpu.memory_space<hbm>>
    %dma_start3A_226 = tpu.memref_squeeze %dma_start3A_225 : memref<1x8192xf32, #tpu.memory_space<hbm>> -> memref<8192xf32, #tpu.memory_space<hbm>>
    %dma_start3A_227 = arith.constant 16384 : i32
    %dma_start3A_228 = tpu.memref_slice %arg2[%add3A_223, %dma_start3A_227] : memref<128x32768xf32, #tpu.memory_space<hbm>> -> memref<1x8192xf32, #tpu.memory_space<hbm>>
    %dma_start3A_229 = tpu.memref_squeeze %dma_start3A_228 : memref<1x8192xf32, #tpu.memory_space<hbm>> -> memref<8192xf32, #tpu.memory_space<hbm>>
    tpu.enqueue_dma source(%dma_start3A_229 : memref<8192xf32, #tpu.memory_space<hbm>>) target(%arg5 : memref<8192xf32, #tpu.memory_space<vmem>>) target_semaphore(%arg11 : memref<!tpu.dma_semaphore, #tpu.memory_space<semaphore_mem>>)
    %add3A_230 = arith.constant 0 : i32
    %add3A_231 = arith.addi %mul3A_2, %add3A_230 : i32
    %dma_wait3A_232 = arith.constant 24576 : i32
    %dma_wait3A_233 = tpu.memref_slice %arg4[%add3A_231, %dma_wait3A_232] : memref<128x32768xf32, #tpu.memory_space<hbm>> -> memref<1x8192xf32, #tpu.memory_space<hbm>>
    %dma_wait3A_234 = tpu.memref_squeeze %dma_wait3A_233 : memref<1x8192xf32, #tpu.memory_space<hbm>> -> memref<8192xf32, #tpu.memory_space<hbm>>
    %dma_wait3A_235 = arith.constant 24576 : i32
    %dma_wait3A_236 = tpu.memref_slice %arg4[%add3A_231, %dma_wait3A_235] : memref<128x32768xf32, #tpu.memory_space<hbm>> -> memref<1x8192xf32, #tpu.memory_space<hbm>>
    %dma_wait3A_237 = tpu.memref_squeeze %dma_wait3A_236 : memref<1x8192xf32, #tpu.memory_space<hbm>> -> memref<8192xf32, #tpu.memory_space<hbm>>
    tpu.wait_dma2 semaphore(%arg16 : memref<!tpu.dma_semaphore, #tpu.memory_space<semaphore_mem>>) src(%arg10 : memref<8192xf32, #tpu.memory_space<vmem>>) dst(%dma_wait3A_237 : memref<8192xf32, #tpu.memory_space<hbm>>)
    %parallel_loop3A_238 = arith.constant 0 : i32
    %parallel_loop3A_239 = arith.constant 512 : i32
    %parallel_loop3A_240 = arith.constant 1 : i32
    %parallel_loop3A_241 = arith.constant 256 : i32
    %parallel_loop3A_242 = scf.for %parallel_loop3A_652 = %parallel_loop3A_238 to %parallel_loop3A_239 step %parallel_loop3A_240 iter_args(%parallel_loop3A_653 = %parallel_loop3A_205) -> (f32)  : i32 {
      %parallel_loop3A_654 = arith.constant 16 : i32
      %parallel_loop3A_655 = arith.muli %parallel_loop3A_652, %parallel_loop3A_654 : i32
      %parallel_loop3A_656 = arith.index_cast %parallel_loop3A_655 : i32 to index
      %parallel_loop3A_657 = tpu.vector_load %arg8[%parallel_loop3A_656] {strides = array<i32>} : memref<8192xi32, #tpu.memory_space<vmem>>, vector<16xi32>,
      %parallel_loop3A_658 = vector.broadcast %parallel_loop3A_241 : i32 to vector<16xi32>
      %parallel_loop3A_659 = arith.andi %parallel_loop3A_657, %parallel_loop3A_658 : vector<16xi32>
      %parallel_loop3A_660 = arith.constant 0 : i32
      %parallel_loop3A_661 = vector.broadcast %parallel_loop3A_660 : i32 to vector<16xi32>
      %parallel_loop3A_662 = arith.cmpi ne, %parallel_loop3A_659, %parallel_loop3A_661 : vector<16xi32>
      %parallel_loop3A_663 = arith.index_cast %parallel_loop3A_655 : i32 to index
      %parallel_loop3A_664 = tpu.vector_load %arg6[%parallel_loop3A_663] {strides = array<i32>} : memref<8192xf32, #tpu.memory_space<vmem>>, vector<16xf32>,
      %parallel_loop3A_665 = arith.select %parallel_loop3A_662, %parallel_loop3A_664, %broadcast_in_dim3A_16 : vector<16xi1>, vector<16xf32>
      %parallel_loop3A_666 = arith.constant true
      %parallel_loop3A_667 = vector.broadcast %parallel_loop3A_666 : i1 to vector<16xi1>
      %parallel_loop3A_668 = tpu.scan <sum>, %parallel_loop3A_665 masked %parallel_loop3A_667 : vector<16xf32>, vector<16xi1> -> vector<16xf32>
      %parallel_loop3A_669 = vector.broadcast %parallel_loop3A_653 : f32 to vector<16xf32>
      %parallel_loop3A_670 = arith.addf %parallel_loop3A_668, %parallel_loop3A_669 : vector<16xf32>
      %parallel_loop3A_671 = arith.index_cast %parallel_loop3A_655 : i32 to index
      %parallel_loop3A_672 = tpu.vector_load %arg10[%parallel_loop3A_671] {strides = array<i32>} : memref<8192xf32, #tpu.memory_space<vmem>>, vector<16xf32>,
      tpu.vector_store %arg10[%parallel_loop3A_671], %parallel_loop3A_670 {strides = array<i32>} : memref<8192xf32, #tpu.memory_space<vmem>>, vector<16xf32>,
      %parallel_loop3A_673 = vector.extract_strided_slice %parallel_loop3A_668 {offsets = [15], sizes = [1], strides = [1]} : vector<16xf32> to vector<1xf32>
      %parallel_loop3A_674 = vector.extract %parallel_loop3A_673[0] : f32 from vector<1xf32>
      %parallel_loop3A_675 = arith.addf %parallel_loop3A_653, %parallel_loop3A_674 : f32
      scf.yield %parallel_loop3A_675 : f32
    } {sc.loop_unroll_factor = 8 : i64, sc.parallel_access}
    %add3A_243 = arith.constant 1 : i32
    %add3A_244 = arith.addi %mul3A_2, %add3A_243 : i32
    %dma_start3A_245 = arith.constant 8192 : i32
    %dma_start3A_246 = tpu.memref_slice %arg4[%add3A_244, %dma_start3A_245] : memref<128x32768xf32, #tpu.memory_space<hbm>> -> memref<1x8192xf32, #tpu.memory_space<hbm>>
    %dma_start3A_247 = tpu.memref_squeeze %dma_start3A_246 : memref<1x8192xf32, #tpu.memory_space<hbm>> -> memref<8192xf32, #tpu.memory_space<hbm>>
    %dma_start3A_248 = arith.constant 8192 : i32
    %dma_start3A_249 = tpu.memref_slice %arg4[%add3A_244, %dma_start3A_248] : memref<128x32768xf32, #tpu.memory_space<hbm>> -> memref<1x8192xf32, #tpu.memory_space<hbm>>
    %dma_start3A_250 = tpu.memref_squeeze %dma_start3A_249 : memref<1x8192xf32, #tpu.memory_space<hbm>> -> memref<8192xf32, #tpu.memory_space<hbm>>
    tpu.enqueue_dma source(%arg10 : memref<8192xf32, #tpu.memory_space<vmem>>) target(%dma_start3A_250 : memref<8192xf32, #tpu.memory_space<hbm>>) target_semaphore(%arg16 : memref<!tpu.dma_semaphore, #tpu.memory_space<semaphore_mem>>)
    %add3A_251 = arith.constant 1 : i32
    %add3A_252 = arith.addi %mul3A_2, %add3A_251 : i32
    %dma_wait3A_253 = arith.constant 16384 : i32
    %dma_wait3A_254 = tpu.memref_slice %arg2[%add3A_252, %dma_wait3A_253] : memref<128x32768xf32, #tpu.memory_space<hbm>> -> memref<1x8192xf32, #tpu.memory_space<hbm>>
    %dma_wait3A_255 = tpu.memref_squeeze %dma_wait3A_254 : memref<1x8192xf32, #tpu.memory_space<hbm>> -> memref<8192xf32, #tpu.memory_space<hbm>>
    %dma_wait3A_256 = arith.constant 16384 : i32
    %dma_wait3A_257 = tpu.memref_slice %arg2[%add3A_252, %dma_wait3A_256] : memref<128x32768xf32, #tpu.memory_space<hbm>> -> memref<1x8192xf32, #tpu.memory_space<hbm>>
    %dma_wait3A_258 = tpu.memref_squeeze %dma_wait3A_257 : memref<1x8192xf32, #tpu.memory_space<hbm>> -> memref<8192xf32, #tpu.memory_space<hbm>>
    tpu.wait_dma2 semaphore(%arg11 : memref<!tpu.dma_semaphore, #tpu.memory_space<semaphore_mem>>) src(%dma_wait3A_258 : memref<8192xf32, #tpu.memory_space<hbm>>) dst(%arg5 : memref<8192xf32, #tpu.memory_space<vmem>>)
    %add3A_259 = arith.constant 1 : i32
    %add3A_260 = arith.addi %mul3A_2, %add3A_259 : i32
    %dma_start3A_261 = arith.constant 24576 : i32
    %dma_start3A_262 = tpu.memref_slice %arg2[%add3A_260, %dma_start3A_261] : memref<128x32768xf32, #tpu.memory_space<hbm>> -> memref<1x8192xf32, #tpu.memory_space<hbm>>
    %dma_start3A_263 = tpu.memref_squeeze %dma_start3A_262 : memref<1x8192xf32, #tpu.memory_space<hbm>> -> memref<8192xf32, #tpu.memory_space<hbm>>
    %dma_start3A_264 = arith.constant 24576 : i32
    %dma_start3A_265 = tpu.memref_slice %arg2[%add3A_260, %dma_start3A_264] : memref<128x32768xf32, #tpu.memory_space<hbm>> -> memref<1x8192xf32, #tpu.memory_space<hbm>>
    %dma_start3A_266 = tpu.memref_squeeze %dma_start3A_265 : memref<1x8192xf32, #tpu.memory_space<hbm>> -> memref<8192xf32, #tpu.memory_space<hbm>>
    tpu.enqueue_dma source(%dma_start3A_266 : memref<8192xf32, #tpu.memory_space<hbm>>) target(%arg6 : memref<8192xf32, #tpu.memory_space<vmem>>) target_semaphore(%arg12 : memref<!tpu.dma_semaphore, #tpu.memory_space<semaphore_mem>>)
    %add3A_267 = arith.constant 1 : i32
    %add3A_268 = arith.addi %mul3A_2, %add3A_267 : i32
    %dma_wait3A_269 = arith.constant 0 : i32
    %dma_wait3A_270 = tpu.memref_slice %arg4[%add3A_268, %dma_wait3A_269] : memref<128x32768xf32, #tpu.memory_space<hbm>> -> memref<1x8192xf32, #tpu.memory_space<hbm>>
    %dma_wait3A_271 = tpu.memref_squeeze %dma_wait3A_270 : memref<1x8192xf32, #tpu.memory_space<hbm>> -> memref<8192xf32, #tpu.memory_space<hbm>>
    %dma_wait3A_272 = arith.constant 0 : i32
    %dma_wait3A_273 = tpu.memref_slice %arg4[%add3A_268, %dma_wait3A_272] : memref<128x32768xf32, #tpu.memory_space<hbm>> -> memref<1x8192xf32, #tpu.memory_space<hbm>>
    %dma_wait3A_274 = tpu.memref_squeeze %dma_wait3A_273 : memref<1x8192xf32, #tpu.memory_space<hbm>> -> memref<8192xf32, #tpu.memory_space<hbm>>
    tpu.wait_dma2 semaphore(%arg15 : memref<!tpu.dma_semaphore, #tpu.memory_space<semaphore_mem>>) src(%arg9 : memref<8192xf32, #tpu.memory_space<vmem>>) dst(%dma_wait3A_274 : memref<8192xf32, #tpu.memory_space<hbm>>)
    %parallel_loop3A_275 = arith.constant 0 : i32
    %parallel_loop3A_276 = arith.constant 512 : i32
    %parallel_loop3A_277 = arith.constant 1 : i32
    %parallel_loop3A_278 = arith.constant 65536 : i32
    %parallel_loop3A_279 = scf.for %parallel_loop3A_652 = %parallel_loop3A_275 to %parallel_loop3A_276 step %parallel_loop3A_277 iter_args(%parallel_loop3A_653 = %parallel_loop3A_242) -> (f32)  : i32 {
      %parallel_loop3A_654 = arith.constant 16 : i32
      %parallel_loop3A_655 = arith.muli %parallel_loop3A_652, %parallel_loop3A_654 : i32
      %parallel_loop3A_656 = arith.index_cast %parallel_loop3A_655 : i32 to index
      %parallel_loop3A_657 = tpu.vector_load %arg8[%parallel_loop3A_656] {strides = array<i32>} : memref<8192xi32, #tpu.memory_space<vmem>>, vector<16xi32>,
      %parallel_loop3A_658 = vector.broadcast %parallel_loop3A_278 : i32 to vector<16xi32>
      %parallel_loop3A_659 = arith.andi %parallel_loop3A_657, %parallel_loop3A_658 : vector<16xi32>
      %parallel_loop3A_660 = arith.constant 0 : i32
      %parallel_loop3A_661 = vector.broadcast %parallel_loop3A_660 : i32 to vector<16xi32>
      %parallel_loop3A_662 = arith.cmpi ne, %parallel_loop3A_659, %parallel_loop3A_661 : vector<16xi32>
      %parallel_loop3A_663 = arith.index_cast %parallel_loop3A_655 : i32 to index
      %parallel_loop3A_664 = tpu.vector_load %arg5[%parallel_loop3A_663] {strides = array<i32>} : memref<8192xf32, #tpu.memory_space<vmem>>, vector<16xf32>,
      %parallel_loop3A_665 = arith.select %parallel_loop3A_662, %parallel_loop3A_664, %broadcast_in_dim3A_16 : vector<16xi1>, vector<16xf32>
      %parallel_loop3A_666 = arith.constant true
      %parallel_loop3A_667 = vector.broadcast %parallel_loop3A_666 : i1 to vector<16xi1>
      %parallel_loop3A_668 = tpu.scan <sum>, %parallel_loop3A_665 masked %parallel_loop3A_667 : vector<16xf32>, vector<16xi1> -> vector<16xf32>
      %parallel_loop3A_669 = vector.broadcast %parallel_loop3A_653 : f32 to vector<16xf32>
      %parallel_loop3A_670 = arith.addf %parallel_loop3A_668, %parallel_loop3A_669 : vector<16xf32>
      %parallel_loop3A_671 = arith.index_cast %parallel_loop3A_655 : i32 to index
      %parallel_loop3A_672 = tpu.vector_load %arg9[%parallel_loop3A_671] {strides = array<i32>} : memref<8192xf32, #tpu.memory_space<vmem>>, vector<16xf32>,
      tpu.vector_store %arg9[%parallel_loop3A_671], %parallel_loop3A_670 {strides = array<i32>} : memref<8192xf32, #tpu.memory_space<vmem>>, vector<16xf32>,
      %parallel_loop3A_673 = vector.extract_strided_slice %parallel_loop3A_668 {offsets = [15], sizes = [1], strides = [1]} : vector<16xf32> to vector<1xf32>
      %parallel_loop3A_674 = vector.extract %parallel_loop3A_673[0] : f32 from vector<1xf32>
      %parallel_loop3A_675 = arith.addf %parallel_loop3A_653, %parallel_loop3A_674 : f32
      scf.yield %parallel_loop3A_675 : f32
    } {sc.loop_unroll_factor = 8 : i64, sc.parallel_access}
    %add3A_280 = arith.constant 1 : i32
    %add3A_281 = arith.addi %mul3A_2, %add3A_280 : i32
    %dma_start3A_282 = arith.constant 16384 : i32
    %dma_start3A_283 = tpu.memref_slice %arg4[%add3A_281, %dma_start3A_282] : memref<128x32768xf32, #tpu.memory_space<hbm>> -> memref<1x8192xf32, #tpu.memory_space<hbm>>
    %dma_start3A_284 = tpu.memref_squeeze %dma_start3A_283 : memref<1x8192xf32, #tpu.memory_space<hbm>> -> memref<8192xf32, #tpu.memory_space<hbm>>
    %dma_start3A_285 = arith.constant 16384 : i32
    %dma_start3A_286 = tpu.memref_slice %arg4[%add3A_281, %dma_start3A_285] : memref<128x32768xf32, #tpu.memory_space<hbm>> -> memref<1x8192xf32, #tpu.memory_space<hbm>>
    %dma_start3A_287 = tpu.memref_squeeze %dma_start3A_286 : memref<1x8192xf32, #tpu.memory_space<hbm>> -> memref<8192xf32, #tpu.memory_space<hbm>>
    tpu.enqueue_dma source(%arg9 : memref<8192xf32, #tpu.memory_space<vmem>>) target(%dma_start3A_287 : memref<8192xf32, #tpu.memory_space<hbm>>) target_semaphore(%arg15 : memref<!tpu.dma_semaphore, #tpu.memory_space<semaphore_mem>>)
    %add3A_288 = arith.constant 1 : i32
    %add3A_289 = arith.addi %mul3A_2, %add3A_288 : i32
    %dma_wait3A_290 = arith.constant 24576 : i32
    %dma_wait3A_291 = tpu.memref_slice %arg2[%add3A_289, %dma_wait3A_290] : memref<128x32768xf32, #tpu.memory_space<hbm>> -> memref<1x8192xf32, #tpu.memory_space<hbm>>
    %dma_wait3A_292 = tpu.memref_squeeze %dma_wait3A_291 : memref<1x8192xf32, #tpu.memory_space<hbm>> -> memref<8192xf32, #tpu.memory_space<hbm>>
    %dma_wait3A_293 = arith.constant 24576 : i32
    %dma_wait3A_294 = tpu.memref_slice %arg2[%add3A_289, %dma_wait3A_293] : memref<128x32768xf32, #tpu.memory_space<hbm>> -> memref<1x8192xf32, #tpu.memory_space<hbm>>
    %dma_wait3A_295 = tpu.memref_squeeze %dma_wait3A_294 : memref<1x8192xf32, #tpu.memory_space<hbm>> -> memref<8192xf32, #tpu.memory_space<hbm>>
    tpu.wait_dma2 semaphore(%arg12 : memref<!tpu.dma_semaphore, #tpu.memory_space<semaphore_mem>>) src(%dma_wait3A_295 : memref<8192xf32, #tpu.memory_space<hbm>>) dst(%arg6 : memref<8192xf32, #tpu.memory_space<vmem>>)
    %add3A_296 = arith.constant 2 : i32
    %add3A_297 = arith.addi %mul3A_2, %add3A_296 : i32
    %dma_start3A_298 = arith.constant 0 : i32
    %dma_start3A_299 = tpu.memref_slice %arg2[%add3A_297, %dma_start3A_298] : memref<128x32768xf32, #tpu.memory_space<hbm>> -> memref<1x8192xf32, #tpu.memory_space<hbm>>
    %dma_start3A_300 = tpu.memref_squeeze %dma_start3A_299 : memref<1x8192xf32, #tpu.memory_space<hbm>> -> memref<8192xf32, #tpu.memory_space<hbm>>
    %dma_start3A_301 = arith.constant 0 : i32
    %dma_start3A_302 = tpu.memref_slice %arg2[%add3A_297, %dma_start3A_301] : memref<128x32768xf32, #tpu.memory_space<hbm>> -> memref<1x8192xf32, #tpu.memory_space<hbm>>
    %dma_start3A_303 = tpu.memref_squeeze %dma_start3A_302 : memref<1x8192xf32, #tpu.memory_space<hbm>> -> memref<8192xf32, #tpu.memory_space<hbm>>
    tpu.enqueue_dma source(%dma_start3A_303 : memref<8192xf32, #tpu.memory_space<hbm>>) target(%arg5 : memref<8192xf32, #tpu.memory_space<vmem>>) target_semaphore(%arg11 : memref<!tpu.dma_semaphore, #tpu.memory_space<semaphore_mem>>)
    %add3A_304 = arith.constant 1 : i32
    %add3A_305 = arith.addi %mul3A_2, %add3A_304 : i32
    %dma_wait3A_306 = arith.constant 8192 : i32
    %dma_wait3A_307 = tpu.memref_slice %arg4[%add3A_305, %dma_wait3A_306] : memref<128x32768xf32, #tpu.memory_space<hbm>> -> memref<1x8192xf32, #tpu.memory_space<hbm>>
    %dma_wait3A_308 = tpu.memref_squeeze %dma_wait3A_307 : memref<1x8192xf32, #tpu.memory_space<hbm>> -> memref<8192xf32, #tpu.memory_space<hbm>>
    %dma_wait3A_309 = arith.constant 8192 : i32
    %dma_wait3A_310 = tpu.memref_slice %arg4[%add3A_305, %dma_wait3A_309] : memref<128x32768xf32, #tpu.memory_space<hbm>> -> memref<1x8192xf32, #tpu.memory_space<hbm>>
    %dma_wait3A_311 = tpu.memref_squeeze %dma_wait3A_310 : memref<1x8192xf32, #tpu.memory_space<hbm>> -> memref<8192xf32, #tpu.memory_space<hbm>>
    tpu.wait_dma2 semaphore(%arg16 : memref<!tpu.dma_semaphore, #tpu.memory_space<semaphore_mem>>) src(%arg10 : memref<8192xf32, #tpu.memory_space<vmem>>) dst(%dma_wait3A_311 : memref<8192xf32, #tpu.memory_space<hbm>>)
    %parallel_loop3A_312 = arith.constant 0 : i32
    %parallel_loop3A_313 = arith.constant 512 : i32
    %parallel_loop3A_314 = arith.constant 1 : i32
    %parallel_loop3A_315 = arith.constant 16777216 : i32
    %parallel_loop3A_316 = scf.for %parallel_loop3A_652 = %parallel_loop3A_312 to %parallel_loop3A_313 step %parallel_loop3A_314 iter_args(%parallel_loop3A_653 = %parallel_loop3A_279) -> (f32)  : i32 {
      %parallel_loop3A_654 = arith.constant 16 : i32
      %parallel_loop3A_655 = arith.muli %parallel_loop3A_652, %parallel_loop3A_654 : i32
      %parallel_loop3A_656 = arith.index_cast %parallel_loop3A_655 : i32 to index
      %parallel_loop3A_657 = tpu.vector_load %arg8[%parallel_loop3A_656] {strides = array<i32>} : memref<8192xi32, #tpu.memory_space<vmem>>, vector<16xi32>,
      %parallel_loop3A_658 = vector.broadcast %parallel_loop3A_315 : i32 to vector<16xi32>
      %parallel_loop3A_659 = arith.andi %parallel_loop3A_657, %parallel_loop3A_658 : vector<16xi32>
      %parallel_loop3A_660 = arith.constant 0 : i32
      %parallel_loop3A_661 = vector.broadcast %parallel_loop3A_660 : i32 to vector<16xi32>
      %parallel_loop3A_662 = arith.cmpi ne, %parallel_loop3A_659, %parallel_loop3A_661 : vector<16xi32>
      %parallel_loop3A_663 = arith.index_cast %parallel_loop3A_655 : i32 to index
      %parallel_loop3A_664 = tpu.vector_load %arg6[%parallel_loop3A_663] {strides = array<i32>} : memref<8192xf32, #tpu.memory_space<vmem>>, vector<16xf32>,
      %parallel_loop3A_665 = arith.select %parallel_loop3A_662, %parallel_loop3A_664, %broadcast_in_dim3A_16 : vector<16xi1>, vector<16xf32>
      %parallel_loop3A_666 = arith.constant true
      %parallel_loop3A_667 = vector.broadcast %parallel_loop3A_666 : i1 to vector<16xi1>
      %parallel_loop3A_668 = tpu.scan <sum>, %parallel_loop3A_665 masked %parallel_loop3A_667 : vector<16xf32>, vector<16xi1> -> vector<16xf32>
      %parallel_loop3A_669 = vector.broadcast %parallel_loop3A_653 : f32 to vector<16xf32>
      %parallel_loop3A_670 = arith.addf %parallel_loop3A_668, %parallel_loop3A_669 : vector<16xf32>
      %parallel_loop3A_671 = arith.index_cast %parallel_loop3A_655 : i32 to index
      %parallel_loop3A_672 = tpu.vector_load %arg10[%parallel_loop3A_671] {strides = array<i32>} : memref<8192xf32, #tpu.memory_space<vmem>>, vector<16xf32>,
      tpu.vector_store %arg10[%parallel_loop3A_671], %parallel_loop3A_670 {strides = array<i32>} : memref<8192xf32, #tpu.memory_space<vmem>>, vector<16xf32>,
      %parallel_loop3A_673 = vector.extract_strided_slice %parallel_loop3A_668 {offsets = [15], sizes = [1], strides = [1]} : vector<16xf32> to vector<1xf32>
      %parallel_loop3A_674 = vector.extract %parallel_loop3A_673[0] : f32 from vector<1xf32>
      %parallel_loop3A_675 = arith.addf %parallel_loop3A_653, %parallel_loop3A_674 : f32
      scf.yield %parallel_loop3A_675 : f32
    } {sc.loop_unroll_factor = 8 : i64, sc.parallel_access}
    %add3A_317 = arith.constant 1 : i32
    %add3A_318 = arith.addi %mul3A_2, %add3A_317 : i32
    %dma_start3A_319 = arith.constant 24576 : i32
    %dma_start3A_320 = tpu.memref_slice %arg4[%add3A_318, %dma_start3A_319] : memref<128x32768xf32, #tpu.memory_space<hbm>> -> memref<1x8192xf32, #tpu.memory_space<hbm>>
    %dma_start3A_321 = tpu.memref_squeeze %dma_start3A_320 : memref<1x8192xf32, #tpu.memory_space<hbm>> -> memref<8192xf32, #tpu.memory_space<hbm>>
    %dma_start3A_322 = arith.constant 24576 : i32
    %dma_start3A_323 = tpu.memref_slice %arg4[%add3A_318, %dma_start3A_322] : memref<128x32768xf32, #tpu.memory_space<hbm>> -> memref<1x8192xf32, #tpu.memory_space<hbm>>
    %dma_start3A_324 = tpu.memref_squeeze %dma_start3A_323 : memref<1x8192xf32, #tpu.memory_space<hbm>> -> memref<8192xf32, #tpu.memory_space<hbm>>
    tpu.enqueue_dma source(%arg10 : memref<8192xf32, #tpu.memory_space<vmem>>) target(%dma_start3A_324 : memref<8192xf32, #tpu.memory_space<hbm>>) target_semaphore(%arg16 : memref<!tpu.dma_semaphore, #tpu.memory_space<semaphore_mem>>)
    %add3A_325 = arith.constant 2 : i32
    %add3A_326 = arith.addi %mul3A_2, %add3A_325 : i32
    %dma_wait3A_327 = arith.constant 0 : i32
    %dma_wait3A_328 = tpu.memref_slice %arg2[%add3A_326, %dma_wait3A_327] : memref<128x32768xf32, #tpu.memory_space<hbm>> -> memref<1x8192xf32, #tpu.memory_space<hbm>>
    %dma_wait3A_329 = tpu.memref_squeeze %dma_wait3A_328 : memref<1x8192xf32, #tpu.memory_space<hbm>> -> memref<8192xf32, #tpu.memory_space<hbm>>
    %dma_wait3A_330 = arith.constant 0 : i32
    %dma_wait3A_331 = tpu.memref_slice %arg2[%add3A_326, %dma_wait3A_330] : memref<128x32768xf32, #tpu.memory_space<hbm>> -> memref<1x8192xf32, #tpu.memory_space<hbm>>
    %dma_wait3A_332 = tpu.memref_squeeze %dma_wait3A_331 : memref<1x8192xf32, #tpu.memory_space<hbm>> -> memref<8192xf32, #tpu.memory_space<hbm>>
    tpu.wait_dma2 semaphore(%arg11 : memref<!tpu.dma_semaphore, #tpu.memory_space<semaphore_mem>>) src(%dma_wait3A_332 : memref<8192xf32, #tpu.memory_space<hbm>>) dst(%arg5 : memref<8192xf32, #tpu.memory_space<vmem>>)
    %add3A_333 = arith.constant 2 : i32
    %add3A_334 = arith.addi %mul3A_2, %add3A_333 : i32
    %dma_start3A_335 = arith.constant 8192 : i32
    %dma_start3A_336 = tpu.memref_slice %arg2[%add3A_334, %dma_start3A_335] : memref<128x32768xf32, #tpu.memory_space<hbm>> -> memref<1x8192xf32, #tpu.memory_space<hbm>>
    %dma_start3A_337 = tpu.memref_squeeze %dma_start3A_336 : memref<1x8192xf32, #tpu.memory_space<hbm>> -> memref<8192xf32, #tpu.memory_space<hbm>>
    %dma_start3A_338 = arith.constant 8192 : i32
    %dma_start3A_339 = tpu.memref_slice %arg2[%add3A_334, %dma_start3A_338] : memref<128x32768xf32, #tpu.memory_space<hbm>> -> memref<1x8192xf32, #tpu.memory_space<hbm>>
    %dma_start3A_340 = tpu.memref_squeeze %dma_start3A_339 : memref<1x8192xf32, #tpu.memory_space<hbm>> -> memref<8192xf32, #tpu.memory_space<hbm>>
    tpu.enqueue_dma source(%dma_start3A_340 : memref<8192xf32, #tpu.memory_space<hbm>>) target(%arg6 : memref<8192xf32, #tpu.memory_space<vmem>>) target_semaphore(%arg12 : memref<!tpu.dma_semaphore, #tpu.memory_space<semaphore_mem>>)
    %add3A_341 = arith.constant 3 : i32
    %add3A_342 = arith.addi %mul3A_2, %add3A_341 : i32
    %mul3A_343 = arith.constant 8192 : i32
    %mul3A_344 = arith.muli %add3A_342, %mul3A_343 : i32
    %multiple_of3A_345 = tpu.assume_multiple %mul3A_344, 8192 : i32
    %dma_start3A_346 = tpu.memref_slice %arg3[%multiple_of3A_345] : memref<1048576xi32, #tpu.memory_space<hbm>> -> memref<8192xi32, #tpu.memory_space<hbm>>
    %dma_start3A_347 = tpu.memref_slice %arg3[%multiple_of3A_345] : memref<1048576xi32, #tpu.memory_space<hbm>> -> memref<8192xi32, #tpu.memory_space<hbm>>
    tpu.enqueue_dma source(%dma_start3A_347 : memref<8192xi32, #tpu.memory_space<hbm>>) target(%arg8 : memref<8192xi32, #tpu.memory_space<vmem>>) target_semaphore(%arg14 : memref<!tpu.dma_semaphore, #tpu.memory_space<semaphore_mem>>)
    %add3A_348 = arith.constant 2 : i32
    %add3A_349 = arith.addi %mul3A_2, %add3A_348 : i32
    %mul3A_350 = arith.constant 8192 : i32
    %mul3A_351 = arith.muli %add3A_349, %mul3A_350 : i32
    %multiple_of3A_352 = tpu.assume_multiple %mul3A_351, 8192 : i32
    %dma_wait3A_353 = tpu.memref_slice %arg3[%multiple_of3A_352] : memref<1048576xi32, #tpu.memory_space<hbm>> -> memref<8192xi32, #tpu.memory_space<hbm>>
    %dma_wait3A_354 = tpu.memref_slice %arg3[%multiple_of3A_352] : memref<1048576xi32, #tpu.memory_space<hbm>> -> memref<8192xi32, #tpu.memory_space<hbm>>
    tpu.wait_dma2 semaphore(%arg13 : memref<!tpu.dma_semaphore, #tpu.memory_space<semaphore_mem>>) src(%dma_wait3A_354 : memref<8192xi32, #tpu.memory_space<hbm>>) dst(%arg7 : memref<8192xi32, #tpu.memory_space<vmem>>)
    %add3A_355 = arith.constant 1 : i32
    %add3A_356 = arith.addi %mul3A_2, %add3A_355 : i32
    %dma_wait3A_357 = arith.constant 16384 : i32
    %dma_wait3A_358 = tpu.memref_slice %arg4[%add3A_356, %dma_wait3A_357] : memref<128x32768xf32, #tpu.memory_space<hbm>> -> memref<1x8192xf32, #tpu.memory_space<hbm>>
    %dma_wait3A_359 = tpu.memref_squeeze %dma_wait3A_358 : memref<1x8192xf32, #tpu.memory_space<hbm>> -> memref<8192xf32, #tpu.memory_space<hbm>>
    %dma_wait3A_360 = arith.constant 16384 : i32
    %dma_wait3A_361 = tpu.memref_slice %arg4[%add3A_356, %dma_wait3A_360] : memref<128x32768xf32, #tpu.memory_space<hbm>> -> memref<1x8192xf32, #tpu.memory_space<hbm>>
    %dma_wait3A_362 = tpu.memref_squeeze %dma_wait3A_361 : memref<1x8192xf32, #tpu.memory_space<hbm>> -> memref<8192xf32, #tpu.memory_space<hbm>>
    tpu.wait_dma2 semaphore(%arg15 : memref<!tpu.dma_semaphore, #tpu.memory_space<semaphore_mem>>) src(%arg9 : memref<8192xf32, #tpu.memory_space<vmem>>) dst(%dma_wait3A_362 : memref<8192xf32, #tpu.memory_space<hbm>>)
    %parallel_loop3A_363 = arith.constant 0 : i32
    %parallel_loop3A_364 = arith.constant 512 : i32
    %parallel_loop3A_365 = arith.constant 1 : i32
    %parallel_loop3A_366 = arith.constant 1 : i32
    %parallel_loop3A_367 = arith.constant 0.000000e+00 : f32
    %parallel_loop3A_368 = scf.for %parallel_loop3A_652 = %parallel_loop3A_363 to %parallel_loop3A_364 step %parallel_loop3A_365 iter_args(%parallel_loop3A_653 = %parallel_loop3A_367) -> (f32)  : i32 {
      %parallel_loop3A_654 = arith.constant 16 : i32
      %parallel_loop3A_655 = arith.muli %parallel_loop3A_652, %parallel_loop3A_654 : i32
      %parallel_loop3A_656 = arith.index_cast %parallel_loop3A_655 : i32 to index
      %parallel_loop3A_657 = tpu.vector_load %arg7[%parallel_loop3A_656] {strides = array<i32>} : memref<8192xi32, #tpu.memory_space<vmem>>, vector<16xi32>,
      %parallel_loop3A_658 = vector.broadcast %parallel_loop3A_366 : i32 to vector<16xi32>
      %parallel_loop3A_659 = arith.andi %parallel_loop3A_657, %parallel_loop3A_658 : vector<16xi32>
      %parallel_loop3A_660 = arith.constant 0 : i32
      %parallel_loop3A_661 = vector.broadcast %parallel_loop3A_660 : i32 to vector<16xi32>
      %parallel_loop3A_662 = arith.cmpi ne, %parallel_loop3A_659, %parallel_loop3A_661 : vector<16xi32>
      %parallel_loop3A_663 = arith.index_cast %parallel_loop3A_655 : i32 to index
      %parallel_loop3A_664 = tpu.vector_load %arg5[%parallel_loop3A_663] {strides = array<i32>} : memref<8192xf32, #tpu.memory_space<vmem>>, vector<16xf32>,
      %parallel_loop3A_665 = arith.select %parallel_loop3A_662, %parallel_loop3A_664, %broadcast_in_dim3A_16 : vector<16xi1>, vector<16xf32>
      %parallel_loop3A_666 = arith.constant true
      %parallel_loop3A_667 = vector.broadcast %parallel_loop3A_666 : i1 to vector<16xi1>
      %parallel_loop3A_668 = tpu.scan <sum>, %parallel_loop3A_665 masked %parallel_loop3A_667 : vector<16xf32>, vector<16xi1> -> vector<16xf32>
      %parallel_loop3A_669 = vector.broadcast %parallel_loop3A_653 : f32 to vector<16xf32>
      %parallel_loop3A_670 = arith.addf %parallel_loop3A_668, %parallel_loop3A_669 : vector<16xf32>
      %parallel_loop3A_671 = arith.index_cast %parallel_loop3A_655 : i32 to index
      %parallel_loop3A_672 = tpu.vector_load %arg9[%parallel_loop3A_671] {strides = array<i32>} : memref<8192xf32, #tpu.memory_space<vmem>>, vector<16xf32>,
      tpu.vector_store %arg9[%parallel_loop3A_671], %parallel_loop3A_670 {strides = array<i32>} : memref<8192xf32, #tpu.memory_space<vmem>>, vector<16xf32>,
      %parallel_loop3A_673 = vector.extract_strided_slice %parallel_loop3A_668 {offsets = [15], sizes = [1], strides = [1]} : vector<16xf32> to vector<1xf32>
      %parallel_loop3A_674 = vector.extract %parallel_loop3A_673[0] : f32 from vector<1xf32>
      %parallel_loop3A_675 = arith.addf %parallel_loop3A_653, %parallel_loop3A_674 : f32
      scf.yield %parallel_loop3A_675 : f32
    } {sc.loop_unroll_factor = 8 : i64, sc.parallel_access}
    %add3A_369 = arith.constant 2 : i32
    %add3A_370 = arith.addi %mul3A_2, %add3A_369 : i32
    %dma_start3A_371 = arith.constant 0 : i32
    %dma_start3A_372 = tpu.memref_slice %arg4[%add3A_370, %dma_start3A_371] : memref<128x32768xf32, #tpu.memory_space<hbm>> -> memref<1x8192xf32, #tpu.memory_space<hbm>>
    %dma_start3A_373 = tpu.memref_squeeze %dma_start3A_372 : memref<1x8192xf32, #tpu.memory_space<hbm>> -> memref<8192xf32, #tpu.memory_space<hbm>>
    %dma_start3A_374 = arith.constant 0 : i32
    %dma_start3A_375 = tpu.memref_slice %arg4[%add3A_370, %dma_start3A_374] : memref<128x32768xf32, #tpu.memory_space<hbm>> -> memref<1x8192xf32, #tpu.memory_space<hbm>>
    %dma_start3A_376 = tpu.memref_squeeze %dma_start3A_375 : memref<1x8192xf32, #tpu.memory_space<hbm>> -> memref<8192xf32, #tpu.memory_space<hbm>>
    tpu.enqueue_dma source(%arg9 : memref<8192xf32, #tpu.memory_space<vmem>>) target(%dma_start3A_376 : memref<8192xf32, #tpu.memory_space<hbm>>) target_semaphore(%arg15 : memref<!tpu.dma_semaphore, #tpu.memory_space<semaphore_mem>>)
    %add3A_377 = arith.constant 2 : i32
    %add3A_378 = arith.addi %mul3A_2, %add3A_377 : i32
    %dma_wait3A_379 = arith.constant 8192 : i32
    %dma_wait3A_380 = tpu.memref_slice %arg2[%add3A_378, %dma_wait3A_379] : memref<128x32768xf32, #tpu.memory_space<hbm>> -> memref<1x8192xf32, #tpu.memory_space<hbm>>
    %dma_wait3A_381 = tpu.memref_squeeze %dma_wait3A_380 : memref<1x8192xf32, #tpu.memory_space<hbm>> -> memref<8192xf32, #tpu.memory_space<hbm>>
    %dma_wait3A_382 = arith.constant 8192 : i32
    %dma_wait3A_383 = tpu.memref_slice %arg2[%add3A_378, %dma_wait3A_382] : memref<128x32768xf32, #tpu.memory_space<hbm>> -> memref<1x8192xf32, #tpu.memory_space<hbm>>
    %dma_wait3A_384 = tpu.memref_squeeze %dma_wait3A_383 : memref<1x8192xf32, #tpu.memory_space<hbm>> -> memref<8192xf32, #tpu.memory_space<hbm>>
    tpu.wait_dma2 semaphore(%arg12 : memref<!tpu.dma_semaphore, #tpu.memory_space<semaphore_mem>>) src(%dma_wait3A_384 : memref<8192xf32, #tpu.memory_space<hbm>>) dst(%arg6 : memref<8192xf32, #tpu.memory_space<vmem>>)
    %add3A_385 = arith.constant 2 : i32
    %add3A_386 = arith.addi %mul3A_2, %add3A_385 : i32
    %dma_start3A_387 = arith.constant 16384 : i32
    %dma_start3A_388 = tpu.memref_slice %arg2[%add3A_386, %dma_start3A_387] : memref<128x32768xf32, #tpu.memory_space<hbm>> -> memref<1x8192xf32, #tpu.memory_space<hbm>>
    %dma_start3A_389 = tpu.memref_squeeze %dma_start3A_388 : memref<1x8192xf32, #tpu.memory_space<hbm>> -> memref<8192xf32, #tpu.memory_space<hbm>>
    %dma_start3A_390 = arith.constant 16384 : i32
    %dma_start3A_391 = tpu.memref_slice %arg2[%add3A_386, %dma_start3A_390] : memref<128x32768xf32, #tpu.memory_space<hbm>> -> memref<1x8192xf32, #tpu.memory_space<hbm>>
    %dma_start3A_392 = tpu.memref_squeeze %dma_start3A_391 : memref<1x8192xf32, #tpu.memory_space<hbm>> -> memref<8192xf32, #tpu.memory_space<hbm>>
    tpu.enqueue_dma source(%dma_start3A_392 : memref<8192xf32, #tpu.memory_space<hbm>>) target(%arg5 : memref<8192xf32, #tpu.memory_space<vmem>>) target_semaphore(%arg11 : memref<!tpu.dma_semaphore, #tpu.memory_space<semaphore_mem>>)
    %add3A_393 = arith.constant 1 : i32
    %add3A_394 = arith.addi %mul3A_2, %add3A_393 : i32
    %dma_wait3A_395 = arith.constant 24576 : i32
    %dma_wait3A_396 = tpu.memref_slice %arg4[%add3A_394, %dma_wait3A_395] : memref<128x32768xf32, #tpu.memory_space<hbm>> -> memref<1x8192xf32, #tpu.memory_space<hbm>>
    %dma_wait3A_397 = tpu.memref_squeeze %dma_wait3A_396 : memref<1x8192xf32, #tpu.memory_space<hbm>> -> memref<8192xf32, #tpu.memory_space<hbm>>
    %dma_wait3A_398 = arith.constant 24576 : i32
    %dma_wait3A_399 = tpu.memref_slice %arg4[%add3A_394, %dma_wait3A_398] : memref<128x32768xf32, #tpu.memory_space<hbm>> -> memref<1x8192xf32, #tpu.memory_space<hbm>>
    %dma_wait3A_400 = tpu.memref_squeeze %dma_wait3A_399 : memref<1x8192xf32, #tpu.memory_space<hbm>> -> memref<8192xf32, #tpu.memory_space<hbm>>
    tpu.wait_dma2 semaphore(%arg16 : memref<!tpu.dma_semaphore, #tpu.memory_space<semaphore_mem>>) src(%arg10 : memref<8192xf32, #tpu.memory_space<vmem>>) dst(%dma_wait3A_400 : memref<8192xf32, #tpu.memory_space<hbm>>)
    %parallel_loop3A_401 = arith.constant 0 : i32
    %parallel_loop3A_402 = arith.constant 512 : i32
    %parallel_loop3A_403 = arith.constant 1 : i32
    %parallel_loop3A_404 = arith.constant 256 : i32
    %parallel_loop3A_405 = scf.for %parallel_loop3A_652 = %parallel_loop3A_401 to %parallel_loop3A_402 step %parallel_loop3A_403 iter_args(%parallel_loop3A_653 = %parallel_loop3A_368) -> (f32)  : i32 {
      %parallel_loop3A_654 = arith.constant 16 : i32
      %parallel_loop3A_655 = arith.muli %parallel_loop3A_652, %parallel_loop3A_654 : i32
      %parallel_loop3A_656 = arith.index_cast %parallel_loop3A_655 : i32 to index
      %parallel_loop3A_657 = tpu.vector_load %arg7[%parallel_loop3A_656] {strides = array<i32>} : memref<8192xi32, #tpu.memory_space<vmem>>, vector<16xi32>,
      %parallel_loop3A_658 = vector.broadcast %parallel_loop3A_404 : i32 to vector<16xi32>
      %parallel_loop3A_659 = arith.andi %parallel_loop3A_657, %parallel_loop3A_658 : vector<16xi32>
      %parallel_loop3A_660 = arith.constant 0 : i32
      %parallel_loop3A_661 = vector.broadcast %parallel_loop3A_660 : i32 to vector<16xi32>
      %parallel_loop3A_662 = arith.cmpi ne, %parallel_loop3A_659, %parallel_loop3A_661 : vector<16xi32>
      %parallel_loop3A_663 = arith.index_cast %parallel_loop3A_655 : i32 to index
      %parallel_loop3A_664 = tpu.vector_load %arg6[%parallel_loop3A_663] {strides = array<i32>} : memref<8192xf32, #tpu.memory_space<vmem>>, vector<16xf32>,
      %parallel_loop3A_665 = arith.select %parallel_loop3A_662, %parallel_loop3A_664, %broadcast_in_dim3A_16 : vector<16xi1>, vector<16xf32>
      %parallel_loop3A_666 = arith.constant true
      %parallel_loop3A_667 = vector.broadcast %parallel_loop3A_666 : i1 to vector<16xi1>
      %parallel_loop3A_668 = tpu.scan <sum>, %parallel_loop3A_665 masked %parallel_loop3A_667 : vector<16xf32>, vector<16xi1> -> vector<16xf32>
      %parallel_loop3A_669 = vector.broadcast %parallel_loop3A_653 : f32 to vector<16xf32>
      %parallel_loop3A_670 = arith.addf %parallel_loop3A_668, %parallel_loop3A_669 : vector<16xf32>
      %parallel_loop3A_671 = arith.index_cast %parallel_loop3A_655 : i32 to index
      %parallel_loop3A_672 = tpu.vector_load %arg10[%parallel_loop3A_671] {strides = array<i32>} : memref<8192xf32, #tpu.memory_space<vmem>>, vector<16xf32>,
      tpu.vector_store %arg10[%parallel_loop3A_671], %parallel_loop3A_670 {strides = array<i32>} : memref<8192xf32, #tpu.memory_space<vmem>>, vector<16xf32>,
      %parallel_loop3A_673 = vector.extract_strided_slice %parallel_loop3A_668 {offsets = [15], sizes = [1], strides = [1]} : vector<16xf32> to vector<1xf32>
      %parallel_loop3A_674 = vector.extract %parallel_loop3A_673[0] : f32 from vector<1xf32>
      %parallel_loop3A_675 = arith.addf %parallel_loop3A_653, %parallel_loop3A_674 : f32
      scf.yield %parallel_loop3A_675 : f32
    } {sc.loop_unroll_factor = 8 : i64, sc.parallel_access}
    %add3A_406 = arith.constant 2 : i32
    %add3A_407 = arith.addi %mul3A_2, %add3A_406 : i32
    %dma_start3A_408 = arith.constant 8192 : i32
    %dma_start3A_409 = tpu.memref_slice %arg4[%add3A_407, %dma_start3A_408] : memref<128x32768xf32, #tpu.memory_space<hbm>> -> memref<1x8192xf32, #tpu.memory_space<hbm>>
    %dma_start3A_410 = tpu.memref_squeeze %dma_start3A_409 : memref<1x8192xf32, #tpu.memory_space<hbm>> -> memref<8192xf32, #tpu.memory_space<hbm>>
    %dma_start3A_411 = arith.constant 8192 : i32
    %dma_start3A_412 = tpu.memref_slice %arg4[%add3A_407, %dma_start3A_411] : memref<128x32768xf32, #tpu.memory_space<hbm>> -> memref<1x8192xf32, #tpu.memory_space<hbm>>
    %dma_start3A_413 = tpu.memref_squeeze %dma_start3A_412 : memref<1x8192xf32, #tpu.memory_space<hbm>> -> memref<8192xf32, #tpu.memory_space<hbm>>
    tpu.enqueue_dma source(%arg10 : memref<8192xf32, #tpu.memory_space<vmem>>) target(%dma_start3A_413 : memref<8192xf32, #tpu.memory_space<hbm>>) target_semaphore(%arg16 : memref<!tpu.dma_semaphore, #tpu.memory_space<semaphore_mem>>)
    %add3A_414 = arith.constant 2 : i32
    %add3A_415 = arith.addi %mul3A_2, %add3A_414 : i32
    %dma_wait3A_416 = arith.constant 16384 : i32
    %dma_wait3A_417 = tpu.memref_slice %arg2[%add3A_415, %dma_wait3A_416] : memref<128x32768xf32, #tpu.memory_space<hbm>> -> memref<1x8192xf32, #tpu.memory_space<hbm>>
    %dma_wait3A_418 = tpu.memref_squeeze %dma_wait3A_417 : memref<1x8192xf32, #tpu.memory_space<hbm>> -> memref<8192xf32, #tpu.memory_space<hbm>>
    %dma_wait3A_419 = arith.constant 16384 : i32
    %dma_wait3A_420 = tpu.memref_slice %arg2[%add3A_415, %dma_wait3A_419] : memref<128x32768xf32, #tpu.memory_space<hbm>> -> memref<1x8192xf32, #tpu.memory_space<hbm>>
    %dma_wait3A_421 = tpu.memref_squeeze %dma_wait3A_420 : memref<1x8192xf32, #tpu.memory_space<hbm>> -> memref<8192xf32, #tpu.memory_space<hbm>>
    tpu.wait_dma2 semaphore(%arg11 : memref<!tpu.dma_semaphore, #tpu.memory_space<semaphore_mem>>) src(%dma_wait3A_421 : memref<8192xf32, #tpu.memory_space<hbm>>) dst(%arg5 : memref<8192xf32, #tpu.memory_space<vmem>>)
    %add3A_422 = arith.constant 2 : i32
    %add3A_423 = arith.addi %mul3A_2, %add3A_422 : i32
    %dma_start3A_424 = arith.constant 24576 : i32
    %dma_start3A_425 = tpu.memref_slice %arg2[%add3A_423, %dma_start3A_424] : memref<128x32768xf32, #tpu.memory_space<hbm>> -> memref<1x8192xf32, #tpu.memory_space<hbm>>
    %dma_start3A_426 = tpu.memref_squeeze %dma_start3A_425 : memref<1x8192xf32, #tpu.memory_space<hbm>> -> memref<8192xf32, #tpu.memory_space<hbm>>
    %dma_start3A_427 = arith.constant 24576 : i32
    %dma_start3A_428 = tpu.memref_slice %arg2[%add3A_423, %dma_start3A_427] : memref<128x32768xf32, #tpu.memory_space<hbm>> -> memref<1x8192xf32, #tpu.memory_space<hbm>>
    %dma_start3A_429 = tpu.memref_squeeze %dma_start3A_428 : memref<1x8192xf32, #tpu.memory_space<hbm>> -> memref<8192xf32, #tpu.memory_space<hbm>>
    tpu.enqueue_dma source(%dma_start3A_429 : memref<8192xf32, #tpu.memory_space<hbm>>) target(%arg6 : memref<8192xf32, #tpu.memory_space<vmem>>) target_semaphore(%arg12 : memref<!tpu.dma_semaphore, #tpu.memory_space<semaphore_mem>>)
    %add3A_430 = arith.constant 2 : i32
    %add3A_431 = arith.addi %mul3A_2, %add3A_430 : i32
    %dma_wait3A_432 = arith.constant 0 : i32
    %dma_wait3A_433 = tpu.memref_slice %arg4[%add3A_431, %dma_wait3A_432] : memref<128x32768xf32, #tpu.memory_space<hbm>> -> memref<1x8192xf32, #tpu.memory_space<hbm>>
    %dma_wait3A_434 = tpu.memref_squeeze %dma_wait3A_433 : memref<1x8192xf32, #tpu.memory_space<hbm>> -> memref<8192xf32, #tpu.memory_space<hbm>>
    %dma_wait3A_435 = arith.constant 0 : i32
    %dma_wait3A_436 = tpu.memref_slice %arg4[%add3A_431, %dma_wait3A_435] : memref<128x32768xf32, #tpu.memory_space<hbm>> -> memref<1x8192xf32, #tpu.memory_space<hbm>>
    %dma_wait3A_437 = tpu.memref_squeeze %dma_wait3A_436 : memref<1x8192xf32, #tpu.memory_space<hbm>> -> memref<8192xf32, #tpu.memory_space<hbm>>
    tpu.wait_dma2 semaphore(%arg15 : memref<!tpu.dma_semaphore, #tpu.memory_space<semaphore_mem>>) src(%arg9 : memref<8192xf32, #tpu.memory_space<vmem>>) dst(%dma_wait3A_437 : memref<8192xf32, #tpu.memory_space<hbm>>)
    %parallel_loop3A_438 = arith.constant 0 : i32
    %parallel_loop3A_439 = arith.constant 512 : i32
    %parallel_loop3A_440 = arith.constant 1 : i32
    %parallel_loop3A_441 = arith.constant 65536 : i32
    %parallel_loop3A_442 = scf.for %parallel_loop3A_652 = %parallel_loop3A_438 to %parallel_loop3A_439 step %parallel_loop3A_440 iter_args(%parallel_loop3A_653 = %parallel_loop3A_405) -> (f32)  : i32 {
      %parallel_loop3A_654 = arith.constant 16 : i32
      %parallel_loop3A_655 = arith.muli %parallel_loop3A_652, %parallel_loop3A_654 : i32
      %parallel_loop3A_656 = arith.index_cast %parallel_loop3A_655 : i32 to index
      %parallel_loop3A_657 = tpu.vector_load %arg7[%parallel_loop3A_656] {strides = array<i32>} : memref<8192xi32, #tpu.memory_space<vmem>>, vector<16xi32>,
      %parallel_loop3A_658 = vector.broadcast %parallel_loop3A_441 : i32 to vector<16xi32>
      %parallel_loop3A_659 = arith.andi %parallel_loop3A_657, %parallel_loop3A_658 : vector<16xi32>
      %parallel_loop3A_660 = arith.constant 0 : i32
      %parallel_loop3A_661 = vector.broadcast %parallel_loop3A_660 : i32 to vector<16xi32>
      %parallel_loop3A_662 = arith.cmpi ne, %parallel_loop3A_659, %parallel_loop3A_661 : vector<16xi32>
      %parallel_loop3A_663 = arith.index_cast %parallel_loop3A_655 : i32 to index
      %parallel_loop3A_664 = tpu.vector_load %arg5[%parallel_loop3A_663] {strides = array<i32>} : memref<8192xf32, #tpu.memory_space<vmem>>, vector<16xf32>,
      %parallel_loop3A_665 = arith.select %parallel_loop3A_662, %parallel_loop3A_664, %broadcast_in_dim3A_16 : vector<16xi1>, vector<16xf32>
      %parallel_loop3A_666 = arith.constant true
      %parallel_loop3A_667 = vector.broadcast %parallel_loop3A_666 : i1 to vector<16xi1>
      %parallel_loop3A_668 = tpu.scan <sum>, %parallel_loop3A_665 masked %parallel_loop3A_667 : vector<16xf32>, vector<16xi1> -> vector<16xf32>
      %parallel_loop3A_669 = vector.broadcast %parallel_loop3A_653 : f32 to vector<16xf32>
      %parallel_loop3A_670 = arith.addf %parallel_loop3A_668, %parallel_loop3A_669 : vector<16xf32>
      %parallel_loop3A_671 = arith.index_cast %parallel_loop3A_655 : i32 to index
      %parallel_loop3A_672 = tpu.vector_load %arg9[%parallel_loop3A_671] {strides = array<i32>} : memref<8192xf32, #tpu.memory_space<vmem>>, vector<16xf32>,
      tpu.vector_store %arg9[%parallel_loop3A_671], %parallel_loop3A_670 {strides = array<i32>} : memref<8192xf32, #tpu.memory_space<vmem>>, vector<16xf32>,
      %parallel_loop3A_673 = vector.extract_strided_slice %parallel_loop3A_668 {offsets = [15], sizes = [1], strides = [1]} : vector<16xf32> to vector<1xf32>
      %parallel_loop3A_674 = vector.extract %parallel_loop3A_673[0] : f32 from vector<1xf32>
      %parallel_loop3A_675 = arith.addf %parallel_loop3A_653, %parallel_loop3A_674 : f32
      scf.yield %parallel_loop3A_675 : f32
    } {sc.loop_unroll_factor = 8 : i64, sc.parallel_access}
    %add3A_443 = arith.constant 2 : i32
    %add3A_444 = arith.addi %mul3A_2, %add3A_443 : i32
    %dma_start3A_445 = arith.constant 16384 : i32
    %dma_start3A_446 = tpu.memref_slice %arg4[%add3A_444, %dma_start3A_445] : memref<128x32768xf32, #tpu.memory_space<hbm>> -> memref<1x8192xf32, #tpu.memory_space<hbm>>
    %dma_start3A_447 = tpu.memref_squeeze %dma_start3A_446 : memref<1x8192xf32, #tpu.memory_space<hbm>> -> memref<8192xf32, #tpu.memory_space<hbm>>
    %dma_start3A_448 = arith.constant 16384 : i32
    %dma_start3A_449 = tpu.memref_slice %arg4[%add3A_444, %dma_start3A_448] : memref<128x32768xf32, #tpu.memory_space<hbm>> -> memref<1x8192xf32, #tpu.memory_space<hbm>>
    %dma_start3A_450 = tpu.memref_squeeze %dma_start3A_449 : memref<1x8192xf32, #tpu.memory_space<hbm>> -> memref<8192xf32, #tpu.memory_space<hbm>>
    tpu.enqueue_dma source(%arg9 : memref<8192xf32, #tpu.memory_space<vmem>>) target(%dma_start3A_450 : memref<8192xf32, #tpu.memory_space<hbm>>) target_semaphore(%arg15 : memref<!tpu.dma_semaphore, #tpu.memory_space<semaphore_mem>>)
    %add3A_451 = arith.constant 2 : i32
    %add3A_452 = arith.addi %mul3A_2, %add3A_451 : i32
    %dma_wait3A_453 = arith.constant 24576 : i32
    %dma_wait3A_454 = tpu.memref_slice %arg2[%add3A_452, %dma_wait3A_453] : memref<128x32768xf32, #tpu.memory_space<hbm>> -> memref<1x8192xf32, #tpu.memory_space<hbm>>
    %dma_wait3A_455 = tpu.memref_squeeze %dma_wait3A_454 : memref<1x8192xf32, #tpu.memory_space<hbm>> -> memref<8192xf32, #tpu.memory_space<hbm>>
    %dma_wait3A_456 = arith.constant 24576 : i32
    %dma_wait3A_457 = tpu.memref_slice %arg2[%add3A_452, %dma_wait3A_456] : memref<128x32768xf32, #tpu.memory_space<hbm>> -> memref<1x8192xf32, #tpu.memory_space<hbm>>
    %dma_wait3A_458 = tpu.memref_squeeze %dma_wait3A_457 : memref<1x8192xf32, #tpu.memory_space<hbm>> -> memref<8192xf32, #tpu.memory_space<hbm>>
    tpu.wait_dma2 semaphore(%arg12 : memref<!tpu.dma_semaphore, #tpu.memory_space<semaphore_mem>>) src(%dma_wait3A_458 : memref<8192xf32, #tpu.memory_space<hbm>>) dst(%arg6 : memref<8192xf32, #tpu.memory_space<vmem>>)
    %add3A_459 = arith.constant 3 : i32
    %add3A_460 = arith.addi %mul3A_2, %add3A_459 : i32
    %dma_start3A_461 = arith.constant 0 : i32
    %dma_start3A_462 = tpu.memref_slice %arg2[%add3A_460, %dma_start3A_461] : memref<128x32768xf32, #tpu.memory_space<hbm>> -> memref<1x8192xf32, #tpu.memory_space<hbm>>
    %dma_start3A_463 = tpu.memref_squeeze %dma_start3A_462 : memref<1x8192xf32, #tpu.memory_space<hbm>> -> memref<8192xf32, #tpu.memory_space<hbm>>
    %dma_start3A_464 = arith.constant 0 : i32
    %dma_start3A_465 = tpu.memref_slice %arg2[%add3A_460, %dma_start3A_464] : memref<128x32768xf32, #tpu.memory_space<hbm>> -> memref<1x8192xf32, #tpu.memory_space<hbm>>
    %dma_start3A_466 = tpu.memref_squeeze %dma_start3A_465 : memref<1x8192xf32, #tpu.memory_space<hbm>> -> memref<8192xf32, #tpu.memory_space<hbm>>
    tpu.enqueue_dma source(%dma_start3A_466 : memref<8192xf32, #tpu.memory_space<hbm>>) target(%arg5 : memref<8192xf32, #tpu.memory_space<vmem>>) target_semaphore(%arg11 : memref<!tpu.dma_semaphore, #tpu.memory_space<semaphore_mem>>)
    %add3A_467 = arith.constant 2 : i32
    %add3A_468 = arith.addi %mul3A_2, %add3A_467 : i32
    %dma_wait3A_469 = arith.constant 8192 : i32
    %dma_wait3A_470 = tpu.memref_slice %arg4[%add3A_468, %dma_wait3A_469] : memref<128x32768xf32, #tpu.memory_space<hbm>> -> memref<1x8192xf32, #tpu.memory_space<hbm>>
    %dma_wait3A_471 = tpu.memref_squeeze %dma_wait3A_470 : memref<1x8192xf32, #tpu.memory_space<hbm>> -> memref<8192xf32, #tpu.memory_space<hbm>>
    %dma_wait3A_472 = arith.constant 8192 : i32
    %dma_wait3A_473 = tpu.memref_slice %arg4[%add3A_468, %dma_wait3A_472] : memref<128x32768xf32, #tpu.memory_space<hbm>> -> memref<1x8192xf32, #tpu.memory_space<hbm>>
    %dma_wait3A_474 = tpu.memref_squeeze %dma_wait3A_473 : memref<1x8192xf32, #tpu.memory_space<hbm>> -> memref<8192xf32, #tpu.memory_space<hbm>>
    tpu.wait_dma2 semaphore(%arg16 : memref<!tpu.dma_semaphore, #tpu.memory_space<semaphore_mem>>) src(%arg10 : memref<8192xf32, #tpu.memory_space<vmem>>) dst(%dma_wait3A_474 : memref<8192xf32, #tpu.memory_space<hbm>>)
    %parallel_loop3A_475 = arith.constant 0 : i32
    %parallel_loop3A_476 = arith.constant 512 : i32
    %parallel_loop3A_477 = arith.constant 1 : i32
    %parallel_loop3A_478 = arith.constant 16777216 : i32
    %parallel_loop3A_479 = scf.for %parallel_loop3A_652 = %parallel_loop3A_475 to %parallel_loop3A_476 step %parallel_loop3A_477 iter_args(%parallel_loop3A_653 = %parallel_loop3A_442) -> (f32)  : i32 {
      %parallel_loop3A_654 = arith.constant 16 : i32
      %parallel_loop3A_655 = arith.muli %parallel_loop3A_652, %parallel_loop3A_654 : i32
      %parallel_loop3A_656 = arith.index_cast %parallel_loop3A_655 : i32 to index
      %parallel_loop3A_657 = tpu.vector_load %arg7[%parallel_loop3A_656] {strides = array<i32>} : memref<8192xi32, #tpu.memory_space<vmem>>, vector<16xi32>,
      %parallel_loop3A_658 = vector.broadcast %parallel_loop3A_478 : i32 to vector<16xi32>
      %parallel_loop3A_659 = arith.andi %parallel_loop3A_657, %parallel_loop3A_658 : vector<16xi32>
      %parallel_loop3A_660 = arith.constant 0 : i32
      %parallel_loop3A_661 = vector.broadcast %parallel_loop3A_660 : i32 to vector<16xi32>
      %parallel_loop3A_662 = arith.cmpi ne, %parallel_loop3A_659, %parallel_loop3A_661 : vector<16xi32>
      %parallel_loop3A_663 = arith.index_cast %parallel_loop3A_655 : i32 to index
      %parallel_loop3A_664 = tpu.vector_load %arg6[%parallel_loop3A_663] {strides = array<i32>} : memref<8192xf32, #tpu.memory_space<vmem>>, vector<16xf32>,
      %parallel_loop3A_665 = arith.select %parallel_loop3A_662, %parallel_loop3A_664, %broadcast_in_dim3A_16 : vector<16xi1>, vector<16xf32>
      %parallel_loop3A_666 = arith.constant true
      %parallel_loop3A_667 = vector.broadcast %parallel_loop3A_666 : i1 to vector<16xi1>
      %parallel_loop3A_668 = tpu.scan <sum>, %parallel_loop3A_665 masked %parallel_loop3A_667 : vector<16xf32>, vector<16xi1> -> vector<16xf32>
      %parallel_loop3A_669 = vector.broadcast %parallel_loop3A_653 : f32 to vector<16xf32>
      %parallel_loop3A_670 = arith.addf %parallel_loop3A_668, %parallel_loop3A_669 : vector<16xf32>
      %parallel_loop3A_671 = arith.index_cast %parallel_loop3A_655 : i32 to index
      %parallel_loop3A_672 = tpu.vector_load %arg10[%parallel_loop3A_671] {strides = array<i32>} : memref<8192xf32, #tpu.memory_space<vmem>>, vector<16xf32>,
      tpu.vector_store %arg10[%parallel_loop3A_671], %parallel_loop3A_670 {strides = array<i32>} : memref<8192xf32, #tpu.memory_space<vmem>>, vector<16xf32>,
      %parallel_loop3A_673 = vector.extract_strided_slice %parallel_loop3A_668 {offsets = [15], sizes = [1], strides = [1]} : vector<16xf32> to vector<1xf32>
      %parallel_loop3A_674 = vector.extract %parallel_loop3A_673[0] : f32 from vector<1xf32>
      %parallel_loop3A_675 = arith.addf %parallel_loop3A_653, %parallel_loop3A_674 : f32
      scf.yield %parallel_loop3A_675 : f32
    } {sc.loop_unroll_factor = 8 : i64, sc.parallel_access}
    %add3A_480 = arith.constant 2 : i32
    %add3A_481 = arith.addi %mul3A_2, %add3A_480 : i32
    %dma_start3A_482 = arith.constant 24576 : i32
    %dma_start3A_483 = tpu.memref_slice %arg4[%add3A_481, %dma_start3A_482] : memref<128x32768xf32, #tpu.memory_space<hbm>> -> memref<1x8192xf32, #tpu.memory_space<hbm>>
    %dma_start3A_484 = tpu.memref_squeeze %dma_start3A_483 : memref<1x8192xf32, #tpu.memory_space<hbm>> -> memref<8192xf32, #tpu.memory_space<hbm>>
    %dma_start3A_485 = arith.constant 24576 : i32
    %dma_start3A_486 = tpu.memref_slice %arg4[%add3A_481, %dma_start3A_485] : memref<128x32768xf32, #tpu.memory_space<hbm>> -> memref<1x8192xf32, #tpu.memory_space<hbm>>
    %dma_start3A_487 = tpu.memref_squeeze %dma_start3A_486 : memref<1x8192xf32, #tpu.memory_space<hbm>> -> memref<8192xf32, #tpu.memory_space<hbm>>
    tpu.enqueue_dma source(%arg10 : memref<8192xf32, #tpu.memory_space<vmem>>) target(%dma_start3A_487 : memref<8192xf32, #tpu.memory_space<hbm>>) target_semaphore(%arg16 : memref<!tpu.dma_semaphore, #tpu.memory_space<semaphore_mem>>)
    %add3A_488 = arith.constant 3 : i32
    %add3A_489 = arith.addi %mul3A_2, %add3A_488 : i32
    %dma_wait3A_490 = arith.constant 0 : i32
    %dma_wait3A_491 = tpu.memref_slice %arg2[%add3A_489, %dma_wait3A_490] : memref<128x32768xf32, #tpu.memory_space<hbm>> -> memref<1x8192xf32, #tpu.memory_space<hbm>>
    %dma_wait3A_492 = tpu.memref_squeeze %dma_wait3A_491 : memref<1x8192xf32, #tpu.memory_space<hbm>> -> memref<8192xf32, #tpu.memory_space<hbm>>
    %dma_wait3A_493 = arith.constant 0 : i32
    %dma_wait3A_494 = tpu.memref_slice %arg2[%add3A_489, %dma_wait3A_493] : memref<128x32768xf32, #tpu.memory_space<hbm>> -> memref<1x8192xf32, #tpu.memory_space<hbm>>
    %dma_wait3A_495 = tpu.memref_squeeze %dma_wait3A_494 : memref<1x8192xf32, #tpu.memory_space<hbm>> -> memref<8192xf32, #tpu.memory_space<hbm>>
    tpu.wait_dma2 semaphore(%arg11 : memref<!tpu.dma_semaphore, #tpu.memory_space<semaphore_mem>>) src(%dma_wait3A_495 : memref<8192xf32, #tpu.memory_space<hbm>>) dst(%arg5 : memref<8192xf32, #tpu.memory_space<vmem>>)
    %add3A_496 = arith.constant 3 : i32
    %add3A_497 = arith.addi %mul3A_2, %add3A_496 : i32
    %dma_start3A_498 = arith.constant 8192 : i32
    %dma_start3A_499 = tpu.memref_slice %arg2[%add3A_497, %dma_start3A_498] : memref<128x32768xf32, #tpu.memory_space<hbm>> -> memref<1x8192xf32, #tpu.memory_space<hbm>>
    %dma_start3A_500 = tpu.memref_squeeze %dma_start3A_499 : memref<1x8192xf32, #tpu.memory_space<hbm>> -> memref<8192xf32, #tpu.memory_space<hbm>>
    %dma_start3A_501 = arith.constant 8192 : i32
    %dma_start3A_502 = tpu.memref_slice %arg2[%add3A_497, %dma_start3A_501] : memref<128x32768xf32, #tpu.memory_space<hbm>> -> memref<1x8192xf32, #tpu.memory_space<hbm>>
    %dma_start3A_503 = tpu.memref_squeeze %dma_start3A_502 : memref<1x8192xf32, #tpu.memory_space<hbm>> -> memref<8192xf32, #tpu.memory_space<hbm>>
    tpu.enqueue_dma source(%dma_start3A_503 : memref<8192xf32, #tpu.memory_space<hbm>>) target(%arg6 : memref<8192xf32, #tpu.memory_space<vmem>>) target_semaphore(%arg12 : memref<!tpu.dma_semaphore, #tpu.memory_space<semaphore_mem>>)
    %add3A_504 = arith.constant 3 : i32
    %add3A_505 = arith.addi %mul3A_2, %add3A_504 : i32
    %mul3A_506 = arith.constant 8192 : i32
    %mul3A_507 = arith.muli %add3A_505, %mul3A_506 : i32
    %multiple_of3A_508 = tpu.assume_multiple %mul3A_507, 8192 : i32
    %dma_wait3A_509 = tpu.memref_slice %arg3[%multiple_of3A_508] : memref<1048576xi32, #tpu.memory_space<hbm>> -> memref<8192xi32, #tpu.memory_space<hbm>>
    %dma_wait3A_510 = tpu.memref_slice %arg3[%multiple_of3A_508] : memref<1048576xi32, #tpu.memory_space<hbm>> -> memref<8192xi32, #tpu.memory_space<hbm>>
    tpu.wait_dma2 semaphore(%arg14 : memref<!tpu.dma_semaphore, #tpu.memory_space<semaphore_mem>>) src(%dma_wait3A_510 : memref<8192xi32, #tpu.memory_space<hbm>>) dst(%arg8 : memref<8192xi32, #tpu.memory_space<vmem>>)
    %add3A_511 = arith.constant 2 : i32
    %add3A_512 = arith.addi %mul3A_2, %add3A_511 : i32
    %dma_wait3A_513 = arith.constant 16384 : i32
    %dma_wait3A_514 = tpu.memref_slice %arg4[%add3A_512, %dma_wait3A_513] : memref<128x32768xf32, #tpu.memory_space<hbm>> -> memref<1x8192xf32, #tpu.memory_space<hbm>>
    %dma_wait3A_515 = tpu.memref_squeeze %dma_wait3A_514 : memref<1x8192xf32, #tpu.memory_space<hbm>> -> memref<8192xf32, #tpu.memory_space<hbm>>
    %dma_wait3A_516 = arith.constant 16384 : i32
    %dma_wait3A_517 = tpu.memref_slice %arg4[%add3A_512, %dma_wait3A_516] : memref<128x32768xf32, #tpu.memory_space<hbm>> -> memref<1x8192xf32, #tpu.memory_space<hbm>>
    %dma_wait3A_518 = tpu.memref_squeeze %dma_wait3A_517 : memref<1x8192xf32, #tpu.memory_space<hbm>> -> memref<8192xf32, #tpu.memory_space<hbm>>
    tpu.wait_dma2 semaphore(%arg15 : memref<!tpu.dma_semaphore, #tpu.memory_space<semaphore_mem>>) src(%arg9 : memref<8192xf32, #tpu.memory_space<vmem>>) dst(%dma_wait3A_518 : memref<8192xf32, #tpu.memory_space<hbm>>)
    %parallel_loop3A_519 = arith.constant 0 : i32
    %parallel_loop3A_520 = arith.constant 512 : i32
    %parallel_loop3A_521 = arith.constant 1 : i32
    %parallel_loop3A_522 = arith.constant 1 : i32
    %parallel_loop3A_523 = arith.constant 0.000000e+00 : f32
    %parallel_loop3A_524 = scf.for %parallel_loop3A_652 = %parallel_loop3A_519 to %parallel_loop3A_520 step %parallel_loop3A_521 iter_args(%parallel_loop3A_653 = %parallel_loop3A_523) -> (f32)  : i32 {
      %parallel_loop3A_654 = arith.constant 16 : i32
      %parallel_loop3A_655 = arith.muli %parallel_loop3A_652, %parallel_loop3A_654 : i32
      %parallel_loop3A_656 = arith.index_cast %parallel_loop3A_655 : i32 to index
      %parallel_loop3A_657 = tpu.vector_load %arg8[%parallel_loop3A_656] {strides = array<i32>} : memref<8192xi32, #tpu.memory_space<vmem>>, vector<16xi32>,
      %parallel_loop3A_658 = vector.broadcast %parallel_loop3A_522 : i32 to vector<16xi32>
      %parallel_loop3A_659 = arith.andi %parallel_loop3A_657, %parallel_loop3A_658 : vector<16xi32>
      %parallel_loop3A_660 = arith.constant 0 : i32
      %parallel_loop3A_661 = vector.broadcast %parallel_loop3A_660 : i32 to vector<16xi32>
      %parallel_loop3A_662 = arith.cmpi ne, %parallel_loop3A_659, %parallel_loop3A_661 : vector<16xi32>
      %parallel_loop3A_663 = arith.index_cast %parallel_loop3A_655 : i32 to index
      %parallel_loop3A_664 = tpu.vector_load %arg5[%parallel_loop3A_663] {strides = array<i32>} : memref<8192xf32, #tpu.memory_space<vmem>>, vector<16xf32>,
      %parallel_loop3A_665 = arith.select %parallel_loop3A_662, %parallel_loop3A_664, %broadcast_in_dim3A_16 : vector<16xi1>, vector<16xf32>
      %parallel_loop3A_666 = arith.constant true
      %parallel_loop3A_667 = vector.broadcast %parallel_loop3A_666 : i1 to vector<16xi1>
      %parallel_loop3A_668 = tpu.scan <sum>, %parallel_loop3A_665 masked %parallel_loop3A_667 : vector<16xf32>, vector<16xi1> -> vector<16xf32>
      %parallel_loop3A_669 = vector.broadcast %parallel_loop3A_653 : f32 to vector<16xf32>
      %parallel_loop3A_670 = arith.addf %parallel_loop3A_668, %parallel_loop3A_669 : vector<16xf32>
      %parallel_loop3A_671 = arith.index_cast %parallel_loop3A_655 : i32 to index
      %parallel_loop3A_672 = tpu.vector_load %arg9[%parallel_loop3A_671] {strides = array<i32>} : memref<8192xf32, #tpu.memory_space<vmem>>, vector<16xf32>,
      tpu.vector_store %arg9[%parallel_loop3A_671], %parallel_loop3A_670 {strides = array<i32>} : memref<8192xf32, #tpu.memory_space<vmem>>, vector<16xf32>,
      %parallel_loop3A_673 = vector.extract_strided_slice %parallel_loop3A_668 {offsets = [15], sizes = [1], strides = [1]} : vector<16xf32> to vector<1xf32>
      %parallel_loop3A_674 = vector.extract %parallel_loop3A_673[0] : f32 from vector<1xf32>
      %parallel_loop3A_675 = arith.addf %parallel_loop3A_653, %parallel_loop3A_674 : f32
      scf.yield %parallel_loop3A_675 : f32
    } {sc.loop_unroll_factor = 8 : i64, sc.parallel_access}
    %add3A_525 = arith.constant 3 : i32
    %add3A_526 = arith.addi %mul3A_2, %add3A_525 : i32
    %dma_start3A_527 = arith.constant 0 : i32
    %dma_start3A_528 = tpu.memref_slice %arg4[%add3A_526, %dma_start3A_527] : memref<128x32768xf32, #tpu.memory_space<hbm>> -> memref<1x8192xf32, #tpu.memory_space<hbm>>
    %dma_start3A_529 = tpu.memref_squeeze %dma_start3A_528 : memref<1x8192xf32, #tpu.memory_space<hbm>> -> memref<8192xf32, #tpu.memory_space<hbm>>
    %dma_start3A_530 = arith.constant 0 : i32
    %dma_start3A_531 = tpu.memref_slice %arg4[%add3A_526, %dma_start3A_530] : memref<128x32768xf32, #tpu.memory_space<hbm>> -> memref<1x8192xf32, #tpu.memory_space<hbm>>
    %dma_start3A_532 = tpu.memref_squeeze %dma_start3A_531 : memref<1x8192xf32, #tpu.memory_space<hbm>> -> memref<8192xf32, #tpu.memory_space<hbm>>
    tpu.enqueue_dma source(%arg9 : memref<8192xf32, #tpu.memory_space<vmem>>) target(%dma_start3A_532 : memref<8192xf32, #tpu.memory_space<hbm>>) target_semaphore(%arg15 : memref<!tpu.dma_semaphore, #tpu.memory_space<semaphore_mem>>)
    %add3A_533 = arith.constant 3 : i32
    %add3A_534 = arith.addi %mul3A_2, %add3A_533 : i32
    %dma_wait3A_535 = arith.constant 8192 : i32
    %dma_wait3A_536 = tpu.memref_slice %arg2[%add3A_534, %dma_wait3A_535] : memref<128x32768xf32, #tpu.memory_space<hbm>> -> memref<1x8192xf32, #tpu.memory_space<hbm>>
    %dma_wait3A_537 = tpu.memref_squeeze %dma_wait3A_536 : memref<1x8192xf32, #tpu.memory_space<hbm>> -> memref<8192xf32, #tpu.memory_space<hbm>>
    %dma_wait3A_538 = arith.constant 8192 : i32
    %dma_wait3A_539 = tpu.memref_slice %arg2[%add3A_534, %dma_wait3A_538] : memref<128x32768xf32, #tpu.memory_space<hbm>> -> memref<1x8192xf32, #tpu.memory_space<hbm>>
    %dma_wait3A_540 = tpu.memref_squeeze %dma_wait3A_539 : memref<1x8192xf32, #tpu.memory_space<hbm>> -> memref<8192xf32, #tpu.memory_space<hbm>>
    tpu.wait_dma2 semaphore(%arg12 : memref<!tpu.dma_semaphore, #tpu.memory_space<semaphore_mem>>) src(%dma_wait3A_540 : memref<8192xf32, #tpu.memory_space<hbm>>) dst(%arg6 : memref<8192xf32, #tpu.memory_space<vmem>>)
    %add3A_541 = arith.constant 3 : i32
    %add3A_542 = arith.addi %mul3A_2, %add3A_541 : i32
    %dma_start3A_543 = arith.constant 16384 : i32
    %dma_start3A_544 = tpu.memref_slice %arg2[%add3A_542, %dma_start3A_543] : memref<128x32768xf32, #tpu.memory_space<hbm>> -> memref<1x8192xf32, #tpu.memory_space<hbm>>
    %dma_start3A_545 = tpu.memref_squeeze %dma_start3A_544 : memref<1x8192xf32, #tpu.memory_space<hbm>> -> memref<8192xf32, #tpu.memory_space<hbm>>
    %dma_start3A_546 = arith.constant 16384 : i32
    %dma_start3A_547 = tpu.memref_slice %arg2[%add3A_542, %dma_start3A_546] : memref<128x32768xf32, #tpu.memory_space<hbm>> -> memref<1x8192xf32, #tpu.memory_space<hbm>>
    %dma_start3A_548 = tpu.memref_squeeze %dma_start3A_547 : memref<1x8192xf32, #tpu.memory_space<hbm>> -> memref<8192xf32, #tpu.memory_space<hbm>>
    tpu.enqueue_dma source(%dma_start3A_548 : memref<8192xf32, #tpu.memory_space<hbm>>) target(%arg5 : memref<8192xf32, #tpu.memory_space<vmem>>) target_semaphore(%arg11 : memref<!tpu.dma_semaphore, #tpu.memory_space<semaphore_mem>>)
    %add3A_549 = arith.constant 2 : i32
    %add3A_550 = arith.addi %mul3A_2, %add3A_549 : i32
    %dma_wait3A_551 = arith.constant 24576 : i32
    %dma_wait3A_552 = tpu.memref_slice %arg4[%add3A_550, %dma_wait3A_551] : memref<128x32768xf32, #tpu.memory_space<hbm>> -> memref<1x8192xf32, #tpu.memory_space<hbm>>
    %dma_wait3A_553 = tpu.memref_squeeze %dma_wait3A_552 : memref<1x8192xf32, #tpu.memory_space<hbm>> -> memref<8192xf32, #tpu.memory_space<hbm>>
    %dma_wait3A_554 = arith.constant 24576 : i32
    %dma_wait3A_555 = tpu.memref_slice %arg4[%add3A_550, %dma_wait3A_554] : memref<128x32768xf32, #tpu.memory_space<hbm>> -> memref<1x8192xf32, #tpu.memory_space<hbm>>
    %dma_wait3A_556 = tpu.memref_squeeze %dma_wait3A_555 : memref<1x8192xf32, #tpu.memory_space<hbm>> -> memref<8192xf32, #tpu.memory_space<hbm>>
    tpu.wait_dma2 semaphore(%arg16 : memref<!tpu.dma_semaphore, #tpu.memory_space<semaphore_mem>>) src(%arg10 : memref<8192xf32, #tpu.memory_space<vmem>>) dst(%dma_wait3A_556 : memref<8192xf32, #tpu.memory_space<hbm>>)
    %parallel_loop3A_557 = arith.constant 0 : i32
    %parallel_loop3A_558 = arith.constant 512 : i32
    %parallel_loop3A_559 = arith.constant 1 : i32
    %parallel_loop3A_560 = arith.constant 256 : i32
    %parallel_loop3A_561 = scf.for %parallel_loop3A_652 = %parallel_loop3A_557 to %parallel_loop3A_558 step %parallel_loop3A_559 iter_args(%parallel_loop3A_653 = %parallel_loop3A_524) -> (f32)  : i32 {
      %parallel_loop3A_654 = arith.constant 16 : i32
      %parallel_loop3A_655 = arith.muli %parallel_loop3A_652, %parallel_loop3A_654 : i32
      %parallel_loop3A_656 = arith.index_cast %parallel_loop3A_655 : i32 to index
      %parallel_loop3A_657 = tpu.vector_load %arg8[%parallel_loop3A_656] {strides = array<i32>} : memref<8192xi32, #tpu.memory_space<vmem>>, vector<16xi32>,
      %parallel_loop3A_658 = vector.broadcast %parallel_loop3A_560 : i32 to vector<16xi32>
      %parallel_loop3A_659 = arith.andi %parallel_loop3A_657, %parallel_loop3A_658 : vector<16xi32>
      %parallel_loop3A_660 = arith.constant 0 : i32
      %parallel_loop3A_661 = vector.broadcast %parallel_loop3A_660 : i32 to vector<16xi32>
      %parallel_loop3A_662 = arith.cmpi ne, %parallel_loop3A_659, %parallel_loop3A_661 : vector<16xi32>
      %parallel_loop3A_663 = arith.index_cast %parallel_loop3A_655 : i32 to index
      %parallel_loop3A_664 = tpu.vector_load %arg6[%parallel_loop3A_663] {strides = array<i32>} : memref<8192xf32, #tpu.memory_space<vmem>>, vector<16xf32>,
      %parallel_loop3A_665 = arith.select %parallel_loop3A_662, %parallel_loop3A_664, %broadcast_in_dim3A_16 : vector<16xi1>, vector<16xf32>
      %parallel_loop3A_666 = arith.constant true
      %parallel_loop3A_667 = vector.broadcast %parallel_loop3A_666 : i1 to vector<16xi1>
      %parallel_loop3A_668 = tpu.scan <sum>, %parallel_loop3A_665 masked %parallel_loop3A_667 : vector<16xf32>, vector<16xi1> -> vector<16xf32>
      %parallel_loop3A_669 = vector.broadcast %parallel_loop3A_653 : f32 to vector<16xf32>
      %parallel_loop3A_670 = arith.addf %parallel_loop3A_668, %parallel_loop3A_669 : vector<16xf32>
      %parallel_loop3A_671 = arith.index_cast %parallel_loop3A_655 : i32 to index
      %parallel_loop3A_672 = tpu.vector_load %arg10[%parallel_loop3A_671] {strides = array<i32>} : memref<8192xf32, #tpu.memory_space<vmem>>, vector<16xf32>,
      tpu.vector_store %arg10[%parallel_loop3A_671], %parallel_loop3A_670 {strides = array<i32>} : memref<8192xf32, #tpu.memory_space<vmem>>, vector<16xf32>,
      %parallel_loop3A_673 = vector.extract_strided_slice %parallel_loop3A_668 {offsets = [15], sizes = [1], strides = [1]} : vector<16xf32> to vector<1xf32>
      %parallel_loop3A_674 = vector.extract %parallel_loop3A_673[0] : f32 from vector<1xf32>
      %parallel_loop3A_675 = arith.addf %parallel_loop3A_653, %parallel_loop3A_674 : f32
      scf.yield %parallel_loop3A_675 : f32
    } {sc.loop_unroll_factor = 8 : i64, sc.parallel_access}
    %add3A_562 = arith.constant 3 : i32
    %add3A_563 = arith.addi %mul3A_2, %add3A_562 : i32
    %dma_start3A_564 = arith.constant 8192 : i32
    %dma_start3A_565 = tpu.memref_slice %arg4[%add3A_563, %dma_start3A_564] : memref<128x32768xf32, #tpu.memory_space<hbm>> -> memref<1x8192xf32, #tpu.memory_space<hbm>>
    %dma_start3A_566 = tpu.memref_squeeze %dma_start3A_565 : memref<1x8192xf32, #tpu.memory_space<hbm>> -> memref<8192xf32, #tpu.memory_space<hbm>>
    %dma_start3A_567 = arith.constant 8192 : i32
    %dma_start3A_568 = tpu.memref_slice %arg4[%add3A_563, %dma_start3A_567] : memref<128x32768xf32, #tpu.memory_space<hbm>> -> memref<1x8192xf32, #tpu.memory_space<hbm>>
    %dma_start3A_569 = tpu.memref_squeeze %dma_start3A_568 : memref<1x8192xf32, #tpu.memory_space<hbm>> -> memref<8192xf32, #tpu.memory_space<hbm>>
    tpu.enqueue_dma source(%arg10 : memref<8192xf32, #tpu.memory_space<vmem>>) target(%dma_start3A_569 : memref<8192xf32, #tpu.memory_space<hbm>>) target_semaphore(%arg16 : memref<!tpu.dma_semaphore, #tpu.memory_space<semaphore_mem>>)
    %add3A_570 = arith.constant 3 : i32
    %add3A_571 = arith.addi %mul3A_2, %add3A_570 : i32
    %dma_wait3A_572 = arith.constant 16384 : i32
    %dma_wait3A_573 = tpu.memref_slice %arg2[%add3A_571, %dma_wait3A_572] : memref<128x32768xf32, #tpu.memory_space<hbm>> -> memref<1x8192xf32, #tpu.memory_space<hbm>>
    %dma_wait3A_574 = tpu.memref_squeeze %dma_wait3A_573 : memref<1x8192xf32, #tpu.memory_space<hbm>> -> memref<8192xf32, #tpu.memory_space<hbm>>
    %dma_wait3A_575 = arith.constant 16384 : i32
    %dma_wait3A_576 = tpu.memref_slice %arg2[%add3A_571, %dma_wait3A_575] : memref<128x32768xf32, #tpu.memory_space<hbm>> -> memref<1x8192xf32, #tpu.memory_space<hbm>>
    %dma_wait3A_577 = tpu.memref_squeeze %dma_wait3A_576 : memref<1x8192xf32, #tpu.memory_space<hbm>> -> memref<8192xf32, #tpu.memory_space<hbm>>
    tpu.wait_dma2 semaphore(%arg11 : memref<!tpu.dma_semaphore, #tpu.memory_space<semaphore_mem>>) src(%dma_wait3A_577 : memref<8192xf32, #tpu.memory_space<hbm>>) dst(%arg5 : memref<8192xf32, #tpu.memory_space<vmem>>)
    %add3A_578 = arith.constant 3 : i32
    %add3A_579 = arith.addi %mul3A_2, %add3A_578 : i32
    %dma_start3A_580 = arith.constant 24576 : i32
    %dma_start3A_581 = tpu.memref_slice %arg2[%add3A_579, %dma_start3A_580] : memref<128x32768xf32, #tpu.memory_space<hbm>> -> memref<1x8192xf32, #tpu.memory_space<hbm>>
    %dma_start3A_582 = tpu.memref_squeeze %dma_start3A_581 : memref<1x8192xf32, #tpu.memory_space<hbm>> -> memref<8192xf32, #tpu.memory_space<hbm>>
    %dma_start3A_583 = arith.constant 24576 : i32
    %dma_start3A_584 = tpu.memref_slice %arg2[%add3A_579, %dma_start3A_583] : memref<128x32768xf32, #tpu.memory_space<hbm>> -> memref<1x8192xf32, #tpu.memory_space<hbm>>
    %dma_start3A_585 = tpu.memref_squeeze %dma_start3A_584 : memref<1x8192xf32, #tpu.memory_space<hbm>> -> memref<8192xf32, #tpu.memory_space<hbm>>
    tpu.enqueue_dma source(%dma_start3A_585 : memref<8192xf32, #tpu.memory_space<hbm>>) target(%arg6 : memref<8192xf32, #tpu.memory_space<vmem>>) target_semaphore(%arg12 : memref<!tpu.dma_semaphore, #tpu.memory_space<semaphore_mem>>)
    %add3A_586 = arith.constant 3 : i32
    %add3A_587 = arith.addi %mul3A_2, %add3A_586 : i32
    %dma_wait3A_588 = arith.constant 0 : i32
    %dma_wait3A_589 = tpu.memref_slice %arg4[%add3A_587, %dma_wait3A_588] : memref<128x32768xf32, #tpu.memory_space<hbm>> -> memref<1x8192xf32, #tpu.memory_space<hbm>>
    %dma_wait3A_590 = tpu.memref_squeeze %dma_wait3A_589 : memref<1x8192xf32, #tpu.memory_space<hbm>> -> memref<8192xf32, #tpu.memory_space<hbm>>
    %dma_wait3A_591 = arith.constant 0 : i32
    %dma_wait3A_592 = tpu.memref_slice %arg4[%add3A_587, %dma_wait3A_591] : memref<128x32768xf32, #tpu.memory_space<hbm>> -> memref<1x8192xf32, #tpu.memory_space<hbm>>
    %dma_wait3A_593 = tpu.memref_squeeze %dma_wait3A_592 : memref<1x8192xf32, #tpu.memory_space<hbm>> -> memref<8192xf32, #tpu.memory_space<hbm>>
    tpu.wait_dma2 semaphore(%arg15 : memref<!tpu.dma_semaphore, #tpu.memory_space<semaphore_mem>>) src(%arg9 : memref<8192xf32, #tpu.memory_space<vmem>>) dst(%dma_wait3A_593 : memref<8192xf32, #tpu.memory_space<hbm>>)
    %parallel_loop3A_594 = arith.constant 0 : i32
    %parallel_loop3A_595 = arith.constant 512 : i32
    %parallel_loop3A_596 = arith.constant 1 : i32
    %parallel_loop3A_597 = arith.constant 65536 : i32
    %parallel_loop3A_598 = scf.for %parallel_loop3A_652 = %parallel_loop3A_594 to %parallel_loop3A_595 step %parallel_loop3A_596 iter_args(%parallel_loop3A_653 = %parallel_loop3A_561) -> (f32)  : i32 {
      %parallel_loop3A_654 = arith.constant 16 : i32
      %parallel_loop3A_655 = arith.muli %parallel_loop3A_652, %parallel_loop3A_654 : i32
      %parallel_loop3A_656 = arith.index_cast %parallel_loop3A_655 : i32 to index
      %parallel_loop3A_657 = tpu.vector_load %arg8[%parallel_loop3A_656] {strides = array<i32>} : memref<8192xi32, #tpu.memory_space<vmem>>, vector<16xi32>,
      %parallel_loop3A_658 = vector.broadcast %parallel_loop3A_597 : i32 to vector<16xi32>
      %parallel_loop3A_659 = arith.andi %parallel_loop3A_657, %parallel_loop3A_658 : vector<16xi32>
      %parallel_loop3A_660 = arith.constant 0 : i32
      %parallel_loop3A_661 = vector.broadcast %parallel_loop3A_660 : i32 to vector<16xi32>
      %parallel_loop3A_662 = arith.cmpi ne, %parallel_loop3A_659, %parallel_loop3A_661 : vector<16xi32>
      %parallel_loop3A_663 = arith.index_cast %parallel_loop3A_655 : i32 to index
      %parallel_loop3A_664 = tpu.vector_load %arg5[%parallel_loop3A_663] {strides = array<i32>} : memref<8192xf32, #tpu.memory_space<vmem>>, vector<16xf32>,
      %parallel_loop3A_665 = arith.select %parallel_loop3A_662, %parallel_loop3A_664, %broadcast_in_dim3A_16 : vector<16xi1>, vector<16xf32>
      %parallel_loop3A_666 = arith.constant true
      %parallel_loop3A_667 = vector.broadcast %parallel_loop3A_666 : i1 to vector<16xi1>
      %parallel_loop3A_668 = tpu.scan <sum>, %parallel_loop3A_665 masked %parallel_loop3A_667 : vector<16xf32>, vector<16xi1> -> vector<16xf32>
      %parallel_loop3A_669 = vector.broadcast %parallel_loop3A_653 : f32 to vector<16xf32>
      %parallel_loop3A_670 = arith.addf %parallel_loop3A_668, %parallel_loop3A_669 : vector<16xf32>
      %parallel_loop3A_671 = arith.index_cast %parallel_loop3A_655 : i32 to index
      %parallel_loop3A_672 = tpu.vector_load %arg9[%parallel_loop3A_671] {strides = array<i32>} : memref<8192xf32, #tpu.memory_space<vmem>>, vector<16xf32>,
      tpu.vector_store %arg9[%parallel_loop3A_671], %parallel_loop3A_670 {strides = array<i32>} : memref<8192xf32, #tpu.memory_space<vmem>>, vector<16xf32>,
      %parallel_loop3A_673 = vector.extract_strided_slice %parallel_loop3A_668 {offsets = [15], sizes = [1], strides = [1]} : vector<16xf32> to vector<1xf32>
      %parallel_loop3A_674 = vector.extract %parallel_loop3A_673[0] : f32 from vector<1xf32>
      %parallel_loop3A_675 = arith.addf %parallel_loop3A_653, %parallel_loop3A_674 : f32
      scf.yield %parallel_loop3A_675 : f32
    } {sc.loop_unroll_factor = 8 : i64, sc.parallel_access}
    %add3A_599 = arith.constant 3 : i32
    %add3A_600 = arith.addi %mul3A_2, %add3A_599 : i32
    %dma_start3A_601 = arith.constant 16384 : i32
    %dma_start3A_602 = tpu.memref_slice %arg4[%add3A_600, %dma_start3A_601] : memref<128x32768xf32, #tpu.memory_space<hbm>> -> memref<1x8192xf32, #tpu.memory_space<hbm>>
    %dma_start3A_603 = tpu.memref_squeeze %dma_start3A_602 : memref<1x8192xf32, #tpu.memory_space<hbm>> -> memref<8192xf32, #tpu.memory_space<hbm>>
    %dma_start3A_604 = arith.constant 16384 : i32
    %dma_start3A_605 = tpu.memref_slice %arg4[%add3A_600, %dma_start3A_604] : memref<128x32768xf32, #tpu.memory_space<hbm>> -> memref<1x8192xf32, #tpu.memory_space<hbm>>
    %dma_start3A_606 = tpu.memref_squeeze %dma_start3A_605 : memref<1x8192xf32, #tpu.memory_space<hbm>> -> memref<8192xf32, #tpu.memory_space<hbm>>
    tpu.enqueue_dma source(%arg9 : memref<8192xf32, #tpu.memory_space<vmem>>) target(%dma_start3A_606 : memref<8192xf32, #tpu.memory_space<hbm>>) target_semaphore(%arg15 : memref<!tpu.dma_semaphore, #tpu.memory_space<semaphore_mem>>)
    %add3A_607 = arith.constant 3 : i32
    %add3A_608 = arith.addi %mul3A_2, %add3A_607 : i32
    %dma_wait3A_609 = arith.constant 24576 : i32
    %dma_wait3A_610 = tpu.memref_slice %arg2[%add3A_608, %dma_wait3A_609] : memref<128x32768xf32, #tpu.memory_space<hbm>> -> memref<1x8192xf32, #tpu.memory_space<hbm>>
    %dma_wait3A_611 = tpu.memref_squeeze %dma_wait3A_610 : memref<1x8192xf32, #tpu.memory_space<hbm>> -> memref<8192xf32, #tpu.memory_space<hbm>>
    %dma_wait3A_612 = arith.constant 24576 : i32
    %dma_wait3A_613 = tpu.memref_slice %arg2[%add3A_608, %dma_wait3A_612] : memref<128x32768xf32, #tpu.memory_space<hbm>> -> memref<1x8192xf32, #tpu.memory_space<hbm>>
    %dma_wait3A_614 = tpu.memref_squeeze %dma_wait3A_613 : memref<1x8192xf32, #tpu.memory_space<hbm>> -> memref<8192xf32, #tpu.memory_space<hbm>>
    tpu.wait_dma2 semaphore(%arg12 : memref<!tpu.dma_semaphore, #tpu.memory_space<semaphore_mem>>) src(%dma_wait3A_614 : memref<8192xf32, #tpu.memory_space<hbm>>) dst(%arg6 : memref<8192xf32, #tpu.memory_space<vmem>>)
    %add3A_615 = arith.constant 3 : i32
    %add3A_616 = arith.addi %mul3A_2, %add3A_615 : i32
    %dma_wait3A_617 = arith.constant 8192 : i32
    %dma_wait3A_618 = tpu.memref_slice %arg4[%add3A_616, %dma_wait3A_617] : memref<128x32768xf32, #tpu.memory_space<hbm>> -> memref<1x8192xf32, #tpu.memory_space<hbm>>
    %dma_wait3A_619 = tpu.memref_squeeze %dma_wait3A_618 : memref<1x8192xf32, #tpu.memory_space<hbm>> -> memref<8192xf32, #tpu.memory_space<hbm>>
    %dma_wait3A_620 = arith.constant 8192 : i32
    %dma_wait3A_621 = tpu.memref_slice %arg4[%add3A_616, %dma_wait3A_620] : memref<128x32768xf32, #tpu.memory_space<hbm>> -> memref<1x8192xf32, #tpu.memory_space<hbm>>
    %dma_wait3A_622 = tpu.memref_squeeze %dma_wait3A_621 : memref<1x8192xf32, #tpu.memory_space<hbm>> -> memref<8192xf32, #tpu.memory_space<hbm>>
    tpu.wait_dma2 semaphore(%arg16 : memref<!tpu.dma_semaphore, #tpu.memory_space<semaphore_mem>>) src(%arg10 : memref<8192xf32, #tpu.memory_space<vmem>>) dst(%dma_wait3A_622 : memref<8192xf32, #tpu.memory_space<hbm>>)
    %parallel_loop3A_623 = arith.constant 0 : i32
    %parallel_loop3A_624 = arith.constant 512 : i32
    %parallel_loop3A_625 = arith.constant 1 : i32
    %parallel_loop3A_626 = arith.constant 16777216 : i32
    %parallel_loop3A_627 = scf.for %parallel_loop3A_652 = %parallel_loop3A_623 to %parallel_loop3A_624 step %parallel_loop3A_625 iter_args(%parallel_loop3A_653 = %parallel_loop3A_598) -> (f32)  : i32 {
      %parallel_loop3A_654 = arith.constant 16 : i32
      %parallel_loop3A_655 = arith.muli %parallel_loop3A_652, %parallel_loop3A_654 : i32
      %parallel_loop3A_656 = arith.index_cast %parallel_loop3A_655 : i32 to index
      %parallel_loop3A_657 = tpu.vector_load %arg8[%parallel_loop3A_656] {strides = array<i32>} : memref<8192xi32, #tpu.memory_space<vmem>>, vector<16xi32>,
      %parallel_loop3A_658 = vector.broadcast %parallel_loop3A_626 : i32 to vector<16xi32>
      %parallel_loop3A_659 = arith.andi %parallel_loop3A_657, %parallel_loop3A_658 : vector<16xi32>
      %parallel_loop3A_660 = arith.constant 0 : i32
      %parallel_loop3A_661 = vector.broadcast %parallel_loop3A_660 : i32 to vector<16xi32>
      %parallel_loop3A_662 = arith.cmpi ne, %parallel_loop3A_659, %parallel_loop3A_661 : vector<16xi32>
      %parallel_loop3A_663 = arith.index_cast %parallel_loop3A_655 : i32 to index
      %parallel_loop3A_664 = tpu.vector_load %arg6[%parallel_loop3A_663] {strides = array<i32>} : memref<8192xf32, #tpu.memory_space<vmem>>, vector<16xf32>,
      %parallel_loop3A_665 = arith.select %parallel_loop3A_662, %parallel_loop3A_664, %broadcast_in_dim3A_16 : vector<16xi1>, vector<16xf32>
      %parallel_loop3A_666 = arith.constant true
      %parallel_loop3A_667 = vector.broadcast %parallel_loop3A_666 : i1 to vector<16xi1>
      %parallel_loop3A_668 = tpu.scan <sum>, %parallel_loop3A_665 masked %parallel_loop3A_667 : vector<16xf32>, vector<16xi1> -> vector<16xf32>
      %parallel_loop3A_669 = vector.broadcast %parallel_loop3A_653 : f32 to vector<16xf32>
      %parallel_loop3A_670 = arith.addf %parallel_loop3A_668, %parallel_loop3A_669 : vector<16xf32>
      %parallel_loop3A_671 = arith.index_cast %parallel_loop3A_655 : i32 to index
      %parallel_loop3A_672 = tpu.vector_load %arg10[%parallel_loop3A_671] {strides = array<i32>} : memref<8192xf32, #tpu.memory_space<vmem>>, vector<16xf32>,
      tpu.vector_store %arg10[%parallel_loop3A_671], %parallel_loop3A_670 {strides = array<i32>} : memref<8192xf32, #tpu.memory_space<vmem>>, vector<16xf32>,
      %parallel_loop3A_673 = vector.extract_strided_slice %parallel_loop3A_668 {offsets = [15], sizes = [1], strides = [1]} : vector<16xf32> to vector<1xf32>
      %parallel_loop3A_674 = vector.extract %parallel_loop3A_673[0] : f32 from vector<1xf32>
      %parallel_loop3A_675 = arith.addf %parallel_loop3A_653, %parallel_loop3A_674 : f32
      scf.yield %parallel_loop3A_675 : f32
    } {sc.loop_unroll_factor = 8 : i64, sc.parallel_access}
    %add3A_628 = arith.constant 3 : i32
    %add3A_629 = arith.addi %mul3A_2, %add3A_628 : i32
    %dma_start3A_630 = arith.constant 24576 : i32
    %dma_start3A_631 = tpu.memref_slice %arg4[%add3A_629, %dma_start3A_630] : memref<128x32768xf32, #tpu.memory_space<hbm>> -> memref<1x8192xf32, #tpu.memory_space<hbm>>
    %dma_start3A_632 = tpu.memref_squeeze %dma_start3A_631 : memref<1x8192xf32, #tpu.memory_space<hbm>> -> memref<8192xf32, #tpu.memory_space<hbm>>
    %dma_start3A_633 = arith.constant 24576 : i32
    %dma_start3A_634 = tpu.memref_slice %arg4[%add3A_629, %dma_start3A_633] : memref<128x32768xf32, #tpu.memory_space<hbm>> -> memref<1x8192xf32, #tpu.memory_space<hbm>>
    %dma_start3A_635 = tpu.memref_squeeze %dma_start3A_634 : memref<1x8192xf32, #tpu.memory_space<hbm>> -> memref<8192xf32, #tpu.memory_space<hbm>>
    tpu.enqueue_dma source(%arg10 : memref<8192xf32, #tpu.memory_space<vmem>>) target(%dma_start3A_635 : memref<8192xf32, #tpu.memory_space<hbm>>) target_semaphore(%arg16 : memref<!tpu.dma_semaphore, #tpu.memory_space<semaphore_mem>>)
    %add3A_636 = arith.constant 3 : i32
    %add3A_637 = arith.addi %mul3A_2, %add3A_636 : i32
    %dma_wait3A_638 = arith.constant 16384 : i32
    %dma_wait3A_639 = tpu.memref_slice %arg4[%add3A_637, %dma_wait3A_638] : memref<128x32768xf32, #tpu.memory_space<hbm>> -> memref<1x8192xf32, #tpu.memory_space<hbm>>
    %dma_wait3A_640 = tpu.memref_squeeze %dma_wait3A_639 : memref<1x8192xf32, #tpu.memory_space<hbm>> -> memref<8192xf32, #tpu.memory_space<hbm>>
    %dma_wait3A_641 = arith.constant 16384 : i32
    %dma_wait3A_642 = tpu.memref_slice %arg4[%add3A_637, %dma_wait3A_641] : memref<128x32768xf32, #tpu.memory_space<hbm>> -> memref<1x8192xf32, #tpu.memory_space<hbm>>
    %dma_wait3A_643 = tpu.memref_squeeze %dma_wait3A_642 : memref<1x8192xf32, #tpu.memory_space<hbm>> -> memref<8192xf32, #tpu.memory_space<hbm>>
    tpu.wait_dma2 semaphore(%arg15 : memref<!tpu.dma_semaphore, #tpu.memory_space<semaphore_mem>>) src(%arg9 : memref<8192xf32, #tpu.memory_space<vmem>>) dst(%dma_wait3A_643 : memref<8192xf32, #tpu.memory_space<hbm>>)
    %add3A_644 = arith.constant 3 : i32
    %add3A_645 = arith.addi %mul3A_2, %add3A_644 : i32
    %dma_wait3A_646 = arith.constant 24576 : i32
    %dma_wait3A_647 = tpu.memref_slice %arg4[%add3A_645, %dma_wait3A_646] : memref<128x32768xf32, #tpu.memory_space<hbm>> -> memref<1x8192xf32, #tpu.memory_space<hbm>>
    %dma_wait3A_648 = tpu.memref_squeeze %dma_wait3A_647 : memref<1x8192xf32, #tpu.memory_space<hbm>> -> memref<8192xf32, #tpu.memory_space<hbm>>
    %dma_wait3A_649 = arith.constant 24576 : i32
    %dma_wait3A_650 = tpu.memref_slice %arg4[%add3A_645, %dma_wait3A_649] : memref<128x32768xf32, #tpu.memory_space<hbm>> -> memref<1x8192xf32, #tpu.memory_space<hbm>>
    %dma_wait3A_651 = tpu.memref_squeeze %dma_wait3A_650 : memref<1x8192xf32, #tpu.memory_space<hbm>> -> memref<8192xf32, #tpu.memory_space<hbm>>
    tpu.wait_dma2 semaphore(%arg16 : memref<!tpu.dma_semaphore, #tpu.memory_space<semaphore_mem>>) src(%arg10 : memref<8192xf32, #tpu.memory_space<vmem>>) dst(%dma_wait3A_651 : memref<8192xf32, #tpu.memory_space<hbm>>)
    return
  }
}

</mosaic_0001>

<sc_bundles>
// kernel: kernel.3.cloned.1.call-start
scs
__scs_entry_jumppad:
0x0: {  	(pc) =	sbr.rel $0x88, $3  }
0x1: {  	(tag) =	ssettag $0x0;
	lr =	simm.s32 $0x1  }
0x2: {  	[smem:$0x3F9F] =	sst lr;
	_ =	strace $0xD0000000  }
0x3: {  	_ = 	snop  }
0x4: {  	_ = 	snop  }
0x5: {  	_ = 	snop  }
0x6: {  	_ = 	snop  }
0x7: {  	_ = 	snop  }
__scs_overlays_trampoline_lowered:
0x8: {  	[smem:$0x3FAE] =	sst s0  }
0x9: {  	[smem:$0x3FAF] =	sst s1  }
0xa: {  	[smem:$0x3FB0] =	sst s2  }
0xb: {  	[smem:$0x3FB1] =	sst s3  }
0xc: {  	[smem:$0x3FB2] =	sst s4  }
0xd: {  	[smem:$0x3FB3] =	sst s5  }
0xe: {  	[smem:$0x3FB4] =	sst s6  }
0xf: {  	[smem:$0x3FB5] =	sst s7  }
0x10: {  	[smem:$0x3FB6] =	sst s8  }
0x11: {  	[smem:$0x3FB7] =	sst s9;
	s0 =	simm.s32 @!p0 $0x0  }
0x12: {  	s1 =	sld [smem:$0x3F9D];
	s0 =	simm.s32 @p0 $0x1  }
0x13: {  	[smem:$0x3FB8] =	sst s0;
	s0 =	simm.s32 @!p1 $0x0  }
0x14: {  	s2 =	sld [smem:$0x3F9C];
	s0 =	simm.s32 @p1 $0x1  }
0x15: {  	[smem:$0x3FB9] =	sst s0;
	s0 =	simm.s32 @!p2 $0x0  }
0x16: {  	s3 =	sld [smem:$0x3FDB];
	s0 =	simm.s32 @p2 $0x1  }
0x17: {  	s4 =	simm.s32 $0x1BF5;
	[smem:$0x3FBB] =	sst s0  }
0x18: {  	s0 =	sld [smem:$0x3F9E];
	_ =	swait.ge [sflag:s4], $0x0  }
0x19: {  	s7 =	sld [smem:$0x3F9F]  }
0x1a: {  	s8 =	sadd.s32 $0xFFFFE003, lr  }
0x1b: {  	s9 =	sadd.s32 $0xFFFFFEF7, lr;
	s5 =	simm.s32 $0xFFFFFFFF;
	p2 =	slt.u32 s8, $0xFFFFF086  }
0x1c: {  	p1 =	slt.u32 s9, $0xF7A;
	s5 =	simm.s32 @!p2 $0x0  }
0x1d: {  	s5 =	simm.s32 @p1 $0x1;
	p0 =	seq.s32 s7, s2  }
0x1e: {  	s7 =	smul.u32 @!p0 $0xF7A, s2;
	p2 =	seq.s32 @!p0 s5, $0x0  }
0x1f: {  	s9 =	smul.u32 $0xF7A, s1;
	s8 =	simm.s32 @!p0 $0x1BF5;
	p2 =	por !p2, p0  }
0x20: {  	[sflag:s8] =	ssyncset.s32 @!p0 $0xFFFFF086;
	s6 =	sadd.s32 @!p0 s3, s7;
	s7 =	simm.s32 @!p0 $0x108  }
0x21: {  	s3 =	sadd.s32 s3, s9;
	s6 =	sadd.s32 @!p0 $0x88, s6;
	s7 =	simm.s32 @p2 $0x1082  }
0x22: {  	[simem:s7], [sflag:s8] =	dma.local @!p0 [hbm:s6], $0xF7A  }
0x23: {  	s9 =	sor.u32 $0xD0000000, s2;
	s6 =	simm.s32 $0x108;
	_ =	swait.ge @!p0 [sflag:s8], $0x0  }
0x24: {  	s3 =	sadd.s32 $0x88, s3;
	s6 =	simm.s32 @!p1 $0x1082;
	[sflag:s4] =	ssyncset.s32 $0xFFFFF086  }
0x25: {  	[simem:s6], [sflag:s4] =	dma.local [hbm:s3], $0xF7A  }
0x26: {  	[smem:$0x3F9F] =	sst s1;
	(tag) =	ssettag s2;
	_ =	strace s9  }
0x27: {  	s1 =	sld [smem:$0x3FAF]  }
0x28: {  	s2 =	sld [smem:$0x3FB0]  }
0x29: {  	s4 =	sld [smem:$0x3FB2]  }
0x2a: {  	p0 =	seq.s32 s5, $0x0;
	s5 =	sld [smem:$0x3FB3]  }
0x2b: {  	s6 =	sld [smem:$0x3FB4]  }
0x2c: {  	s7 =	sld [smem:$0x3FB5]  }
0x2d: {  	s3 =	simm.s32 $0x108;
	s8 =	sld [smem:$0x3FB6]  }
0x2e: {  	s3 =	simm.s32 @!p0 $0x1082;
	s9 =	sld [smem:$0x3FB7]  }
0x2f: {  	lr =	sadd.s32 s0, s3;
	s0 =	sld [smem:$0x3FAE]  }
0x30: {  	s3 =	sld [smem:$0x3FB1]  }
0x31: {  	[smem:$0x3FBA] =	sst s10  }
0x32: {  	s10 =	sld [smem:$0x3FB8];
	_ =	sdelay $0x3  }
0x33: {  	p0 =	seq.s32 s10, $0x1;
	s10 =	sld [smem:$0x3FBA];
	_ =	sdelay $0x3  }
0x34: {  	[smem:$0x3FBA] =	sst s10  }
0x35: {  	s10 =	sld [smem:$0x3FB9];
	_ =	sdelay $0x3  }
0x36: {  	p1 =	seq.s32 s10, $0x1;
	s10 =	sld [smem:$0x3FBA];
	_ =	sdelay $0x3  }
0x37: {  	[smem:$0x3FBA] =	sst s10  }
0x38: {  	s10 =	sld [smem:$0x3FBB]  }
0x39: {  	_ = 	snop;
	(pc) =	sbr.ind lr, $3  }
0x3a: {  	_ = 	snop  }
0x3b: {  	_ = 	snop  }
0x3c: {  	p2 =	seq.s32 s10, $0x1;
	s10 =	sld [smem:$0x3FBA]  }
0x3d: {  	_ =	shalt  }
0x3e: {  	_ =	shalt  }
0x3f: {  	_ =	shalt  }
0x40: {  	_ =	shalt  }
0x41: {  	_ =	shalt  }
0x42: {  	_ =	shalt  }
0x43: {  	_ =	shalt  }
0x44: {  	_ =	shalt  }
0x45: {  	_ =	shalt  }
0x46: {  	_ =	shalt  }
0x47: {  	_ =	shalt  }
0x48: {  	_ =	shalt  }
0x49: {  	_ =	shalt  }
0x4a: {  	_ =	shalt  }
0x4b: {  	_ =	shalt  }
0x4c: {  	_ =	shalt  }
0x4d: {  	_ =	shalt  }
0x4e: {  	_ =	shalt  }
0x4f: {  	_ =	shalt  }
0x50: {  	_ =	shalt  }
0x51: {  	_ =	shalt  }
0x52: {  	_ =	shalt  }
0x53: {  	_ =	shalt  }
0x54: {  	_ =	shalt  }
0x55: {  	_ =	shalt  }
0x56: {  	_ =	shalt  }
0x57: {  	_ =	shalt  }
0x58: {  	_ =	shalt  }
0x59: {  	_ =	shalt  }
0x5a: {  	_ =	shalt  }
0x5b: {  	_ =	shalt  }
0x5c: {  	_ =	shalt  }
0x5d: {  	_ =	shalt  }
0x5e: {  	_ =	shalt  }
0x5f: {  	_ =	shalt  }
0x60: {  	_ =	shalt  }
0x61: {  	_ =	shalt  }
0x62: {  	_ =	shalt  }
0x63: {  	_ =	shalt  }
0x64: {  	_ =	shalt  }
0x65: {  	_ =	shalt  }
0x66: {  	_ =	shalt  }
0x67: {  	_ =	shalt  }
0x68: {  	_ =	shalt  }
0x69: {  	_ =	shalt  }
0x6a: {  	_ =	shalt  }
0x6b: {  	_ =	shalt  }
0x6c: {  	_ =	shalt  }
0x6d: {  	_ =	shalt  }
0x6e: {  	_ =	shalt  }
0x6f: {  	_ =	shalt  }
0x70: {  	_ =	shalt  }
0x71: {  	_ =	shalt  }
0x72: {  	_ =	shalt  }
0x73: {  	_ =	shalt  }
0x74: {  	_ =	shalt  }
0x75: {  	_ =	shalt  }
0x76: {  	_ =	shalt  }
0x77: {  	_ =	shalt  }
0x78: {  	_ =	shalt  }
0x79: {  	_ =	shalt  }
0x7a: {  	_ =	shalt  }
0x7b: {  	_ =	shalt  }
0x7c: {  	_ =	shalt  }
0x7d: {  	_ =	shalt  }
0x7e: {  	_ =	shalt  }
0x7f: {  	_ =	shalt  }
0x80: {  	_ =	shalt  }
0x81: {  	_ =	shalt  }
0x82: {  	_ =	shalt  }
0x83: {  	_ =	shalt  }
0x84: {  	_ =	shalt  }
0x85: {  	_ =	shalt  }
0x86: {  	_ =	shalt  }
0x87: {  	_ =	shalt  }
.Lfunc_end0:
.L_simem_size_0:
called_computation_lowered:
.L_overlay_start_0:
0x88: {  	s2 =	sld [smem:$0x3FD9]  }
0x89: {  	s3 =	sld [smem:$0x3FFE];
	_ =	sdelay $0x1  }
0x8a: {  	s1 =	srdreg.scid  }
0x8b: {  	s0 =	sand.u32 $0x1, s1  }
0x8c: {  	s17 =	sshll.u32 s0, $0xA;
	s2 =	sadd.s32 s3, s2  }
0x8d: {  	s2 =	sadd.s32 s2, s17  }
0x8e: {  	[smem:$0x3FC6] =	sst s2  }
0x8f: {  	_ = 	snop  }
0x90: {  	s2 =	sld [smem:$0x3FC9]  }
0x91: {  	s18 =	sld [smem:$0x3FD0];
	(tm) =	ssettm $0x1  }
0x92: {  	s4 =	sld [smem:$0x3FFB];
	_ =	sdelay $0x3  }
0x93: {  	_ =	strace s4  }
0x94: {  	s4 =	sld [smem:$0x3FFC];
	_ =	sdelay $0x3  }
0x95: {  	_ =	strace s4  }
0x96: {  	s4 =	sld [smem:$0x3FFD];
	_ =	sdelay $0x3  }
0x97: {  	_ =	strace s4  }
0x98: {  	_ =	strace $0x8FFFFFFF  }
0x99: {  	s19 =	sld [smem:$0x3FDB];
	_ =	sdelay $0x1  }
0x9a: {  	s5 =	simm.s32 $_scs_section_size  }
0x9b: {  	s6 =	simm.s32 $_size__tile_overlayer_lowered;
	s7 =	simm.s32 $_tile_overlayer_lowered  }
0x9c: {  	s22 =	simm.s32 $0x1BFF;
	s21 =	sshll.u32 s7, $0x1;
	s4 =	sadd.s32 s5, s19  }
0x9d: {  	s8 =	simm.s32 $0x0;
	s20 =	sshll.u32 s6, $0x1;
	s6 =	sadd.s32 s21, s4  }
0x9e: {  	[timem:s8], [sflag:s22] =	dma.local [hbm:s6], s20  }
0x9f: {  	_ =	swait.ge [sflag:s22], s20  }
0xa0: {  	s5 =	ssub.s32 $0x0, s20;
	[sflag:s22] =	ssyncset.done $0x0  }
0xa1: {  	[sflag:s22] =	ssyncadd.s32 s5;
	_ =	sdelay $0x1  }
0xa2: {  	s23 =	simm.s32 $0x1B8B  }
0xa3: {  	_ =	swait.ge [sflag:s23], $0x1  }
0xa4: {  	[sflag:s23] =	ssyncset.done $0x0  }
0xa5: {  	s25 =	simm.s32 $0x1B8E;
	s24 =	sld [smem:$0x3FFE];
	[sflag:s23] =	ssyncadd.s32 $0xFFFFFFFF  }
0xa6: {  	s26 =	simm.s32 $execute0_lowered;
	[smem:$0x3FD2] =	sst s25  }
0xa7: {  	s6 =	sshll.u32 s26, $0x1;
	_ =	strace $0x80000046;
	[dreg:$0x1] =	wrdreg $0xFFFFFFFF  }
0xa8: {  	s28 =	simm.s32 $_size_execute0_lowered;
	s4 =	sadd.s32 s4, s6;
	[dreg:$0x0] =	wrdreg $0x0  }
0xa9: {  	s6 =	sshll.u32 s28, $0x1;
	[dreg:$0x2] =	wrdreg s4  }
0xaa: {  	[dreg:$0x3] =	wrdreg s6  }
0xab: {  	[dreg:$0x4] =	wrdreg $0xC0  }
0xac: {  	_ =	task [dreg:s8], $0x5FFFF  }
0xad: {  	[dreg:$0x1] =	wrdreg $0xFFFFFFFF  }
0xae: {  	[dreg:$0x0] =	wrdreg $0x60  }
0xaf: {  	[dreg:$0x2] =	wrdreg s2  }
0xb0: {  	[dreg:$0x3] =	wrdreg s24  }
0xb1: {  	[dreg:$0x4] =	wrdreg s18  }
0xb2: {  	[dreg:$0x5] =	wrdreg $0x9  }
0xb3: {  	_ =	task.clear_ibuf [dreg:s8], $0x6FFFF;
	_ =	strace $0x90000046  }
0xb4: {  	s29 =	simm.s32 $0x9;
	_ =	strace $0x80000048  }
0xb5: {  	_ =	swait.ge [sflag:s29], $0x1  }
0xb6: {  	[sflag:s29] =	ssyncadd.s32 $0xFFFFFFFF  }
0xb7: {  	_ =	strace $0x90000048  }
0xb8: {  	_ =	sfence  }
0xb9: {  	s30 =	sld [smem:$0x0];
	_ =	sdelay $0x2  }
0xba: {  	s31 =	sshll.u32 s1, $0xD;
	s1 =	sshrl.u32 s1, $0x2  }
0xbb: {  	s3 =	sand.u32 $0x4000, s31;
	s1 =	sadd.s32 s1, s30  }
0xbc: {  	s0 =	sor.u32 s3, s0;
	s1 =	sshll.u32 s1, $0x11  }
0xbd: {  	s0 =	sor.u32 s1, s0  }
0xbe: {  	s0 =	sadd.s32 $0x8F2B, s0  }
0xbf: {  	[sflag:s0] =	ssyncadd.remote.s32 $0x1  }
0xc0: {  	_ =	sfence.sel $0xFFFF  }
0xc1: {  	[dreg:$0x0] =	wrdreg $0xFFFFFFFF;
	(pc) =	sbr.abs _section_cstart, $3  }
0xc2: {  	[dreg:$0x1] =	wrdreg $0xFFFFFFFF  }
0xc3: {  	_ =	task.clear_ibuf [dreg:s8], $0x2FFFF;
	_ =	strace $0x9FFFFFFF  }
0xc4: {  	(tm) =	ssettm $0x7FFFFFFF  }
0xc5: {  	_ =	shalt  }
tec
execute0_lowered:
.L_overlay_start_1:
0x0: {  	(tag) =	ssettag $0x1  }
0x1: {  	s5 =	rddreg [dreg:$0x0]  }
0x2: {  	s0 =	srdreg.scid;
	s2 =	rddreg [dreg:$0x1]  }
0x3: {  	s1 =	stileid.u32;
	s7 =	rddreg [dreg:$0x2]  }
0x4: {  	s0 =	sand.u32 $0x1, s0;
	s1 =	sshll.u32 s1, $0x1;
	s2 =	sadd.s32 $0x400, s2  }
0x5: {  	s3 =	sor.u32 s0, s1;
	s1 =	simm.s32 $0x0;
	s6 =	ssub.s32 $0x2, s0  }
0x6: {  	s0 =	sshll.u32 s0, $0x9;
	s4 =	sshll.u32 s3, $0x11;
	[smem:$0x7FF] =	sst s1  }
0x7: {  	s8 =	sshrl.u32 s6, $0x1;
	s31 =	sshll.u32 s3, $0x2;
	s14 =	sshll.u32 s3, $0xC  }
0x8: {  	s3 =	sshllo.u32 s3, $0x2;
	s9 =	sand.u32 $0x3C0000, s4;
	s8 =	ssub.s32 s6, s8  }
0x9: {  	s12 =	sor.u32 $0x1, s31;
	s23 =	sor.u32 $0x2, s31;
	s26 =	sshll.u32 s3, $0xA  }
0xa: {  	s3 =	sshll.u32 s3, $0x7;
	s10 =	sor.u32 s0, s9;
	s16 =	sshll.u32 s12, $0xA  }
0xb: {  	s0 =	sor.u32 s0, s4;
	s12 =	sshll.u32 s12, $0x7;
	s28 =	sand.u32 $0x380, s3  }
0xc: {  	s8 =	smax.u32 s8, $0x1;
	s30 =	sshrl.u32 s10, $0x3;
	s0 =	sshrl.u32 s0, $0x3  }
0xd: {  	s12 =	sand.u32 $0x280, s12;
	s10 =	sshll.u32 s23, $0xA;
	s11 =	sadd.s32 s5, s30  }
0xe: {  	s15 =	sor.u32 $0x2000, s30;
	s6 =	sadd.s32 s7, s30;
	[dreg:$0x4] =	wrdreg s11  }
0xf: {  	s17 =	sor.u32 $0x4000, s0;
	s10 =	sadd.s32 s2, s10;
	[dreg:$0x8] =	wrdreg s6  }
0x10: {  	s0 =	sor.u32 $0x6000, s0;
	s11 =	sadd.s32 s2, s14;
	[dreg:$0xf] =	wrdreg s10  }
0x11: {  	s19 =	sor.u32 s9, s12;
	s13 =	sadd.s32 s5, s15;
	[dreg:$0x5] =	wrdreg s11  }
0x12: {  	s25 =	sor.u32 s4, s12;
	s18 =	sadd.s32 s5, s17;
	[dreg:$0x6] =	wrdreg s13  }
0x13: {  	s20 =	sadd.s32 s5, s0;
	s21 =	sshrl.u32 s19, $0x3;
	[dreg:$0x9] =	wrdreg s18  }
0x14: {  	s6 =	sadd.s32 s7, s17;
	s0 =	sadd.s32 s7, s0;
	[dreg:$0xb] =	wrdreg s20  }
0x15: {  	s31 =	sshrl.u32 s25, $0x3;
	s10 =	simm.s32 $0x400;
	[dreg:$0xc] =	wrdreg s6  }
0x16: {  	s13 =	sadd.s32 s2, s16;
	s11 =	sadd.s32 s7, s15;
	[dreg:$0xe] =	wrdreg s0  }
0x17: {  	s22 =	sadd.s32 s5, s21;
	s24 =	sor.u32 $0x2000, s21;
	[dreg:$0x7] =	wrdreg s13  }
0x18: {  	s6 =	sshll.u32 s23, $0x7;
	s2 =	sadd.s32 s2, s26;
	[dreg:$0xa] =	wrdreg s11  }
0x19: {  	s12 =	sor.u32 $0x4000, s31;
	[dreg:$0xd] =	wrdreg s22;
	s6 =	sand.u32 $0x300, s6  }
0x1a: {  	[dreg:$0x10] =	wrdreg s2;
	s2 =	sor.u32 s4, s28;
	s30 =	sadd.s32 s5, s24  }
0x1b: {  	s11 =	sadd.s32 s7, s21;
	s0 =	sadd.s32 s7, s24;
	[dreg:$0x11] =	wrdreg s30  }
0x1c: {  	s13 =	sadd.s32 s5, s12;
	s29 =	sor.u32 s9, s6;
	[dreg:$0x12] =	wrdreg s11  }
0x1d: {  	s6 =	sor.u32 s4, s6;
	s9 =	sor.u32 s9, s28;
	[dreg:$0x13] =	wrdreg s0  }
0x1e: {  	s4 =	sor.u32 $0x6000, s31;
	[dreg:$0x14] =	wrdreg s13;
	s0 =	sadd.s32 s7, s12  }
0x1f: {  	s28 =	sshrl.u32 s2, $0x3;
	s11 =	simm.s32 $0x1;
	s12 =	simm.s32 $0x2000  }
0x20: {  	s13 =	simm.s32 $0x3;
	[dreg:$0x15] =	wrdreg s0;
	s14 =	sshrl.u32 s29, $0x3  }
0x21: {  	s15 =	sadd.s32 s5, s4;
	s16 =	sadd.s32 s7, s4;
	s17 =	sshrl.u32 s6, $0x3  }
0x22: {  	s23 =	sshrl.u32 s9, $0x3;
	s30 =	sor.u32 $0x4000, s28;
	[dreg:$0x16] =	wrdreg s15  }
0x23: {  	s31 =	sor.u32 $0x6000, s28;
	s9 =	simm.s32 $0x80;
	[dreg:$0x17] =	wrdreg s16  }
0x24: {  	s18 =	sadd.s32 s5, s14;
	s19 =	sor.u32 $0x2000, s14;
	s0 =	sadd.s32 s7, s14  }
0x25: {  	s21 =	sor.u32 $0x4000, s17;
	s3 =	sor.u32 $0x6000, s17;
	[dreg:$0x18] =	wrdreg s18  }
0x26: {  	s25 =	sadd.s32 s5, s23;
	s26 =	sor.u32 $0x2000, s23;
	[dreg:$0x19] =	wrdreg s0  }
0x27: {  	s6 =	sadd.s32 s7, s30;
	s20 =	sadd.s32 s5, s19;
	[smem:$0x7FB] =	sst s25  }
0x28: {  	s14 =	simm.s32 $0x8000;
	s4 =	sadd.s32 s7, s19;
	[dreg:$0x1a] =	wrdreg s20  }
0x29: {  	s15 =	simm.s32 $0x2;
	s22 =	sadd.s32 s5, s21;
	[dreg:$0x1b] =	wrdreg s4  }
0x2a: {  	s16 =	simm.s32 $0xA000;
	s0 =	sadd.s32 s7, s21;
	[dreg:$0x1c] =	wrdreg s22  }
0x2b: {  	s17 =	simm.s32 $0x5;
	s24 =	sadd.s32 s5, s3;
	[dreg:$0x1d] =	wrdreg s0  }
0x2c: {  	s3 =	sadd.s32 s7, s3;
	s29 =	sadd.s32 s5, s26;
	[dreg:$0x1e] =	wrdreg s24  }
0x2d: {  	s18 =	simm.s32 $0x6;
	s19 =	simm.s32 $0x4;
	[dreg:$0x1f] =	wrdreg s3  }
0x2e: {  	s0 =	sadd.s32 s7, s23;
	[smem:$0x7FD] =	sst s29;
	s3 =	sadd.s32 s7, s26  }
0x2f: {  	s4 =	sadd.s32 s5, s30;
	s5 =	sadd.s32 s5, s31;
	[smem:$0x7FC] =	sst s0  }
0x30: {  	s7 =	sadd.s32 s7, s31;
	s20 =	simm.s32 $0x0;
	_ =	strace $0x80000047  }
.LBB2_1:
0x31: {  	s0 =	rddreg [dreg:$0x4]  }
0x32: {  	[tilespmem:s1], [sflag:$0x1] =	stream.strided.gather [hbm4b:s0+s9], $0x2000, s10, s9, $0x38;
	[tilespmem:$0xC000] =	vst v63  }
0x33: {  	s26 =	rddreg [dreg:$0x5];
	s2 =	simm.s32 $0x4000  }
0x34: {  	[tilespmem:s2], [sflag:$0x3] =	stream.linear.gather [hbm4b:s26+s1], $0x2000, $0x38;
	[tilespmem:$0xC000] =	vst v63  }
0x35: {  	_ =	swait.ge [sflag:s11], $0x2000  }
0x36: {  	[sflag:s11] =	ssyncset.done $0x0  }
0x37: {  	s29 =	rddreg [dreg:$0x6];
	[sflag:s11] =	ssyncadd.s32 $0xFFFFE000  }
0x38: {  	[tilespmem:s12], [sflag:$0x2] =	stream.strided.gather [hbm4b:s29+s9], $0x2000, s10, s9, $0x38;
	[tilespmem:$0xC000] =	vst v63  }
0x39: {  	s31 =	simm.s32 $0x6000;
	s30 =	rddreg [dreg:$0x7]  }
0x3a: {  	[tilespmem:s31], [sflag:$0x4] =	stream.linear.gather [hbm4b:s30+s1], $0x2000, $0x38;
	[tilespmem:$0xC000] =	vst v63  }
0x3b: {  	_ =	swait.ge [sflag:s13], $0x2000  }
0x3c: {  	[sflag:s13] =	ssyncset.done $0x0  }
0x3d: {  	s22 =	simm.s32 $0x4040;
	[sflag:s13] =	ssyncadd.s32 $0xFFFFE000  }
0x3e: {  	v1 =	vld [tilespmem:s22+$0xFFFFFFC0]  }
0x3f: {  	s21 =	simm.s32 $0x40  }
0x40: {  	v3 =	vld [tilespmem:s21+$0xFFFFFFC0]  }
0x41: {  	v2 =	vld [tilespmem:s22+$0xFFFFFFD0]  }
0x42: {  	v4 =	vld [tilespmem:s22+$0xFFFFFFF0]  }
0x43: {  	v0 =	vld [tilespmem:s21+$0xFFFFFFD0];
	v1 =	vand.u32 $0x1, v1  }
0x44: {  	v5 =	vld [tilespmem:s22+$0xFFFFFFE0];
	vm0 =	veq.s32 v1, $0x0  }
0x45: {  	v6 =	vld [tilespmem:s21+$0xFFFFFFF0];
	v3 =	vsel vm0, $0x0, v3  }
0x46: {  	v2 =	vand.u32 $0x1, v2;
	v1 =	vld [tilespmem:s21+$0xFFFFFFE0];
	(xrf2) =	vadd.scan.msk.f32 $0xffff, v3  }
0x47: {  	vm0 =	veq.s32 v2, $0x0;
	v2 =	vand.u32 $0x1, v4;
	v3 =	vld [tilespmem:s22+$0x0]  }
0x48: {  	v0 =	vsel vm0, $0x0, v0;
	vm0 =	veq.s32 v2, $0x0;
	v2 =	vld [tilespmem:s22+$0x10]  }
0x49: {  	v4 =	vand.u32 $0x1, v5;
	(xrf2) =	vadd.scan.msk.f32 $0xffff, v0;
	v0 =	vld [tilespmem:s21+$0x0]  }
0x4a: {  	v5 =	vsel vm0, $0x0, v6;
	vm0 =	veq.s32 v4, $0x0;
	v4 =	vld [tilespmem:s21+$0x10]  }
0x4b: {  	(xrf2) =	vadd.scan.msk.f32 $0xffff, v5;
	v1 =	vsel vm0, $0x0, v1  }
0x4c: {  	(xrf2) =	vadd.scan.msk.f32 $0xffff, v1;
	v1 =	vand.u32 $0x1, v3  }
0x4d: {  	vm0 =	veq.s32 v1, $0x0;
	v1 =	vand.u32 $0x1, v2  }
0x4e: {  	v0 =	vsel vm0, $0x0, v0;
	vm0 =	veq.s32 v1, $0x0;
	v1 =	vld [tilespmem:s22+$0x20]  }
0x4f: {  	(xrf2) =	vadd.scan.msk.f32 $0xffff, v0;
	v0 =	vsel vm0, $0x0, v4  }
0x50: {  	v3, _, _ =	vpop (xrf2);
	(xrf2) =	vadd.scan.msk.f32 $0xffff, v0;
	v0 =	vld [tilespmem:s21+$0x20]  }
0x51: {  	v2 =	vld [tilespmem:s22+$0x30];
	_ =	sdelay $0x1  }
0x52: {  	s23 =	simm.s32 $0x40C0;
	v4 =	vld [tilespmem:s21+$0x30];
	v1 =	vand.u32 $0x1, v1  }
0x53: {  	v7 =	vld [tilespmem:s23+$0xFFFFFFC0];
	(v2sf) =	vpush v3, $0xF;
	vm0 =	veq.s32 v1, $0x0  }
0x54: {  	s2 =	simm.s32 $0xC0;
	v9 =	vld [tilespmem:s23+$0xFFFFFFD0];
	v5, _, _ =	vpop (xrf2);
	v0 =	vsel vm0, $0x0, v0  }
0x55: {  	v10 =	vld [tilespmem:s2+$0xFFFFFFC0];
	(v2sf) =	vpush v5, $0xF;
	v6, _, _ =	vpop (xrf2);
	v1 =	vand.u32 $0x1, v2;
	(xrf2) =	vadd.scan.msk.f32 $0xffff, v0  }
0x56: {  	v2 =	vld [tilespmem:s2+$0xFFFFFFD0];
	v8, _, _ =	vpop (xrf2);
	vm0 =	veq.s32 v1, $0x0  }
0x57: {  	(v2sf) =	vpush v8, $0xF;
	v0 =	vsel vm0, $0x0, v4;
	v4 =	vld [tilespmem:s23+$0xFFFFFFF0]  }
0x58: {  	(xrf2) =	vadd.scan.msk.f32 $0xffff, v0  }
0x59: {  	v1 =	vand.u32 $0x1, v7;
	v7 =	vld [tilespmem:s2+$0xFFFFFFF0];
	(v2sf) =	vpush v6, $0xF  }
0x5a: {  	vm0 =	veq.s32 v1, $0x0;
	v0 =	vand.u32 $0x1, v9;
	v11, _, _ =	vpop (xrf2)  }
0x5b: {  	v1 =	vsel vm0, $0x0, v10;
	vm0 =	veq.s32 v0, $0x0;
	v0 =	vld [tilespmem:s23+$0xFFFFFFE0];
	(v2sf) =	vpush v11, $0xF  }
0x5c: {  	v9 =	vld [tilespmem:s2+$0xFFFFFFE0];
	v12, _, _ =	vpop (xrf2);
	(xrf2) =	vadd.scan.msk.f32 $0xffff, v1;
	v1 =	vsel vm0, $0x0, v2;
	v2 =	vand.u32 $0x1, v4  }
0x5d: {  	(v2sf) =	vpush v12, $0xF;
	v4 =	vld [tilespmem:s23+$0x0];
	vm0 =	veq.s32 v2, $0x0  }
0x5e: {  	(xrf2) =	vadd.scan.msk.f32 $0xffff, v1;
	v1 =	vsel vm0, $0x0, v7;
	v7 =	vld [tilespmem:s23+$0x10]  }
0x5f: {  	v2, _, _ =	vpop (xrf2)  }
0x60: {  	v0 =	vand.u32 $0x1, v0;
	(v2sf) =	vpush v2, $0xF  }
0x61: {  	v10 =	vld [tilespmem:s2+$0x0];
	vm0 =	veq.s32 v0, $0x0  }
0x62: {  	s26 =	simm.f32 $0.0e+00;
	(xrf2) =	vadd.scan.msk.f32 $0xffff, v1;
	v0 =	vsel vm0, $0x0, v9;
	s24 =	spop (v2sf);
	v4 =	vand.u32 $0x1, v4;
	v1, _, _ =	vpop (xrf2)  }
0x63: {  	s24 =	sadd.f32 s24, s26;
	vm0 =	veq.s32 v4, $0x0;
	(v2sf) =	vpush v1, $0xF;
	v4 =	vand.u32 $0x1, v7  }
0x64: {  	v13 =	vld [tilespmem:s2+$0x10];
	v3 =	vadd.f32 s26, v3;
	s25 =	spop (v2sf);
	(xrf2) =	vadd.scan.msk.f32 $0xffff, v0  }
0x65: {  	v14 =	vld [tilespmem:s23+$0x20];
	s21 =	simm.s32 $0x8040;
	s25 =	sadd.f32 s25, s24  }
0x66: {  	v15 =	vld [tilespmem:s23+$0x30];
	[tilespmem:s21+$0xFFFFFFC0] =	vst v3;
	v3 =	vsel vm0, $0x0, v10;
	vm0 =	veq.s32 v4, $0x0;
	s26 =	spop (v2sf);
	v4, _, _ =	vpop (xrf2)  }
0x67: {  	v9 =	vld [tilespmem:s2+$0x20];
	v7 =	vadd.f32 s24, v5;
	s26 =	sadd.f32 s26, s25;
	(xrf2) =	vadd.scan.msk.f32 $0xffff, v3;
	(v2sf) =	vpush v4, $0xF  }
0x68: {  	s29 =	spop (v2sf)  }
0x69: {  	s23 =	simm.s32 $0x140;
	v10 =	vsel vm0, $0x0, v13;
	v8 =	vadd.f32 s25, v8;
	[tilespmem:s21+$0xFFFFFFD0] =	vst v7;
	v7 =	vld [tilespmem:s2+$0x30];
	v0, _, _ =	vpop (xrf2);
	s30 =	sadd.f32 s29, s26  }
0x6a: {  	v5 =	vld [tilespmem:s23+$0xFFFFFFD0];
	s24 =	simm.s32 $0x4140;
	v3 =	vand.u32 $0x1, v14;
	(xrf2) =	vadd.scan.msk.f32 $0xffff, v10;
	v6 =	vadd.f32 s26, v6;
	(v2sf) =	vpush v0, $0xF;
	s31 =	spop (v2sf)  }
0x6b: {  	vm0 =	veq.s32 v3, $0x0;
	[tilespmem:s21+$0xFFFFFFE0] =	vst v8;
	v8 =	vld [tilespmem:s24+$0xFFFFFFC0];
	v11 =	vadd.f32 s30, v11;
	s22 =	sadd.f32 s31, s30  }
0x6c: {  	s25 =	simm.s32 $0x10;
	v63 =	vsel vm0, $0x0, v9;
	v9 =	vld [tilespmem:s24+$0xFFFFFFD0];
	[tilespmem:s21+$0xFFFFFFF0] =	vst v6;
	v6 =	vand.u32 $0x1, v15;
	s28 =	spop (v2sf)  }
0x6d: {  	v10 =	vld [tilespmem:s23+$0xFFFFFFC0];
	s26 =	simm.s32 $0x1C0;
	v3, _, _ =	vpop (xrf2);
	(xrf2) =	vadd.scan.msk.f32 $0xffff, v63;
	vm0 =	veq.s32 v6, $0x0;
	[tilespmem:s21+$0x0] =	vst v11;
	v6 =	vadd.f32 s22, v12;
	s28 =	sadd.f32 s28, s22;
	s22 =	simm.s32 $0x8040  }
.LBB2_2:
0x6e: {  	v11 =	vld [tilespmem:s26+$0xFFFFFFD0];
	s25 =	sadd.s32 $0x8, s25;
	v7 =	vsel vm0, $0x0, v7;
	v12, _, _ =	vpop (xrf2);
	s21 =	sadd.s32 $0x80, s21  }
0x6f: {  	p0 =	slt.u32 s25, $0x1F8;
	(v2sf) =	vpush v12, $0xF;
	[tilespmem:s22+$0x10] =	vst v6;
	v2 =	vadd.f32 s28, v2;
	s29 =	spop (v2sf)  }
0x70: {  	v6 =	vand.u32 $0x1, v8;
	v8 =	vld [tilespmem:s24+$0xFFFFFFE0];
	(v2sf) =	vpush v3, $0xF;
	(xrf2) =	vadd.scan.msk.f32 $0xffff, v7;
	s28 =	sadd.f32 s29, s28  }
0x71: {  	vm0 =	veq.s32 v6, $0x0;
	v6 =	vand.u32 $0x1, v9;
	v7 =	vld [tilespmem:s24+$0xFFFFFFF0];
	v9, _, _ =	vpop (xrf2);
	[tilespmem:s22+$0x20] =	vst v2  }
0x72: {  	v2 =	vsel vm0, $0x0, v10;
	vm0 =	veq.s32 v6, $0x0;
	v6 =	vld [tilespmem:s23+$0xFFFFFFE0];
	v1 =	vadd.f32 s28, v1;
	s29 =	spop (v2sf)  }
0x73: {  	v10 =	vsel vm0, $0x0, v5;
	v13 =	vld [tilespmem:s23+$0xFFFFFFF0];
	(xrf2) =	vadd.scan.msk.f32 $0xffff, v2;
	(v2sf) =	vpush v9, $0xF;
	s28 =	sadd.f32 s29, s28;
	v5 =	vmov v11  }
0x74: {  	v11, _, _ =	vpop (xrf2);
	[tilespmem:s22+$0x30] =	vst v1;
	s22 =	smov.u32 s21  }
0x75: {  	v1 =	vand.u32 $0x1, v8;
	v8 =	vadd.f32 s28, v4;
	(v2sf) =	vpush v11, $0xF  }
0x76: {  	vm0 =	veq.s32 v1, $0x0;
	v1 =	vand.u32 $0x1, v7;
	(xrf2) =	vadd.scan.msk.f32 $0xffff, v10;
	s29 =	spop (v2sf)  }
0x77: {  	v4 =	vsel vm0, $0x0, v6;
	vm0 =	veq.s32 v1, $0x0;
	v6 =	vld [tilespmem:s24+$0x0];
	[tilespmem:s21+$0xFFFFFFC0] =	vst v8;
	v2, _, _ =	vpop (xrf2)  }
0x78: {  	v13 =	vsel vm0, $0x0, v13;
	v7 =	vld [tilespmem:s24+$0x10];
	(v2sf) =	vpush v2, $0xF  }
0x79: {  	v8 =	vld [tilespmem:s23+$0x0];
	(xrf2) =	vadd.scan.msk.f32 $0xffff, v13;
	s30 =	spop (v2sf)  }
0x7a: {  	v10 =	vld [tilespmem:s23+$0x10];
	v1, _, _ =	vpop (xrf2)  }
0x7b: {  	s28 =	sadd.f32 s29, s28;
	(v2sf) =	vpush v1, $0xF  }
0x7c: {  	v6 =	vand.u32 $0x1, v6;
	v13 =	vld [tilespmem:s24+$0x20];
	(xrf2) =	vadd.scan.msk.f32 $0xffff, v4  }
0x7d: {  	vm0 =	veq.s32 v6, $0x0;
	v6 =	vand.u32 $0x1, v7;
	v4, _, _ =	vpop (xrf2);
	v7 =	vadd.f32 s28, v0;
	s28 =	sadd.f32 s30, s28  }
0x7e: {  	v14 =	vsel vm0, $0x0, v8;
	vm0 =	veq.s32 v6, $0x0;
	v6 =	vld [tilespmem:s23+$0x20];
	s29 =	spop (v2sf)  }
0x7f: {  	v8 =	vsel vm0, $0x0, v10;
	v10 =	vld [tilespmem:s24+$0x30];
	(v2sf) =	vpush v4, $0xF;
	(xrf2) =	vadd.scan.msk.f32 $0xffff, v14;
	v12 =	vadd.f32 s28, v12;
	s28 =	sadd.f32 s29, s28;
	s29 =	spop (v2sf)  }
0x80: {  	v0, _, _ =	vpop (xrf2);
	[tilespmem:s21+$0xFFFFFFD0] =	vst v7  }
.Ltmp0:
0x81: {  	v13 =	vand.u32 $0x1, v13;
	v7 =	vld [tilespmem:s23+$0x30];
	[tilespmem:s21+$0xFFFFFFE0] =	vst v12;
	v12 =	vadd.f32 s28, v3;
	s28 =	sadd.f32 s29, s28;
	s23 =	smov.u32 s26;
	(pc) =	sbr.rel @p0 .LBB2_2-.Ltmp0, $4  }
0x82: {  	s24 =	sadd.s32 $0x80, s24;
	vm0 =	veq.s32 v13, $0x0;
	(v2sf) =	vpush v0, $0xF;
	(xrf2) =	vadd.scan.msk.f32 $0xffff, v8;
	s29 =	spop (v2sf)  }
0x83: {  	v8 =	vld [tilespmem:s24+$0xFFFFFFC0];
	v6 =	vsel vm0, $0x0, v6;
	v3, _, _ =	vpop (xrf2);
	[tilespmem:s21+$0xFFFFFFF0] =	vst v12;
	v12 =	vadd.f32 s28, v9;
	s28 =	sadd.f32 s29, s28  }
0x84: {  	v9 =	vld [tilespmem:s24+$0xFFFFFFD0];
	v13 =	vand.u32 $0x1, v10;
	s29 =	spop (v2sf)  }
0x85: {  	s26 =	sadd.s32 $0x80, s26;
	v10 =	vld [tilespmem:s23+$0xFFFFFFC0];
	vm0 =	veq.s32 v13, $0x0;
	(xrf2) =	vadd.scan.msk.f32 $0xffff, v6;
	[tilespmem:s21+$0x0] =	vst v12;
	v6 =	vadd.f32 s28, v11;
	s28 =	sadd.f32 s29, s28  }
0x86: {  	_ = 	snop  }
0x87: {  	v11 =	vld [tilespmem:s24+$0xFFFFFFF0]  }
0x88: {  	v12 =	vld [tilespmem:s24+$0xFFFFFFE0];
	v8 =	vand.u32 $0x1, v8  }
0x89: {  	v7 =	vsel vm0, $0x0, v7;
	v13 =	vld [tilespmem:s23+$0xFFFFFFF0];
	vm0 =	veq.s32 v8, $0x0  }
0x8a: {  	v14, _, _ =	vpop (xrf2);
	(xrf2) =	vadd.scan.msk.f32 $0xffff, v7;
	v7 =	vld [tilespmem:s23+$0xFFFFFFE0];
	v8 =	vand.u32 $0x1, v9;
	v9 =	vsel vm0, $0x0, v10  }
0x8b: {  	(v2sf) =	vpush v14, $0xF;
	(xrf2) =	vadd.scan.msk.f32 $0xffff, v9;
	v9 =	vld [tilespmem:s24+$0x0]  }
0x8c: {  	v57 =	vld [tilespmem:s24+$0x20];
	(v2sf) =	vpush v3, $0xF;
	vm0 =	veq.s32 v8, $0x0;
	v8 =	vand.u32 $0x1, v11  }
0x8d: {  	v5 =	vsel vm0, $0x0, v5;
	v10 =	vand.u32 $0x1, v12;
	vm0 =	veq.s32 v8, $0x0;
	v8 =	vld [tilespmem:s24+$0x10]  }
0x8e: {  	v11, _, _ =	vpop (xrf2);
	(xrf2) =	vadd.scan.msk.f32 $0xffff, v5;
	v5 =	vld [tilespmem:s23+$0x0];
	v55 =	vsel vm0, $0x0, v13;
	vm0 =	veq.s32 v10, $0x0  }
0x8f: {  	(v2sf) =	vpush v11, $0xF;
	v10 =	vld [tilespmem:s23+$0x10];
	v7 =	vsel vm0, $0x0, v7;
	(xrf2) =	vadd.scan.msk.f32 $0xffff, v55  }
0x90: {  	v56, _, _ =	vpop (xrf2);
	(xrf2) =	vadd.scan.msk.f32 $0xffff, v7;
	v7 =	vand.u32 $0x1, v9  }
0x91: {  	(v2sf) =	vpush v56, $0xF;
	vm0 =	veq.s32 v7, $0x0;
	v7 =	vld [tilespmem:s23+$0x20]  }
0x92: {  	s25 =	spop (v2sf);
	v9, _, _ =	vpop (xrf2);
	v8 =	vand.u32 $0x1, v8  }
0x93: {  	s25 =	sadd.f32 s25, s28;
	(v2sf) =	vpush v9, $0xF;
	v5 =	vsel vm0, $0x0, v5;
	vm0 =	veq.s32 v8, $0x0  }
0x94: {  	s26 =	spop (v2sf);
	v15, _, _ =	vpop (xrf2);
	v8 =	vld [tilespmem:s24+$0x30];
	(xrf2) =	vadd.scan.msk.f32 $0xffff, v5;
	v5 =	vsel vm0, $0x0, v10;
	v10 =	vand.u32 $0x1, v57  }
0x95: {  	s26 =	sadd.f32 s26, s25;
	(v2sf) =	vpush v15, $0xF;
	vm0 =	veq.s32 v10, $0x0  }
0x96: {  	s0 =	spop (v2sf);
	(xrf2) =	vadd.scan.msk.f32 $0xffff, v5;
	v5 =	vld [tilespmem:s23+$0x30];
	v58, _, _ =	vpop (xrf2);
	v7 =	vsel vm0, $0x0, v7  }
0x97: {  	s24 =	sadd.f32 s0, s26;
	(v2sf) =	vpush v58, $0xF  }
0x98: {  	s2 =	spop (v2sf);
	v10, _, _ =	vpop (xrf2);
	(xrf2) =	vadd.scan.msk.f32 $0xffff, v7  }
0x99: {  	s23 =	sadd.f32 s2, s24;
	(v2sf) =	vpush v10, $0xF;
	v8 =	vand.u32 $0x1, v8;
	v7, _, _ =	vpop (xrf2)  }
0x9a: {  	s29 =	spop (v2sf);
	vm0 =	veq.s32 v8, $0x0;
	v16, _, _ =	vpop (xrf2)  }
0x9b: {  	s29 =	sadd.f32 s29, s23;
	v5 =	vsel vm0, $0x0, v5;
	(v2sf) =	vpush v16, $0xF  }
0x9c: {  	s30 =	spop (v2sf)  }
0x9d: {  	s30 =	sadd.f32 s30, s29;
	(v2sf) =	vpush v7, $0xF  }
0x9e: {  	(xrf2) =	vadd.scan.msk.f32 $0xffff, v5;
	s31 =	spop (v2sf);
	v5, _, _ =	vpop (xrf2)  }
0x9f: {  	s31 =	sadd.f32 s31, s30;
	(v2sf) =	vpush v5, $0xF  }
0xa0: {  	s0 =	spop (v2sf);
	v8, _, _ =	vpop (xrf2)  }
0xa1: {  	s0 =	sadd.f32 s0, s31;
	(v2sf) =	vpush v8, $0xF  }
0xa2: {  	s2 =	spop (v2sf);
	v17, _, _ =	vpop (xrf2)  }
0xa3: {  	s2 =	sadd.f32 s2, s0;
	(v2sf) =	vpush v17, $0xF  }
0xa4: {  	v2 =	vadd.f32 s28, v2;
	v1 =	vadd.f32 s25, v1;
	s28 =	spop (v2sf)  }
0xa5: {  	[tilespmem:s22+$0x10] =	vst v6;
	s25 =	sadd.f32 s28, s2  }
0xa6: {  	[tilespmem:s22+$0x20] =	vst v2;
	v2 =	vadd.f32 s26, v4;
	s26 =	spop (v2sf)  }
0xa7: {  	s21 =	sadd.s32 $0x80, s21;
	[tilespmem:s22+$0x30] =	vst v1;
	v0 =	vadd.f32 s24, v0;
	s22 =	sadd.f32 s26, s25  }
0xa8: {  	[tilespmem:s21+$0xFFFFFFC0] =	vst v2;
	v2 =	vadd.f32 s23, v14;
	v1, _, _ =	vpop (xrf2);
	s26 =	spop (v2sf)  }
0xa9: {  	[tilespmem:s21+$0xFFFFFFD0] =	vst v0;
	v3 =	vadd.f32 s29, v3;
	(v2sf) =	vpush v1, $0xF;
	s23 =	sadd.f32 s26, s22  }
0xaa: {  	[tilespmem:s21+$0xFFFFFFE0] =	vst v2;
	v0 =	vadd.f32 s30, v11;
	s29 =	spop (v2sf)  }
0xab: {  	[tilespmem:s21+$0xFFFFFFF0] =	vst v3;
	v2 =	vadd.f32 s31, v56;
	s24 =	sadd.f32 s29, s23  }
0xac: {  	[tilespmem:s21+$0x0] =	vst v0;
	v0 =	vadd.f32 s0, v9;
	s30 =	spop (v2sf)  }
0xad: {  	[tilespmem:s21+$0x10] =	vst v2;
	v2 =	vadd.f32 s2, v15;
	s0 =	sadd.f32 s30, s24  }
0xae: {  	[tilespmem:s21+$0x20] =	vst v0;
	v0 =	vadd.f32 s25, v58;
	s31 =	spop (v2sf)  }
0xaf: {  	[tilespmem:s21+$0x30] =	vst v2;
	s25 =	sadd.s32 $0x80, s21;
	v2 =	vadd.f32 s22, v10;
	s2 =	sadd.f32 s31, s0  }
0xb0: {  	[tilespmem:s25+$0xFFFFFFC0] =	vst v0;
	v0 =	vadd.f32 s23, v16;
	s26 =	spop (v2sf)  }
0xb1: {  	[tilespmem:s25+$0xFFFFFFD0] =	vst v2;
	v2 =	vadd.f32 s24, v7;
	s29 =	sadd.f32 s26, s2  }
0xb2: {  	[tilespmem:s25+$0xFFFFFFE0] =	vst v0;
	v0 =	vadd.f32 s0, v5;
	s30 =	spop (v2sf)  }
0xb3: {  	[tilespmem:s25+$0xFFFFFFF0] =	vst v2;
	v2 =	vadd.f32 s2, v8;
	s21 =	sadd.f32 s30, s29  }
0xb4: {  	[tilespmem:s25+$0x0] =	vst v0;
	v0 =	vadd.f32 s29, v17  }
0xb5: {  	[tilespmem:s25+$0x10] =	vst v2;
	v1 =	vadd.f32 s21, v1  }
0xb6: {  	[tilespmem:s25+$0x20] =	vst v0  }
0xb7: {  	[tilespmem:s25+$0x30] =	vst v1  }
0xb8: {  	s31 =	spop (v2sf);
	s2 =	rddreg [dreg:$0x8]  }
0xb9: {  	[hbm4b:s2+s9] =	stream.strided.scatter [tilespmem:s14], [sflag:$0x5], $0x2000, s10, s9, $0x38;
	[tilespmem:$0xC000] =	vst v63  }
0xba: {  	_ =	swait.ge [sflag:s15], $0x2000  }
0xbb: {  	[sflag:s15] =	ssyncset.done $0x0  }
0xbc: {  	s25 =	simm.s32 $0x4040;
	s23 =	rddreg [dreg:$0x9];
	[sflag:s15] =	ssyncadd.s32 $0xFFFFE000  }
0xbd: {  	[tilespmem:s1], [sflag:$0x1] =	stream.strided.gather [hbm4b:s23+s9], $0x2000, s10, s9, $0x38;
	[tilespmem:$0xC000] =	vst v63  }
0xbe: {  	v1 =	vld [tilespmem:s25+$0xFFFFFFC0]  }
0xbf: {  	s24 =	simm.s32 $0x2040;
	v2 =	vld [tilespmem:s25+$0xFFFFFFD0]  }
0xc0: {  	v3 =	vld [tilespmem:s24+$0xFFFFFFC0]  }
0xc1: {  	v0 =	vld [tilespmem:s24+$0xFFFFFFD0]  }
0xc2: {  	v4 =	vld [tilespmem:s25+$0xFFFFFFF0]  }
0xc3: {  	v1 =	vand.u32 $0x100, v1  }
0xc4: {  	v5 =	vld [tilespmem:s25+$0xFFFFFFE0];
	v2 =	vand.u32 $0x100, v2;
	vm0 =	veq.s32 v1, $0x0  }
0xc5: {  	v6 =	vld [tilespmem:s24+$0xFFFFFFF0];
	v3 =	vsel vm0, $0x0, v3;
	vm0 =	veq.s32 v2, $0x0  }
0xc6: {  	v1 =	vld [tilespmem:s24+$0xFFFFFFE0];
	(xrf2) =	vadd.scan.msk.f32 $0xffff, v3;
	v0 =	vsel vm0, $0x0, v0  }
0xc7: {  	v2 =	vand.u32 $0x100, v4;
	v3 =	vld [tilespmem:s25+$0x0];
	(xrf2) =	vadd.scan.msk.f32 $0xffff, v0  }
0xc8: {  	vm0 =	veq.s32 v2, $0x0;
	v2 =	vld [tilespmem:s25+$0x10]  }
0xc9: {  	v4 =	vand.u32 $0x100, v5;
	v0 =	vld [tilespmem:s24+$0x0]  }
0xca: {  	v5 =	vsel vm0, $0x0, v6;
	vm0 =	veq.s32 v4, $0x0;
	v4 =	vld [tilespmem:s24+$0x10]  }
0xcb: {  	(xrf2) =	vadd.scan.msk.f32 $0xffff, v5;
	v1 =	vsel vm0, $0x0, v1  }
0xcc: {  	(xrf2) =	vadd.scan.msk.f32 $0xffff, v1;
	v1 =	vand.u32 $0x100, v3  }
0xcd: {  	vm0 =	veq.s32 v1, $0x0;
	v1 =	vand.u32 $0x100, v2  }
0xce: {  	v0 =	vsel vm0, $0x0, v0;
	vm0 =	veq.s32 v1, $0x0;
	v1 =	vld [tilespmem:s25+$0x20]  }
0xcf: {  	(xrf2) =	vadd.scan.msk.f32 $0xffff, v0;
	v0 =	vsel vm0, $0x0, v4  }
0xd0: {  	v3, _, _ =	vpop (xrf2);
	(xrf2) =	vadd.scan.msk.f32 $0xffff, v0;
	v0 =	vld [tilespmem:s24+$0x20]  }
0xd1: {  	v2 =	vld [tilespmem:s25+$0x30];
	(v2sf) =	vpush v3, $0xF;
	v5, _, _ =	vpop (xrf2)  }
0xd2: {  	(v2sf) =	vpush v5, $0xF  }
0xd3: {  	s23 =	simm.s32 $0x40C0;
	v4 =	vld [tilespmem:s24+$0x30];
	v1 =	vand.u32 $0x100, v1  }
0xd4: {  	v7 =	vld [tilespmem:s23+$0xFFFFFFC0];
	vm0 =	veq.s32 v1, $0x0  }
0xd5: {  	v9 =	vld [tilespmem:s23+$0xFFFFFFD0];
	s24 =	simm.s32 $0x20C0;
	v0 =	vsel vm0, $0x0, v0  }
0xd6: {  	v10 =	vld [tilespmem:s24+$0xFFFFFFC0];
	v6, _, _ =	vpop (xrf2);
	v1 =	vand.u32 $0x100, v2;
	(xrf2) =	vadd.scan.msk.f32 $0xffff, v0  }
0xd7: {  	v2 =	vld [tilespmem:s24+$0xFFFFFFD0];
	v8, _, _ =	vpop (xrf2);
	vm0 =	veq.s32 v1, $0x0  }
0xd8: {  	(v2sf) =	vpush v8, $0xF;
	v0 =	vsel vm0, $0x0, v4;
	v4 =	vld [tilespmem:s23+$0xFFFFFFF0]  }
0xd9: {  	(xrf2) =	vadd.scan.msk.f32 $0xffff, v0  }
0xda: {  	v1 =	vand.u32 $0x100, v7;
	v7 =	vld [tilespmem:s24+$0xFFFFFFF0];
	(v2sf) =	vpush v6, $0xF  }
0xdb: {  	vm0 =	veq.s32 v1, $0x0;
	v0 =	vand.u32 $0x100, v9;
	v11, _, _ =	vpop (xrf2)  }
0xdc: {  	v1 =	vsel vm0, $0x0, v10;
	vm0 =	veq.s32 v0, $0x0;
	v0 =	vld [tilespmem:s23+$0xFFFFFFE0];
	(v2sf) =	vpush v11, $0xF  }
0xdd: {  	v9 =	vld [tilespmem:s24+$0xFFFFFFE0];
	v59, _, _ =	vpop (xrf2);
	(xrf2) =	vadd.scan.msk.f32 $0xffff, v1;
	v1 =	vsel vm0, $0x0, v2;
	v2 =	vand.u32 $0x100, v4  }
0xde: {  	(v2sf) =	vpush v59, $0xF;
	v4 =	vld [tilespmem:s23+$0x0];
	vm0 =	veq.s32 v2, $0x0  }
0xdf: {  	(xrf2) =	vadd.scan.msk.f32 $0xffff, v1;
	v1 =	vsel vm0, $0x0, v7;
	v7 =	vld [tilespmem:s23+$0x10]  }
0xe0: {  	s29 =	spop (v2sf);
	v2, _, _ =	vpop (xrf2)  }
0xe1: {  	v0 =	vand.u32 $0x100, v0;
	s30 =	spop (v2sf);
	(v2sf) =	vpush v2, $0xF  }
0xe2: {  	s26 =	sadd.f32 s31, s21;
	v10 =	vld [tilespmem:s24+$0x0];
	vm0 =	veq.s32 v0, $0x0  }
0xe3: {  	(xrf2) =	vadd.scan.msk.f32 $0xffff, v1;
	v0 =	vsel vm0, $0x0, v9;
	v4 =	vand.u32 $0x100, v4;
	v1, _, _ =	vpop (xrf2)  }
0xe4: {  	s2 =	sadd.f32 s29, s26;
	vm0 =	veq.s32 v4, $0x0;
	(v2sf) =	vpush v1, $0xF;
	v4 =	vand.u32 $0x100, v7  }
0xe5: {  	v60 =	vld [tilespmem:s24+$0x10];
	v3 =	vadd.f32 s26, v3;
	(xrf2) =	vadd.scan.msk.f32 $0xffff, v0  }
0xe6: {  	s21 =	simm.s32 $0xA040;
	v61 =	vld [tilespmem:s23+$0x20];
	s31 =	sadd.f32 s30, s2  }
0xe7: {  	v62 =	vld [tilespmem:s23+$0x30];
	[tilespmem:s21+$0xFFFFFFC0] =	vst v3;
	v3 =	vsel vm0, $0x0, v10;
	vm0 =	veq.s32 v4, $0x0;
	s25 =	spop (v2sf);
	v4, _, _ =	vpop (xrf2)  }
0xe8: {  	v9 =	vld [tilespmem:s24+$0x20];
	v7 =	vadd.f32 s2, v5;
	s22 =	sadd.f32 s25, s31;
	(xrf2) =	vadd.scan.msk.f32 $0xffff, v3;
	(v2sf) =	vpush v4, $0xF  }
0xe9: {  	s26 =	spop (v2sf)  }
0xea: {  	s23 =	simm.s32 $0x2140;
	v10 =	vsel vm0, $0x0, v60;
	v8 =	vadd.f32 s31, v8;
	[tilespmem:s21+$0xFFFFFFD0] =	vst v7;
	v7 =	vld [tilespmem:s24+$0x30];
	v0, _, _ =	vpop (xrf2);
	s29 =	sadd.f32 s26, s22  }
0xeb: {  	v5 =	vld [tilespmem:s23+$0xFFFFFFD0];
	v3 =	vand.u32 $0x100, v61;
	s24 =	simm.s32 $0x4140;
	(xrf2) =	vadd.scan.msk.f32 $0xffff, v10;
	v6 =	vadd.f32 s22, v6;
	(v2sf) =	vpush v0, $0xF;
	s30 =	spop (v2sf)  }
0xec: {  	vm0 =	veq.s32 v3, $0x0;
	[tilespmem:s21+$0xFFFFFFE0] =	vst v8;
	v8 =	vld [tilespmem:s24+$0xFFFFFFC0];
	v11 =	vadd.f32 s29, v11;
	s0 =	sadd.f32 s30, s29  }
0xed: {  	s25 =	simm.s32 $0x10;
	v63 =	vsel vm0, $0x0, v9;
	v9 =	vld [tilespmem:s24+$0xFFFFFFD0];
	[tilespmem:s21+$0xFFFFFFF0] =	vst v6;
	v6 =	vand.u32 $0x100, v62;
	s31 =	spop (v2sf)  }
0xee: {  	v10 =	vld [tilespmem:s23+$0xFFFFFFC0];
	s26 =	simm.s32 $0x21C0;
	s22 =	simm.s32 $0xA040;
	v3, _, _ =	vpop (xrf2);
	(xrf2) =	vadd.scan.msk.f32 $0xffff, v63;
	vm0 =	veq.s32 v6, $0x0;
	[tilespmem:s21+$0x0] =	vst v11;
	v6 =	vadd.f32 s0, v59;
	s28 =	sadd.f32 s31, s0  }
.LBB2_4:
0xef: {  	v11 =	vld [tilespmem:s26+$0xFFFFFFD0];
	s25 =	sadd.s32 $0x8, s25;
	v7 =	vsel vm0, $0x0, v7;
	v12, _, _ =	vpop (xrf2);
	s21 =	sadd.s32 $0x80, s21  }
0xf0: {  	p0 =	slt.u32 s25, $0x1F8;
	(v2sf) =	vpush v12, $0xF;
	[tilespmem:s22+$0x10] =	vst v6;
	v2 =	vadd.f32 s28, v2;
	s0 =	spop (v2sf)  }
0xf1: {  	v6 =	vand.u32 $0x100, v8;
	v8 =	vld [tilespmem:s24+$0xFFFFFFE0];
	(v2sf) =	vpush v3, $0xF;
	(xrf2) =	vadd.scan.msk.f32 $0xffff, v7;
	s0 =	sadd.f32 s0, s28  }
0xf2: {  	vm0 =	veq.s32 v6, $0x0;
	v6 =	vand.u32 $0x100, v9;
	v7 =	vld [tilespmem:s24+$0xFFFFFFF0];
	v9, _, _ =	vpop (xrf2);
	[tilespmem:s22+$0x20] =	vst v2  }
0xf3: {  	v2 =	vsel vm0, $0x0, v10;
	vm0 =	veq.s32 v6, $0x0;
	v6 =	vld [tilespmem:s23+$0xFFFFFFE0];
	v1 =	vadd.f32 s0, v1;
	s2 =	spop (v2sf)  }
0xf4: {  	v10 =	vsel vm0, $0x0, v5;
	v13 =	vld [tilespmem:s23+$0xFFFFFFF0];
	(xrf2) =	vadd.scan.msk.f32 $0xffff, v2;
	(v2sf) =	vpush v9, $0xF;
	s0 =	sadd.f32 s2, s0;
	v5 =	vmov v11  }
0xf5: {  	v11, _, _ =	vpop (xrf2);
	[tilespmem:s22+$0x30] =	vst v1;
	s22 =	smov.u32 s21  }
0xf6: {  	v1 =	vand.u32 $0x100, v8;
	v8 =	vadd.f32 s0, v4;
	(v2sf) =	vpush v11, $0xF  }
0xf7: {  	vm0 =	veq.s32 v1, $0x0;
	v1 =	vand.u32 $0x100, v7;
	(xrf2) =	vadd.scan.msk.f32 $0xffff, v10;
	s2 =	spop (v2sf)  }
0xf8: {  	v4 =	vsel vm0, $0x0, v6;
	vm0 =	veq.s32 v1, $0x0;
	v6 =	vld [tilespmem:s24+$0x0];
	[tilespmem:s21+$0xFFFFFFC0] =	vst v8;
	v2, _, _ =	vpop (xrf2)  }
0xf9: {  	v13 =	vsel vm0, $0x0, v13;
	v7 =	vld [tilespmem:s24+$0x10];
	(v2sf) =	vpush v2, $0xF  }
0xfa: {  	v8 =	vld [tilespmem:s23+$0x0];
	(xrf2) =	vadd.scan.msk.f32 $0xffff, v13;
	s28 =	spop (v2sf)  }
0xfb: {  	v10 =	vld [tilespmem:s23+$0x10];
	v1, _, _ =	vpop (xrf2)  }
0xfc: {  	s0 =	sadd.f32 s2, s0;
	(v2sf) =	vpush v1, $0xF  }
0xfd: {  	v6 =	vand.u32 $0x100, v6;
	v13 =	vld [tilespmem:s24+$0x20];
	(xrf2) =	vadd.scan.msk.f32 $0xffff, v4  }
0xfe: {  	vm0 =	veq.s32 v6, $0x0;
	v6 =	vand.u32 $0x100, v7;
	v4, _, _ =	vpop (xrf2);
	v7 =	vadd.f32 s0, v0;
	s0 =	sadd.f32 s28, s0  }
0xff: {  	v14 =	vsel vm0, $0x0, v8;
	vm0 =	veq.s32 v6, $0x0;
	v6 =	vld [tilespmem:s23+$0x20];
	s2 =	spop (v2sf)  }
0x100: {  	v8 =	vsel vm0, $0x0, v10;
	v10 =	vld [tilespmem:s24+$0x30];
	(v2sf) =	vpush v4, $0xF;
	(xrf2) =	vadd.scan.msk.f32 $0xffff, v14;
	v12 =	vadd.f32 s0, v12;
	s0 =	sadd.f32 s2, s0;
	s2 =	spop (v2sf)  }
0x101: {  	v0, _, _ =	vpop (xrf2);
	[tilespmem:s21+$0xFFFFFFD0] =	vst v7  }
.Ltmp1:
0x102: {  	v13 =	vand.u32 $0x100, v13;
	v7 =	vld [tilespmem:s23+$0x30];
	[tilespmem:s21+$0xFFFFFFE0] =	vst v12;
	v12 =	vadd.f32 s0, v3;
	s0 =	sadd.f32 s2, s0;
	s23 =	smov.u32 s26;
	(pc) =	sbr.rel @p0 .LBB2_4-.Ltmp1, $4  }
0x103: {  	s24 =	sadd.s32 $0x80, s24;
	vm0 =	veq.s32 v13, $0x0;
	(v2sf) =	vpush v0, $0xF;
	(xrf2) =	vadd.scan.msk.f32 $0xffff, v8;
	s2 =	spop (v2sf)  }
0x104: {  	v8 =	vld [tilespmem:s24+$0xFFFFFFC0];
	v6 =	vsel vm0, $0x0, v6;
	v3, _, _ =	vpop (xrf2);
	[tilespmem:s21+$0xFFFFFFF0] =	vst v12;
	v12 =	vadd.f32 s0, v9;
	s0 =	sadd.f32 s2, s0  }
0x105: {  	v9 =	vld [tilespmem:s24+$0xFFFFFFD0];
	v13 =	vand.u32 $0x100, v10;
	s2 =	spop (v2sf)  }
0x106: {  	s26 =	sadd.s32 $0x80, s26;
	v10 =	vld [tilespmem:s23+$0xFFFFFFC0];
	vm0 =	veq.s32 v13, $0x0;
	(xrf2) =	vadd.scan.msk.f32 $0xffff, v6;
	[tilespmem:s21+$0x0] =	vst v12;
	v6 =	vadd.f32 s0, v11;
	s28 =	sadd.f32 s2, s0  }
0x107: {  	_ = 	snop  }
0x108: {  	v11 =	vld [tilespmem:s24+$0xFFFFFFF0]  }
0x109: {  	v12 =	vld [tilespmem:s24+$0xFFFFFFE0];
	v8 =	vand.u32 $0x100, v8  }
0x10a: {  	v7 =	vsel vm0, $0x0, v7;
	v13 =	vld [tilespmem:s23+$0xFFFFFFF0];
	vm0 =	veq.s32 v8, $0x0  }
0x10b: {  	v14, _, _ =	vpop (xrf2);
	(xrf2) =	vadd.scan.msk.f32 $0xffff, v7;
	v7 =	vld [tilespmem:s23+$0xFFFFFFE0];
	v8 =	vand.u32 $0x100, v9;
	v9 =	vsel vm0, $0x0, v10  }
0x10c: {  	(v2sf) =	vpush v14, $0xF;
	(xrf2) =	vadd.scan.msk.f32 $0xffff, v9;
	v9 =	vld [tilespmem:s24+$0x0]  }
0x10d: {  	v57 =	vld [tilespmem:s24+$0x20];
	(v2sf) =	vpush v3, $0xF;
	vm0 =	veq.s32 v8, $0x0;
	v8 =	vand.u32 $0x100, v11  }
0x10e: {  	v5 =	vsel vm0, $0x0, v5;
	v10 =	vand.u32 $0x100, v12;
	vm0 =	veq.s32 v8, $0x0;
	v8 =	vld [tilespmem:s24+$0x10]  }
0x10f: {  	v11, _, _ =	vpop (xrf2);
	(xrf2) =	vadd.scan.msk.f32 $0xffff, v5;
	v5 =	vld [tilespmem:s23+$0x0];
	v55 =	vsel vm0, $0x0, v13;
	vm0 =	veq.s32 v10, $0x0  }
0x110: {  	(v2sf) =	vpush v11, $0xF;
	v10 =	vld [tilespmem:s23+$0x10];
	v7 =	vsel vm0, $0x0, v7;
	(xrf2) =	vadd.scan.msk.f32 $0xffff, v55  }
0x111: {  	v56, _, _ =	vpop (xrf2);
	(xrf2) =	vadd.scan.msk.f32 $0xffff, v7;
	v7 =	vand.u32 $0x100, v9  }
0x112: {  	(v2sf) =	vpush v56, $0xF;
	vm0 =	veq.s32 v7, $0x0;
	v7 =	vld [tilespmem:s23+$0x20]  }
0x113: {  	s0 =	spop (v2sf);
	v9, _, _ =	vpop (xrf2);
	v8 =	vand.u32 $0x100, v8  }
0x114: {  	s0 =	sadd.f32 s0, s28;
	(v2sf) =	vpush v9, $0xF;
	v5 =	vsel vm0, $0x0, v5;
	vm0 =	veq.s32 v8, $0x0  }
0x115: {  	s2 =	spop (v2sf);
	v15, _, _ =	vpop (xrf2);
	v8 =	vld [tilespmem:s24+$0x30];
	(xrf2) =	vadd.scan.msk.f32 $0xffff, v5;
	v5 =	vsel vm0, $0x0, v10;
	v10 =	vand.u32 $0x100, v57  }
0x116: {  	s2 =	sadd.f32 s2, s0;
	(v2sf) =	vpush v15, $0xF;
	vm0 =	veq.s32 v10, $0x0  }
0x117: {  	s30 =	spop (v2sf);
	(xrf2) =	vadd.scan.msk.f32 $0xffff, v5;
	v5 =	vld [tilespmem:s23+$0x30];
	v58, _, _ =	vpop (xrf2);
	v7 =	vsel vm0, $0x0, v7  }
0x118: {  	s24 =	sadd.f32 s30, s2;
	(v2sf) =	vpush v58, $0xF  }
0x119: {  	s31 =	spop (v2sf);
	v10, _, _ =	vpop (xrf2);
	(xrf2) =	vadd.scan.msk.f32 $0xffff, v7  }
0x11a: {  	s23 =	sadd.f32 s31, s24;
	(v2sf) =	vpush v10, $0xF;
	v8 =	vand.u32 $0x100, v8;
	v7, _, _ =	vpop (xrf2)  }
0x11b: {  	s25 =	spop (v2sf);
	vm0 =	veq.s32 v8, $0x0;
	v16, _, _ =	vpop (xrf2)  }
0x11c: {  	s25 =	sadd.f32 s25, s23;
	v5 =	vsel vm0, $0x0, v5;
	(v2sf) =	vpush v16, $0xF  }
0x11d: {  	s26 =	spop (v2sf)  }
0x11e: {  	s26 =	sadd.f32 s26, s25;
	(v2sf) =	vpush v7, $0xF  }
0x11f: {  	(xrf2) =	vadd.scan.msk.f32 $0xffff, v5;
	s29 =	spop (v2sf);
	v5, _, _ =	vpop (xrf2)  }
0x120: {  	s29 =	sadd.f32 s29, s26;
	(v2sf) =	vpush v5, $0xF  }
0x121: {  	s30 =	spop (v2sf);
	v8, _, _ =	vpop (xrf2)  }
0x122: {  	s30 =	sadd.f32 s30, s29;
	(v2sf) =	vpush v8, $0xF  }
0x123: {  	s31 =	spop (v2sf);
	v17, _, _ =	vpop (xrf2)  }
0x124: {  	s31 =	sadd.f32 s31, s30;
	(v2sf) =	vpush v17, $0xF  }
0x125: {  	v2 =	vadd.f32 s28, v2;
	v1 =	vadd.f32 s0, v1;
	s28 =	spop (v2sf)  }
0x126: {  	[tilespmem:s22+$0x10] =	vst v6;
	s0 =	sadd.f32 s28, s31  }
0x127: {  	[tilespmem:s22+$0x20] =	vst v2;
	v2 =	vadd.f32 s2, v4;
	s2 =	spop (v2sf)  }
0x128: {  	s21 =	sadd.s32 $0x80, s21;
	[tilespmem:s22+$0x30] =	vst v1;
	v0 =	vadd.f32 s24, v0;
	s2 =	sadd.f32 s2, s0  }
0x129: {  	[tilespmem:s21+$0xFFFFFFC0] =	vst v2;
	v2 =	vadd.f32 s23, v14;
	v1, _, _ =	vpop (xrf2);
	s24 =	spop (v2sf)  }
0x12a: {  	[tilespmem:s21+$0xFFFFFFD0] =	vst v0;
	v3 =	vadd.f32 s25, v3;
	(v2sf) =	vpush v1, $0xF;
	s22 =	sadd.f32 s24, s2  }
0x12b: {  	[tilespmem:s21+$0xFFFFFFE0] =	vst v2;
	v0 =	vadd.f32 s26, v11;
	s26 =	spop (v2sf)  }
0x12c: {  	[tilespmem:s21+$0xFFFFFFF0] =	vst v3;
	v2 =	vadd.f32 s29, v56;
	s23 =	sadd.f32 s26, s22  }
0x12d: {  	[tilespmem:s21+$0x0] =	vst v0;
	v0 =	vadd.f32 s30, v9;
	s30 =	spop (v2sf)  }
0x12e: {  	[tilespmem:s21+$0x10] =	vst v2;
	v2 =	vadd.f32 s31, v15;
	s24 =	sadd.f32 s30, s23  }
0x12f: {  	[tilespmem:s21+$0x20] =	vst v0;
	v0 =	vadd.f32 s0, v58;
	s25 =	spop (v2sf)  }
0x130: {  	[tilespmem:s21+$0x30] =	vst v2;
	v2 =	vadd.f32 s2, v10;
	s26 =	sadd.s32 $0x80, s21;
	s0 =	sadd.f32 s25, s24  }
0x131: {  	[tilespmem:s26+$0xFFFFFFC0] =	vst v0;
	v0 =	vadd.f32 s22, v16;
	s29 =	spop (v2sf)  }
0x132: {  	[tilespmem:s26+$0xFFFFFFD0] =	vst v2;
	v2 =	vadd.f32 s23, v7;
	s2 =	sadd.f32 s29, s0  }
0x133: {  	[tilespmem:s26+$0xFFFFFFE0] =	vst v0;
	v0 =	vadd.f32 s24, v5;
	s30 =	spop (v2sf)  }
0x134: {  	[tilespmem:s26+$0xFFFFFFF0] =	vst v2;
	v2 =	vadd.f32 s0, v8;
	s21 =	sadd.f32 s30, s2  }
0x135: {  	[tilespmem:s26+$0x0] =	vst v0;
	v0 =	vadd.f32 s2, v17  }
0x136: {  	[tilespmem:s26+$0x10] =	vst v2;
	v1 =	vadd.f32 s21, v1  }
0x137: {  	[tilespmem:s26+$0x20] =	vst v0  }
0x138: {  	[tilespmem:s26+$0x30] =	vst v1  }
0x139: {  	s31 =	spop (v2sf);
	s2 =	rddreg [dreg:$0xa]  }
0x13a: {  	[hbm4b:s2+s9] =	stream.strided.scatter [tilespmem:s16], [sflag:$0x6], $0x2000, s10, s9, $0x38;
	[tilespmem:$0xC000] =	vst v63  }
0x13b: {  	_ =	swait.ge [sflag:s11], $0x2000  }
0x13c: {  	[sflag:s11] =	ssyncset.done $0x0  }
0x13d: {  	s23 =	rddreg [dreg:$0xb];
	[sflag:s11] =	ssyncadd.s32 $0xFFFFE000  }
0x13e: {  	[tilespmem:s12], [sflag:$0x2] =	stream.strided.gather [hbm4b:s23+s9], $0x2000, s10, s9, $0x38;
	[tilespmem:$0xC000] =	vst v63  }
0x13f: {  	_ =	swait.ge [sflag:s17], $0x2000  }
0x140: {  	[sflag:s17] =	ssyncset.done $0x0  }
0x141: {  	s25 =	simm.s32 $0x4040;
	[sflag:s17] =	ssyncadd.s32 $0xFFFFE000  }
0x142: {  	v1 =	vld [tilespmem:s25+$0xFFFFFFC0]  }
0x143: {  	s24 =	simm.s32 $0x40;
	v2 =	vld [tilespmem:s25+$0xFFFFFFD0]  }
0x144: {  	v3 =	vld [tilespmem:s24+$0xFFFFFFC0]  }
0x145: {  	v0 =	vld [tilespmem:s24+$0xFFFFFFD0]  }
0x146: {  	v4 =	vld [tilespmem:s25+$0xFFFFFFF0]  }
0x147: {  	v1 =	vand.u32 $0x10000, v1  }
0x148: {  	v5 =	vld [tilespmem:s25+$0xFFFFFFE0];
	v2 =	vand.u32 $0x10000, v2;
	vm0 =	veq.s32 v1, $0x0  }
0x149: {  	v6 =	vld [tilespmem:s24+$0xFFFFFFF0];
	v3 =	vsel vm0, $0x0, v3;
	vm0 =	veq.s32 v2, $0x0  }
0x14a: {  	v1 =	vld [tilespmem:s24+$0xFFFFFFE0];
	(xrf2) =	vadd.scan.msk.f32 $0xffff, v3;
	v0 =	vsel vm0, $0x0, v0  }
0x14b: {  	v2 =	vand.u32 $0x10000, v4;
	v3 =	vld [tilespmem:s25+$0x0];
	(xrf2) =	vadd.scan.msk.f32 $0xffff, v0  }
0x14c: {  	vm0 =	veq.s32 v2, $0x0;
	v2 =	vld [tilespmem:s25+$0x10]  }
0x14d: {  	v4 =	vand.u32 $0x10000, v5;
	v0 =	vld [tilespmem:s24+$0x0]  }
0x14e: {  	v5 =	vsel vm0, $0x0, v6;
	vm0 =	veq.s32 v4, $0x0;
	v4 =	vld [tilespmem:s24+$0x10]  }
0x14f: {  	(xrf2) =	vadd.scan.msk.f32 $0xffff, v5;
	v1 =	vsel vm0, $0x0, v1  }
0x150: {  	(xrf2) =	vadd.scan.msk.f32 $0xffff, v1;
	v1 =	vand.u32 $0x10000, v3  }
0x151: {  	vm0 =	veq.s32 v1, $0x0;
	v1 =	vand.u32 $0x10000, v2  }
0x152: {  	v0 =	vsel vm0, $0x0, v0;
	vm0 =	veq.s32 v1, $0x0;
	v1 =	vld [tilespmem:s25+$0x20]  }
0x153: {  	(xrf2) =	vadd.scan.msk.f32 $0xffff, v0;
	v0 =	vsel vm0, $0x0, v4  }
0x154: {  	v3, _, _ =	vpop (xrf2);
	(xrf2) =	vadd.scan.msk.f32 $0xffff, v0;
	v0 =	vld [tilespmem:s24+$0x20]  }
0x155: {  	v2 =	vld [tilespmem:s25+$0x30];
	(v2sf) =	vpush v3, $0xF;
	v5, _, _ =	vpop (xrf2)  }
0x156: {  	(v2sf) =	vpush v5, $0xF  }
0x157: {  	s23 =	simm.s32 $0x40C0;
	v4 =	vld [tilespmem:s24+$0x30];
	v1 =	vand.u32 $0x10000, v1  }
0x158: {  	v7 =	vld [tilespmem:s23+$0xFFFFFFC0];
	vm0 =	veq.s32 v1, $0x0  }
0x159: {  	v9 =	vld [tilespmem:s23+$0xFFFFFFD0];
	s24 =	simm.s32 $0xC0;
	v0 =	vsel vm0, $0x0, v0  }
0x15a: {  	v10 =	vld [tilespmem:s24+$0xFFFFFFC0];
	v6, _, _ =	vpop (xrf2);
	v1 =	vand.u32 $0x10000, v2;
	(xrf2) =	vadd.scan.msk.f32 $0xffff, v0  }
0x15b: {  	v2 =	vld [tilespmem:s24+$0xFFFFFFD0];
	v8, _, _ =	vpop (xrf2);
	vm0 =	veq.s32 v1, $0x0  }
0x15c: {  	(v2sf) =	vpush v8, $0xF;
	v0 =	vsel vm0, $0x0, v4;
	v4 =	vld [tilespmem:s23+$0xFFFFFFF0]  }
0x15d: {  	(xrf2) =	vadd.scan.msk.f32 $0xffff, v0  }
0x15e: {  	v1 =	vand.u32 $0x10000, v7;
	v7 =	vld [tilespmem:s24+$0xFFFFFFF0];
	(v2sf) =	vpush v6, $0xF  }
0x15f: {  	vm0 =	veq.s32 v1, $0x0;
	v0 =	vand.u32 $0x10000, v9;
	v11, _, _ =	vpop (xrf2)  }
0x160: {  	v1 =	vsel vm0, $0x0, v10;
	vm0 =	veq.s32 v0, $0x0;
	v0 =	vld [tilespmem:s23+$0xFFFFFFE0];
	(v2sf) =	vpush v11, $0xF  }
0x161: {  	v9 =	vld [tilespmem:s24+$0xFFFFFFE0];
	v59, _, _ =	vpop (xrf2);
	(xrf2) =	vadd.scan.msk.f32 $0xffff, v1;
	v1 =	vsel vm0, $0x0, v2;
	v2 =	vand.u32 $0x10000, v4  }
0x162: {  	(v2sf) =	vpush v59, $0xF;
	v4 =	vld [tilespmem:s23+$0x0];
	vm0 =	veq.s32 v2, $0x0  }
0x163: {  	(xrf2) =	vadd.scan.msk.f32 $0xffff, v1;
	v1 =	vsel vm0, $0x0, v7;
	v7 =	vld [tilespmem:s23+$0x10]  }
0x164: {  	s29 =	spop (v2sf);
	v2, _, _ =	vpop (xrf2)  }
0x165: {  	v0 =	vand.u32 $0x10000, v0;
	s30 =	spop (v2sf);
	(v2sf) =	vpush v2, $0xF  }
0x166: {  	s26 =	sadd.f32 s31, s21;
	v10 =	vld [tilespmem:s24+$0x0];
	vm0 =	veq.s32 v0, $0x0  }
0x167: {  	(xrf2) =	vadd.scan.msk.f32 $0xffff, v1;
	v0 =	vsel vm0, $0x0, v9;
	v4 =	vand.u32 $0x10000, v4;
	v1, _, _ =	vpop (xrf2)  }
0x168: {  	s2 =	sadd.f32 s29, s26;
	vm0 =	veq.s32 v4, $0x0;
	(v2sf) =	vpush v1, $0xF;
	v4 =	vand.u32 $0x10000, v7  }
0x169: {  	v60 =	vld [tilespmem:s24+$0x10];
	v3 =	vadd.f32 s26, v3;
	(xrf2) =	vadd.scan.msk.f32 $0xffff, v0  }
0x16a: {  	s21 =	simm.s32 $0x8040;
	v61 =	vld [tilespmem:s23+$0x20];
	s31 =	sadd.f32 s30, s2  }
0x16b: {  	v62 =	vld [tilespmem:s23+$0x30];
	[tilespmem:s21+$0xFFFFFFC0] =	vst v3;
	v3 =	vsel vm0, $0x0, v10;
	vm0 =	veq.s32 v4, $0x0;
	s25 =	spop (v2sf);
	v4, _, _ =	vpop (xrf2)  }
0x16c: {  	v9 =	vld [tilespmem:s24+$0x20];
	v7 =	vadd.f32 s2, v5;
	s22 =	sadd.f32 s25, s31;
	(xrf2) =	vadd.scan.msk.f32 $0xffff, v3;
	(v2sf) =	vpush v4, $0xF  }
0x16d: {  	s26 =	spop (v2sf)  }
0x16e: {  	s23 =	simm.s32 $0x140;
	v10 =	vsel vm0, $0x0, v60;
	v8 =	vadd.f32 s31, v8;
	[tilespmem:s21+$0xFFFFFFD0] =	vst v7;
	v7 =	vld [tilespmem:s24+$0x30];
	v0, _, _ =	vpop (xrf2);
	s29 =	sadd.f32 s26, s22  }
0x16f: {  	v5 =	vld [tilespmem:s23+$0xFFFFFFD0];
	v3 =	vand.u32 $0x10000, v61;
	s24 =	simm.s32 $0x4140;
	(xrf2) =	vadd.scan.msk.f32 $0xffff, v10;
	v6 =	vadd.f32 s22, v6;
	(v2sf) =	vpush v0, $0xF;
	s30 =	spop (v2sf)  }
0x170: {  	vm0 =	veq.s32 v3, $0x0;
	[tilespmem:s21+$0xFFFFFFE0] =	vst v8;
	v8 =	vld [tilespmem:s24+$0xFFFFFFC0];
	v11 =	vadd.f32 s29, v11;
	s0 =	sadd.f32 s30, s29  }
0x171: {  	s25 =	simm.s32 $0x10;
	v63 =	vsel vm0, $0x0, v9;
	v9 =	vld [tilespmem:s24+$0xFFFFFFD0];
	[tilespmem:s21+$0xFFFFFFF0] =	vst v6;
	v6 =	vand.u32 $0x10000, v62;
	s31 =	spop (v2sf)  }
0x172: {  	v10 =	vld [tilespmem:s23+$0xFFFFFFC0];
	s26 =	simm.s32 $0x1C0;
	s22 =	simm.s32 $0x8040;
	v3, _, _ =	vpop (xrf2);
	(xrf2) =	vadd.scan.msk.f32 $0xffff, v63;
	vm0 =	veq.s32 v6, $0x0;
	[tilespmem:s21+$0x0] =	vst v11;
	v6 =	vadd.f32 s0, v59;
	s28 =	sadd.f32 s31, s0  }
.LBB2_6:
0x173: {  	v11 =	vld [tilespmem:s26+$0xFFFFFFD0];
	s25 =	sadd.s32 $0x8, s25;
	v7 =	vsel vm0, $0x0, v7;
	v12, _, _ =	vpop (xrf2);
	s21 =	sadd.s32 $0x80, s21  }
0x174: {  	p0 =	slt.u32 s25, $0x1F8;
	(v2sf) =	vpush v12, $0xF;
	[tilespmem:s22+$0x10] =	vst v6;
	v2 =	vadd.f32 s28, v2;
	s0 =	spop (v2sf)  }
0x175: {  	v6 =	vand.u32 $0x10000, v8;
	v8 =	vld [tilespmem:s24+$0xFFFFFFE0];
	(v2sf) =	vpush v3, $0xF;
	(xrf2) =	vadd.scan.msk.f32 $0xffff, v7;
	s0 =	sadd.f32 s0, s28  }
0x176: {  	vm0 =	veq.s32 v6, $0x0;
	v6 =	vand.u32 $0x10000, v9;
	v7 =	vld [tilespmem:s24+$0xFFFFFFF0];
	v9, _, _ =	vpop (xrf2);
	[tilespmem:s22+$0x20] =	vst v2  }
0x177: {  	v2 =	vsel vm0, $0x0, v10;
	vm0 =	veq.s32 v6, $0x0;
	v6 =	vld [tilespmem:s23+$0xFFFFFFE0];
	v1 =	vadd.f32 s0, v1;
	s2 =	spop (v2sf)  }
0x178: {  	v10 =	vsel vm0, $0x0, v5;
	v13 =	vld [tilespmem:s23+$0xFFFFFFF0];
	(xrf2) =	vadd.scan.msk.f32 $0xffff, v2;
	(v2sf) =	vpush v9, $0xF;
	s0 =	sadd.f32 s2, s0;
	v5 =	vmov v11  }
0x179: {  	v11, _, _ =	vpop (xrf2);
	[tilespmem:s22+$0x30] =	vst v1;
	s22 =	smov.u32 s21  }
0x17a: {  	v1 =	vand.u32 $0x10000, v8;
	v8 =	vadd.f32 s0, v4;
	(v2sf) =	vpush v11, $0xF  }
0x17b: {  	vm0 =	veq.s32 v1, $0x0;
	v1 =	vand.u32 $0x10000, v7;
	(xrf2) =	vadd.scan.msk.f32 $0xffff, v10;
	s2 =	spop (v2sf)  }
0x17c: {  	v4 =	vsel vm0, $0x0, v6;
	vm0 =	veq.s32 v1, $0x0;
	v6 =	vld [tilespmem:s24+$0x0];
	[tilespmem:s21+$0xFFFFFFC0] =	vst v8;
	v2, _, _ =	vpop (xrf2)  }
0x17d: {  	v13 =	vsel vm0, $0x0, v13;
	v7 =	vld [tilespmem:s24+$0x10];
	(v2sf) =	vpush v2, $0xF  }
0x17e: {  	v8 =	vld [tilespmem:s23+$0x0];
	(xrf2) =	vadd.scan.msk.f32 $0xffff, v13;
	s28 =	spop (v2sf)  }
0x17f: {  	v10 =	vld [tilespmem:s23+$0x10];
	v1, _, _ =	vpop (xrf2)  }
0x180: {  	s0 =	sadd.f32 s2, s0;
	(v2sf) =	vpush v1, $0xF  }
0x181: {  	v6 =	vand.u32 $0x10000, v6;
	v13 =	vld [tilespmem:s24+$0x20];
	(xrf2) =	vadd.scan.msk.f32 $0xffff, v4  }
0x182: {  	vm0 =	veq.s32 v6, $0x0;
	v6 =	vand.u32 $0x10000, v7;
	v4, _, _ =	vpop (xrf2);
	v7 =	vadd.f32 s0, v0;
	s0 =	sadd.f32 s28, s0  }
0x183: {  	v14 =	vsel vm0, $0x0, v8;
	vm0 =	veq.s32 v6, $0x0;
	v6 =	vld [tilespmem:s23+$0x20];
	s2 =	spop (v2sf)  }
0x184: {  	v8 =	vsel vm0, $0x0, v10;
	v10 =	vld [tilespmem:s24+$0x30];
	(v2sf) =	vpush v4, $0xF;
	(xrf2) =	vadd.scan.msk.f32 $0xffff, v14;
	v12 =	vadd.f32 s0, v12;
	s0 =	sadd.f32 s2, s0;
	s2 =	spop (v2sf)  }
0x185: {  	v0, _, _ =	vpop (xrf2);
	[tilespmem:s21+$0xFFFFFFD0] =	vst v7  }
.Ltmp2:
0x186: {  	v13 =	vand.u32 $0x10000, v13;
	v7 =	vld [tilespmem:s23+$0x30];
	[tilespmem:s21+$0xFFFFFFE0] =	vst v12;
	v12 =	vadd.f32 s0, v3;
	s0 =	sadd.f32 s2, s0;
	s23 =	smov.u32 s26;
	(pc) =	sbr.rel @p0 .LBB2_6-.Ltmp2, $4  }
0x187: {  	s24 =	sadd.s32 $0x80, s24;
	vm0 =	veq.s32 v13, $0x0;
	(v2sf) =	vpush v0, $0xF;
	(xrf2) =	vadd.scan.msk.f32 $0xffff, v8;
	s2 =	spop (v2sf)  }
0x188: {  	v8 =	vld [tilespmem:s24+$0xFFFFFFC0];
	v6 =	vsel vm0, $0x0, v6;
	v3, _, _ =	vpop (xrf2);
	[tilespmem:s21+$0xFFFFFFF0] =	vst v12;
	v12 =	vadd.f32 s0, v9;
	s0 =	sadd.f32 s2, s0  }
0x189: {  	v9 =	vld [tilespmem:s24+$0xFFFFFFD0];
	v13 =	vand.u32 $0x10000, v10;
	s2 =	spop (v2sf)  }
0x18a: {  	s26 =	sadd.s32 $0x80, s26;
	v10 =	vld [tilespmem:s23+$0xFFFFFFC0];
	vm0 =	veq.s32 v13, $0x0;
	(xrf2) =	vadd.scan.msk.f32 $0xffff, v6;
	[tilespmem:s21+$0x0] =	vst v12;
	v6 =	vadd.f32 s0, v11;
	s28 =	sadd.f32 s2, s0  }
0x18b: {  	_ = 	snop  }
0x18c: {  	v11 =	vld [tilespmem:s24+$0xFFFFFFF0]  }
0x18d: {  	v12 =	vld [tilespmem:s24+$0xFFFFFFE0];
	v8 =	vand.u32 $0x10000, v8  }
0x18e: {  	v7 =	vsel vm0, $0x0, v7;
	v13 =	vld [tilespmem:s23+$0xFFFFFFF0];
	vm0 =	veq.s32 v8, $0x0  }
0x18f: {  	v14, _, _ =	vpop (xrf2);
	(xrf2) =	vadd.scan.msk.f32 $0xffff, v7;
	v7 =	vld [tilespmem:s23+$0xFFFFFFE0];
	v8 =	vand.u32 $0x10000, v9;
	v9 =	vsel vm0, $0x0, v10  }
0x190: {  	(v2sf) =	vpush v14, $0xF;
	(xrf2) =	vadd.scan.msk.f32 $0xffff, v9;
	v9 =	vld [tilespmem:s24+$0x0]  }
0x191: {  	v57 =	vld [tilespmem:s24+$0x20];
	(v2sf) =	vpush v3, $0xF;
	vm0 =	veq.s32 v8, $0x0;
	v8 =	vand.u32 $0x10000, v11  }
0x192: {  	v5 =	vsel vm0, $0x0, v5;
	v10 =	vand.u32 $0x10000, v12;
	vm0 =	veq.s32 v8, $0x0;
	v8 =	vld [tilespmem:s24+$0x10]  }
0x193: {  	v11, _, _ =	vpop (xrf2);
	(xrf2) =	vadd.scan.msk.f32 $0xffff, v5;
	v5 =	vld [tilespmem:s23+$0x0];
	v55 =	vsel vm0, $0x0, v13;
	vm0 =	veq.s32 v10, $0x0  }
0x194: {  	(v2sf) =	vpush v11, $0xF;
	v10 =	vld [tilespmem:s23+$0x10];
	v7 =	vsel vm0, $0x0, v7;
	(xrf2) =	vadd.scan.msk.f32 $0xffff, v55  }
0x195: {  	v56, _, _ =	vpop (xrf2);
	(xrf2) =	vadd.scan.msk.f32 $0xffff, v7;
	v7 =	vand.u32 $0x10000, v9  }
0x196: {  	(v2sf) =	vpush v56, $0xF;
	vm0 =	veq.s32 v7, $0x0;
	v7 =	vld [tilespmem:s23+$0x20]  }
0x197: {  	s0 =	spop (v2sf);
	v9, _, _ =	vpop (xrf2);
	v8 =	vand.u32 $0x10000, v8  }
0x198: {  	s0 =	sadd.f32 s0, s28;
	(v2sf) =	vpush v9, $0xF;
	v5 =	vsel vm0, $0x0, v5;
	vm0 =	veq.s32 v8, $0x0  }
0x199: {  	s2 =	spop (v2sf);
	v15, _, _ =	vpop (xrf2);
	v8 =	vld [tilespmem:s24+$0x30];
	(xrf2) =	vadd.scan.msk.f32 $0xffff, v5;
	v5 =	vsel vm0, $0x0, v10;
	v10 =	vand.u32 $0x10000, v57  }
0x19a: {  	s2 =	sadd.f32 s2, s0;
	(v2sf) =	vpush v15, $0xF;
	vm0 =	veq.s32 v10, $0x0  }
0x19b: {  	s30 =	spop (v2sf);
	(xrf2) =	vadd.scan.msk.f32 $0xffff, v5;
	v5 =	vld [tilespmem:s23+$0x30];
	v58, _, _ =	vpop (xrf2);
	v7 =	vsel vm0, $0x0, v7  }
0x19c: {  	s24 =	sadd.f32 s30, s2;
	(v2sf) =	vpush v58, $0xF  }
0x19d: {  	s31 =	spop (v2sf);
	v10, _, _ =	vpop (xrf2);
	(xrf2) =	vadd.scan.msk.f32 $0xffff, v7  }
0x19e: {  	s23 =	sadd.f32 s31, s24;
	(v2sf) =	vpush v10, $0xF;
	v8 =	vand.u32 $0x10000, v8;
	v7, _, _ =	vpop (xrf2)  }
0x19f: {  	s25 =	spop (v2sf);
	vm0 =	veq.s32 v8, $0x0;
	v16, _, _ =	vpop (xrf2)  }
0x1a0: {  	s25 =	sadd.f32 s25, s23;
	v5 =	vsel vm0, $0x0, v5;
	(v2sf) =	vpush v16, $0xF  }
0x1a1: {  	s26 =	spop (v2sf)  }
0x1a2: {  	s26 =	sadd.f32 s26, s25;
	(v2sf) =	vpush v7, $0xF  }
0x1a3: {  	(xrf2) =	vadd.scan.msk.f32 $0xffff, v5;
	s29 =	spop (v2sf);
	v5, _, _ =	vpop (xrf2)  }
0x1a4: {  	s29 =	sadd.f32 s29, s26;
	(v2sf) =	vpush v5, $0xF  }
0x1a5: {  	s30 =	spop (v2sf);
	v8, _, _ =	vpop (xrf2)  }
0x1a6: {  	s30 =	sadd.f32 s30, s29;
	(v2sf) =	vpush v8, $0xF  }
0x1a7: {  	s31 =	spop (v2sf);
	v17, _, _ =	vpop (xrf2)  }
0x1a8: {  	s31 =	sadd.f32 s31, s30;
	(v2sf) =	vpush v17, $0xF  }
0x1a9: {  	v2 =	vadd.f32 s28, v2;
	v1 =	vadd.f32 s0, v1;
	s28 =	spop (v2sf)  }
0x1aa: {  	[tilespmem:s22+$0x10] =	vst v6;
	s0 =	sadd.f32 s28, s31  }
0x1ab: {  	[tilespmem:s22+$0x20] =	vst v2;
	v2 =	vadd.f32 s2, v4;
	s2 =	spop (v2sf)  }
0x1ac: {  	s21 =	sadd.s32 $0x80, s21;
	[tilespmem:s22+$0x30] =	vst v1;
	v0 =	vadd.f32 s24, v0;
	s2 =	sadd.f32 s2, s0  }
0x1ad: {  	[tilespmem:s21+$0xFFFFFFC0] =	vst v2;
	v2 =	vadd.f32 s23, v14;
	v1, _, _ =	vpop (xrf2);
	s24 =	spop (v2sf)  }
0x1ae: {  	[tilespmem:s21+$0xFFFFFFD0] =	vst v0;
	v3 =	vadd.f32 s25, v3;
	(v2sf) =	vpush v1, $0xF;
	s22 =	sadd.f32 s24, s2  }
0x1af: {  	[tilespmem:s21+$0xFFFFFFE0] =	vst v2;
	v0 =	vadd.f32 s26, v11;
	s26 =	spop (v2sf)  }
0x1b0: {  	[tilespmem:s21+$0xFFFFFFF0] =	vst v3;
	v2 =	vadd.f32 s29, v56;
	s23 =	sadd.f32 s26, s22  }
0x1b1: {  	[tilespmem:s21+$0x0] =	vst v0;
	v0 =	vadd.f32 s30, v9;
	s30 =	spop (v2sf)  }
0x1b2: {  	[tilespmem:s21+$0x10] =	vst v2;
	v2 =	vadd.f32 s31, v15;
	s24 =	sadd.f32 s30, s23  }
0x1b3: {  	[tilespmem:s21+$0x20] =	vst v0;
	v0 =	vadd.f32 s0, v58;
	s25 =	spop (v2sf)  }
0x1b4: {  	[tilespmem:s21+$0x30] =	vst v2;
	v2 =	vadd.f32 s2, v10;
	s26 =	sadd.s32 $0x80, s21;
	s0 =	sadd.f32 s25, s24  }
0x1b5: {  	[tilespmem:s26+$0xFFFFFFC0] =	vst v0;
	v0 =	vadd.f32 s22, v16;
	s29 =	spop (v2sf)  }
0x1b6: {  	[tilespmem:s26+$0xFFFFFFD0] =	vst v2;
	v2 =	vadd.f32 s23, v7;
	s2 =	sadd.f32 s29, s0  }
0x1b7: {  	[tilespmem:s26+$0xFFFFFFE0] =	vst v0;
	v0 =	vadd.f32 s24, v5;
	s30 =	spop (v2sf)  }
0x1b8: {  	[tilespmem:s26+$0xFFFFFFF0] =	vst v2;
	v2 =	vadd.f32 s0, v8;
	s21 =	sadd.f32 s30, s2  }
0x1b9: {  	[tilespmem:s26+$0x0] =	vst v0;
	v0 =	vadd.f32 s2, v17  }
0x1ba: {  	[tilespmem:s26+$0x10] =	vst v2;
	v1 =	vadd.f32 s21, v1  }
0x1bb: {  	[tilespmem:s26+$0x20] =	vst v0  }
0x1bc: {  	[tilespmem:s26+$0x30] =	vst v1  }
0x1bd: {  	s31 =	spop (v2sf);
	s2 =	rddreg [dreg:$0xc]  }
0x1be: {  	[hbm4b:s2+s9] =	stream.strided.scatter [tilespmem:s14], [sflag:$0x5], $0x2000, s10, s9, $0x38;
	[tilespmem:$0xC000] =	vst v63  }
0x1bf: {  	_ =	swait.ge [sflag:s15], $0x2000  }
0x1c0: {  	[sflag:s15] =	ssyncset.done $0x0  }
0x1c1: {  	s23 =	rddreg [dreg:$0xd];
	[sflag:s15] =	ssyncadd.s32 $0xFFFFE000  }
0x1c2: {  	[tilespmem:s1], [sflag:$0x1] =	stream.strided.gather [hbm4b:s23+s9], $0x2000, s10, s9, $0x38;
	[tilespmem:$0xC000] =	vst v63  }
0x1c3: {  	_ =	swait.ge [sflag:s18], $0x2000  }
0x1c4: {  	[sflag:s18] =	ssyncset.done $0x0  }
0x1c5: {  	s25 =	simm.s32 $0x4040;
	[sflag:s18] =	ssyncadd.s32 $0xFFFFE000  }
0x1c6: {  	v1 =	vld [tilespmem:s25+$0xFFFFFFC0]  }
0x1c7: {  	s24 =	simm.s32 $0x2040;
	v2 =	vld [tilespmem:s25+$0xFFFFFFD0]  }
0x1c8: {  	v3 =	vld [tilespmem:s24+$0xFFFFFFC0]  }
0x1c9: {  	v0 =	vld [tilespmem:s24+$0xFFFFFFD0]  }
0x1ca: {  	v4 =	vld [tilespmem:s25+$0xFFFFFFF0]  }
0x1cb: {  	v1 =	vand.u32 $0x1000000, v1  }
0x1cc: {  	v5 =	vld [tilespmem:s25+$0xFFFFFFE0];
	v2 =	vand.u32 $0x1000000, v2;
	vm0 =	veq.s32 v1, $0x0  }
0x1cd: {  	v6 =	vld [tilespmem:s24+$0xFFFFFFF0];
	v3 =	vsel vm0, $0x0, v3;
	vm0 =	veq.s32 v2, $0x0  }
0x1ce: {  	v1 =	vld [tilespmem:s24+$0xFFFFFFE0];
	(xrf2) =	vadd.scan.msk.f32 $0xffff, v3;
	v0 =	vsel vm0, $0x0, v0  }
0x1cf: {  	v2 =	vand.u32 $0x1000000, v4;
	v3 =	vld [tilespmem:s25+$0x0];
	(xrf2) =	vadd.scan.msk.f32 $0xffff, v0  }
0x1d0: {  	vm0 =	veq.s32 v2, $0x0;
	v2 =	vld [tilespmem:s25+$0x10]  }
0x1d1: {  	v4 =	vand.u32 $0x1000000, v5;
	v0 =	vld [tilespmem:s24+$0x0]  }
0x1d2: {  	v5 =	vsel vm0, $0x0, v6;
	vm0 =	veq.s32 v4, $0x0;
	v4 =	vld [tilespmem:s24+$0x10]  }
0x1d3: {  	(xrf2) =	vadd.scan.msk.f32 $0xffff, v5;
	v1 =	vsel vm0, $0x0, v1  }
0x1d4: {  	(xrf2) =	vadd.scan.msk.f32 $0xffff, v1;
	v1 =	vand.u32 $0x1000000, v3  }
0x1d5: {  	vm0 =	veq.s32 v1, $0x0;
	v1 =	vand.u32 $0x1000000, v2  }
0x1d6: {  	v0 =	vsel vm0, $0x0, v0;
	vm0 =	veq.s32 v1, $0x0;
	v1 =	vld [tilespmem:s25+$0x20]  }
0x1d7: {  	(xrf2) =	vadd.scan.msk.f32 $0xffff, v0;
	v0 =	vsel vm0, $0x0, v4  }
0x1d8: {  	v3, _, _ =	vpop (xrf2);
	(xrf2) =	vadd.scan.msk.f32 $0xffff, v0;
	v0 =	vld [tilespmem:s24+$0x20]  }
0x1d9: {  	v2 =	vld [tilespmem:s25+$0x30];
	(v2sf) =	vpush v3, $0xF;
	v5, _, _ =	vpop (xrf2)  }
0x1da: {  	(v2sf) =	vpush v5, $0xF  }
0x1db: {  	s23 =	simm.s32 $0x40C0;
	v4 =	vld [tilespmem:s24+$0x30];
	v1 =	vand.u32 $0x1000000, v1  }
0x1dc: {  	v7 =	vld [tilespmem:s23+$0xFFFFFFC0];
	vm0 =	veq.s32 v1, $0x0  }
0x1dd: {  	v9 =	vld [tilespmem:s23+$0xFFFFFFD0];
	s24 =	simm.s32 $0x20C0;
	v0 =	vsel vm0, $0x0, v0  }
0x1de: {  	v10 =	vld [tilespmem:s24+$0xFFFFFFC0];
	v6, _, _ =	vpop (xrf2);
	v1 =	vand.u32 $0x1000000, v2;
	(xrf2) =	vadd.scan.msk.f32 $0xffff, v0  }
0x1df: {  	v2 =	vld [tilespmem:s24+$0xFFFFFFD0];
	v8, _, _ =	vpop (xrf2);
	vm0 =	veq.s32 v1, $0x0  }
0x1e0: {  	(v2sf) =	vpush v8, $0xF;
	v0 =	vsel vm0, $0x0, v4;
	v4 =	vld [tilespmem:s23+$0xFFFFFFF0]  }
0x1e1: {  	(xrf2) =	vadd.scan.msk.f32 $0xffff, v0  }
0x1e2: {  	v1 =	vand.u32 $0x1000000, v7;
	v7 =	vld [tilespmem:s24+$0xFFFFFFF0];
	(v2sf) =	vpush v6, $0xF  }
0x1e3: {  	vm0 =	veq.s32 v1, $0x0;
	v0 =	vand.u32 $0x1000000, v9;
	v11, _, _ =	vpop (xrf2)  }
0x1e4: {  	v1 =	vsel vm0, $0x0, v10;
	vm0 =	veq.s32 v0, $0x0;
	v0 =	vld [tilespmem:s23+$0xFFFFFFE0];
	(v2sf) =	vpush v11, $0xF  }
0x1e5: {  	v9 =	vld [tilespmem:s24+$0xFFFFFFE0];
	v59, _, _ =	vpop (xrf2);
	(xrf2) =	vadd.scan.msk.f32 $0xffff, v1;
	v1 =	vsel vm0, $0x0, v2;
	v2 =	vand.u32 $0x1000000, v4  }
0x1e6: {  	(v2sf) =	vpush v59, $0xF;
	v4 =	vld [tilespmem:s23+$0x0];
	vm0 =	veq.s32 v2, $0x0  }
0x1e7: {  	(xrf2) =	vadd.scan.msk.f32 $0xffff, v1;
	v1 =	vsel vm0, $0x0, v7;
	v7 =	vld [tilespmem:s23+$0x10]  }
0x1e8: {  	s29 =	spop (v2sf);
	v2, _, _ =	vpop (xrf2)  }
0x1e9: {  	v0 =	vand.u32 $0x1000000, v0;
	s30 =	spop (v2sf);
	(v2sf) =	vpush v2, $0xF  }
0x1ea: {  	s26 =	sadd.f32 s31, s21;
	v10 =	vld [tilespmem:s24+$0x0];
	vm0 =	veq.s32 v0, $0x0  }
0x1eb: {  	(xrf2) =	vadd.scan.msk.f32 $0xffff, v1;
	v0 =	vsel vm0, $0x0, v9;
	v4 =	vand.u32 $0x1000000, v4;
	v1, _, _ =	vpop (xrf2)  }
0x1ec: {  	s2 =	sadd.f32 s29, s26;
	vm0 =	veq.s32 v4, $0x0;
	(v2sf) =	vpush v1, $0xF;
	v4 =	vand.u32 $0x1000000, v7  }
0x1ed: {  	v60 =	vld [tilespmem:s24+$0x10];
	v3 =	vadd.f32 s26, v3;
	(xrf2) =	vadd.scan.msk.f32 $0xffff, v0  }
0x1ee: {  	s21 =	simm.s32 $0xA040;
	v61 =	vld [tilespmem:s23+$0x20];
	s31 =	sadd.f32 s30, s2  }
0x1ef: {  	v62 =	vld [tilespmem:s23+$0x30];
	[tilespmem:s21+$0xFFFFFFC0] =	vst v3;
	v3 =	vsel vm0, $0x0, v10;
	vm0 =	veq.s32 v4, $0x0;
	s25 =	spop (v2sf);
	v4, _, _ =	vpop (xrf2)  }
0x1f0: {  	v9 =	vld [tilespmem:s24+$0x20];
	v7 =	vadd.f32 s2, v5;
	s22 =	sadd.f32 s25, s31;
	(xrf2) =	vadd.scan.msk.f32 $0xffff, v3;
	(v2sf) =	vpush v4, $0xF  }
0x1f1: {  	s26 =	spop (v2sf)  }
0x1f2: {  	s23 =	simm.s32 $0x2140;
	v10 =	vsel vm0, $0x0, v60;
	v8 =	vadd.f32 s31, v8;
	[tilespmem:s21+$0xFFFFFFD0] =	vst v7;
	v7 =	vld [tilespmem:s24+$0x30];
	v0, _, _ =	vpop (xrf2);
	s29 =	sadd.f32 s26, s22  }
0x1f3: {  	v5 =	vld [tilespmem:s23+$0xFFFFFFD0];
	v3 =	vand.u32 $0x1000000, v61;
	s24 =	simm.s32 $0x4140;
	(xrf2) =	vadd.scan.msk.f32 $0xffff, v10;
	v6 =	vadd.f32 s22, v6;
	(v2sf) =	vpush v0, $0xF;
	s30 =	spop (v2sf)  }
0x1f4: {  	vm0 =	veq.s32 v3, $0x0;
	[tilespmem:s21+$0xFFFFFFE0] =	vst v8;
	v8 =	vld [tilespmem:s24+$0xFFFFFFC0];
	v11 =	vadd.f32 s29, v11;
	s0 =	sadd.f32 s30, s29  }
0x1f5: {  	s25 =	simm.s32 $0x10;
	v63 =	vsel vm0, $0x0, v9;
	v9 =	vld [tilespmem:s24+$0xFFFFFFD0];
	[tilespmem:s21+$0xFFFFFFF0] =	vst v6;
	v6 =	vand.u32 $0x1000000, v62;
	s31 =	spop (v2sf)  }
0x1f6: {  	v10 =	vld [tilespmem:s23+$0xFFFFFFC0];
	s26 =	simm.s32 $0x21C0;
	s22 =	simm.s32 $0xA040;
	v3, _, _ =	vpop (xrf2);
	(xrf2) =	vadd.scan.msk.f32 $0xffff, v63;
	vm0 =	veq.s32 v6, $0x0;
	[tilespmem:s21+$0x0] =	vst v11;
	v6 =	vadd.f32 s0, v59;
	s28 =	sadd.f32 s31, s0  }
.LBB2_8:
0x1f7: {  	v11 =	vld [tilespmem:s26+$0xFFFFFFD0];
	s25 =	sadd.s32 $0x8, s25;
	v7 =	vsel vm0, $0x0, v7;
	v12, _, _ =	vpop (xrf2);
	s21 =	sadd.s32 $0x80, s21  }
0x1f8: {  	p0 =	slt.u32 s25, $0x1F8;
	(v2sf) =	vpush v12, $0xF;
	[tilespmem:s22+$0x10] =	vst v6;
	v2 =	vadd.f32 s28, v2;
	s0 =	spop (v2sf)  }
0x1f9: {  	v6 =	vand.u32 $0x1000000, v8;
	v8 =	vld [tilespmem:s24+$0xFFFFFFE0];
	(v2sf) =	vpush v3, $0xF;
	(xrf2) =	vadd.scan.msk.f32 $0xffff, v7;
	s0 =	sadd.f32 s0, s28  }
0x1fa: {  	vm0 =	veq.s32 v6, $0x0;
	v6 =	vand.u32 $0x1000000, v9;
	v7 =	vld [tilespmem:s24+$0xFFFFFFF0];
	v9, _, _ =	vpop (xrf2);
	[tilespmem:s22+$0x20] =	vst v2  }
0x1fb: {  	v2 =	vsel vm0, $0x0, v10;
	vm0 =	veq.s32 v6, $0x0;
	v6 =	vld [tilespmem:s23+$0xFFFFFFE0];
	v1 =	vadd.f32 s0, v1;
	s2 =	spop (v2sf)  }
0x1fc: {  	v10 =	vsel vm0, $0x0, v5;
	v13 =	vld [tilespmem:s23+$0xFFFFFFF0];
	(xrf2) =	vadd.scan.msk.f32 $0xffff, v2;
	(v2sf) =	vpush v9, $0xF;
	s0 =	sadd.f32 s2, s0;
	v5 =	vmov v11  }
0x1fd: {  	v11, _, _ =	vpop (xrf2);
	[tilespmem:s22+$0x30] =	vst v1;
	s22 =	smov.u32 s21  }
0x1fe: {  	v1 =	vand.u32 $0x1000000, v8;
	v8 =	vadd.f32 s0, v4;
	(v2sf) =	vpush v11, $0xF  }
0x1ff: {  	vm0 =	veq.s32 v1, $0x0;
	v1 =	vand.u32 $0x1000000, v7;
	(xrf2) =	vadd.scan.msk.f32 $0xffff, v10;
	s2 =	spop (v2sf)  }
0x200: {  	v4 =	vsel vm0, $0x0, v6;
	vm0 =	veq.s32 v1, $0x0;
	v6 =	vld [tilespmem:s24+$0x0];
	[tilespmem:s21+$0xFFFFFFC0] =	vst v8;
	v2, _, _ =	vpop (xrf2)  }
0x201: {  	v13 =	vsel vm0, $0x0, v13;
	v7 =	vld [tilespmem:s24+$0x10];
	(v2sf) =	vpush v2, $0xF  }
0x202: {  	v8 =	vld [tilespmem:s23+$0x0];
	(xrf2) =	vadd.scan.msk.f32 $0xffff, v13;
	s28 =	spop (v2sf)  }
0x203: {  	v10 =	vld [tilespmem:s23+$0x10];
	v1, _, _ =	vpop (xrf2)  }
0x204: {  	s0 =	sadd.f32 s2, s0;
	(v2sf) =	vpush v1, $0xF  }
0x205: {  	v6 =	vand.u32 $0x1000000, v6;
	v13 =	vld [tilespmem:s24+$0x20];
	(xrf2) =	vadd.scan.msk.f32 $0xffff, v4  }
0x206: {  	vm0 =	veq.s32 v6, $0x0;
	v6 =	vand.u32 $0x1000000, v7;
	v4, _, _ =	vpop (xrf2);
	v7 =	vadd.f32 s0, v0;
	s0 =	sadd.f32 s28, s0  }
0x207: {  	v14 =	vsel vm0, $0x0, v8;
	vm0 =	veq.s32 v6, $0x0;
	v6 =	vld [tilespmem:s23+$0x20];
	s2 =	spop (v2sf)  }
0x208: {  	v8 =	vsel vm0, $0x0, v10;
	v10 =	vld [tilespmem:s24+$0x30];
	(v2sf) =	vpush v4, $0xF;
	(xrf2) =	vadd.scan.msk.f32 $0xffff, v14;
	v12 =	vadd.f32 s0, v12;
	s0 =	sadd.f32 s2, s0;
	s2 =	spop (v2sf)  }
0x209: {  	v0, _, _ =	vpop (xrf2);
	[tilespmem:s21+$0xFFFFFFD0] =	vst v7  }
.Ltmp3:
0x20a: {  	v13 =	vand.u32 $0x1000000, v13;
	v7 =	vld [tilespmem:s23+$0x30];
	[tilespmem:s21+$0xFFFFFFE0] =	vst v12;
	v12 =	vadd.f32 s0, v3;
	s0 =	sadd.f32 s2, s0;
	s23 =	smov.u32 s26;
	(pc) =	sbr.rel @p0 .LBB2_8-.Ltmp3, $4  }
0x20b: {  	s24 =	sadd.s32 $0x80, s24;
	vm0 =	veq.s32 v13, $0x0;
	(v2sf) =	vpush v0, $0xF;
	(xrf2) =	vadd.scan.msk.f32 $0xffff, v8;
	s2 =	spop (v2sf)  }
0x20c: {  	v8 =	vld [tilespmem:s24+$0xFFFFFFC0];
	v6 =	vsel vm0, $0x0, v6;
	v3, _, _ =	vpop (xrf2);
	[tilespmem:s21+$0xFFFFFFF0] =	vst v12;
	v12 =	vadd.f32 s0, v9;
	s0 =	sadd.f32 s2, s0  }
0x20d: {  	v9 =	vld [tilespmem:s24+$0xFFFFFFD0];
	v13 =	vand.u32 $0x1000000, v10;
	s2 =	spop (v2sf)  }
0x20e: {  	s26 =	sadd.s32 $0x80, s26;
	v10 =	vld [tilespmem:s23+$0xFFFFFFC0];
	vm0 =	veq.s32 v13, $0x0;
	(xrf2) =	vadd.scan.msk.f32 $0xffff, v6;
	[tilespmem:s21+$0x0] =	vst v12;
	v6 =	vadd.f32 s0, v11;
	s28 =	sadd.f32 s2, s0  }
0x20f: {  	_ = 	snop  }
0x210: {  	v11 =	vld [tilespmem:s24+$0xFFFFFFF0]  }
0x211: {  	v12 =	vld [tilespmem:s24+$0xFFFFFFE0];
	v8 =	vand.u32 $0x1000000, v8  }
0x212: {  	v7 =	vsel vm0, $0x0, v7;
	v13 =	vld [tilespmem:s23+$0xFFFFFFF0];
	vm0 =	veq.s32 v8, $0x0  }
0x213: {  	v14, _, _ =	vpop (xrf2);
	(xrf2) =	vadd.scan.msk.f32 $0xffff, v7;
	v7 =	vld [tilespmem:s23+$0xFFFFFFE0];
	v8 =	vand.u32 $0x1000000, v9;
	v9 =	vsel vm0, $0x0, v10  }
0x214: {  	(v2sf) =	vpush v14, $0xF;
	(xrf2) =	vadd.scan.msk.f32 $0xffff, v9;
	v9 =	vld [tilespmem:s24+$0x0]  }
0x215: {  	v57 =	vld [tilespmem:s24+$0x20];
	(v2sf) =	vpush v3, $0xF;
	vm0 =	veq.s32 v8, $0x0;
	v8 =	vand.u32 $0x1000000, v11  }
0x216: {  	v5 =	vsel vm0, $0x0, v5;
	v10 =	vand.u32 $0x1000000, v12;
	vm0 =	veq.s32 v8, $0x0;
	v8 =	vld [tilespmem:s24+$0x10]  }
0x217: {  	v11, _, _ =	vpop (xrf2);
	(xrf2) =	vadd.scan.msk.f32 $0xffff, v5;
	v5 =	vld [tilespmem:s23+$0x0];
	v55 =	vsel vm0, $0x0, v13;
	vm0 =	veq.s32 v10, $0x0  }
0x218: {  	(v2sf) =	vpush v11, $0xF;
	v10 =	vld [tilespmem:s23+$0x10];
	v7 =	vsel vm0, $0x0, v7;
	(xrf2) =	vadd.scan.msk.f32 $0xffff, v55  }
0x219: {  	v56, _, _ =	vpop (xrf2);
	(xrf2) =	vadd.scan.msk.f32 $0xffff, v7;
	v7 =	vand.u32 $0x1000000, v9  }
0x21a: {  	(v2sf) =	vpush v56, $0xF;
	vm0 =	veq.s32 v7, $0x0;
	v7 =	vld [tilespmem:s23+$0x20]  }
0x21b: {  	s0 =	spop (v2sf);
	v9, _, _ =	vpop (xrf2);
	v8 =	vand.u32 $0x1000000, v8  }
0x21c: {  	s0 =	sadd.f32 s0, s28;
	(v2sf) =	vpush v9, $0xF;
	v5 =	vsel vm0, $0x0, v5;
	vm0 =	veq.s32 v8, $0x0  }
0x21d: {  	s2 =	spop (v2sf);
	v15, _, _ =	vpop (xrf2);
	v8 =	vld [tilespmem:s24+$0x30];
	(xrf2) =	vadd.scan.msk.f32 $0xffff, v5;
	v5 =	vsel vm0, $0x0, v10;
	v10 =	vand.u32 $0x1000000, v57  }
0x21e: {  	s2 =	sadd.f32 s2, s0;
	(v2sf) =	vpush v15, $0xF;
	vm0 =	veq.s32 v10, $0x0  }
0x21f: {  	s30 =	spop (v2sf);
	(xrf2) =	vadd.scan.msk.f32 $0xffff, v5;
	v5 =	vld [tilespmem:s23+$0x30];
	v58, _, _ =	vpop (xrf2);
	v7 =	vsel vm0, $0x0, v7  }
0x220: {  	s24 =	sadd.f32 s30, s2;
	(v2sf) =	vpush v58, $0xF  }
0x221: {  	s31 =	spop (v2sf);
	v10, _, _ =	vpop (xrf2);
	(xrf2) =	vadd.scan.msk.f32 $0xffff, v7  }
0x222: {  	s23 =	sadd.f32 s31, s24;
	(v2sf) =	vpush v10, $0xF;
	v8 =	vand.u32 $0x1000000, v8;
	v7, _, _ =	vpop (xrf2)  }
0x223: {  	s25 =	spop (v2sf);
	vm0 =	veq.s32 v8, $0x0;
	v16, _, _ =	vpop (xrf2)  }
0x224: {  	s25 =	sadd.f32 s25, s23;
	v5 =	vsel vm0, $0x0, v5;
	(v2sf) =	vpush v16, $0xF  }
0x225: {  	s26 =	spop (v2sf)  }
0x226: {  	s26 =	sadd.f32 s26, s25;
	(v2sf) =	vpush v7, $0xF  }
0x227: {  	(xrf2) =	vadd.scan.msk.f32 $0xffff, v5;
	s29 =	spop (v2sf);
	v5, _, _ =	vpop (xrf2)  }
0x228: {  	s29 =	sadd.f32 s29, s26;
	(v2sf) =	vpush v5, $0xF  }
0x229: {  	s30 =	spop (v2sf);
	v8, _, _ =	vpop (xrf2)  }
0x22a: {  	s30 =	sadd.f32 s30, s29;
	(v2sf) =	vpush v8, $0xF  }
0x22b: {  	s31 =	spop (v2sf);
	v17, _, _ =	vpop (xrf2)  }
0x22c: {  	s31 =	sadd.f32 s31, s30;
	(v2sf) =	vpush v17, $0xF  }
0x22d: {  	v2 =	vadd.f32 s28, v2;
	v1 =	vadd.f32 s0, v1;
	s28 =	spop (v2sf)  }
0x22e: {  	[tilespmem:s22+$0x10] =	vst v6;
	s0 =	sadd.f32 s28, s31  }
0x22f: {  	[tilespmem:s22+$0x20] =	vst v2;
	v2 =	vadd.f32 s2, v4;
	s2 =	spop (v2sf)  }
0x230: {  	s21 =	sadd.s32 $0x80, s21;
	[tilespmem:s22+$0x30] =	vst v1;
	v0 =	vadd.f32 s24, v0;
	s2 =	sadd.f32 s2, s0  }
0x231: {  	[tilespmem:s21+$0xFFFFFFC0] =	vst v2;
	v2 =	vadd.f32 s23, v14;
	v1, _, _ =	vpop (xrf2);
	s24 =	spop (v2sf)  }
0x232: {  	[tilespmem:s21+$0xFFFFFFD0] =	vst v0;
	v3 =	vadd.f32 s25, v3;
	(v2sf) =	vpush v1, $0xF;
	s22 =	sadd.f32 s24, s2  }
0x233: {  	[tilespmem:s21+$0xFFFFFFE0] =	vst v2;
	v0 =	vadd.f32 s26, v11;
	s26 =	spop (v2sf)  }
0x234: {  	[tilespmem:s21+$0xFFFFFFF0] =	vst v3;
	v2 =	vadd.f32 s29, v56;
	s23 =	sadd.f32 s26, s22  }
0x235: {  	[tilespmem:s21+$0x0] =	vst v0;
	v0 =	vadd.f32 s30, v9;
	s29 =	spop (v2sf)  }
0x236: {  	[tilespmem:s21+$0x10] =	vst v2;
	v2 =	vadd.f32 s31, v15;
	s24 =	sadd.f32 s29, s23  }
0x237: {  	[tilespmem:s21+$0x20] =	vst v0;
	v0 =	vadd.f32 s0, v58;
	s30 =	spop (v2sf)  }
0x238: {  	s31 =	sadd.s32 $0x80, s21;
	[tilespmem:s21+$0x30] =	vst v2;
	v2 =	vadd.f32 s2, v10;
	s0 =	sadd.f32 s30, s24  }
0x239: {  	[tilespmem:s31+$0xFFFFFFC0] =	vst v0;
	v0 =	vadd.f32 s22, v16;
	s22 =	spop (v2sf)  }
0x23a: {  	[tilespmem:s31+$0xFFFFFFD0] =	vst v2;
	v2 =	vadd.f32 s23, v7;
	s2 =	sadd.f32 s22, s0  }
0x23b: {  	[tilespmem:s31+$0xFFFFFFE0] =	vst v0;
	v0 =	vadd.f32 s24, v5;
	s26 =	spop (v2sf)  }
0x23c: {  	[tilespmem:s31+$0xFFFFFFF0] =	vst v2;
	v2 =	vadd.f32 s0, v8;
	s29 =	sadd.f32 s26, s2  }
0x23d: {  	[tilespmem:s31+$0x0] =	vst v0;
	v0 =	vadd.f32 s2, v17  }
0x23e: {  	[tilespmem:s31+$0x10] =	vst v2;
	v1 =	vadd.f32 s29, v1  }
0x23f: {  	[tilespmem:s31+$0x20] =	vst v0  }
0x240: {  	[tilespmem:s31+$0x30] =	vst v1  }
0x241: {  	s30 =	spop (v2sf);
	s0 =	rddreg [dreg:$0xe]  }
0x242: {  	[hbm4b:s0+s9] =	stream.strided.scatter [tilespmem:s16], [sflag:$0x6], $0x2000, s10, s9, $0x38;
	[tilespmem:$0xC000] =	vst v63  }
0x243: {  	_ =	swait.ge [sflag:s11], $0x2000  }
0x244: {  	[sflag:s11] =	ssyncset.done $0x0  }
0x245: {  	s31 =	rddreg [dreg:$0x11];
	[sflag:s11] =	ssyncadd.s32 $0xFFFFE000  }
0x246: {  	[tilespmem:s12], [sflag:$0x2] =	stream.strided.gather [hbm4b:s31+s9], $0x2000, s10, s9, $0x38;
	[tilespmem:$0xC000] =	vst v63  }
0x247: {  	s21 =	simm.s32 $0x4000;
	s2 =	rddreg [dreg:$0xf]  }
0x248: {  	[tilespmem:s21], [sflag:$0x3] =	stream.linear.gather [hbm4b:s2+s1], $0x2000, $0x38;
	[tilespmem:$0xC000] =	vst v63  }
0x249: {  	_ =	swait.ge [sflag:s19], $0x2000  }
0x24a: {  	[sflag:s19] =	ssyncset.done $0x0  }
0x24b: {  	[sflag:s19] =	ssyncadd.s32 $0xFFFFE000  }
0x24c: {  	_ =	swait.ge [sflag:s17], $0x2000  }
0x24d: {  	[sflag:s17] =	ssyncset.done $0x0  }
0x24e: {  	s23 =	simm.s32 $0x6040;
	[sflag:s17] =	ssyncadd.s32 $0xFFFFE000  }
0x24f: {  	v1 =	vld [tilespmem:s23+$0xFFFFFFC0]  }
0x250: {  	s22 =	simm.s32 $0x40;
	v2 =	vld [tilespmem:s23+$0xFFFFFFD0]  }
0x251: {  	v3 =	vld [tilespmem:s22+$0xFFFFFFC0]  }
0x252: {  	v0 =	vld [tilespmem:s22+$0xFFFFFFD0]  }
0x253: {  	v4 =	vld [tilespmem:s23+$0xFFFFFFF0]  }
0x254: {  	v1 =	vand.u32 $0x1, v1  }
0x255: {  	v5 =	vld [tilespmem:s23+$0xFFFFFFE0];
	v2 =	vand.u32 $0x1, v2;
	vm0 =	veq.s32 v1, $0x0  }
0x256: {  	v6 =	vld [tilespmem:s22+$0xFFFFFFF0];
	v3 =	vsel vm0, $0x0, v3;
	vm0 =	veq.s32 v2, $0x0  }
0x257: {  	v1 =	vld [tilespmem:s22+$0xFFFFFFE0];
	(xrf2) =	vadd.scan.msk.f32 $0xffff, v3;
	v0 =	vsel vm0, $0x0, v0  }
0x258: {  	v2 =	vand.u32 $0x1, v4;
	v3 =	vld [tilespmem:s23+$0x0];
	(xrf2) =	vadd.scan.msk.f32 $0xffff, v0  }
0x259: {  	vm0 =	veq.s32 v2, $0x0;
	v2 =	vld [tilespmem:s23+$0x10]  }
0x25a: {  	v4 =	vand.u32 $0x1, v5;
	v0 =	vld [tilespmem:s22+$0x0]  }
0x25b: {  	v5 =	vsel vm0, $0x0, v6;
	vm0 =	veq.s32 v4, $0x0;
	v4 =	vld [tilespmem:s22+$0x10]  }
0x25c: {  	(xrf2) =	vadd.scan.msk.f32 $0xffff, v5;
	v1 =	vsel vm0, $0x0, v1  }
0x25d: {  	(xrf2) =	vadd.scan.msk.f32 $0xffff, v1;
	v1 =	vand.u32 $0x1, v3  }
0x25e: {  	vm0 =	veq.s32 v1, $0x0;
	v1 =	vand.u32 $0x1, v2  }
0x25f: {  	v0 =	vsel vm0, $0x0, v0;
	vm0 =	veq.s32 v1, $0x0;
	v1 =	vld [tilespmem:s23+$0x20]  }
0x260: {  	(xrf2) =	vadd.scan.msk.f32 $0xffff, v0;
	v0 =	vsel vm0, $0x0, v4  }
0x261: {  	v3, _, _ =	vpop (xrf2);
	(xrf2) =	vadd.scan.msk.f32 $0xffff, v0;
	v0 =	vld [tilespmem:s22+$0x20]  }
0x262: {  	v2 =	vld [tilespmem:s23+$0x30];
	(v2sf) =	vpush v3, $0xF;
	v5, _, _ =	vpop (xrf2)  }
0x263: {  	(v2sf) =	vpush v5, $0xF  }
0x264: {  	s24 =	simm.s32 $0x60C0;
	v4 =	vld [tilespmem:s22+$0x30];
	v1 =	vand.u32 $0x1, v1  }
0x265: {  	v7 =	vld [tilespmem:s24+$0xFFFFFFC0];
	vm0 =	veq.s32 v1, $0x0  }
0x266: {  	v9 =	vld [tilespmem:s24+$0xFFFFFFD0];
	s22 =	simm.s32 $0xC0;
	v0 =	vsel vm0, $0x0, v0  }
0x267: {  	v10 =	vld [tilespmem:s22+$0xFFFFFFC0];
	v6, _, _ =	vpop (xrf2);
	v1 =	vand.u32 $0x1, v2;
	(xrf2) =	vadd.scan.msk.f32 $0xffff, v0  }
0x268: {  	v2 =	vld [tilespmem:s22+$0xFFFFFFD0];
	v8, _, _ =	vpop (xrf2);
	vm0 =	veq.s32 v1, $0x0  }
0x269: {  	(v2sf) =	vpush v8, $0xF;
	v0 =	vsel vm0, $0x0, v4;
	v4 =	vld [tilespmem:s24+$0xFFFFFFF0]  }
0x26a: {  	(xrf2) =	vadd.scan.msk.f32 $0xffff, v0  }
0x26b: {  	v1 =	vand.u32 $0x1, v7;
	v7 =	vld [tilespmem:s22+$0xFFFFFFF0];
	(v2sf) =	vpush v6, $0xF  }
0x26c: {  	vm0 =	veq.s32 v1, $0x0;
	v0 =	vand.u32 $0x1, v9;
	v11, _, _ =	vpop (xrf2)  }
0x26d: {  	v1 =	vsel vm0, $0x0, v10;
	vm0 =	veq.s32 v0, $0x0;
	v0 =	vld [tilespmem:s24+$0xFFFFFFE0];
	(v2sf) =	vpush v11, $0xF  }
0x26e: {  	v9 =	vld [tilespmem:s22+$0xFFFFFFE0];
	v59, _, _ =	vpop (xrf2);
	(xrf2) =	vadd.scan.msk.f32 $0xffff, v1;
	v1 =	vsel vm0, $0x0, v2;
	v2 =	vand.u32 $0x1, v4  }
0x26f: {  	(v2sf) =	vpush v59, $0xF;
	v4 =	vld [tilespmem:s24+$0x0];
	vm0 =	veq.s32 v2, $0x0  }
0x270: {  	(xrf2) =	vadd.scan.msk.f32 $0xffff, v1;
	v1 =	vsel vm0, $0x0, v7;
	v7 =	vld [tilespmem:s24+$0x10]  }
0x271: {  	s29 =	spop (v2sf);
	v2, _, _ =	vpop (xrf2)  }
0x272: {  	v0 =	vand.u32 $0x1, v0;
	s30 =	spop (v2sf);
	(v2sf) =	vpush v2, $0xF  }
0x273: {  	v10 =	vld [tilespmem:s22+$0x0];
	vm0 =	veq.s32 v0, $0x0  }
0x274: {  	s26 =	simm.f32 $0.0e+00;
	(xrf2) =	vadd.scan.msk.f32 $0xffff, v1;
	v0 =	vsel vm0, $0x0, v9;
	v4 =	vand.u32 $0x1, v4;
	v1, _, _ =	vpop (xrf2)  }
0x275: {  	s2 =	sadd.f32 s29, s26;
	vm0 =	veq.s32 v4, $0x0;
	(v2sf) =	vpush v1, $0xF;
	v4 =	vand.u32 $0x1, v7  }
0x276: {  	v60 =	vld [tilespmem:s22+$0x10];
	v3 =	vadd.f32 s26, v3;
	(xrf2) =	vadd.scan.msk.f32 $0xffff, v0  }
0x277: {  	s21 =	simm.s32 $0x8040;
	v61 =	vld [tilespmem:s24+$0x20];
	s31 =	sadd.f32 s30, s2  }
0x278: {  	v62 =	vld [tilespmem:s24+$0x30];
	[tilespmem:s21+$0xFFFFFFC0] =	vst v3;
	v3 =	vsel vm0, $0x0, v10;
	vm0 =	veq.s32 v4, $0x0;
	s25 =	spop (v2sf);
	v4, _, _ =	vpop (xrf2)  }
0x279: {  	v9 =	vld [tilespmem:s22+$0x20];
	v7 =	vadd.f32 s2, v5;
	s24 =	sadd.f32 s25, s31;
	(xrf2) =	vadd.scan.msk.f32 $0xffff, v3;
	(v2sf) =	vpush v4, $0xF  }
0x27a: {  	s26 =	spop (v2sf)  }
0x27b: {  	s23 =	simm.s32 $0x140;
	v10 =	vsel vm0, $0x0, v60;
	v8 =	vadd.f32 s31, v8;
	[tilespmem:s21+$0xFFFFFFD0] =	vst v7;
	v7 =	vld [tilespmem:s22+$0x30];
	v0, _, _ =	vpop (xrf2);
	s29 =	sadd.f32 s26, s24  }
0x27c: {  	v5 =	vld [tilespmem:s23+$0xFFFFFFD0];
	v3 =	vand.u32 $0x1, v61;
	(xrf2) =	vadd.scan.msk.f32 $0xffff, v10;
	v6 =	vadd.f32 s24, v6;
	s24 =	simm.s32 $0x6140;
	(v2sf) =	vpush v0, $0xF;
	s30 =	spop (v2sf)  }
0x27d: {  	vm0 =	veq.s32 v3, $0x0;
	[tilespmem:s21+$0xFFFFFFE0] =	vst v8;
	v8 =	vld [tilespmem:s24+$0xFFFFFFC0];
	v11 =	vadd.f32 s29, v11;
	s0 =	sadd.f32 s30, s29  }
0x27e: {  	s25 =	simm.s32 $0x10;
	v63 =	vsel vm0, $0x0, v9;
	v9 =	vld [tilespmem:s24+$0xFFFFFFD0];
	[tilespmem:s21+$0xFFFFFFF0] =	vst v6;
	v6 =	vand.u32 $0x1, v62;
	s31 =	spop (v2sf)  }
0x27f: {  	s22 =	simm.s32 $0x8040;
	v10 =	vld [tilespmem:s23+$0xFFFFFFC0];
	s26 =	simm.s32 $0x1C0;
	v3, _, _ =	vpop (xrf2);
	(xrf2) =	vadd.scan.msk.f32 $0xffff, v63;
	vm0 =	veq.s32 v6, $0x0;
	[tilespmem:s21+$0x0] =	vst v11;
	v6 =	vadd.f32 s0, v59;
	s28 =	sadd.f32 s31, s0  }
.LBB2_10:
0x280: {  	v11 =	vld [tilespmem:s26+$0xFFFFFFD0];
	s25 =	sadd.s32 $0x8, s25;
	v7 =	vsel vm0, $0x0, v7;
	v12, _, _ =	vpop (xrf2);
	s21 =	sadd.s32 $0x80, s21  }
0x281: {  	p0 =	slt.u32 s25, $0x1F8;
	(v2sf) =	vpush v12, $0xF;
	[tilespmem:s22+$0x10] =	vst v6;
	v2 =	vadd.f32 s28, v2;
	s0 =	spop (v2sf)  }
0x282: {  	v6 =	vand.u32 $0x1, v8;
	v8 =	vld [tilespmem:s24+$0xFFFFFFE0];
	(v2sf) =	vpush v3, $0xF;
	(xrf2) =	vadd.scan.msk.f32 $0xffff, v7;
	s0 =	sadd.f32 s0, s28  }
0x283: {  	vm0 =	veq.s32 v6, $0x0;
	v6 =	vand.u32 $0x1, v9;
	v7 =	vld [tilespmem:s24+$0xFFFFFFF0];
	v9, _, _ =	vpop (xrf2);
	[tilespmem:s22+$0x20] =	vst v2  }
0x284: {  	v2 =	vsel vm0, $0x0, v10;
	vm0 =	veq.s32 v6, $0x0;
	v6 =	vld [tilespmem:s23+$0xFFFFFFE0];
	v1 =	vadd.f32 s0, v1;
	s2 =	spop (v2sf)  }
0x285: {  	v10 =	vsel vm0, $0x0, v5;
	v13 =	vld [tilespmem:s23+$0xFFFFFFF0];
	(xrf2) =	vadd.scan.msk.f32 $0xffff, v2;
	(v2sf) =	vpush v9, $0xF;
	s0 =	sadd.f32 s2, s0;
	v5 =	vmov v11  }
0x286: {  	v11, _, _ =	vpop (xrf2);
	[tilespmem:s22+$0x30] =	vst v1;
	s22 =	smov.u32 s21  }
0x287: {  	v1 =	vand.u32 $0x1, v8;
	v8 =	vadd.f32 s0, v4;
	(v2sf) =	vpush v11, $0xF  }
0x288: {  	vm0 =	veq.s32 v1, $0x0;
	v1 =	vand.u32 $0x1, v7;
	(xrf2) =	vadd.scan.msk.f32 $0xffff, v10;
	s2 =	spop (v2sf)  }
0x289: {  	v4 =	vsel vm0, $0x0, v6;
	vm0 =	veq.s32 v1, $0x0;
	v6 =	vld [tilespmem:s24+$0x0];
	[tilespmem:s21+$0xFFFFFFC0] =	vst v8;
	v2, _, _ =	vpop (xrf2)  }
0x28a: {  	v13 =	vsel vm0, $0x0, v13;
	v7 =	vld [tilespmem:s24+$0x10];
	(v2sf) =	vpush v2, $0xF  }
0x28b: {  	v8 =	vld [tilespmem:s23+$0x0];
	(xrf2) =	vadd.scan.msk.f32 $0xffff, v13;
	s28 =	spop (v2sf)  }
0x28c: {  	v10 =	vld [tilespmem:s23+$0x10];
	v1, _, _ =	vpop (xrf2)  }
0x28d: {  	s0 =	sadd.f32 s2, s0;
	(v2sf) =	vpush v1, $0xF  }
0x28e: {  	v6 =	vand.u32 $0x1, v6;
	v13 =	vld [tilespmem:s24+$0x20];
	(xrf2) =	vadd.scan.msk.f32 $0xffff, v4  }
0x28f: {  	vm0 =	veq.s32 v6, $0x0;
	v6 =	vand.u32 $0x1, v7;
	v4, _, _ =	vpop (xrf2);
	v7 =	vadd.f32 s0, v0;
	s0 =	sadd.f32 s28, s0  }
0x290: {  	v14 =	vsel vm0, $0x0, v8;
	vm0 =	veq.s32 v6, $0x0;
	v6 =	vld [tilespmem:s23+$0x20];
	s2 =	spop (v2sf)  }
0x291: {  	v8 =	vsel vm0, $0x0, v10;
	v10 =	vld [tilespmem:s24+$0x30];
	(v2sf) =	vpush v4, $0xF;
	(xrf2) =	vadd.scan.msk.f32 $0xffff, v14;
	v12 =	vadd.f32 s0, v12;
	s0 =	sadd.f32 s2, s0;
	s2 =	spop (v2sf)  }
0x292: {  	v0, _, _ =	vpop (xrf2);
	[tilespmem:s21+$0xFFFFFFD0] =	vst v7  }
.Ltmp4:
0x293: {  	v13 =	vand.u32 $0x1, v13;
	v7 =	vld [tilespmem:s23+$0x30];
	[tilespmem:s21+$0xFFFFFFE0] =	vst v12;
	v12 =	vadd.f32 s0, v3;
	s0 =	sadd.f32 s2, s0;
	s23 =	smov.u32 s26;
	(pc) =	sbr.rel @p0 .LBB2_10-.Ltmp4, $4  }
0x294: {  	s24 =	sadd.s32 $0x80, s24;
	vm0 =	veq.s32 v13, $0x0;
	(v2sf) =	vpush v0, $0xF;
	(xrf2) =	vadd.scan.msk.f32 $0xffff, v8;
	s2 =	spop (v2sf)  }
0x295: {  	v8 =	vld [tilespmem:s24+$0xFFFFFFC0];
	v6 =	vsel vm0, $0x0, v6;
	v3, _, _ =	vpop (xrf2);
	[tilespmem:s21+$0xFFFFFFF0] =	vst v12;
	v12 =	vadd.f32 s0, v9;
	s0 =	sadd.f32 s2, s0  }
0x296: {  	v9 =	vld [tilespmem:s24+$0xFFFFFFD0];
	v13 =	vand.u32 $0x1, v10;
	s2 =	spop (v2sf)  }
0x297: {  	s26 =	sadd.s32 $0x80, s26;
	v10 =	vld [tilespmem:s23+$0xFFFFFFC0];
	vm0 =	veq.s32 v13, $0x0;
	(xrf2) =	vadd.scan.msk.f32 $0xffff, v6;
	[tilespmem:s21+$0x0] =	vst v12;
	v6 =	vadd.f32 s0, v11;
	s28 =	sadd.f32 s2, s0  }
0x298: {  	_ = 	snop  }
0x299: {  	v11 =	vld [tilespmem:s24+$0xFFFFFFF0]  }
0x29a: {  	v12 =	vld [tilespmem:s24+$0xFFFFFFE0];
	v8 =	vand.u32 $0x1, v8  }
0x29b: {  	v7 =	vsel vm0, $0x0, v7;
	v13 =	vld [tilespmem:s23+$0xFFFFFFF0];
	vm0 =	veq.s32 v8, $0x0  }
0x29c: {  	v14, _, _ =	vpop (xrf2);
	(xrf2) =	vadd.scan.msk.f32 $0xffff, v7;
	v7 =	vld [tilespmem:s23+$0xFFFFFFE0];
	v8 =	vand.u32 $0x1, v9;
	v9 =	vsel vm0, $0x0, v10  }
0x29d: {  	(v2sf) =	vpush v14, $0xF;
	(xrf2) =	vadd.scan.msk.f32 $0xffff, v9;
	v9 =	vld [tilespmem:s24+$0x0]  }
0x29e: {  	v57 =	vld [tilespmem:s24+$0x20];
	(v2sf) =	vpush v3, $0xF;
	vm0 =	veq.s32 v8, $0x0;
	v8 =	vand.u32 $0x1, v11  }
0x29f: {  	v5 =	vsel vm0, $0x0, v5;
	v10 =	vand.u32 $0x1, v12;
	vm0 =	veq.s32 v8, $0x0;
	v8 =	vld [tilespmem:s24+$0x10]  }
0x2a0: {  	v11, _, _ =	vpop (xrf2);
	(xrf2) =	vadd.scan.msk.f32 $0xffff, v5;
	v5 =	vld [tilespmem:s23+$0x0];
	v55 =	vsel vm0, $0x0, v13;
	vm0 =	veq.s32 v10, $0x0  }
0x2a1: {  	(v2sf) =	vpush v11, $0xF;
	v10 =	vld [tilespmem:s23+$0x10];
	v7 =	vsel vm0, $0x0, v7;
	(xrf2) =	vadd.scan.msk.f32 $0xffff, v55  }
0x2a2: {  	v56, _, _ =	vpop (xrf2);
	(xrf2) =	vadd.scan.msk.f32 $0xffff, v7;
	v7 =	vand.u32 $0x1, v9  }
0x2a3: {  	(v2sf) =	vpush v56, $0xF;
	vm0 =	veq.s32 v7, $0x0;
	v7 =	vld [tilespmem:s23+$0x20]  }
0x2a4: {  	s0 =	spop (v2sf);
	v9, _, _ =	vpop (xrf2);
	v8 =	vand.u32 $0x1, v8  }
0x2a5: {  	s0 =	sadd.f32 s0, s28;
	(v2sf) =	vpush v9, $0xF;
	v5 =	vsel vm0, $0x0, v5;
	vm0 =	veq.s32 v8, $0x0  }
0x2a6: {  	s2 =	spop (v2sf);
	v15, _, _ =	vpop (xrf2);
	v8 =	vld [tilespmem:s24+$0x30];
	(xrf2) =	vadd.scan.msk.f32 $0xffff, v5;
	v5 =	vsel vm0, $0x0, v10;
	v10 =	vand.u32 $0x1, v57  }
0x2a7: {  	s2 =	sadd.f32 s2, s0;
	(v2sf) =	vpush v15, $0xF;
	vm0 =	veq.s32 v10, $0x0  }
0x2a8: {  	s30 =	spop (v2sf);
	(xrf2) =	vadd.scan.msk.f32 $0xffff, v5;
	v5 =	vld [tilespmem:s23+$0x30];
	v58, _, _ =	vpop (xrf2);
	v7 =	vsel vm0, $0x0, v7  }
0x2a9: {  	s24 =	sadd.f32 s30, s2;
	(v2sf) =	vpush v58, $0xF  }
0x2aa: {  	s31 =	spop (v2sf);
	v10, _, _ =	vpop (xrf2);
	(xrf2) =	vadd.scan.msk.f32 $0xffff, v7  }
0x2ab: {  	s23 =	sadd.f32 s31, s24;
	(v2sf) =	vpush v10, $0xF;
	v8 =	vand.u32 $0x1, v8;
	v7, _, _ =	vpop (xrf2)  }
0x2ac: {  	s25 =	spop (v2sf);
	vm0 =	veq.s32 v8, $0x0;
	v16, _, _ =	vpop (xrf2)  }
0x2ad: {  	s25 =	sadd.f32 s25, s23;
	v5 =	vsel vm0, $0x0, v5;
	(v2sf) =	vpush v16, $0xF  }
0x2ae: {  	s26 =	spop (v2sf)  }
0x2af: {  	s26 =	sadd.f32 s26, s25;
	(v2sf) =	vpush v7, $0xF  }
0x2b0: {  	(xrf2) =	vadd.scan.msk.f32 $0xffff, v5;
	s29 =	spop (v2sf);
	v5, _, _ =	vpop (xrf2)  }
0x2b1: {  	s29 =	sadd.f32 s29, s26;
	(v2sf) =	vpush v5, $0xF  }
0x2b2: {  	s30 =	spop (v2sf);
	v8, _, _ =	vpop (xrf2)  }
0x2b3: {  	s30 =	sadd.f32 s30, s29;
	(v2sf) =	vpush v8, $0xF  }
0x2b4: {  	s31 =	spop (v2sf);
	v17, _, _ =	vpop (xrf2)  }
0x2b5: {  	s31 =	sadd.f32 s31, s30;
	(v2sf) =	vpush v17, $0xF  }
0x2b6: {  	v2 =	vadd.f32 s28, v2;
	v1 =	vadd.f32 s0, v1;
	s28 =	spop (v2sf)  }
0x2b7: {  	[tilespmem:s22+$0x10] =	vst v6;
	s0 =	sadd.f32 s28, s31  }
0x2b8: {  	[tilespmem:s22+$0x20] =	vst v2;
	v2 =	vadd.f32 s2, v4;
	s2 =	spop (v2sf)  }
0x2b9: {  	s21 =	sadd.s32 $0x80, s21;
	[tilespmem:s22+$0x30] =	vst v1;
	v0 =	vadd.f32 s24, v0;
	s2 =	sadd.f32 s2, s0  }
0x2ba: {  	[tilespmem:s21+$0xFFFFFFC0] =	vst v2;
	v2 =	vadd.f32 s23, v14;
	v1, _, _ =	vpop (xrf2);
	s24 =	spop (v2sf)  }
0x2bb: {  	[tilespmem:s21+$0xFFFFFFD0] =	vst v0;
	v3 =	vadd.f32 s25, v3;
	(v2sf) =	vpush v1, $0xF;
	s22 =	sadd.f32 s24, s2  }
0x2bc: {  	[tilespmem:s21+$0xFFFFFFE0] =	vst v2;
	v0 =	vadd.f32 s26, v11;
	s26 =	spop (v2sf)  }
0x2bd: {  	[tilespmem:s21+$0xFFFFFFF0] =	vst v3;
	v2 =	vadd.f32 s29, v56;
	s23 =	sadd.f32 s26, s22  }
0x2be: {  	[tilespmem:s21+$0x0] =	vst v0;
	v0 =	vadd.f32 s30, v9;
	s30 =	spop (v2sf)  }
0x2bf: {  	[tilespmem:s21+$0x10] =	vst v2;
	v2 =	vadd.f32 s31, v15;
	s24 =	sadd.f32 s30, s23  }
0x2c0: {  	[tilespmem:s21+$0x20] =	vst v0;
	v0 =	vadd.f32 s0, v58;
	s25 =	spop (v2sf)  }
0x2c1: {  	[tilespmem:s21+$0x30] =	vst v2;
	v2 =	vadd.f32 s2, v10;
	s26 =	sadd.s32 $0x80, s21;
	s0 =	sadd.f32 s25, s24  }
0x2c2: {  	[tilespmem:s26+$0xFFFFFFC0] =	vst v0;
	v0 =	vadd.f32 s22, v16;
	s29 =	spop (v2sf)  }
0x2c3: {  	[tilespmem:s26+$0xFFFFFFD0] =	vst v2;
	v2 =	vadd.f32 s23, v7;
	s2 =	sadd.f32 s29, s0  }
0x2c4: {  	[tilespmem:s26+$0xFFFFFFE0] =	vst v0;
	v0 =	vadd.f32 s24, v5;
	s30 =	spop (v2sf)  }
0x2c5: {  	[tilespmem:s26+$0xFFFFFFF0] =	vst v2;
	v2 =	vadd.f32 s0, v8;
	s21 =	sadd.f32 s30, s2  }
0x2c6: {  	[tilespmem:s26+$0x0] =	vst v0;
	v0 =	vadd.f32 s2, v17  }
0x2c7: {  	[tilespmem:s26+$0x10] =	vst v2;
	v1 =	vadd.f32 s21, v1  }
0x2c8: {  	[tilespmem:s26+$0x20] =	vst v0  }
0x2c9: {  	[tilespmem:s26+$0x30] =	vst v1  }
0x2ca: {  	s31 =	spop (v2sf);
	s2 =	rddreg [dreg:$0x12]  }
0x2cb: {  	[hbm4b:s2+s9] =	stream.strided.scatter [tilespmem:s14], [sflag:$0x5], $0x2000, s10, s9, $0x38;
	[tilespmem:$0xC000] =	vst v63  }
0x2cc: {  	_ =	swait.ge [sflag:s15], $0x2000  }
0x2cd: {  	[sflag:s15] =	ssyncset.done $0x0  }
0x2ce: {  	s23 =	rddreg [dreg:$0x14];
	[sflag:s15] =	ssyncadd.s32 $0xFFFFE000  }
0x2cf: {  	[tilespmem:s1], [sflag:$0x1] =	stream.strided.gather [hbm4b:s23+s9], $0x2000, s10, s9, $0x38;
	[tilespmem:$0xC000] =	vst v63  }
0x2d0: {  	_ =	swait.ge [sflag:s18], $0x2000  }
0x2d1: {  	[sflag:s18] =	ssyncset.done $0x0  }
0x2d2: {  	s25 =	simm.s32 $0x6040;
	[sflag:s18] =	ssyncadd.s32 $0xFFFFE000  }
0x2d3: {  	v1 =	vld [tilespmem:s25+$0xFFFFFFC0]  }
0x2d4: {  	s24 =	simm.s32 $0x2040;
	v2 =	vld [tilespmem:s25+$0xFFFFFFD0]  }
0x2d5: {  	v3 =	vld [tilespmem:s24+$0xFFFFFFC0]  }
0x2d6: {  	v0 =	vld [tilespmem:s24+$0xFFFFFFD0]  }
0x2d7: {  	v4 =	vld [tilespmem:s25+$0xFFFFFFF0]  }
0x2d8: {  	v1 =	vand.u32 $0x100, v1  }
0x2d9: {  	v5 =	vld [tilespmem:s25+$0xFFFFFFE0];
	v2 =	vand.u32 $0x100, v2;
	vm0 =	veq.s32 v1, $0x0  }
0x2da: {  	v6 =	vld [tilespmem:s24+$0xFFFFFFF0];
	v3 =	vsel vm0, $0x0, v3;
	vm0 =	veq.s32 v2, $0x0  }
0x2db: {  	v1 =	vld [tilespmem:s24+$0xFFFFFFE0];
	(xrf2) =	vadd.scan.msk.f32 $0xffff, v3;
	v0 =	vsel vm0, $0x0, v0  }
0x2dc: {  	v2 =	vand.u32 $0x100, v4;
	v3 =	vld [tilespmem:s25+$0x0];
	(xrf2) =	vadd.scan.msk.f32 $0xffff, v0  }
0x2dd: {  	vm0 =	veq.s32 v2, $0x0;
	v2 =	vld [tilespmem:s25+$0x10]  }
0x2de: {  	v4 =	vand.u32 $0x100, v5;
	v0 =	vld [tilespmem:s24+$0x0]  }
0x2df: {  	v5 =	vsel vm0, $0x0, v6;
	vm0 =	veq.s32 v4, $0x0;
	v4 =	vld [tilespmem:s24+$0x10]  }
0x2e0: {  	(xrf2) =	vadd.scan.msk.f32 $0xffff, v5;
	v1 =	vsel vm0, $0x0, v1  }
0x2e1: {  	(xrf2) =	vadd.scan.msk.f32 $0xffff, v1;
	v1 =	vand.u32 $0x100, v3  }
0x2e2: {  	vm0 =	veq.s32 v1, $0x0;
	v1 =	vand.u32 $0x100, v2  }
0x2e3: {  	v0 =	vsel vm0, $0x0, v0;
	vm0 =	veq.s32 v1, $0x0;
	v1 =	vld [tilespmem:s25+$0x20]  }
0x2e4: {  	(xrf2) =	vadd.scan.msk.f32 $0xffff, v0;
	v0 =	vsel vm0, $0x0, v4  }
0x2e5: {  	v3, _, _ =	vpop (xrf2);
	(xrf2) =	vadd.scan.msk.f32 $0xffff, v0;
	v0 =	vld [tilespmem:s24+$0x20]  }
0x2e6: {  	v2 =	vld [tilespmem:s25+$0x30];
	(v2sf) =	vpush v3, $0xF;
	v5, _, _ =	vpop (xrf2)  }
0x2e7: {  	(v2sf) =	vpush v5, $0xF  }
0x2e8: {  	s23 =	simm.s32 $0x60C0;
	v4 =	vld [tilespmem:s24+$0x30];
	v1 =	vand.u32 $0x100, v1  }
0x2e9: {  	v7 =	vld [tilespmem:s23+$0xFFFFFFC0];
	vm0 =	veq.s32 v1, $0x0  }
0x2ea: {  	v9 =	vld [tilespmem:s23+$0xFFFFFFD0];
	s24 =	simm.s32 $0x20C0;
	v0 =	vsel vm0, $0x0, v0  }
0x2eb: {  	v10 =	vld [tilespmem:s24+$0xFFFFFFC0];
	v6, _, _ =	vpop (xrf2);
	v1 =	vand.u32 $0x100, v2;
	(xrf2) =	vadd.scan.msk.f32 $0xffff, v0  }
0x2ec: {  	v2 =	vld [tilespmem:s24+$0xFFFFFFD0];
	v8, _, _ =	vpop (xrf2);
	vm0 =	veq.s32 v1, $0x0  }
0x2ed: {  	(v2sf) =	vpush v8, $0xF;
	v0 =	vsel vm0, $0x0, v4;
	v4 =	vld [tilespmem:s23+$0xFFFFFFF0]  }
0x2ee: {  	(xrf2) =	vadd.scan.msk.f32 $0xffff, v0  }
0x2ef: {  	v1 =	vand.u32 $0x100, v7;
	v7 =	vld [tilespmem:s24+$0xFFFFFFF0];
	(v2sf) =	vpush v6, $0xF  }
0x2f0: {  	vm0 =	veq.s32 v1, $0x0;
	v0 =	vand.u32 $0x100, v9;
	v11, _, _ =	vpop (xrf2)  }
0x2f1: {  	v1 =	vsel vm0, $0x0, v10;
	vm0 =	veq.s32 v0, $0x0;
	v0 =	vld [tilespmem:s23+$0xFFFFFFE0];
	(v2sf) =	vpush v11, $0xF  }
0x2f2: {  	v9 =	vld [tilespmem:s24+$0xFFFFFFE0];
	v59, _, _ =	vpop (xrf2);
	(xrf2) =	vadd.scan.msk.f32 $0xffff, v1;
	v1 =	vsel vm0, $0x0, v2;
	v2 =	vand.u32 $0x100, v4  }
0x2f3: {  	(v2sf) =	vpush v59, $0xF;
	v4 =	vld [tilespmem:s23+$0x0];
	vm0 =	veq.s32 v2, $0x0  }
0x2f4: {  	(xrf2) =	vadd.scan.msk.f32 $0xffff, v1;
	v1 =	vsel vm0, $0x0, v7;
	v7 =	vld [tilespmem:s23+$0x10]  }
0x2f5: {  	s29 =	spop (v2sf);
	v2, _, _ =	vpop (xrf2)  }
0x2f6: {  	v0 =	vand.u32 $0x100, v0;
	s30 =	spop (v2sf);
	(v2sf) =	vpush v2, $0xF  }
0x2f7: {  	s26 =	sadd.f32 s31, s21;
	v10 =	vld [tilespmem:s24+$0x0];
	vm0 =	veq.s32 v0, $0x0  }
0x2f8: {  	(xrf2) =	vadd.scan.msk.f32 $0xffff, v1;
	v0 =	vsel vm0, $0x0, v9;
	v4 =	vand.u32 $0x100, v4;
	v1, _, _ =	vpop (xrf2)  }
0x2f9: {  	s2 =	sadd.f32 s29, s26;
	vm0 =	veq.s32 v4, $0x0;
	(v2sf) =	vpush v1, $0xF;
	v4 =	vand.u32 $0x100, v7  }
0x2fa: {  	v60 =	vld [tilespmem:s24+$0x10];
	v3 =	vadd.f32 s26, v3;
	(xrf2) =	vadd.scan.msk.f32 $0xffff, v0  }
0x2fb: {  	s21 =	simm.s32 $0xA040;
	v61 =	vld [tilespmem:s23+$0x20];
	s31 =	sadd.f32 s30, s2  }
0x2fc: {  	v62 =	vld [tilespmem:s23+$0x30];
	[tilespmem:s21+$0xFFFFFFC0] =	vst v3;
	v3 =	vsel vm0, $0x0, v10;
	vm0 =	veq.s32 v4, $0x0;
	s25 =	spop (v2sf);
	v4, _, _ =	vpop (xrf2)  }
0x2fd: {  	v9 =	vld [tilespmem:s24+$0x20];
	v7 =	vadd.f32 s2, v5;
	s22 =	sadd.f32 s25, s31;
	(xrf2) =	vadd.scan.msk.f32 $0xffff, v3;
	(v2sf) =	vpush v4, $0xF  }
0x2fe: {  	s26 =	spop (v2sf)  }
0x2ff: {  	s23 =	simm.s32 $0x2140;
	v10 =	vsel vm0, $0x0, v60;
	v8 =	vadd.f32 s31, v8;
	[tilespmem:s21+$0xFFFFFFD0] =	vst v7;
	v7 =	vld [tilespmem:s24+$0x30];
	v0, _, _ =	vpop (xrf2);
	s29 =	sadd.f32 s26, s22  }
0x300: {  	v5 =	vld [tilespmem:s23+$0xFFFFFFD0];
	v3 =	vand.u32 $0x100, v61;
	s24 =	simm.s32 $0x6140;
	(xrf2) =	vadd.scan.msk.f32 $0xffff, v10;
	v6 =	vadd.f32 s22, v6;
	(v2sf) =	vpush v0, $0xF;
	s30 =	spop (v2sf)  }
0x301: {  	vm0 =	veq.s32 v3, $0x0;
	[tilespmem:s21+$0xFFFFFFE0] =	vst v8;
	v8 =	vld [tilespmem:s24+$0xFFFFFFC0];
	v11 =	vadd.f32 s29, v11;
	s0 =	sadd.f32 s30, s29  }
0x302: {  	s25 =	simm.s32 $0x10;
	v63 =	vsel vm0, $0x0, v9;
	v9 =	vld [tilespmem:s24+$0xFFFFFFD0];
	[tilespmem:s21+$0xFFFFFFF0] =	vst v6;
	v6 =	vand.u32 $0x100, v62;
	s31 =	spop (v2sf)  }
0x303: {  	v10 =	vld [tilespmem:s23+$0xFFFFFFC0];
	s26 =	simm.s32 $0x21C0;
	s22 =	simm.s32 $0xA040;
	v3, _, _ =	vpop (xrf2);
	(xrf2) =	vadd.scan.msk.f32 $0xffff, v63;
	vm0 =	veq.s32 v6, $0x0;
	[tilespmem:s21+$0x0] =	vst v11;
	v6 =	vadd.f32 s0, v59;
	s28 =	sadd.f32 s31, s0  }
.LBB2_12:
0x304: {  	v11 =	vld [tilespmem:s26+$0xFFFFFFD0];
	s25 =	sadd.s32 $0x8, s25;
	v7 =	vsel vm0, $0x0, v7;
	v12, _, _ =	vpop (xrf2);
	s21 =	sadd.s32 $0x80, s21  }
0x305: {  	p0 =	slt.u32 s25, $0x1F8;
	(v2sf) =	vpush v12, $0xF;
	[tilespmem:s22+$0x10] =	vst v6;
	v2 =	vadd.f32 s28, v2;
	s0 =	spop (v2sf)  }
0x306: {  	v6 =	vand.u32 $0x100, v8;
	v8 =	vld [tilespmem:s24+$0xFFFFFFE0];
	(v2sf) =	vpush v3, $0xF;
	(xrf2) =	vadd.scan.msk.f32 $0xffff, v7;
	s0 =	sadd.f32 s0, s28  }
0x307: {  	vm0 =	veq.s32 v6, $0x0;
	v6 =	vand.u32 $0x100, v9;
	v7 =	vld [tilespmem:s24+$0xFFFFFFF0];
	v9, _, _ =	vpop (xrf2);
	[tilespmem:s22+$0x20] =	vst v2  }
0x308: {  	v2 =	vsel vm0, $0x0, v10;
	vm0 =	veq.s32 v6, $0x0;
	v6 =	vld [tilespmem:s23+$0xFFFFFFE0];
	v1 =	vadd.f32 s0, v1;
	s2 =	spop (v2sf)  }
0x309: {  	v10 =	vsel vm0, $0x0, v5;
	v13 =	vld [tilespmem:s23+$0xFFFFFFF0];
	(xrf2) =	vadd.scan.msk.f32 $0xffff, v2;
	(v2sf) =	vpush v9, $0xF;
	s0 =	sadd.f32 s2, s0;
	v5 =	vmov v11  }
0x30a: {  	v11, _, _ =	vpop (xrf2);
	[tilespmem:s22+$0x30] =	vst v1;
	s22 =	smov.u32 s21  }
0x30b: {  	v1 =	vand.u32 $0x100, v8;
	v8 =	vadd.f32 s0, v4;
	(v2sf) =	vpush v11, $0xF  }
0x30c: {  	vm0 =	veq.s32 v1, $0x0;
	v1 =	vand.u32 $0x100, v7;
	(xrf2) =	vadd.scan.msk.f32 $0xffff, v10;
	s2 =	spop (v2sf)  }
0x30d: {  	v4 =	vsel vm0, $0x0, v6;
	vm0 =	veq.s32 v1, $0x0;
	v6 =	vld [tilespmem:s24+$0x0];
	[tilespmem:s21+$0xFFFFFFC0] =	vst v8;
	v2, _, _ =	vpop (xrf2)  }
0x30e: {  	v13 =	vsel vm0, $0x0, v13;
	v7 =	vld [tilespmem:s24+$0x10];
	(v2sf) =	vpush v2, $0xF  }
0x30f: {  	v8 =	vld [tilespmem:s23+$0x0];
	(xrf2) =	vadd.scan.msk.f32 $0xffff, v13;
	s28 =	spop (v2sf)  }
0x310: {  	v10 =	vld [tilespmem:s23+$0x10];
	v1, _, _ =	vpop (xrf2)  }
0x311: {  	s0 =	sadd.f32 s2, s0;
	(v2sf) =	vpush v1, $0xF  }
0x312: {  	v6 =	vand.u32 $0x100, v6;
	v13 =	vld [tilespmem:s24+$0x20];
	(xrf2) =	vadd.scan.msk.f32 $0xffff, v4  }
0x313: {  	vm0 =	veq.s32 v6, $0x0;
	v6 =	vand.u32 $0x100, v7;
	v4, _, _ =	vpop (xrf2);
	v7 =	vadd.f32 s0, v0;
	s0 =	sadd.f32 s28, s0  }
0x314: {  	v14 =	vsel vm0, $0x0, v8;
	vm0 =	veq.s32 v6, $0x0;
	v6 =	vld [tilespmem:s23+$0x20];
	s2 =	spop (v2sf)  }
0x315: {  	v8 =	vsel vm0, $0x0, v10;
	v10 =	vld [tilespmem:s24+$0x30];
	(v2sf) =	vpush v4, $0xF;
	(xrf2) =	vadd.scan.msk.f32 $0xffff, v14;
	v12 =	vadd.f32 s0, v12;
	s0 =	sadd.f32 s2, s0;
	s2 =	spop (v2sf)  }
0x316: {  	v0, _, _ =	vpop (xrf2);
	[tilespmem:s21+$0xFFFFFFD0] =	vst v7  }
.Ltmp5:
0x317: {  	v13 =	vand.u32 $0x100, v13;
	v7 =	vld [tilespmem:s23+$0x30];
	[tilespmem:s21+$0xFFFFFFE0] =	vst v12;
	v12 =	vadd.f32 s0, v3;
	s0 =	sadd.f32 s2, s0;
	s23 =	smov.u32 s26;
	(pc) =	sbr.rel @p0 .LBB2_12-.Ltmp5, $4  }
0x318: {  	s24 =	sadd.s32 $0x80, s24;
	vm0 =	veq.s32 v13, $0x0;
	(v2sf) =	vpush v0, $0xF;
	(xrf2) =	vadd.scan.msk.f32 $0xffff, v8;
	s2 =	spop (v2sf)  }
0x319: {  	v8 =	vld [tilespmem:s24+$0xFFFFFFC0];
	v6 =	vsel vm0, $0x0, v6;
	v3, _, _ =	vpop (xrf2);
	[tilespmem:s21+$0xFFFFFFF0] =	vst v12;
	v12 =	vadd.f32 s0, v9;
	s0 =	sadd.f32 s2, s0  }
0x31a: {  	v9 =	vld [tilespmem:s24+$0xFFFFFFD0];
	v13 =	vand.u32 $0x100, v10;
	s2 =	spop (v2sf)  }
0x31b: {  	s26 =	sadd.s32 $0x80, s26;
	v10 =	vld [tilespmem:s23+$0xFFFFFFC0];
	vm0 =	veq.s32 v13, $0x0;
	(xrf2) =	vadd.scan.msk.f32 $0xffff, v6;
	[tilespmem:s21+$0x0] =	vst v12;
	v6 =	vadd.f32 s0, v11;
	s28 =	sadd.f32 s2, s0  }
0x31c: {  	_ = 	snop  }
0x31d: {  	v11 =	vld [tilespmem:s24+$0xFFFFFFF0]  }
0x31e: {  	v12 =	vld [tilespmem:s24+$0xFFFFFFE0];
	v8 =	vand.u32 $0x100, v8  }
0x31f: {  	v7 =	vsel vm0, $0x0, v7;
	v13 =	vld [tilespmem:s23+$0xFFFFFFF0];
	vm0 =	veq.s32 v8, $0x0  }
0x320: {  	v14, _, _ =	vpop (xrf2);
	(xrf2) =	vadd.scan.msk.f32 $0xffff, v7;
	v7 =	vld [tilespmem:s23+$0xFFFFFFE0];
	v8 =	vand.u32 $0x100, v9;
	v9 =	vsel vm0, $0x0, v10  }
0x321: {  	(v2sf) =	vpush v14, $0xF;
	(xrf2) =	vadd.scan.msk.f32 $0xffff, v9;
	v9 =	vld [tilespmem:s24+$0x0]  }
0x322: {  	v57 =	vld [tilespmem:s24+$0x20];
	(v2sf) =	vpush v3, $0xF;
	vm0 =	veq.s32 v8, $0x0;
	v8 =	vand.u32 $0x100, v11  }
0x323: {  	v5 =	vsel vm0, $0x0, v5;
	v10 =	vand.u32 $0x100, v12;
	vm0 =	veq.s32 v8, $0x0;
	v8 =	vld [tilespmem:s24+$0x10]  }
0x324: {  	v11, _, _ =	vpop (xrf2);
	(xrf2) =	vadd.scan.msk.f32 $0xffff, v5;
	v5 =	vld [tilespmem:s23+$0x0];
	v55 =	vsel vm0, $0x0, v13;
	vm0 =	veq.s32 v10, $0x0  }
0x325: {  	(v2sf) =	vpush v11, $0xF;
	v10 =	vld [tilespmem:s23+$0x10];
	v7 =	vsel vm0, $0x0, v7;
	(xrf2) =	vadd.scan.msk.f32 $0xffff, v55  }
0x326: {  	v56, _, _ =	vpop (xrf2);
	(xrf2) =	vadd.scan.msk.f32 $0xffff, v7;
	v7 =	vand.u32 $0x100, v9  }
0x327: {  	(v2sf) =	vpush v56, $0xF;
	vm0 =	veq.s32 v7, $0x0;
	v7 =	vld [tilespmem:s23+$0x20]  }
0x328: {  	s0 =	spop (v2sf);
	v9, _, _ =	vpop (xrf2);
	v8 =	vand.u32 $0x100, v8  }
0x329: {  	s0 =	sadd.f32 s0, s28;
	(v2sf) =	vpush v9, $0xF;
	v5 =	vsel vm0, $0x0, v5;
	vm0 =	veq.s32 v8, $0x0  }
0x32a: {  	s2 =	spop (v2sf);
	v15, _, _ =	vpop (xrf2);
	v8 =	vld [tilespmem:s24+$0x30];
	(xrf2) =	vadd.scan.msk.f32 $0xffff, v5;
	v5 =	vsel vm0, $0x0, v10;
	v10 =	vand.u32 $0x100, v57  }
0x32b: {  	s2 =	sadd.f32 s2, s0;
	(v2sf) =	vpush v15, $0xF;
	vm0 =	veq.s32 v10, $0x0  }
0x32c: {  	s30 =	spop (v2sf);
	(xrf2) =	vadd.scan.msk.f32 $0xffff, v5;
	v5 =	vld [tilespmem:s23+$0x30];
	v58, _, _ =	vpop (xrf2);
	v7 =	vsel vm0, $0x0, v7  }
0x32d: {  	s24 =	sadd.f32 s30, s2;
	(v2sf) =	vpush v58, $0xF  }
0x32e: {  	s31 =	spop (v2sf);
	v10, _, _ =	vpop (xrf2);
	(xrf2) =	vadd.scan.msk.f32 $0xffff, v7  }
0x32f: {  	s23 =	sadd.f32 s31, s24;
	(v2sf) =	vpush v10, $0xF;
	v8 =	vand.u32 $0x100, v8;
	v7, _, _ =	vpop (xrf2)  }
0x330: {  	s25 =	spop (v2sf);
	vm0 =	veq.s32 v8, $0x0;
	v16, _, _ =	vpop (xrf2)  }
0x331: {  	s25 =	sadd.f32 s25, s23;
	v5 =	vsel vm0, $0x0, v5;
	(v2sf) =	vpush v16, $0xF  }
0x332: {  	s26 =	spop (v2sf)  }
0x333: {  	s26 =	sadd.f32 s26, s25;
	(v2sf) =	vpush v7, $0xF  }
0x334: {  	(xrf2) =	vadd.scan.msk.f32 $0xffff, v5;
	s29 =	spop (v2sf);
	v5, _, _ =	vpop (xrf2)  }
0x335: {  	s29 =	sadd.f32 s29, s26;
	(v2sf) =	vpush v5, $0xF  }
0x336: {  	s30 =	spop (v2sf);
	v8, _, _ =	vpop (xrf2)  }
0x337: {  	s30 =	sadd.f32 s30, s29;
	(v2sf) =	vpush v8, $0xF  }
0x338: {  	s31 =	spop (v2sf);
	v17, _, _ =	vpop (xrf2)  }
0x339: {  	s31 =	sadd.f32 s31, s30;
	(v2sf) =	vpush v17, $0xF  }
0x33a: {  	v2 =	vadd.f32 s28, v2;
	v1 =	vadd.f32 s0, v1;
	s28 =	spop (v2sf)  }
0x33b: {  	[tilespmem:s22+$0x10] =	vst v6;
	s0 =	sadd.f32 s28, s31  }
0x33c: {  	[tilespmem:s22+$0x20] =	vst v2;
	v2 =	vadd.f32 s2, v4;
	s2 =	spop (v2sf)  }
0x33d: {  	s21 =	sadd.s32 $0x80, s21;
	[tilespmem:s22+$0x30] =	vst v1;
	v0 =	vadd.f32 s24, v0;
	s2 =	sadd.f32 s2, s0  }
0x33e: {  	[tilespmem:s21+$0xFFFFFFC0] =	vst v2;
	v2 =	vadd.f32 s23, v14;
	v1, _, _ =	vpop (xrf2);
	s24 =	spop (v2sf)  }
0x33f: {  	[tilespmem:s21+$0xFFFFFFD0] =	vst v0;
	v3 =	vadd.f32 s25, v3;
	(v2sf) =	vpush v1, $0xF;
	s22 =	sadd.f32 s24, s2  }
0x340: {  	[tilespmem:s21+$0xFFFFFFE0] =	vst v2;
	v0 =	vadd.f32 s26, v11;
	s26 =	spop (v2sf)  }
0x341: {  	[tilespmem:s21+$0xFFFFFFF0] =	vst v3;
	v2 =	vadd.f32 s29, v56;
	s23 =	sadd.f32 s26, s22  }
0x342: {  	[tilespmem:s21+$0x0] =	vst v0;
	v0 =	vadd.f32 s30, v9;
	s30 =	spop (v2sf)  }
0x343: {  	[tilespmem:s21+$0x10] =	vst v2;
	v2 =	vadd.f32 s31, v15;
	s24 =	sadd.f32 s30, s23  }
0x344: {  	[tilespmem:s21+$0x20] =	vst v0;
	v0 =	vadd.f32 s0, v58;
	s25 =	spop (v2sf)  }
0x345: {  	[tilespmem:s21+$0x30] =	vst v2;
	v2 =	vadd.f32 s2, v10;
	s26 =	sadd.s32 $0x80, s21;
	s0 =	sadd.f32 s25, s24  }
0x346: {  	[tilespmem:s26+$0xFFFFFFC0] =	vst v0;
	v0 =	vadd.f32 s22, v16;
	s29 =	spop (v2sf)  }
0x347: {  	[tilespmem:s26+$0xFFFFFFD0] =	vst v2;
	v2 =	vadd.f32 s23, v7;
	s2 =	sadd.f32 s29, s0  }
0x348: {  	[tilespmem:s26+$0xFFFFFFE0] =	vst v0;
	v0 =	vadd.f32 s24, v5;
	s30 =	spop (v2sf)  }
0x349: {  	[tilespmem:s26+$0xFFFFFFF0] =	vst v2;
	v2 =	vadd.f32 s0, v8;
	s21 =	sadd.f32 s30, s2  }
0x34a: {  	[tilespmem:s26+$0x0] =	vst v0;
	v0 =	vadd.f32 s2, v17  }
0x34b: {  	[tilespmem:s26+$0x10] =	vst v2;
	v1 =	vadd.f32 s21, v1  }
0x34c: {  	[tilespmem:s26+$0x20] =	vst v0  }
0x34d: {  	[tilespmem:s26+$0x30] =	vst v1  }
0x34e: {  	s31 =	spop (v2sf);
	s2 =	rddreg [dreg:$0x13]  }
0x34f: {  	[hbm4b:s2+s9] =	stream.strided.scatter [tilespmem:s16], [sflag:$0x6], $0x2000, s10, s9, $0x38;
	[tilespmem:$0xC000] =	vst v63  }
0x350: {  	_ =	swait.ge [sflag:s11], $0x2000  }
0x351: {  	[sflag:s11] =	ssyncset.done $0x0  }
0x352: {  	s23 =	rddreg [dreg:$0x16];
	[sflag:s11] =	ssyncadd.s32 $0xFFFFE000  }
0x353: {  	[tilespmem:s12], [sflag:$0x2] =	stream.strided.gather [hbm4b:s23+s9], $0x2000, s10, s9, $0x38;
	[tilespmem:$0xC000] =	vst v63  }
0x354: {  	_ =	swait.ge [sflag:s17], $0x2000  }
0x355: {  	[sflag:s17] =	ssyncset.done $0x0  }
0x356: {  	s25 =	simm.s32 $0x6040;
	[sflag:s17] =	ssyncadd.s32 $0xFFFFE000  }
0x357: {  	v1 =	vld [tilespmem:s25+$0xFFFFFFC0]  }
0x358: {  	s24 =	simm.s32 $0x40;
	v2 =	vld [tilespmem:s25+$0xFFFFFFD0]  }
0x359: {  	v3 =	vld [tilespmem:s24+$0xFFFFFFC0]  }
0x35a: {  	v0 =	vld [tilespmem:s24+$0xFFFFFFD0]  }
0x35b: {  	v4 =	vld [tilespmem:s25+$0xFFFFFFF0]  }
0x35c: {  	v1 =	vand.u32 $0x10000, v1  }
0x35d: {  	v5 =	vld [tilespmem:s25+$0xFFFFFFE0];
	v2 =	vand.u32 $0x10000, v2;
	vm0 =	veq.s32 v1, $0x0  }
0x35e: {  	v6 =	vld [tilespmem:s24+$0xFFFFFFF0];
	v3 =	vsel vm0, $0x0, v3;
	vm0 =	veq.s32 v2, $0x0  }
0x35f: {  	v1 =	vld [tilespmem:s24+$0xFFFFFFE0];
	(xrf2) =	vadd.scan.msk.f32 $0xffff, v3;
	v0 =	vsel vm0, $0x0, v0  }
0x360: {  	v2 =	vand.u32 $0x10000, v4;
	v3 =	vld [tilespmem:s25+$0x0];
	(xrf2) =	vadd.scan.msk.f32 $0xffff, v0  }
0x361: {  	vm0 =	veq.s32 v2, $0x0;
	v2 =	vld [tilespmem:s25+$0x10]  }
0x362: {  	v4 =	vand.u32 $0x10000, v5;
	v0 =	vld [tilespmem:s24+$0x0]  }
0x363: {  	v5 =	vsel vm0, $0x0, v6;
	vm0 =	veq.s32 v4, $0x0;
	v4 =	vld [tilespmem:s24+$0x10]  }
0x364: {  	(xrf2) =	vadd.scan.msk.f32 $0xffff, v5;
	v1 =	vsel vm0, $0x0, v1  }
0x365: {  	(xrf2) =	vadd.scan.msk.f32 $0xffff, v1;
	v1 =	vand.u32 $0x10000, v3  }
0x366: {  	vm0 =	veq.s32 v1, $0x0;
	v1 =	vand.u32 $0x10000, v2  }
0x367: {  	v0 =	vsel vm0, $0x0, v0;
	vm0 =	veq.s32 v1, $0x0;
	v1 =	vld [tilespmem:s25+$0x20]  }
0x368: {  	(xrf2) =	vadd.scan.msk.f32 $0xffff, v0;
	v0 =	vsel vm0, $0x0, v4  }
0x369: {  	v3, _, _ =	vpop (xrf2);
	(xrf2) =	vadd.scan.msk.f32 $0xffff, v0;
	v0 =	vld [tilespmem:s24+$0x20]  }
0x36a: {  	v2 =	vld [tilespmem:s25+$0x30];
	(v2sf) =	vpush v3, $0xF;
	v5, _, _ =	vpop (xrf2)  }
0x36b: {  	(v2sf) =	vpush v5, $0xF  }
0x36c: {  	s23 =	simm.s32 $0x60C0;
	v4 =	vld [tilespmem:s24+$0x30];
	v1 =	vand.u32 $0x10000, v1  }
0x36d: {  	v7 =	vld [tilespmem:s23+$0xFFFFFFC0];
	vm0 =	veq.s32 v1, $0x0  }
0x36e: {  	v9 =	vld [tilespmem:s23+$0xFFFFFFD0];
	s24 =	simm.s32 $0xC0;
	v0 =	vsel vm0, $0x0, v0  }
0x36f: {  	v10 =	vld [tilespmem:s24+$0xFFFFFFC0];
	v6, _, _ =	vpop (xrf2);
	v1 =	vand.u32 $0x10000, v2;
	(xrf2) =	vadd.scan.msk.f32 $0xffff, v0  }
0x370: {  	v2 =	vld [tilespmem:s24+$0xFFFFFFD0];
	v8, _, _ =	vpop (xrf2);
	vm0 =	veq.s32 v1, $0x0  }
0x371: {  	(v2sf) =	vpush v8, $0xF;
	v0 =	vsel vm0, $0x0, v4;
	v4 =	vld [tilespmem:s23+$0xFFFFFFF0]  }
0x372: {  	(xrf2) =	vadd.scan.msk.f32 $0xffff, v0  }
0x373: {  	v1 =	vand.u32 $0x10000, v7;
	v7 =	vld [tilespmem:s24+$0xFFFFFFF0];
	(v2sf) =	vpush v6, $0xF  }
0x374: {  	vm0 =	veq.s32 v1, $0x0;
	v0 =	vand.u32 $0x10000, v9;
	v11, _, _ =	vpop (xrf2)  }
0x375: {  	v1 =	vsel vm0, $0x0, v10;
	vm0 =	veq.s32 v0, $0x0;
	v0 =	vld [tilespmem:s23+$0xFFFFFFE0];
	(v2sf) =	vpush v11, $0xF  }
0x376: {  	v9 =	vld [tilespmem:s24+$0xFFFFFFE0];
	v59, _, _ =	vpop (xrf2);
	(xrf2) =	vadd.scan.msk.f32 $0xffff, v1;
	v1 =	vsel vm0, $0x0, v2;
	v2 =	vand.u32 $0x10000, v4  }
0x377: {  	(v2sf) =	vpush v59, $0xF;
	v4 =	vld [tilespmem:s23+$0x0];
	vm0 =	veq.s32 v2, $0x0  }
0x378: {  	(xrf2) =	vadd.scan.msk.f32 $0xffff, v1;
	v1 =	vsel vm0, $0x0, v7;
	v7 =	vld [tilespmem:s23+$0x10]  }
0x379: {  	s29 =	spop (v2sf);
	v2, _, _ =	vpop (xrf2)  }
0x37a: {  	v0 =	vand.u32 $0x10000, v0;
	s30 =	spop (v2sf);
	(v2sf) =	vpush v2, $0xF  }
0x37b: {  	s26 =	sadd.f32 s31, s21;
	v10 =	vld [tilespmem:s24+$0x0];
	vm0 =	veq.s32 v0, $0x0  }
0x37c: {  	(xrf2) =	vadd.scan.msk.f32 $0xffff, v1;
	v0 =	vsel vm0, $0x0, v9;
	v4 =	vand.u32 $0x10000, v4;
	v1, _, _ =	vpop (xrf2)  }
0x37d: {  	s2 =	sadd.f32 s29, s26;
	vm0 =	veq.s32 v4, $0x0;
	(v2sf) =	vpush v1, $0xF;
	v4 =	vand.u32 $0x10000, v7  }
0x37e: {  	v60 =	vld [tilespmem:s24+$0x10];
	v3 =	vadd.f32 s26, v3;
	(xrf2) =	vadd.scan.msk.f32 $0xffff, v0  }
0x37f: {  	s21 =	simm.s32 $0x8040;
	v61 =	vld [tilespmem:s23+$0x20];
	s31 =	sadd.f32 s30, s2  }
0x380: {  	v62 =	vld [tilespmem:s23+$0x30];
	[tilespmem:s21+$0xFFFFFFC0] =	vst v3;
	v3 =	vsel vm0, $0x0, v10;
	vm0 =	veq.s32 v4, $0x0;
	s25 =	spop (v2sf);
	v4, _, _ =	vpop (xrf2)  }
0x381: {  	v9 =	vld [tilespmem:s24+$0x20];
	v7 =	vadd.f32 s2, v5;
	s22 =	sadd.f32 s25, s31;
	(xrf2) =	vadd.scan.msk.f32 $0xffff, v3;
	(v2sf) =	vpush v4, $0xF  }
0x382: {  	s26 =	spop (v2sf)  }
0x383: {  	s23 =	simm.s32 $0x140;
	v10 =	vsel vm0, $0x0, v60;
	v8 =	vadd.f32 s31, v8;
	[tilespmem:s21+$0xFFFFFFD0] =	vst v7;
	v7 =	vld [tilespmem:s24+$0x30];
	v0, _, _ =	vpop (xrf2);
	s29 =	sadd.f32 s26, s22  }
0x384: {  	v5 =	vld [tilespmem:s23+$0xFFFFFFD0];
	v3 =	vand.u32 $0x10000, v61;
	s24 =	simm.s32 $0x6140;
	(xrf2) =	vadd.scan.msk.f32 $0xffff, v10;
	v6 =	vadd.f32 s22, v6;
	(v2sf) =	vpush v0, $0xF;
	s30 =	spop (v2sf)  }
0x385: {  	vm0 =	veq.s32 v3, $0x0;
	[tilespmem:s21+$0xFFFFFFE0] =	vst v8;
	v8 =	vld [tilespmem:s24+$0xFFFFFFC0];
	v11 =	vadd.f32 s29, v11;
	s0 =	sadd.f32 s30, s29  }
0x386: {  	s25 =	simm.s32 $0x10;
	v63 =	vsel vm0, $0x0, v9;
	v9 =	vld [tilespmem:s24+$0xFFFFFFD0];
	[tilespmem:s21+$0xFFFFFFF0] =	vst v6;
	v6 =	vand.u32 $0x10000, v62;
	s31 =	spop (v2sf)  }
0x387: {  	v10 =	vld [tilespmem:s23+$0xFFFFFFC0];
	s26 =	simm.s32 $0x1C0;
	s22 =	simm.s32 $0x8040;
	v3, _, _ =	vpop (xrf2);
	(xrf2) =	vadd.scan.msk.f32 $0xffff, v63;
	vm0 =	veq.s32 v6, $0x0;
	[tilespmem:s21+$0x0] =	vst v11;
	v6 =	vadd.f32 s0, v59;
	s28 =	sadd.f32 s31, s0  }
.LBB2_14:
0x388: {  	v11 =	vld [tilespmem:s26+$0xFFFFFFD0];
	s25 =	sadd.s32 $0x8, s25;
	v7 =	vsel vm0, $0x0, v7;
	v12, _, _ =	vpop (xrf2);
	s21 =	sadd.s32 $0x80, s21  }
0x389: {  	p0 =	slt.u32 s25, $0x1F8;
	(v2sf) =	vpush v12, $0xF;
	[tilespmem:s22+$0x10] =	vst v6;
	v2 =	vadd.f32 s28, v2;
	s0 =	spop (v2sf)  }
0x38a: {  	v6 =	vand.u32 $0x10000, v8;
	v8 =	vld [tilespmem:s24+$0xFFFFFFE0];
	(v2sf) =	vpush v3, $0xF;
	(xrf2) =	vadd.scan.msk.f32 $0xffff, v7;
	s0 =	sadd.f32 s0, s28  }
0x38b: {  	vm0 =	veq.s32 v6, $0x0;
	v6 =	vand.u32 $0x10000, v9;
	v7 =	vld [tilespmem:s24+$0xFFFFFFF0];
	v9, _, _ =	vpop (xrf2);
	[tilespmem:s22+$0x20] =	vst v2  }
0x38c: {  	v2 =	vsel vm0, $0x0, v10;
	vm0 =	veq.s32 v6, $0x0;
	v6 =	vld [tilespmem:s23+$0xFFFFFFE0];
	v1 =	vadd.f32 s0, v1;
	s2 =	spop (v2sf)  }
0x38d: {  	v10 =	vsel vm0, $0x0, v5;
	v13 =	vld [tilespmem:s23+$0xFFFFFFF0];
	(xrf2) =	vadd.scan.msk.f32 $0xffff, v2;
	(v2sf) =	vpush v9, $0xF;
	s0 =	sadd.f32 s2, s0;
	v5 =	vmov v11  }
0x38e: {  	v11, _, _ =	vpop (xrf2);
	[tilespmem:s22+$0x30] =	vst v1;
	s22 =	smov.u32 s21  }
0x38f: {  	v1 =	vand.u32 $0x10000, v8;
	v8 =	vadd.f32 s0, v4;
	(v2sf) =	vpush v11, $0xF  }
0x390: {  	vm0 =	veq.s32 v1, $0x0;
	v1 =	vand.u32 $0x10000, v7;
	(xrf2) =	vadd.scan.msk.f32 $0xffff, v10;
	s2 =	spop (v2sf)  }
0x391: {  	v4 =	vsel vm0, $0x0, v6;
	vm0 =	veq.s32 v1, $0x0;
	v6 =	vld [tilespmem:s24+$0x0];
	[tilespmem:s21+$0xFFFFFFC0] =	vst v8;
	v2, _, _ =	vpop (xrf2)  }
0x392: {  	v13 =	vsel vm0, $0x0, v13;
	v7 =	vld [tilespmem:s24+$0x10];
	(v2sf) =	vpush v2, $0xF  }
0x393: {  	v8 =	vld [tilespmem:s23+$0x0];
	(xrf2) =	vadd.scan.msk.f32 $0xffff, v13;
	s28 =	spop (v2sf)  }
0x394: {  	v10 =	vld [tilespmem:s23+$0x10];
	v1, _, _ =	vpop (xrf2)  }
0x395: {  	s0 =	sadd.f32 s2, s0;
	(v2sf) =	vpush v1, $0xF  }
0x396: {  	v6 =	vand.u32 $0x10000, v6;
	v13 =	vld [tilespmem:s24+$0x20];
	(xrf2) =	vadd.scan.msk.f32 $0xffff, v4  }
0x397: {  	vm0 =	veq.s32 v6, $0x0;
	v6 =	vand.u32 $0x10000, v7;
	v4, _, _ =	vpop (xrf2);
	v7 =	vadd.f32 s0, v0;
	s0 =	sadd.f32 s28, s0  }
0x398: {  	v14 =	vsel vm0, $0x0, v8;
	vm0 =	veq.s32 v6, $0x0;
	v6 =	vld [tilespmem:s23+$0x20];
	s2 =	spop (v2sf)  }
0x399: {  	v8 =	vsel vm0, $0x0, v10;
	v10 =	vld [tilespmem:s24+$0x30];
	(v2sf) =	vpush v4, $0xF;
	(xrf2) =	vadd.scan.msk.f32 $0xffff, v14;
	v12 =	vadd.f32 s0, v12;
	s0 =	sadd.f32 s2, s0;
	s2 =	spop (v2sf)  }
0x39a: {  	v0, _, _ =	vpop (xrf2);
	[tilespmem:s21+$0xFFFFFFD0] =	vst v7  }
.Ltmp6:
0x39b: {  	v13 =	vand.u32 $0x10000, v13;
	v7 =	vld [tilespmem:s23+$0x30];
	[tilespmem:s21+$0xFFFFFFE0] =	vst v12;
	v12 =	vadd.f32 s0, v3;
	s0 =	sadd.f32 s2, s0;
	s23 =	smov.u32 s26;
	(pc) =	sbr.rel @p0 .LBB2_14-.Ltmp6, $4  }
0x39c: {  	s24 =	sadd.s32 $0x80, s24;
	vm0 =	veq.s32 v13, $0x0;
	(v2sf) =	vpush v0, $0xF;
	(xrf2) =	vadd.scan.msk.f32 $0xffff, v8;
	s2 =	spop (v2sf)  }
0x39d: {  	v8 =	vld [tilespmem:s24+$0xFFFFFFC0];
	v6 =	vsel vm0, $0x0, v6;
	v3, _, _ =	vpop (xrf2);
	[tilespmem:s21+$0xFFFFFFF0] =	vst v12;
	v12 =	vadd.f32 s0, v9;
	s0 =	sadd.f32 s2, s0  }
0x39e: {  	v9 =	vld [tilespmem:s24+$0xFFFFFFD0];
	v13 =	vand.u32 $0x10000, v10;
	s2 =	spop (v2sf)  }
0x39f: {  	s26 =	sadd.s32 $0x80, s26;
	v10 =	vld [tilespmem:s23+$0xFFFFFFC0];
	vm0 =	veq.s32 v13, $0x0;
	(xrf2) =	vadd.scan.msk.f32 $0xffff, v6;
	[tilespmem:s21+$0x0] =	vst v12;
	v6 =	vadd.f32 s0, v11;
	s28 =	sadd.f32 s2, s0  }
0x3a0: {  	_ = 	snop  }
0x3a1: {  	v11 =	vld [tilespmem:s24+$0xFFFFFFF0]  }
0x3a2: {  	v12 =	vld [tilespmem:s24+$0xFFFFFFE0];
	v8 =	vand.u32 $0x10000, v8  }
0x3a3: {  	v7 =	vsel vm0, $0x0, v7;
	v13 =	vld [tilespmem:s23+$0xFFFFFFF0];
	vm0 =	veq.s32 v8, $0x0  }
0x3a4: {  	v14, _, _ =	vpop (xrf2);
	(xrf2) =	vadd.scan.msk.f32 $0xffff, v7;
	v7 =	vld [tilespmem:s23+$0xFFFFFFE0];
	v8 =	vand.u32 $0x10000, v9;
	v9 =	vsel vm0, $0x0, v10  }
0x3a5: {  	(v2sf) =	vpush v14, $0xF;
	(xrf2) =	vadd.scan.msk.f32 $0xffff, v9;
	v9 =	vld [tilespmem:s24+$0x0]  }
0x3a6: {  	v57 =	vld [tilespmem:s24+$0x20];
	(v2sf) =	vpush v3, $0xF;
	vm0 =	veq.s32 v8, $0x0;
	v8 =	vand.u32 $0x10000, v11  }
0x3a7: {  	v5 =	vsel vm0, $0x0, v5;
	v10 =	vand.u32 $0x10000, v12;
	vm0 =	veq.s32 v8, $0x0;
	v8 =	vld [tilespmem:s24+$0x10]  }
0x3a8: {  	v11, _, _ =	vpop (xrf2);
	(xrf2) =	vadd.scan.msk.f32 $0xffff, v5;
	v5 =	vld [tilespmem:s23+$0x0];
	v55 =	vsel vm0, $0x0, v13;
	vm0 =	veq.s32 v10, $0x0  }
0x3a9: {  	(v2sf) =	vpush v11, $0xF;
	v10 =	vld [tilespmem:s23+$0x10];
	v7 =	vsel vm0, $0x0, v7;
	(xrf2) =	vadd.scan.msk.f32 $0xffff, v55  }
0x3aa: {  	v56, _, _ =	vpop (xrf2);
	(xrf2) =	vadd.scan.msk.f32 $0xffff, v7;
	v7 =	vand.u32 $0x10000, v9  }
0x3ab: {  	(v2sf) =	vpush v56, $0xF;
	vm0 =	veq.s32 v7, $0x0;
	v7 =	vld [tilespmem:s23+$0x20]  }
0x3ac: {  	s0 =	spop (v2sf);
	v9, _, _ =	vpop (xrf2);
	v8 =	vand.u32 $0x10000, v8  }
0x3ad: {  	s0 =	sadd.f32 s0, s28;
	(v2sf) =	vpush v9, $0xF;
	v5 =	vsel vm0, $0x0, v5;
	vm0 =	veq.s32 v8, $0x0  }
0x3ae: {  	s2 =	spop (v2sf);
	v15, _, _ =	vpop (xrf2);
	v8 =	vld [tilespmem:s24+$0x30];
	(xrf2) =	vadd.scan.msk.f32 $0xffff, v5;
	v5 =	vsel vm0, $0x0, v10;
	v10 =	vand.u32 $0x10000, v57  }
0x3af: {  	s2 =	sadd.f32 s2, s0;
	(v2sf) =	vpush v15, $0xF;
	vm0 =	veq.s32 v10, $0x0  }
0x3b0: {  	s30 =	spop (v2sf);
	(xrf2) =	vadd.scan.msk.f32 $0xffff, v5;
	v5 =	vld [tilespmem:s23+$0x30];
	v58, _, _ =	vpop (xrf2);
	v7 =	vsel vm0, $0x0, v7  }
0x3b1: {  	s24 =	sadd.f32 s30, s2;
	(v2sf) =	vpush v58, $0xF  }
0x3b2: {  	s31 =	spop (v2sf);
	v10, _, _ =	vpop (xrf2);
	(xrf2) =	vadd.scan.msk.f32 $0xffff, v7  }
0x3b3: {  	s23 =	sadd.f32 s31, s24;
	(v2sf) =	vpush v10, $0xF;
	v8 =	vand.u32 $0x10000, v8;
	v7, _, _ =	vpop (xrf2)  }
0x3b4: {  	s25 =	spop (v2sf);
	vm0 =	veq.s32 v8, $0x0;
	v16, _, _ =	vpop (xrf2)  }
0x3b5: {  	s25 =	sadd.f32 s25, s23;
	v5 =	vsel vm0, $0x0, v5;
	(v2sf) =	vpush v16, $0xF  }
0x3b6: {  	s26 =	spop (v2sf)  }
0x3b7: {  	s26 =	sadd.f32 s26, s25;
	(v2sf) =	vpush v7, $0xF  }
0x3b8: {  	(xrf2) =	vadd.scan.msk.f32 $0xffff, v5;
	s29 =	spop (v2sf);
	v5, _, _ =	vpop (xrf2)  }
0x3b9: {  	s29 =	sadd.f32 s29, s26;
	(v2sf) =	vpush v5, $0xF  }
0x3ba: {  	s30 =	spop (v2sf);
	v8, _, _ =	vpop (xrf2)  }
0x3bb: {  	s30 =	sadd.f32 s30, s29;
	(v2sf) =	vpush v8, $0xF  }
0x3bc: {  	s31 =	spop (v2sf);
	v17, _, _ =	vpop (xrf2)  }
0x3bd: {  	s31 =	sadd.f32 s31, s30;
	(v2sf) =	vpush v17, $0xF  }
0x3be: {  	v2 =	vadd.f32 s28, v2;
	v1 =	vadd.f32 s0, v1;
	s28 =	spop (v2sf)  }
0x3bf: {  	[tilespmem:s22+$0x10] =	vst v6;
	s0 =	sadd.f32 s28, s31  }
0x3c0: {  	[tilespmem:s22+$0x20] =	vst v2;
	v2 =	vadd.f32 s2, v4;
	s2 =	spop (v2sf)  }
0x3c1: {  	s21 =	sadd.s32 $0x80, s21;
	[tilespmem:s22+$0x30] =	vst v1;
	v0 =	vadd.f32 s24, v0;
	s2 =	sadd.f32 s2, s0  }
0x3c2: {  	[tilespmem:s21+$0xFFFFFFC0] =	vst v2;
	v2 =	vadd.f32 s23, v14;
	v1, _, _ =	vpop (xrf2);
	s24 =	spop (v2sf)  }
0x3c3: {  	[tilespmem:s21+$0xFFFFFFD0] =	vst v0;
	v3 =	vadd.f32 s25, v3;
	(v2sf) =	vpush v1, $0xF;
	s22 =	sadd.f32 s24, s2  }
0x3c4: {  	[tilespmem:s21+$0xFFFFFFE0] =	vst v2;
	v0 =	vadd.f32 s26, v11;
	s26 =	spop (v2sf)  }
0x3c5: {  	[tilespmem:s21+$0xFFFFFFF0] =	vst v3;
	v2 =	vadd.f32 s29, v56;
	s23 =	sadd.f32 s26, s22  }
0x3c6: {  	[tilespmem:s21+$0x0] =	vst v0;
	v0 =	vadd.f32 s30, v9;
	s30 =	spop (v2sf)  }
0x3c7: {  	[tilespmem:s21+$0x10] =	vst v2;
	v2 =	vadd.f32 s31, v15;
	s24 =	sadd.f32 s30, s23  }
0x3c8: {  	[tilespmem:s21+$0x20] =	vst v0;
	v0 =	vadd.f32 s0, v58;
	s25 =	spop (v2sf)  }
0x3c9: {  	[tilespmem:s21+$0x30] =	vst v2;
	v2 =	vadd.f32 s2, v10;
	s26 =	sadd.s32 $0x80, s21;
	s0 =	sadd.f32 s25, s24  }
0x3ca: {  	[tilespmem:s26+$0xFFFFFFC0] =	vst v0;
	v0 =	vadd.f32 s22, v16;
	s29 =	spop (v2sf)  }
0x3cb: {  	[tilespmem:s26+$0xFFFFFFD0] =	vst v2;
	v2 =	vadd.f32 s23, v7;
	s2 =	sadd.f32 s29, s0  }
0x3cc: {  	[tilespmem:s26+$0xFFFFFFE0] =	vst v0;
	v0 =	vadd.f32 s24, v5;
	s30 =	spop (v2sf)  }
0x3cd: {  	[tilespmem:s26+$0xFFFFFFF0] =	vst v2;
	v2 =	vadd.f32 s0, v8;
	s21 =	sadd.f32 s30, s2  }
0x3ce: {  	[tilespmem:s26+$0x0] =	vst v0;
	v0 =	vadd.f32 s2, v17  }
0x3cf: {  	[tilespmem:s26+$0x10] =	vst v2;
	v1 =	vadd.f32 s21, v1  }
0x3d0: {  	[tilespmem:s26+$0x20] =	vst v0  }
0x3d1: {  	[tilespmem:s26+$0x30] =	vst v1  }
0x3d2: {  	s31 =	spop (v2sf);
	s2 =	rddreg [dreg:$0x15]  }
0x3d3: {  	[hbm4b:s2+s9] =	stream.strided.scatter [tilespmem:s14], [sflag:$0x5], $0x2000, s10, s9, $0x38;
	[tilespmem:$0xC000] =	vst v63  }
0x3d4: {  	_ =	swait.ge [sflag:s15], $0x2000  }
0x3d5: {  	[sflag:s15] =	ssyncset.done $0x0  }
0x3d6: {  	s23 =	rddreg [dreg:$0x18];
	[sflag:s15] =	ssyncadd.s32 $0xFFFFE000  }
0x3d7: {  	[tilespmem:s1], [sflag:$0x1] =	stream.strided.gather [hbm4b:s23+s9], $0x2000, s10, s9, $0x38;
	[tilespmem:$0xC000] =	vst v63  }
0x3d8: {  	_ =	swait.ge [sflag:s18], $0x2000  }
0x3d9: {  	[sflag:s18] =	ssyncset.done $0x0  }
0x3da: {  	s25 =	simm.s32 $0x6040;
	[sflag:s18] =	ssyncadd.s32 $0xFFFFE000  }
0x3db: {  	v1 =	vld [tilespmem:s25+$0xFFFFFFC0]  }
0x3dc: {  	s24 =	simm.s32 $0x2040;
	v2 =	vld [tilespmem:s25+$0xFFFFFFD0]  }
0x3dd: {  	v3 =	vld [tilespmem:s24+$0xFFFFFFC0]  }
0x3de: {  	v0 =	vld [tilespmem:s24+$0xFFFFFFD0]  }
0x3df: {  	v4 =	vld [tilespmem:s25+$0xFFFFFFF0]  }
0x3e0: {  	v1 =	vand.u32 $0x1000000, v1  }
0x3e1: {  	v5 =	vld [tilespmem:s25+$0xFFFFFFE0];
	v2 =	vand.u32 $0x1000000, v2;
	vm0 =	veq.s32 v1, $0x0  }
0x3e2: {  	v6 =	vld [tilespmem:s24+$0xFFFFFFF0];
	v3 =	vsel vm0, $0x0, v3;
	vm0 =	veq.s32 v2, $0x0  }
0x3e3: {  	v1 =	vld [tilespmem:s24+$0xFFFFFFE0];
	(xrf2) =	vadd.scan.msk.f32 $0xffff, v3;
	v0 =	vsel vm0, $0x0, v0  }
0x3e4: {  	v2 =	vand.u32 $0x1000000, v4;
	v3 =	vld [tilespmem:s25+$0x0];
	(xrf2) =	vadd.scan.msk.f32 $0xffff, v0  }
0x3e5: {  	vm0 =	veq.s32 v2, $0x0;
	v2 =	vld [tilespmem:s25+$0x10]  }
0x3e6: {  	v4 =	vand.u32 $0x1000000, v5;
	v0 =	vld [tilespmem:s24+$0x0]  }
0x3e7: {  	v5 =	vsel vm0, $0x0, v6;
	vm0 =	veq.s32 v4, $0x0;
	v4 =	vld [tilespmem:s24+$0x10]  }
0x3e8: {  	(xrf2) =	vadd.scan.msk.f32 $0xffff, v5;
	v1 =	vsel vm0, $0x0, v1  }
0x3e9: {  	(xrf2) =	vadd.scan.msk.f32 $0xffff, v1;
	v1 =	vand.u32 $0x1000000, v3  }
0x3ea: {  	vm0 =	veq.s32 v1, $0x0;
	v1 =	vand.u32 $0x1000000, v2  }
0x3eb: {  	v0 =	vsel vm0, $0x0, v0;
	vm0 =	veq.s32 v1, $0x0;
	v1 =	vld [tilespmem:s25+$0x20]  }
0x3ec: {  	(xrf2) =	vadd.scan.msk.f32 $0xffff, v0;
	v0 =	vsel vm0, $0x0, v4  }
0x3ed: {  	v3, _, _ =	vpop (xrf2);
	(xrf2) =	vadd.scan.msk.f32 $0xffff, v0;
	v0 =	vld [tilespmem:s24+$0x20]  }
0x3ee: {  	v2 =	vld [tilespmem:s25+$0x30];
	(v2sf) =	vpush v3, $0xF;
	v5, _, _ =	vpop (xrf2)  }
0x3ef: {  	(v2sf) =	vpush v5, $0xF  }
0x3f0: {  	s23 =	simm.s32 $0x60C0;
	v4 =	vld [tilespmem:s24+$0x30];
	v1 =	vand.u32 $0x1000000, v1  }
0x3f1: {  	v7 =	vld [tilespmem:s23+$0xFFFFFFC0];
	vm0 =	veq.s32 v1, $0x0  }
0x3f2: {  	v9 =	vld [tilespmem:s23+$0xFFFFFFD0];
	s24 =	simm.s32 $0x20C0;
	v0 =	vsel vm0, $0x0, v0  }
0x3f3: {  	v10 =	vld [tilespmem:s24+$0xFFFFFFC0];
	v6, _, _ =	vpop (xrf2);
	v1 =	vand.u32 $0x1000000, v2;
	(xrf2) =	vadd.scan.msk.f32 $0xffff, v0  }
0x3f4: {  	v2 =	vld [tilespmem:s24+$0xFFFFFFD0];
	v8, _, _ =	vpop (xrf2);
	vm0 =	veq.s32 v1, $0x0  }
0x3f5: {  	(v2sf) =	vpush v8, $0xF;
	v0 =	vsel vm0, $0x0, v4;
	v4 =	vld [tilespmem:s23+$0xFFFFFFF0]  }
0x3f6: {  	(xrf2) =	vadd.scan.msk.f32 $0xffff, v0  }
0x3f7: {  	v1 =	vand.u32 $0x1000000, v7;
	v7 =	vld [tilespmem:s24+$0xFFFFFFF0];
	(v2sf) =	vpush v6, $0xF  }
0x3f8: {  	vm0 =	veq.s32 v1, $0x0;
	v0 =	vand.u32 $0x1000000, v9;
	v11, _, _ =	vpop (xrf2)  }
0x3f9: {  	v1 =	vsel vm0, $0x0, v10;
	vm0 =	veq.s32 v0, $0x0;
	v0 =	vld [tilespmem:s23+$0xFFFFFFE0];
	(v2sf) =	vpush v11, $0xF  }
0x3fa: {  	v9 =	vld [tilespmem:s24+$0xFFFFFFE0];
	v59, _, _ =	vpop (xrf2);
	(xrf2) =	vadd.scan.msk.f32 $0xffff, v1;
	v1 =	vsel vm0, $0x0, v2;
	v2 =	vand.u32 $0x1000000, v4  }
0x3fb: {  	(v2sf) =	vpush v59, $0xF;
	v4 =	vld [tilespmem:s23+$0x0];
	vm0 =	veq.s32 v2, $0x0  }
0x3fc: {  	(xrf2) =	vadd.scan.msk.f32 $0xffff, v1;
	v1 =	vsel vm0, $0x0, v7;
	v7 =	vld [tilespmem:s23+$0x10]  }
0x3fd: {  	s29 =	spop (v2sf);
	v2, _, _ =	vpop (xrf2)  }
0x3fe: {  	v0 =	vand.u32 $0x1000000, v0;
	s30 =	spop (v2sf);
	(v2sf) =	vpush v2, $0xF  }
0x3ff: {  	s26 =	sadd.f32 s31, s21;
	v10 =	vld [tilespmem:s24+$0x0];
	vm0 =	veq.s32 v0, $0x0  }
0x400: {  	(xrf2) =	vadd.scan.msk.f32 $0xffff, v1;
	v0 =	vsel vm0, $0x0, v9;
	v4 =	vand.u32 $0x1000000, v4;
	v1, _, _ =	vpop (xrf2)  }
0x401: {  	s2 =	sadd.f32 s29, s26;
	vm0 =	veq.s32 v4, $0x0;
	(v2sf) =	vpush v1, $0xF;
	v4 =	vand.u32 $0x1000000, v7  }
0x402: {  	v60 =	vld [tilespmem:s24+$0x10];
	v3 =	vadd.f32 s26, v3;
	(xrf2) =	vadd.scan.msk.f32 $0xffff, v0  }
0x403: {  	s21 =	simm.s32 $0xA040;
	v61 =	vld [tilespmem:s23+$0x20];
	s31 =	sadd.f32 s30, s2  }
0x404: {  	v62 =	vld [tilespmem:s23+$0x30];
	[tilespmem:s21+$0xFFFFFFC0] =	vst v3;
	v3 =	vsel vm0, $0x0, v10;
	vm0 =	veq.s32 v4, $0x0;
	s25 =	spop (v2sf);
	v4, _, _ =	vpop (xrf2)  }
0x405: {  	v9 =	vld [tilespmem:s24+$0x20];
	v7 =	vadd.f32 s2, v5;
	s22 =	sadd.f32 s25, s31;
	(xrf2) =	vadd.scan.msk.f32 $0xffff, v3;
	(v2sf) =	vpush v4, $0xF  }
0x406: {  	s26 =	spop (v2sf)  }
0x407: {  	s23 =	simm.s32 $0x2140;
	v10 =	vsel vm0, $0x0, v60;
	v8 =	vadd.f32 s31, v8;
	[tilespmem:s21+$0xFFFFFFD0] =	vst v7;
	v7 =	vld [tilespmem:s24+$0x30];
	v0, _, _ =	vpop (xrf2);
	s29 =	sadd.f32 s26, s22  }
0x408: {  	v5 =	vld [tilespmem:s23+$0xFFFFFFD0];
	v3 =	vand.u32 $0x1000000, v61;
	s24 =	simm.s32 $0x6140;
	(xrf2) =	vadd.scan.msk.f32 $0xffff, v10;
	v6 =	vadd.f32 s22, v6;
	(v2sf) =	vpush v0, $0xF;
	s30 =	spop (v2sf)  }
0x409: {  	vm0 =	veq.s32 v3, $0x0;
	[tilespmem:s21+$0xFFFFFFE0] =	vst v8;
	v8 =	vld [tilespmem:s24+$0xFFFFFFC0];
	v11 =	vadd.f32 s29, v11;
	s0 =	sadd.f32 s30, s29  }
0x40a: {  	s25 =	simm.s32 $0x10;
	v63 =	vsel vm0, $0x0, v9;
	v9 =	vld [tilespmem:s24+$0xFFFFFFD0];
	[tilespmem:s21+$0xFFFFFFF0] =	vst v6;
	v6 =	vand.u32 $0x1000000, v62;
	s31 =	spop (v2sf)  }
0x40b: {  	v10 =	vld [tilespmem:s23+$0xFFFFFFC0];
	s26 =	simm.s32 $0x21C0;
	s22 =	simm.s32 $0xA040;
	v3, _, _ =	vpop (xrf2);
	(xrf2) =	vadd.scan.msk.f32 $0xffff, v63;
	vm0 =	veq.s32 v6, $0x0;
	[tilespmem:s21+$0x0] =	vst v11;
	v6 =	vadd.f32 s0, v59;
	s28 =	sadd.f32 s31, s0  }
.LBB2_16:
0x40c: {  	v11 =	vld [tilespmem:s26+$0xFFFFFFD0];
	s25 =	sadd.s32 $0x8, s25;
	v7 =	vsel vm0, $0x0, v7;
	v12, _, _ =	vpop (xrf2);
	s21 =	sadd.s32 $0x80, s21  }
0x40d: {  	p0 =	slt.u32 s25, $0x1F8;
	(v2sf) =	vpush v12, $0xF;
	[tilespmem:s22+$0x10] =	vst v6;
	v2 =	vadd.f32 s28, v2;
	s0 =	spop (v2sf)  }
0x40e: {  	v6 =	vand.u32 $0x1000000, v8;
	v8 =	vld [tilespmem:s24+$0xFFFFFFE0];
	(v2sf) =	vpush v3, $0xF;
	(xrf2) =	vadd.scan.msk.f32 $0xffff, v7;
	s0 =	sadd.f32 s0, s28  }
0x40f: {  	vm0 =	veq.s32 v6, $0x0;
	v6 =	vand.u32 $0x1000000, v9;
	v7 =	vld [tilespmem:s24+$0xFFFFFFF0];
	v9, _, _ =	vpop (xrf2);
	[tilespmem:s22+$0x20] =	vst v2  }
0x410: {  	v2 =	vsel vm0, $0x0, v10;
	vm0 =	veq.s32 v6, $0x0;
	v6 =	vld [tilespmem:s23+$0xFFFFFFE0];
	v1 =	vadd.f32 s0, v1;
	s2 =	spop (v2sf)  }
0x411: {  	v10 =	vsel vm0, $0x0, v5;
	v13 =	vld [tilespmem:s23+$0xFFFFFFF0];
	(xrf2) =	vadd.scan.msk.f32 $0xffff, v2;
	(v2sf) =	vpush v9, $0xF;
	s0 =	sadd.f32 s2, s0;
	v5 =	vmov v11  }
0x412: {  	v11, _, _ =	vpop (xrf2);
	[tilespmem:s22+$0x30] =	vst v1;
	s22 =	smov.u32 s21  }
0x413: {  	v1 =	vand.u32 $0x1000000, v8;
	v8 =	vadd.f32 s0, v4;
	(v2sf) =	vpush v11, $0xF  }
0x414: {  	vm0 =	veq.s32 v1, $0x0;
	v1 =	vand.u32 $0x1000000, v7;
	(xrf2) =	vadd.scan.msk.f32 $0xffff, v10;
	s2 =	spop (v2sf)  }
0x415: {  	v4 =	vsel vm0, $0x0, v6;
	vm0 =	veq.s32 v1, $0x0;
	v6 =	vld [tilespmem:s24+$0x0];
	[tilespmem:s21+$0xFFFFFFC0] =	vst v8;
	v2, _, _ =	vpop (xrf2)  }
0x416: {  	v13 =	vsel vm0, $0x0, v13;
	v7 =	vld [tilespmem:s24+$0x10];
	(v2sf) =	vpush v2, $0xF  }
0x417: {  	v8 =	vld [tilespmem:s23+$0x0];
	(xrf2) =	vadd.scan.msk.f32 $0xffff, v13;
	s28 =	spop (v2sf)  }
0x418: {  	v10 =	vld [tilespmem:s23+$0x10];
	v1, _, _ =	vpop (xrf2)  }
0x419: {  	s0 =	sadd.f32 s2, s0;
	(v2sf) =	vpush v1, $0xF  }
0x41a: {  	v6 =	vand.u32 $0x1000000, v6;
	v13 =	vld [tilespmem:s24+$0x20];
	(xrf2) =	vadd.scan.msk.f32 $0xffff, v4  }
0x41b: {  	vm0 =	veq.s32 v6, $0x0;
	v6 =	vand.u32 $0x1000000, v7;
	v4, _, _ =	vpop (xrf2);
	v7 =	vadd.f32 s0, v0;
	s0 =	sadd.f32 s28, s0  }
0x41c: {  	v14 =	vsel vm0, $0x0, v8;
	vm0 =	veq.s32 v6, $0x0;
	v6 =	vld [tilespmem:s23+$0x20];
	s2 =	spop (v2sf)  }
0x41d: {  	v8 =	vsel vm0, $0x0, v10;
	v10 =	vld [tilespmem:s24+$0x30];
	(v2sf) =	vpush v4, $0xF;
	(xrf2) =	vadd.scan.msk.f32 $0xffff, v14;
	v12 =	vadd.f32 s0, v12;
	s0 =	sadd.f32 s2, s0;
	s2 =	spop (v2sf)  }
0x41e: {  	v0, _, _ =	vpop (xrf2);
	[tilespmem:s21+$0xFFFFFFD0] =	vst v7  }
.Ltmp7:
0x41f: {  	v13 =	vand.u32 $0x1000000, v13;
	v7 =	vld [tilespmem:s23+$0x30];
	[tilespmem:s21+$0xFFFFFFE0] =	vst v12;
	v12 =	vadd.f32 s0, v3;
	s0 =	sadd.f32 s2, s0;
	s23 =	smov.u32 s26;
	(pc) =	sbr.rel @p0 .LBB2_16-.Ltmp7, $4  }
0x420: {  	s24 =	sadd.s32 $0x80, s24;
	vm0 =	veq.s32 v13, $0x0;
	(v2sf) =	vpush v0, $0xF;
	(xrf2) =	vadd.scan.msk.f32 $0xffff, v8;
	s2 =	spop (v2sf)  }
0x421: {  	v8 =	vld [tilespmem:s24+$0xFFFFFFC0];
	v6 =	vsel vm0, $0x0, v6;
	v3, _, _ =	vpop (xrf2);
	[tilespmem:s21+$0xFFFFFFF0] =	vst v12;
	v12 =	vadd.f32 s0, v9;
	s0 =	sadd.f32 s2, s0  }
0x422: {  	v9 =	vld [tilespmem:s24+$0xFFFFFFD0];
	v13 =	vand.u32 $0x1000000, v10;
	s2 =	spop (v2sf)  }
0x423: {  	s26 =	sadd.s32 $0x80, s26;
	v10 =	vld [tilespmem:s23+$0xFFFFFFC0];
	vm0 =	veq.s32 v13, $0x0;
	(xrf2) =	vadd.scan.msk.f32 $0xffff, v6;
	[tilespmem:s21+$0x0] =	vst v12;
	v6 =	vadd.f32 s0, v11;
	s28 =	sadd.f32 s2, s0  }
0x424: {  	_ = 	snop  }
0x425: {  	v11 =	vld [tilespmem:s24+$0xFFFFFFF0]  }
0x426: {  	v12 =	vld [tilespmem:s24+$0xFFFFFFE0];
	v8 =	vand.u32 $0x1000000, v8  }
0x427: {  	v7 =	vsel vm0, $0x0, v7;
	v13 =	vld [tilespmem:s23+$0xFFFFFFF0];
	vm0 =	veq.s32 v8, $0x0  }
0x428: {  	v14, _, _ =	vpop (xrf2);
	(xrf2) =	vadd.scan.msk.f32 $0xffff, v7;
	v7 =	vld [tilespmem:s23+$0xFFFFFFE0];
	v8 =	vand.u32 $0x1000000, v9;
	v9 =	vsel vm0, $0x0, v10  }
0x429: {  	(v2sf) =	vpush v14, $0xF;
	(xrf2) =	vadd.scan.msk.f32 $0xffff, v9;
	v9 =	vld [tilespmem:s24+$0x0]  }
0x42a: {  	v57 =	vld [tilespmem:s24+$0x20];
	(v2sf) =	vpush v3, $0xF;
	vm0 =	veq.s32 v8, $0x0;
	v8 =	vand.u32 $0x1000000, v11  }
0x42b: {  	v5 =	vsel vm0, $0x0, v5;
	v10 =	vand.u32 $0x1000000, v12;
	vm0 =	veq.s32 v8, $0x0;
	v8 =	vld [tilespmem:s24+$0x10]  }
0x42c: {  	v11, _, _ =	vpop (xrf2);
	(xrf2) =	vadd.scan.msk.f32 $0xffff, v5;
	v5 =	vld [tilespmem:s23+$0x0];
	v55 =	vsel vm0, $0x0, v13;
	vm0 =	veq.s32 v10, $0x0  }
0x42d: {  	(v2sf) =	vpush v11, $0xF;
	v10 =	vld [tilespmem:s23+$0x10];
	v7 =	vsel vm0, $0x0, v7;
	(xrf2) =	vadd.scan.msk.f32 $0xffff, v55  }
0x42e: {  	v56, _, _ =	vpop (xrf2);
	(xrf2) =	vadd.scan.msk.f32 $0xffff, v7;
	v7 =	vand.u32 $0x1000000, v9  }
0x42f: {  	(v2sf) =	vpush v56, $0xF;
	vm0 =	veq.s32 v7, $0x0;
	v7 =	vld [tilespmem:s23+$0x20]  }
0x430: {  	s0 =	spop (v2sf);
	v9, _, _ =	vpop (xrf2);
	v8 =	vand.u32 $0x1000000, v8  }
0x431: {  	s0 =	sadd.f32 s0, s28;
	(v2sf) =	vpush v9, $0xF;
	v5 =	vsel vm0, $0x0, v5;
	vm0 =	veq.s32 v8, $0x0  }
0x432: {  	s2 =	spop (v2sf);
	v15, _, _ =	vpop (xrf2);
	v8 =	vld [tilespmem:s24+$0x30];
	(xrf2) =	vadd.scan.msk.f32 $0xffff, v5;
	v5 =	vsel vm0, $0x0, v10;
	v10 =	vand.u32 $0x1000000, v57  }
0x433: {  	s2 =	sadd.f32 s2, s0;
	(v2sf) =	vpush v15, $0xF;
	vm0 =	veq.s32 v10, $0x0  }
0x434: {  	s30 =	spop (v2sf);
	(xrf2) =	vadd.scan.msk.f32 $0xffff, v5;
	v5 =	vld [tilespmem:s23+$0x30];
	v58, _, _ =	vpop (xrf2);
	v7 =	vsel vm0, $0x0, v7  }
0x435: {  	s24 =	sadd.f32 s30, s2;
	(v2sf) =	vpush v58, $0xF  }
0x436: {  	s31 =	spop (v2sf);
	v10, _, _ =	vpop (xrf2);
	(xrf2) =	vadd.scan.msk.f32 $0xffff, v7  }
0x437: {  	s23 =	sadd.f32 s31, s24;
	(v2sf) =	vpush v10, $0xF;
	v8 =	vand.u32 $0x1000000, v8;
	v7, _, _ =	vpop (xrf2)  }
0x438: {  	s25 =	spop (v2sf);
	vm0 =	veq.s32 v8, $0x0;
	v16, _, _ =	vpop (xrf2)  }
0x439: {  	s25 =	sadd.f32 s25, s23;
	v5 =	vsel vm0, $0x0, v5;
	(v2sf) =	vpush v16, $0xF  }
0x43a: {  	s26 =	spop (v2sf)  }
0x43b: {  	s26 =	sadd.f32 s26, s25;
	(v2sf) =	vpush v7, $0xF  }
0x43c: {  	(xrf2) =	vadd.scan.msk.f32 $0xffff, v5;
	s29 =	spop (v2sf);
	v5, _, _ =	vpop (xrf2)  }
0x43d: {  	s29 =	sadd.f32 s29, s26;
	(v2sf) =	vpush v5, $0xF  }
0x43e: {  	s30 =	spop (v2sf);
	v8, _, _ =	vpop (xrf2)  }
0x43f: {  	s30 =	sadd.f32 s30, s29;
	(v2sf) =	vpush v8, $0xF  }
0x440: {  	s31 =	spop (v2sf);
	v17, _, _ =	vpop (xrf2)  }
0x441: {  	s31 =	sadd.f32 s31, s30;
	(v2sf) =	vpush v17, $0xF  }
0x442: {  	v2 =	vadd.f32 s28, v2;
	v1 =	vadd.f32 s0, v1;
	s28 =	spop (v2sf)  }
0x443: {  	[tilespmem:s22+$0x10] =	vst v6;
	s0 =	sadd.f32 s28, s31  }
0x444: {  	[tilespmem:s22+$0x20] =	vst v2;
	v2 =	vadd.f32 s2, v4;
	s2 =	spop (v2sf)  }
0x445: {  	s21 =	sadd.s32 $0x80, s21;
	[tilespmem:s22+$0x30] =	vst v1;
	v0 =	vadd.f32 s24, v0;
	s2 =	sadd.f32 s2, s0  }
0x446: {  	[tilespmem:s21+$0xFFFFFFC0] =	vst v2;
	v2 =	vadd.f32 s23, v14;
	v1, _, _ =	vpop (xrf2);
	s24 =	spop (v2sf)  }
0x447: {  	[tilespmem:s21+$0xFFFFFFD0] =	vst v0;
	v3 =	vadd.f32 s25, v3;
	(v2sf) =	vpush v1, $0xF;
	s22 =	sadd.f32 s24, s2  }
0x448: {  	[tilespmem:s21+$0xFFFFFFE0] =	vst v2;
	v0 =	vadd.f32 s26, v11;
	s26 =	spop (v2sf)  }
0x449: {  	[tilespmem:s21+$0xFFFFFFF0] =	vst v3;
	v2 =	vadd.f32 s29, v56;
	s23 =	sadd.f32 s26, s22  }
0x44a: {  	[tilespmem:s21+$0x0] =	vst v0;
	v0 =	vadd.f32 s30, v9;
	s29 =	spop (v2sf)  }
0x44b: {  	[tilespmem:s21+$0x10] =	vst v2;
	v2 =	vadd.f32 s31, v15;
	s24 =	sadd.f32 s29, s23  }
0x44c: {  	[tilespmem:s21+$0x20] =	vst v0;
	v0 =	vadd.f32 s0, v58;
	s30 =	spop (v2sf)  }
0x44d: {  	s31 =	sadd.s32 $0x80, s21;
	[tilespmem:s21+$0x30] =	vst v2;
	v2 =	vadd.f32 s2, v10;
	s0 =	sadd.f32 s30, s24  }
0x44e: {  	[tilespmem:s31+$0xFFFFFFC0] =	vst v0;
	v0 =	vadd.f32 s22, v16;
	s22 =	spop (v2sf)  }
0x44f: {  	[tilespmem:s31+$0xFFFFFFD0] =	vst v2;
	v2 =	vadd.f32 s23, v7;
	s2 =	sadd.f32 s22, s0  }
0x450: {  	[tilespmem:s31+$0xFFFFFFE0] =	vst v0;
	v0 =	vadd.f32 s24, v5;
	s26 =	spop (v2sf)  }
0x451: {  	[tilespmem:s31+$0xFFFFFFF0] =	vst v2;
	v2 =	vadd.f32 s0, v8;
	s29 =	sadd.f32 s26, s2  }
0x452: {  	[tilespmem:s31+$0x0] =	vst v0;
	v0 =	vadd.f32 s2, v17  }
0x453: {  	[tilespmem:s31+$0x10] =	vst v2;
	v1 =	vadd.f32 s29, v1  }
0x454: {  	[tilespmem:s31+$0x20] =	vst v0  }
0x455: {  	[tilespmem:s31+$0x30] =	vst v1  }
0x456: {  	s30 =	spop (v2sf);
	s0 =	rddreg [dreg:$0x17]  }
0x457: {  	[hbm4b:s0+s9] =	stream.strided.scatter [tilespmem:s16], [sflag:$0x6], $0x2000, s10, s9, $0x38;
	[tilespmem:$0xC000] =	vst v63  }
0x458: {  	_ =	swait.ge [sflag:s11], $0x2000  }
0x459: {  	[sflag:s11] =	ssyncset.done $0x0  }
0x45a: {  	s31 =	rddreg [dreg:$0x1a];
	[sflag:s11] =	ssyncadd.s32 $0xFFFFE000  }
0x45b: {  	[tilespmem:s12], [sflag:$0x2] =	stream.strided.gather [hbm4b:s31+s9], $0x2000, s10, s9, $0x38;
	[tilespmem:$0xC000] =	vst v63  }
0x45c: {  	s21 =	simm.s32 $0x6000;
	s2 =	rddreg [dreg:$0x10]  }
0x45d: {  	[tilespmem:s21], [sflag:$0x4] =	stream.linear.gather [hbm4b:s2+s1], $0x2000, $0x38;
	[tilespmem:$0xC000] =	vst v63  }
0x45e: {  	_ =	swait.ge [sflag:s13], $0x2000  }
0x45f: {  	[sflag:s13] =	ssyncset.done $0x0  }
0x460: {  	[sflag:s13] =	ssyncadd.s32 $0xFFFFE000  }
0x461: {  	_ =	swait.ge [sflag:s17], $0x2000  }
0x462: {  	[sflag:s17] =	ssyncset.done $0x0  }
0x463: {  	s23 =	simm.s32 $0x4040;
	[sflag:s17] =	ssyncadd.s32 $0xFFFFE000  }
0x464: {  	v1 =	vld [tilespmem:s23+$0xFFFFFFC0]  }
0x465: {  	s22 =	simm.s32 $0x40;
	v2 =	vld [tilespmem:s23+$0xFFFFFFD0]  }
0x466: {  	v3 =	vld [tilespmem:s22+$0xFFFFFFC0]  }
0x467: {  	v0 =	vld [tilespmem:s22+$0xFFFFFFD0]  }
0x468: {  	v4 =	vld [tilespmem:s23+$0xFFFFFFF0]  }
0x469: {  	v1 =	vand.u32 $0x1, v1  }
0x46a: {  	v5 =	vld [tilespmem:s23+$0xFFFFFFE0];
	v2 =	vand.u32 $0x1, v2;
	vm0 =	veq.s32 v1, $0x0  }
0x46b: {  	v6 =	vld [tilespmem:s22+$0xFFFFFFF0];
	v3 =	vsel vm0, $0x0, v3;
	vm0 =	veq.s32 v2, $0x0  }
0x46c: {  	v1 =	vld [tilespmem:s22+$0xFFFFFFE0];
	(xrf2) =	vadd.scan.msk.f32 $0xffff, v3;
	v0 =	vsel vm0, $0x0, v0  }
0x46d: {  	v2 =	vand.u32 $0x1, v4;
	v3 =	vld [tilespmem:s23+$0x0];
	(xrf2) =	vadd.scan.msk.f32 $0xffff, v0  }
0x46e: {  	vm0 =	veq.s32 v2, $0x0;
	v2 =	vld [tilespmem:s23+$0x10]  }
0x46f: {  	v4 =	vand.u32 $0x1, v5;
	v0 =	vld [tilespmem:s22+$0x0]  }
0x470: {  	v5 =	vsel vm0, $0x0, v6;
	vm0 =	veq.s32 v4, $0x0;
	v4 =	vld [tilespmem:s22+$0x10]  }
0x471: {  	(xrf2) =	vadd.scan.msk.f32 $0xffff, v5;
	v1 =	vsel vm0, $0x0, v1  }
0x472: {  	(xrf2) =	vadd.scan.msk.f32 $0xffff, v1;
	v1 =	vand.u32 $0x1, v3  }
0x473: {  	vm0 =	veq.s32 v1, $0x0;
	v1 =	vand.u32 $0x1, v2  }
0x474: {  	v0 =	vsel vm0, $0x0, v0;
	vm0 =	veq.s32 v1, $0x0;
	v1 =	vld [tilespmem:s23+$0x20]  }
0x475: {  	(xrf2) =	vadd.scan.msk.f32 $0xffff, v0;
	v0 =	vsel vm0, $0x0, v4  }
0x476: {  	v3, _, _ =	vpop (xrf2);
	(xrf2) =	vadd.scan.msk.f32 $0xffff, v0;
	v0 =	vld [tilespmem:s22+$0x20]  }
0x477: {  	v2 =	vld [tilespmem:s23+$0x30];
	(v2sf) =	vpush v3, $0xF;
	v5, _, _ =	vpop (xrf2)  }
0x478: {  	(v2sf) =	vpush v5, $0xF  }
0x479: {  	s24 =	simm.s32 $0x40C0;
	v4 =	vld [tilespmem:s22+$0x30];
	v1 =	vand.u32 $0x1, v1  }
0x47a: {  	v7 =	vld [tilespmem:s24+$0xFFFFFFC0];
	vm0 =	veq.s32 v1, $0x0  }
0x47b: {  	v9 =	vld [tilespmem:s24+$0xFFFFFFD0];
	s22 =	simm.s32 $0xC0;
	v0 =	vsel vm0, $0x0, v0  }
0x47c: {  	v10 =	vld [tilespmem:s22+$0xFFFFFFC0];
	v6, _, _ =	vpop (xrf2);
	v1 =	vand.u32 $0x1, v2;
	(xrf2) =	vadd.scan.msk.f32 $0xffff, v0  }
0x47d: {  	v2 =	vld [tilespmem:s22+$0xFFFFFFD0];
	v8, _, _ =	vpop (xrf2);
	vm0 =	veq.s32 v1, $0x0  }
0x47e: {  	(v2sf) =	vpush v8, $0xF;
	v0 =	vsel vm0, $0x0, v4;
	v4 =	vld [tilespmem:s24+$0xFFFFFFF0]  }
0x47f: {  	(xrf2) =	vadd.scan.msk.f32 $0xffff, v0  }
0x480: {  	v1 =	vand.u32 $0x1, v7;
	v7 =	vld [tilespmem:s22+$0xFFFFFFF0];
	(v2sf) =	vpush v6, $0xF  }
0x481: {  	vm0 =	veq.s32 v1, $0x0;
	v0 =	vand.u32 $0x1, v9;
	v11, _, _ =	vpop (xrf2)  }
0x482: {  	v1 =	vsel vm0, $0x0, v10;
	vm0 =	veq.s32 v0, $0x0;
	v0 =	vld [tilespmem:s24+$0xFFFFFFE0];
	(v2sf) =	vpush v11, $0xF  }
0x483: {  	v9 =	vld [tilespmem:s22+$0xFFFFFFE0];
	v59, _, _ =	vpop (xrf2);
	(xrf2) =	vadd.scan.msk.f32 $0xffff, v1;
	v1 =	vsel vm0, $0x0, v2;
	v2 =	vand.u32 $0x1, v4  }
0x484: {  	(v2sf) =	vpush v59, $0xF;
	v4 =	vld [tilespmem:s24+$0x0];
	vm0 =	veq.s32 v2, $0x0  }
0x485: {  	(xrf2) =	vadd.scan.msk.f32 $0xffff, v1;
	v1 =	vsel vm0, $0x0, v7;
	v7 =	vld [tilespmem:s24+$0x10]  }
0x486: {  	s29 =	spop (v2sf);
	v2, _, _ =	vpop (xrf2)  }
0x487: {  	v0 =	vand.u32 $0x1, v0;
	s30 =	spop (v2sf);
	(v2sf) =	vpush v2, $0xF  }
0x488: {  	v10 =	vld [tilespmem:s22+$0x0];
	vm0 =	veq.s32 v0, $0x0  }
0x489: {  	s26 =	simm.f32 $0.0e+00;
	(xrf2) =	vadd.scan.msk.f32 $0xffff, v1;
	v0 =	vsel vm0, $0x0, v9;
	v4 =	vand.u32 $0x1, v4;
	v1, _, _ =	vpop (xrf2)  }
0x48a: {  	s2 =	sadd.f32 s29, s26;
	vm0 =	veq.s32 v4, $0x0;
	(v2sf) =	vpush v1, $0xF;
	v4 =	vand.u32 $0x1, v7  }
0x48b: {  	v60 =	vld [tilespmem:s22+$0x10];
	v3 =	vadd.f32 s26, v3;
	(xrf2) =	vadd.scan.msk.f32 $0xffff, v0  }
0x48c: {  	s21 =	simm.s32 $0x8040;
	v61 =	vld [tilespmem:s24+$0x20];
	s31 =	sadd.f32 s30, s2  }
0x48d: {  	v62 =	vld [tilespmem:s24+$0x30];
	[tilespmem:s21+$0xFFFFFFC0] =	vst v3;
	v3 =	vsel vm0, $0x0, v10;
	vm0 =	veq.s32 v4, $0x0;
	s25 =	spop (v2sf);
	v4, _, _ =	vpop (xrf2)  }
0x48e: {  	v9 =	vld [tilespmem:s22+$0x20];
	v7 =	vadd.f32 s2, v5;
	s24 =	sadd.f32 s25, s31;
	(xrf2) =	vadd.scan.msk.f32 $0xffff, v3;
	(v2sf) =	vpush v4, $0xF  }
0x48f: {  	s26 =	spop (v2sf)  }
0x490: {  	s23 =	simm.s32 $0x140;
	v10 =	vsel vm0, $0x0, v60;
	v8 =	vadd.f32 s31, v8;
	[tilespmem:s21+$0xFFFFFFD0] =	vst v7;
	v7 =	vld [tilespmem:s22+$0x30];
	v0, _, _ =	vpop (xrf2);
	s29 =	sadd.f32 s26, s24  }
0x491: {  	v5 =	vld [tilespmem:s23+$0xFFFFFFD0];
	v3 =	vand.u32 $0x1, v61;
	(xrf2) =	vadd.scan.msk.f32 $0xffff, v10;
	v6 =	vadd.f32 s24, v6;
	s24 =	simm.s32 $0x4140;
	(v2sf) =	vpush v0, $0xF;
	s30 =	spop (v2sf)  }
0x492: {  	vm0 =	veq.s32 v3, $0x0;
	[tilespmem:s21+$0xFFFFFFE0] =	vst v8;
	v8 =	vld [tilespmem:s24+$0xFFFFFFC0];
	v11 =	vadd.f32 s29, v11;
	s0 =	sadd.f32 s30, s29  }
0x493: {  	s25 =	simm.s32 $0x10;
	v63 =	vsel vm0, $0x0, v9;
	v9 =	vld [tilespmem:s24+$0xFFFFFFD0];
	[tilespmem:s21+$0xFFFFFFF0] =	vst v6;
	v6 =	vand.u32 $0x1, v62;
	s31 =	spop (v2sf)  }
0x494: {  	s22 =	simm.s32 $0x8040;
	v10 =	vld [tilespmem:s23+$0xFFFFFFC0];
	s26 =	simm.s32 $0x1C0;
	v3, _, _ =	vpop (xrf2);
	(xrf2) =	vadd.scan.msk.f32 $0xffff, v63;
	vm0 =	veq.s32 v6, $0x0;
	[tilespmem:s21+$0x0] =	vst v11;
	v6 =	vadd.f32 s0, v59;
	s28 =	sadd.f32 s31, s0  }
.LBB2_18:
0x495: {  	v11 =	vld [tilespmem:s26+$0xFFFFFFD0];
	s25 =	sadd.s32 $0x8, s25;
	v7 =	vsel vm0, $0x0, v7;
	v12, _, _ =	vpop (xrf2);
	s21 =	sadd.s32 $0x80, s21  }
0x496: {  	p0 =	slt.u32 s25, $0x1F8;
	(v2sf) =	vpush v12, $0xF;
	[tilespmem:s22+$0x10] =	vst v6;
	v2 =	vadd.f32 s28, v2;
	s0 =	spop (v2sf)  }
0x497: {  	v6 =	vand.u32 $0x1, v8;
	v8 =	vld [tilespmem:s24+$0xFFFFFFE0];
	(v2sf) =	vpush v3, $0xF;
	(xrf2) =	vadd.scan.msk.f32 $0xffff, v7;
	s0 =	sadd.f32 s0, s28  }
0x498: {  	vm0 =	veq.s32 v6, $0x0;
	v6 =	vand.u32 $0x1, v9;
	v7 =	vld [tilespmem:s24+$0xFFFFFFF0];
	v9, _, _ =	vpop (xrf2);
	[tilespmem:s22+$0x20] =	vst v2  }
0x499: {  	v2 =	vsel vm0, $0x0, v10;
	vm0 =	veq.s32 v6, $0x0;
	v6 =	vld [tilespmem:s23+$0xFFFFFFE0];
	v1 =	vadd.f32 s0, v1;
	s2 =	spop (v2sf)  }
0x49a: {  	v10 =	vsel vm0, $0x0, v5;
	v13 =	vld [tilespmem:s23+$0xFFFFFFF0];
	(xrf2) =	vadd.scan.msk.f32 $0xffff, v2;
	(v2sf) =	vpush v9, $0xF;
	s0 =	sadd.f32 s2, s0;
	v5 =	vmov v11  }
0x49b: {  	v11, _, _ =	vpop (xrf2);
	[tilespmem:s22+$0x30] =	vst v1;
	s22 =	smov.u32 s21  }
0x49c: {  	v1 =	vand.u32 $0x1, v8;
	v8 =	vadd.f32 s0, v4;
	(v2sf) =	vpush v11, $0xF  }
0x49d: {  	vm0 =	veq.s32 v1, $0x0;
	v1 =	vand.u32 $0x1, v7;
	(xrf2) =	vadd.scan.msk.f32 $0xffff, v10;
	s2 =	spop (v2sf)  }
0x49e: {  	v4 =	vsel vm0, $0x0, v6;
	vm0 =	veq.s32 v1, $0x0;
	v6 =	vld [tilespmem:s24+$0x0];
	[tilespmem:s21+$0xFFFFFFC0] =	vst v8;
	v2, _, _ =	vpop (xrf2)  }
0x49f: {  	v13 =	vsel vm0, $0x0, v13;
	v7 =	vld [tilespmem:s24+$0x10];
	(v2sf) =	vpush v2, $0xF  }
0x4a0: {  	v8 =	vld [tilespmem:s23+$0x0];
	(xrf2) =	vadd.scan.msk.f32 $0xffff, v13;
	s28 =	spop (v2sf)  }
0x4a1: {  	v10 =	vld [tilespmem:s23+$0x10];
	v1, _, _ =	vpop (xrf2)  }
0x4a2: {  	s0 =	sadd.f32 s2, s0;
	(v2sf) =	vpush v1, $0xF  }
0x4a3: {  	v6 =	vand.u32 $0x1, v6;
	v13 =	vld [tilespmem:s24+$0x20];
	(xrf2) =	vadd.scan.msk.f32 $0xffff, v4  }
0x4a4: {  	vm0 =	veq.s32 v6, $0x0;
	v6 =	vand.u32 $0x1, v7;
	v4, _, _ =	vpop (xrf2);
	v7 =	vadd.f32 s0, v0;
	s0 =	sadd.f32 s28, s0  }
0x4a5: {  	v14 =	vsel vm0, $0x0, v8;
	vm0 =	veq.s32 v6, $0x0;
	v6 =	vld [tilespmem:s23+$0x20];
	s2 =	spop (v2sf)  }
0x4a6: {  	v8 =	vsel vm0, $0x0, v10;
	v10 =	vld [tilespmem:s24+$0x30];
	(v2sf) =	vpush v4, $0xF;
	(xrf2) =	vadd.scan.msk.f32 $0xffff, v14;
	v12 =	vadd.f32 s0, v12;
	s0 =	sadd.f32 s2, s0;
	s2 =	spop (v2sf)  }
0x4a7: {  	v0, _, _ =	vpop (xrf2);
	[tilespmem:s21+$0xFFFFFFD0] =	vst v7  }
.Ltmp8:
0x4a8: {  	v13 =	vand.u32 $0x1, v13;
	v7 =	vld [tilespmem:s23+$0x30];
	[tilespmem:s21+$0xFFFFFFE0] =	vst v12;
	v12 =	vadd.f32 s0, v3;
	s0 =	sadd.f32 s2, s0;
	s23 =	smov.u32 s26;
	(pc) =	sbr.rel @p0 .LBB2_18-.Ltmp8, $4  }
0x4a9: {  	s24 =	sadd.s32 $0x80, s24;
	vm0 =	veq.s32 v13, $0x0;
	(v2sf) =	vpush v0, $0xF;
	(xrf2) =	vadd.scan.msk.f32 $0xffff, v8;
	s2 =	spop (v2sf)  }
0x4aa: {  	v8 =	vld [tilespmem:s24+$0xFFFFFFC0];
	v6 =	vsel vm0, $0x0, v6;
	v3, _, _ =	vpop (xrf2);
	[tilespmem:s21+$0xFFFFFFF0] =	vst v12;
	v12 =	vadd.f32 s0, v9;
	s0 =	sadd.f32 s2, s0  }
0x4ab: {  	v9 =	vld [tilespmem:s24+$0xFFFFFFD0];
	v13 =	vand.u32 $0x1, v10;
	s2 =	spop (v2sf)  }
0x4ac: {  	s26 =	sadd.s32 $0x80, s26;
	v10 =	vld [tilespmem:s23+$0xFFFFFFC0];
	vm0 =	veq.s32 v13, $0x0;
	(xrf2) =	vadd.scan.msk.f32 $0xffff, v6;
	[tilespmem:s21+$0x0] =	vst v12;
	v6 =	vadd.f32 s0, v11;
	s28 =	sadd.f32 s2, s0  }
0x4ad: {  	_ = 	snop  }
0x4ae: {  	v11 =	vld [tilespmem:s24+$0xFFFFFFF0]  }
0x4af: {  	v12 =	vld [tilespmem:s24+$0xFFFFFFE0];
	v8 =	vand.u32 $0x1, v8  }
0x4b0: {  	v7 =	vsel vm0, $0x0, v7;
	v13 =	vld [tilespmem:s23+$0xFFFFFFF0];
	vm0 =	veq.s32 v8, $0x0  }
0x4b1: {  	v14, _, _ =	vpop (xrf2);
	(xrf2) =	vadd.scan.msk.f32 $0xffff, v7;
	v7 =	vld [tilespmem:s23+$0xFFFFFFE0];
	v8 =	vand.u32 $0x1, v9;
	v9 =	vsel vm0, $0x0, v10  }
0x4b2: {  	(v2sf) =	vpush v14, $0xF;
	(xrf2) =	vadd.scan.msk.f32 $0xffff, v9;
	v9 =	vld [tilespmem:s24+$0x0]  }
0x4b3: {  	v57 =	vld [tilespmem:s24+$0x20];
	(v2sf) =	vpush v3, $0xF;
	vm0 =	veq.s32 v8, $0x0;
	v8 =	vand.u32 $0x1, v11  }
0x4b4: {  	v5 =	vsel vm0, $0x0, v5;
	v10 =	vand.u32 $0x1, v12;
	vm0 =	veq.s32 v8, $0x0;
	v8 =	vld [tilespmem:s24+$0x10]  }
0x4b5: {  	v11, _, _ =	vpop (xrf2);
	(xrf2) =	vadd.scan.msk.f32 $0xffff, v5;
	v5 =	vld [tilespmem:s23+$0x0];
	v55 =	vsel vm0, $0x0, v13;
	vm0 =	veq.s32 v10, $0x0  }
0x4b6: {  	(v2sf) =	vpush v11, $0xF;
	v10 =	vld [tilespmem:s23+$0x10];
	v7 =	vsel vm0, $0x0, v7;
	(xrf2) =	vadd.scan.msk.f32 $0xffff, v55  }
0x4b7: {  	v56, _, _ =	vpop (xrf2);
	(xrf2) =	vadd.scan.msk.f32 $0xffff, v7;
	v7 =	vand.u32 $0x1, v9  }
0x4b8: {  	(v2sf) =	vpush v56, $0xF;
	vm0 =	veq.s32 v7, $0x0;
	v7 =	vld [tilespmem:s23+$0x20]  }
0x4b9: {  	s0 =	spop (v2sf);
	v9, _, _ =	vpop (xrf2);
	v8 =	vand.u32 $0x1, v8  }
0x4ba: {  	s0 =	sadd.f32 s0, s28;
	(v2sf) =	vpush v9, $0xF;
	v5 =	vsel vm0, $0x0, v5;
	vm0 =	veq.s32 v8, $0x0  }
0x4bb: {  	s2 =	spop (v2sf);
	v15, _, _ =	vpop (xrf2);
	v8 =	vld [tilespmem:s24+$0x30];
	(xrf2) =	vadd.scan.msk.f32 $0xffff, v5;
	v5 =	vsel vm0, $0x0, v10;
	v10 =	vand.u32 $0x1, v57  }
0x4bc: {  	s2 =	sadd.f32 s2, s0;
	(v2sf) =	vpush v15, $0xF;
	vm0 =	veq.s32 v10, $0x0  }
0x4bd: {  	s30 =	spop (v2sf);
	(xrf2) =	vadd.scan.msk.f32 $0xffff, v5;
	v5 =	vld [tilespmem:s23+$0x30];
	v58, _, _ =	vpop (xrf2);
	v7 =	vsel vm0, $0x0, v7  }
0x4be: {  	s24 =	sadd.f32 s30, s2;
	(v2sf) =	vpush v58, $0xF  }
0x4bf: {  	s31 =	spop (v2sf);
	v10, _, _ =	vpop (xrf2);
	(xrf2) =	vadd.scan.msk.f32 $0xffff, v7  }
0x4c0: {  	s23 =	sadd.f32 s31, s24;
	(v2sf) =	vpush v10, $0xF;
	v8 =	vand.u32 $0x1, v8;
	v7, _, _ =	vpop (xrf2)  }
0x4c1: {  	s25 =	spop (v2sf);
	vm0 =	veq.s32 v8, $0x0;
	v16, _, _ =	vpop (xrf2)  }
0x4c2: {  	s25 =	sadd.f32 s25, s23;
	v5 =	vsel vm0, $0x0, v5;
	(v2sf) =	vpush v16, $0xF  }
0x4c3: {  	s26 =	spop (v2sf)  }
0x4c4: {  	s26 =	sadd.f32 s26, s25;
	(v2sf) =	vpush v7, $0xF  }
0x4c5: {  	(xrf2) =	vadd.scan.msk.f32 $0xffff, v5;
	s29 =	spop (v2sf);
	v5, _, _ =	vpop (xrf2)  }
0x4c6: {  	s29 =	sadd.f32 s29, s26;
	(v2sf) =	vpush v5, $0xF  }
0x4c7: {  	s30 =	spop (v2sf);
	v8, _, _ =	vpop (xrf2)  }
0x4c8: {  	s30 =	sadd.f32 s30, s29;
	(v2sf) =	vpush v8, $0xF  }
0x4c9: {  	s31 =	spop (v2sf);
	v17, _, _ =	vpop (xrf2)  }
0x4ca: {  	s31 =	sadd.f32 s31, s30;
	(v2sf) =	vpush v17, $0xF  }
0x4cb: {  	v2 =	vadd.f32 s28, v2;
	v1 =	vadd.f32 s0, v1;
	s28 =	spop (v2sf)  }
0x4cc: {  	[tilespmem:s22+$0x10] =	vst v6;
	s0 =	sadd.f32 s28, s31  }
0x4cd: {  	[tilespmem:s22+$0x20] =	vst v2;
	v2 =	vadd.f32 s2, v4;
	s2 =	spop (v2sf)  }
0x4ce: {  	s21 =	sadd.s32 $0x80, s21;
	[tilespmem:s22+$0x30] =	vst v1;
	v0 =	vadd.f32 s24, v0;
	s2 =	sadd.f32 s2, s0  }
0x4cf: {  	[tilespmem:s21+$0xFFFFFFC0] =	vst v2;
	v2 =	vadd.f32 s23, v14;
	v1, _, _ =	vpop (xrf2);
	s24 =	spop (v2sf)  }
0x4d0: {  	[tilespmem:s21+$0xFFFFFFD0] =	vst v0;
	v3 =	vadd.f32 s25, v3;
	(v2sf) =	vpush v1, $0xF;
	s22 =	sadd.f32 s24, s2  }
0x4d1: {  	[tilespmem:s21+$0xFFFFFFE0] =	vst v2;
	v0 =	vadd.f32 s26, v11;
	s26 =	spop (v2sf)  }
0x4d2: {  	[tilespmem:s21+$0xFFFFFFF0] =	vst v3;
	v2 =	vadd.f32 s29, v56;
	s23 =	sadd.f32 s26, s22  }
0x4d3: {  	[tilespmem:s21+$0x0] =	vst v0;
	v0 =	vadd.f32 s30, v9;
	s30 =	spop (v2sf)  }
0x4d4: {  	[tilespmem:s21+$0x10] =	vst v2;
	v2 =	vadd.f32 s31, v15;
	s24 =	sadd.f32 s30, s23  }
0x4d5: {  	[tilespmem:s21+$0x20] =	vst v0;
	v0 =	vadd.f32 s0, v58;
	s25 =	spop (v2sf)  }
0x4d6: {  	[tilespmem:s21+$0x30] =	vst v2;
	v2 =	vadd.f32 s2, v10;
	s26 =	sadd.s32 $0x80, s21;
	s0 =	sadd.f32 s25, s24  }
0x4d7: {  	[tilespmem:s26+$0xFFFFFFC0] =	vst v0;
	v0 =	vadd.f32 s22, v16;
	s29 =	spop (v2sf)  }
0x4d8: {  	[tilespmem:s26+$0xFFFFFFD0] =	vst v2;
	v2 =	vadd.f32 s23, v7;
	s2 =	sadd.f32 s29, s0  }
0x4d9: {  	[tilespmem:s26+$0xFFFFFFE0] =	vst v0;
	v0 =	vadd.f32 s24, v5;
	s30 =	spop (v2sf)  }
0x4da: {  	[tilespmem:s26+$0xFFFFFFF0] =	vst v2;
	v2 =	vadd.f32 s0, v8;
	s21 =	sadd.f32 s30, s2  }
0x4db: {  	[tilespmem:s26+$0x0] =	vst v0;
	v0 =	vadd.f32 s2, v17  }
0x4dc: {  	[tilespmem:s26+$0x10] =	vst v2;
	v1 =	vadd.f32 s21, v1  }
0x4dd: {  	[tilespmem:s26+$0x20] =	vst v0  }
0x4de: {  	[tilespmem:s26+$0x30] =	vst v1  }
0x4df: {  	s31 =	spop (v2sf);
	s2 =	rddreg [dreg:$0x19]  }
0x4e0: {  	[hbm4b:s2+s9] =	stream.strided.scatter [tilespmem:s14], [sflag:$0x5], $0x2000, s10, s9, $0x38;
	[tilespmem:$0xC000] =	vst v63  }
0x4e1: {  	_ =	swait.ge [sflag:s15], $0x2000  }
0x4e2: {  	[sflag:s15] =	ssyncset.done $0x0  }
0x4e3: {  	s23 =	rddreg [dreg:$0x1c];
	[sflag:s15] =	ssyncadd.s32 $0xFFFFE000  }
0x4e4: {  	[tilespmem:s1], [sflag:$0x1] =	stream.strided.gather [hbm4b:s23+s9], $0x2000, s10, s9, $0x38;
	[tilespmem:$0xC000] =	vst v63  }
0x4e5: {  	_ =	swait.ge [sflag:s18], $0x2000  }
0x4e6: {  	[sflag:s18] =	ssyncset.done $0x0  }
0x4e7: {  	s25 =	simm.s32 $0x4040;
	[sflag:s18] =	ssyncadd.s32 $0xFFFFE000  }
0x4e8: {  	v1 =	vld [tilespmem:s25+$0xFFFFFFC0]  }
0x4e9: {  	s24 =	simm.s32 $0x2040;
	v2 =	vld [tilespmem:s25+$0xFFFFFFD0]  }
0x4ea: {  	v3 =	vld [tilespmem:s24+$0xFFFFFFC0]  }
0x4eb: {  	v0 =	vld [tilespmem:s24+$0xFFFFFFD0]  }
0x4ec: {  	v4 =	vld [tilespmem:s25+$0xFFFFFFF0]  }
0x4ed: {  	v1 =	vand.u32 $0x100, v1  }
0x4ee: {  	v5 =	vld [tilespmem:s25+$0xFFFFFFE0];
	v2 =	vand.u32 $0x100, v2;
	vm0 =	veq.s32 v1, $0x0  }
0x4ef: {  	v6 =	vld [tilespmem:s24+$0xFFFFFFF0];
	v3 =	vsel vm0, $0x0, v3;
	vm0 =	veq.s32 v2, $0x0  }
0x4f0: {  	v1 =	vld [tilespmem:s24+$0xFFFFFFE0];
	(xrf2) =	vadd.scan.msk.f32 $0xffff, v3;
	v0 =	vsel vm0, $0x0, v0  }
0x4f1: {  	v2 =	vand.u32 $0x100, v4;
	v3 =	vld [tilespmem:s25+$0x0];
	(xrf2) =	vadd.scan.msk.f32 $0xffff, v0  }
0x4f2: {  	vm0 =	veq.s32 v2, $0x0;
	v2 =	vld [tilespmem:s25+$0x10]  }
0x4f3: {  	v4 =	vand.u32 $0x100, v5;
	v0 =	vld [tilespmem:s24+$0x0]  }
0x4f4: {  	v5 =	vsel vm0, $0x0, v6;
	vm0 =	veq.s32 v4, $0x0;
	v4 =	vld [tilespmem:s24+$0x10]  }
0x4f5: {  	(xrf2) =	vadd.scan.msk.f32 $0xffff, v5;
	v1 =	vsel vm0, $0x0, v1  }
0x4f6: {  	(xrf2) =	vadd.scan.msk.f32 $0xffff, v1;
	v1 =	vand.u32 $0x100, v3  }
0x4f7: {  	vm0 =	veq.s32 v1, $0x0;
	v1 =	vand.u32 $0x100, v2  }
0x4f8: {  	v0 =	vsel vm0, $0x0, v0;
	vm0 =	veq.s32 v1, $0x0;
	v1 =	vld [tilespmem:s25+$0x20]  }
0x4f9: {  	(xrf2) =	vadd.scan.msk.f32 $0xffff, v0;
	v0 =	vsel vm0, $0x0, v4  }
0x4fa: {  	v3, _, _ =	vpop (xrf2);
	(xrf2) =	vadd.scan.msk.f32 $0xffff, v0;
	v0 =	vld [tilespmem:s24+$0x20]  }
0x4fb: {  	v2 =	vld [tilespmem:s25+$0x30];
	(v2sf) =	vpush v3, $0xF;
	v5, _, _ =	vpop (xrf2)  }
0x4fc: {  	(v2sf) =	vpush v5, $0xF  }
0x4fd: {  	s23 =	simm.s32 $0x40C0;
	v4 =	vld [tilespmem:s24+$0x30];
	v1 =	vand.u32 $0x100, v1  }
0x4fe: {  	v7 =	vld [tilespmem:s23+$0xFFFFFFC0];
	vm0 =	veq.s32 v1, $0x0  }
0x4ff: {  	v9 =	vld [tilespmem:s23+$0xFFFFFFD0];
	s24 =	simm.s32 $0x20C0;
	v0 =	vsel vm0, $0x0, v0  }
0x500: {  	v10 =	vld [tilespmem:s24+$0xFFFFFFC0];
	v6, _, _ =	vpop (xrf2);
	v1 =	vand.u32 $0x100, v2;
	(xrf2) =	vadd.scan.msk.f32 $0xffff, v0  }
0x501: {  	v2 =	vld [tilespmem:s24+$0xFFFFFFD0];
	v8, _, _ =	vpop (xrf2);
	vm0 =	veq.s32 v1, $0x0  }
0x502: {  	(v2sf) =	vpush v8, $0xF;
	v0 =	vsel vm0, $0x0, v4;
	v4 =	vld [tilespmem:s23+$0xFFFFFFF0]  }
0x503: {  	(xrf2) =	vadd.scan.msk.f32 $0xffff, v0  }
0x504: {  	v1 =	vand.u32 $0x100, v7;
	v7 =	vld [tilespmem:s24+$0xFFFFFFF0];
	(v2sf) =	vpush v6, $0xF  }
0x505: {  	vm0 =	veq.s32 v1, $0x0;
	v0 =	vand.u32 $0x100, v9;
	v11, _, _ =	vpop (xrf2)  }
0x506: {  	v1 =	vsel vm0, $0x0, v10;
	vm0 =	veq.s32 v0, $0x0;
	v0 =	vld [tilespmem:s23+$0xFFFFFFE0];
	(v2sf) =	vpush v11, $0xF  }
0x507: {  	v9 =	vld [tilespmem:s24+$0xFFFFFFE0];
	v59, _, _ =	vpop (xrf2);
	(xrf2) =	vadd.scan.msk.f32 $0xffff, v1;
	v1 =	vsel vm0, $0x0, v2;
	v2 =	vand.u32 $0x100, v4  }
0x508: {  	(v2sf) =	vpush v59, $0xF;
	v4 =	vld [tilespmem:s23+$0x0];
	vm0 =	veq.s32 v2, $0x0  }
0x509: {  	(xrf2) =	vadd.scan.msk.f32 $0xffff, v1;
	v1 =	vsel vm0, $0x0, v7;
	v7 =	vld [tilespmem:s23+$0x10]  }
0x50a: {  	s29 =	spop (v2sf);
	v2, _, _ =	vpop (xrf2)  }
0x50b: {  	v0 =	vand.u32 $0x100, v0;
	s30 =	spop (v2sf);
	(v2sf) =	vpush v2, $0xF  }
0x50c: {  	s26 =	sadd.f32 s31, s21;
	v10 =	vld [tilespmem:s24+$0x0];
	vm0 =	veq.s32 v0, $0x0  }
0x50d: {  	(xrf2) =	vadd.scan.msk.f32 $0xffff, v1;
	v0 =	vsel vm0, $0x0, v9;
	v4 =	vand.u32 $0x100, v4;
	v1, _, _ =	vpop (xrf2)  }
0x50e: {  	s2 =	sadd.f32 s29, s26;
	vm0 =	veq.s32 v4, $0x0;
	(v2sf) =	vpush v1, $0xF;
	v4 =	vand.u32 $0x100, v7  }
0x50f: {  	v60 =	vld [tilespmem:s24+$0x10];
	v3 =	vadd.f32 s26, v3;
	(xrf2) =	vadd.scan.msk.f32 $0xffff, v0  }
0x510: {  	s21 =	simm.s32 $0xA040;
	v61 =	vld [tilespmem:s23+$0x20];
	s31 =	sadd.f32 s30, s2  }
0x511: {  	v62 =	vld [tilespmem:s23+$0x30];
	[tilespmem:s21+$0xFFFFFFC0] =	vst v3;
	v3 =	vsel vm0, $0x0, v10;
	vm0 =	veq.s32 v4, $0x0;
	s25 =	spop (v2sf);
	v4, _, _ =	vpop (xrf2)  }
0x512: {  	v9 =	vld [tilespmem:s24+$0x20];
	v7 =	vadd.f32 s2, v5;
	s22 =	sadd.f32 s25, s31;
	(xrf2) =	vadd.scan.msk.f32 $0xffff, v3;
	(v2sf) =	vpush v4, $0xF  }
0x513: {  	s26 =	spop (v2sf)  }
0x514: {  	s23 =	simm.s32 $0x2140;
	v10 =	vsel vm0, $0x0, v60;
	v8 =	vadd.f32 s31, v8;
	[tilespmem:s21+$0xFFFFFFD0] =	vst v7;
	v7 =	vld [tilespmem:s24+$0x30];
	v0, _, _ =	vpop (xrf2);
	s29 =	sadd.f32 s26, s22  }
0x515: {  	v5 =	vld [tilespmem:s23+$0xFFFFFFD0];
	v3 =	vand.u32 $0x100, v61;
	s24 =	simm.s32 $0x4140;
	(xrf2) =	vadd.scan.msk.f32 $0xffff, v10;
	v6 =	vadd.f32 s22, v6;
	(v2sf) =	vpush v0, $0xF;
	s30 =	spop (v2sf)  }
0x516: {  	vm0 =	veq.s32 v3, $0x0;
	[tilespmem:s21+$0xFFFFFFE0] =	vst v8;
	v8 =	vld [tilespmem:s24+$0xFFFFFFC0];
	v11 =	vadd.f32 s29, v11;
	s0 =	sadd.f32 s30, s29  }
0x517: {  	s25 =	simm.s32 $0x10;
	v63 =	vsel vm0, $0x0, v9;
	v9 =	vld [tilespmem:s24+$0xFFFFFFD0];
	[tilespmem:s21+$0xFFFFFFF0] =	vst v6;
	v6 =	vand.u32 $0x100, v62;
	s31 =	spop (v2sf)  }
0x518: {  	v10 =	vld [tilespmem:s23+$0xFFFFFFC0];
	s26 =	simm.s32 $0x21C0;
	s22 =	simm.s32 $0xA040;
	v3, _, _ =	vpop (xrf2);
	(xrf2) =	vadd.scan.msk.f32 $0xffff, v63;
	vm0 =	veq.s32 v6, $0x0;
	[tilespmem:s21+$0x0] =	vst v11;
	v6 =	vadd.f32 s0, v59;
	s28 =	sadd.f32 s31, s0  }
.LBB2_20:
0x519: {  	v11 =	vld [tilespmem:s26+$0xFFFFFFD0];
	s25 =	sadd.s32 $0x8, s25;
	v7 =	vsel vm0, $0x0, v7;
	v12, _, _ =	vpop (xrf2);
	s21 =	sadd.s32 $0x80, s21  }
0x51a: {  	p0 =	slt.u32 s25, $0x1F8;
	(v2sf) =	vpush v12, $0xF;
	[tilespmem:s22+$0x10] =	vst v6;
	v2 =	vadd.f32 s28, v2;
	s0 =	spop (v2sf)  }
0x51b: {  	v6 =	vand.u32 $0x100, v8;
	v8 =	vld [tilespmem:s24+$0xFFFFFFE0];
	(v2sf) =	vpush v3, $0xF;
	(xrf2) =	vadd.scan.msk.f32 $0xffff, v7;
	s0 =	sadd.f32 s0, s28  }
0x51c: {  	vm0 =	veq.s32 v6, $0x0;
	v6 =	vand.u32 $0x100, v9;
	v7 =	vld [tilespmem:s24+$0xFFFFFFF0];
	v9, _, _ =	vpop (xrf2);
	[tilespmem:s22+$0x20] =	vst v2  }
0x51d: {  	v2 =	vsel vm0, $0x0, v10;
	vm0 =	veq.s32 v6, $0x0;
	v6 =	vld [tilespmem:s23+$0xFFFFFFE0];
	v1 =	vadd.f32 s0, v1;
	s2 =	spop (v2sf)  }
0x51e: {  	v10 =	vsel vm0, $0x0, v5;
	v13 =	vld [tilespmem:s23+$0xFFFFFFF0];
	(xrf2) =	vadd.scan.msk.f32 $0xffff, v2;
	(v2sf) =	vpush v9, $0xF;
	s0 =	sadd.f32 s2, s0;
	v5 =	vmov v11  }
0x51f: {  	v11, _, _ =	vpop (xrf2);
	[tilespmem:s22+$0x30] =	vst v1;
	s22 =	smov.u32 s21  }
0x520: {  	v1 =	vand.u32 $0x100, v8;
	v8 =	vadd.f32 s0, v4;
	(v2sf) =	vpush v11, $0xF  }
0x521: {  	vm0 =	veq.s32 v1, $0x0;
	v1 =	vand.u32 $0x100, v7;
	(xrf2) =	vadd.scan.msk.f32 $0xffff, v10;
	s2 =	spop (v2sf)  }
0x522: {  	v4 =	vsel vm0, $0x0, v6;
	vm0 =	veq.s32 v1, $0x0;
	v6 =	vld [tilespmem:s24+$0x0];
	[tilespmem:s21+$0xFFFFFFC0] =	vst v8;
	v2, _, _ =	vpop (xrf2)  }
0x523: {  	v13 =	vsel vm0, $0x0, v13;
	v7 =	vld [tilespmem:s24+$0x10];
	(v2sf) =	vpush v2, $0xF  }
0x524: {  	v8 =	vld [tilespmem:s23+$0x0];
	(xrf2) =	vadd.scan.msk.f32 $0xffff, v13;
	s28 =	spop (v2sf)  }
0x525: {  	v10 =	vld [tilespmem:s23+$0x10];
	v1, _, _ =	vpop (xrf2)  }
0x526: {  	s0 =	sadd.f32 s2, s0;
	(v2sf) =	vpush v1, $0xF  }
0x527: {  	v6 =	vand.u32 $0x100, v6;
	v13 =	vld [tilespmem:s24+$0x20];
	(xrf2) =	vadd.scan.msk.f32 $0xffff, v4  }
0x528: {  	vm0 =	veq.s32 v6, $0x0;
	v6 =	vand.u32 $0x100, v7;
	v4, _, _ =	vpop (xrf2);
	v7 =	vadd.f32 s0, v0;
	s0 =	sadd.f32 s28, s0  }
0x529: {  	v14 =	vsel vm0, $0x0, v8;
	vm0 =	veq.s32 v6, $0x0;
	v6 =	vld [tilespmem:s23+$0x20];
	s2 =	spop (v2sf)  }
0x52a: {  	v8 =	vsel vm0, $0x0, v10;
	v10 =	vld [tilespmem:s24+$0x30];
	(v2sf) =	vpush v4, $0xF;
	(xrf2) =	vadd.scan.msk.f32 $0xffff, v14;
	v12 =	vadd.f32 s0, v12;
	s0 =	sadd.f32 s2, s0;
	s2 =	spop (v2sf)  }
0x52b: {  	v0, _, _ =	vpop (xrf2);
	[tilespmem:s21+$0xFFFFFFD0] =	vst v7  }
.Ltmp9:
0x52c: {  	v13 =	vand.u32 $0x100, v13;
	v7 =	vld [tilespmem:s23+$0x30];
	[tilespmem:s21+$0xFFFFFFE0] =	vst v12;
	v12 =	vadd.f32 s0, v3;
	s0 =	sadd.f32 s2, s0;
	s23 =	smov.u32 s26;
	(pc) =	sbr.rel @p0 .LBB2_20-.Ltmp9, $4  }
0x52d: {  	s24 =	sadd.s32 $0x80, s24;
	vm0 =	veq.s32 v13, $0x0;
	(v2sf) =	vpush v0, $0xF;
	(xrf2) =	vadd.scan.msk.f32 $0xffff, v8;
	s2 =	spop (v2sf)  }
0x52e: {  	v8 =	vld [tilespmem:s24+$0xFFFFFFC0];
	v6 =	vsel vm0, $0x0, v6;
	v3, _, _ =	vpop (xrf2);
	[tilespmem:s21+$0xFFFFFFF0] =	vst v12;
	v12 =	vadd.f32 s0, v9;
	s0 =	sadd.f32 s2, s0  }
0x52f: {  	v9 =	vld [tilespmem:s24+$0xFFFFFFD0];
	v13 =	vand.u32 $0x100, v10;
	s2 =	spop (v2sf)  }
0x530: {  	s26 =	sadd.s32 $0x80, s26;
	v10 =	vld [tilespmem:s23+$0xFFFFFFC0];
	vm0 =	veq.s32 v13, $0x0;
	(xrf2) =	vadd.scan.msk.f32 $0xffff, v6;
	[tilespmem:s21+$0x0] =	vst v12;
	v6 =	vadd.f32 s0, v11;
	s28 =	sadd.f32 s2, s0  }
0x531: {  	_ = 	snop  }
0x532: {  	v11 =	vld [tilespmem:s24+$0xFFFFFFF0]  }
0x533: {  	v12 =	vld [tilespmem:s24+$0xFFFFFFE0];
	v8 =	vand.u32 $0x100, v8  }
0x534: {  	v7 =	vsel vm0, $0x0, v7;
	v13 =	vld [tilespmem:s23+$0xFFFFFFF0];
	vm0 =	veq.s32 v8, $0x0  }
0x535: {  	v14, _, _ =	vpop (xrf2);
	(xrf2) =	vadd.scan.msk.f32 $0xffff, v7;
	v7 =	vld [tilespmem:s23+$0xFFFFFFE0];
	v8 =	vand.u32 $0x100, v9;
	v9 =	vsel vm0, $0x0, v10  }
0x536: {  	(v2sf) =	vpush v14, $0xF;
	(xrf2) =	vadd.scan.msk.f32 $0xffff, v9;
	v9 =	vld [tilespmem:s24+$0x0]  }
0x537: {  	v57 =	vld [tilespmem:s24+$0x20];
	(v2sf) =	vpush v3, $0xF;
	vm0 =	veq.s32 v8, $0x0;
	v8 =	vand.u32 $0x100, v11  }
0x538: {  	v5 =	vsel vm0, $0x0, v5;
	v10 =	vand.u32 $0x100, v12;
	vm0 =	veq.s32 v8, $0x0;
	v8 =	vld [tilespmem:s24+$0x10]  }
0x539: {  	v11, _, _ =	vpop (xrf2);
	(xrf2) =	vadd.scan.msk.f32 $0xffff, v5;
	v5 =	vld [tilespmem:s23+$0x0];
	v55 =	vsel vm0, $0x0, v13;
	vm0 =	veq.s32 v10, $0x0  }
0x53a: {  	(v2sf) =	vpush v11, $0xF;
	v10 =	vld [tilespmem:s23+$0x10];
	v7 =	vsel vm0, $0x0, v7;
	(xrf2) =	vadd.scan.msk.f32 $0xffff, v55  }
0x53b: {  	v56, _, _ =	vpop (xrf2);
	(xrf2) =	vadd.scan.msk.f32 $0xffff, v7;
	v7 =	vand.u32 $0x100, v9  }
0x53c: {  	(v2sf) =	vpush v56, $0xF;
	vm0 =	veq.s32 v7, $0x0;
	v7 =	vld [tilespmem:s23+$0x20]  }
0x53d: {  	s0 =	spop (v2sf);
	v9, _, _ =	vpop (xrf2);
	v8 =	vand.u32 $0x100, v8  }
0x53e: {  	s0 =	sadd.f32 s0, s28;
	(v2sf) =	vpush v9, $0xF;
	v5 =	vsel vm0, $0x0, v5;
	vm0 =	veq.s32 v8, $0x0  }
0x53f: {  	s2 =	spop (v2sf);
	v15, _, _ =	vpop (xrf2);
	v8 =	vld [tilespmem:s24+$0x30];
	(xrf2) =	vadd.scan.msk.f32 $0xffff, v5;
	v5 =	vsel vm0, $0x0, v10;
	v10 =	vand.u32 $0x100, v57  }
0x540: {  	s2 =	sadd.f32 s2, s0;
	(v2sf) =	vpush v15, $0xF;
	vm0 =	veq.s32 v10, $0x0  }
0x541: {  	s30 =	spop (v2sf);
	(xrf2) =	vadd.scan.msk.f32 $0xffff, v5;
	v5 =	vld [tilespmem:s23+$0x30];
	v58, _, _ =	vpop (xrf2);
	v7 =	vsel vm0, $0x0, v7  }
0x542: {  	s24 =	sadd.f32 s30, s2;
	(v2sf) =	vpush v58, $0xF  }
0x543: {  	s31 =	spop (v2sf);
	v10, _, _ =	vpop (xrf2);
	(xrf2) =	vadd.scan.msk.f32 $0xffff, v7  }
0x544: {  	s23 =	sadd.f32 s31, s24;
	(v2sf) =	vpush v10, $0xF;
	v8 =	vand.u32 $0x100, v8;
	v7, _, _ =	vpop (xrf2)  }
0x545: {  	s25 =	spop (v2sf);
	vm0 =	veq.s32 v8, $0x0;
	v16, _, _ =	vpop (xrf2)  }
0x546: {  	s25 =	sadd.f32 s25, s23;
	v5 =	vsel vm0, $0x0, v5;
	(v2sf) =	vpush v16, $0xF  }
0x547: {  	s26 =	spop (v2sf)  }
0x548: {  	s26 =	sadd.f32 s26, s25;
	(v2sf) =	vpush v7, $0xF  }
0x549: {  	(xrf2) =	vadd.scan.msk.f32 $0xffff, v5;
	s29 =	spop (v2sf);
	v5, _, _ =	vpop (xrf2)  }
0x54a: {  	s29 =	sadd.f32 s29, s26;
	(v2sf) =	vpush v5, $0xF  }
0x54b: {  	s30 =	spop (v2sf);
	v8, _, _ =	vpop (xrf2)  }
0x54c: {  	s30 =	sadd.f32 s30, s29;
	(v2sf) =	vpush v8, $0xF  }
0x54d: {  	s31 =	spop (v2sf);
	v17, _, _ =	vpop (xrf2)  }
0x54e: {  	s31 =	sadd.f32 s31, s30;
	(v2sf) =	vpush v17, $0xF  }
0x54f: {  	v2 =	vadd.f32 s28, v2;
	v1 =	vadd.f32 s0, v1;
	s28 =	spop (v2sf)  }
0x550: {  	[tilespmem:s22+$0x10] =	vst v6;
	s0 =	sadd.f32 s28, s31  }
0x551: {  	[tilespmem:s22+$0x20] =	vst v2;
	v2 =	vadd.f32 s2, v4;
	s2 =	spop (v2sf)  }
0x552: {  	s21 =	sadd.s32 $0x80, s21;
	[tilespmem:s22+$0x30] =	vst v1;
	v0 =	vadd.f32 s24, v0;
	s2 =	sadd.f32 s2, s0  }
0x553: {  	[tilespmem:s21+$0xFFFFFFC0] =	vst v2;
	v2 =	vadd.f32 s23, v14;
	v1, _, _ =	vpop (xrf2);
	s24 =	spop (v2sf)  }
0x554: {  	[tilespmem:s21+$0xFFFFFFD0] =	vst v0;
	v3 =	vadd.f32 s25, v3;
	(v2sf) =	vpush v1, $0xF;
	s22 =	sadd.f32 s24, s2  }
0x555: {  	[tilespmem:s21+$0xFFFFFFE0] =	vst v2;
	v0 =	vadd.f32 s26, v11;
	s26 =	spop (v2sf)  }
0x556: {  	[tilespmem:s21+$0xFFFFFFF0] =	vst v3;
	v2 =	vadd.f32 s29, v56;
	s23 =	sadd.f32 s26, s22  }
0x557: {  	[tilespmem:s21+$0x0] =	vst v0;
	v0 =	vadd.f32 s30, v9;
	s30 =	spop (v2sf)  }
0x558: {  	[tilespmem:s21+$0x10] =	vst v2;
	v2 =	vadd.f32 s31, v15;
	s24 =	sadd.f32 s30, s23  }
0x559: {  	[tilespmem:s21+$0x20] =	vst v0;
	v0 =	vadd.f32 s0, v58;
	s25 =	spop (v2sf)  }
0x55a: {  	[tilespmem:s21+$0x30] =	vst v2;
	v2 =	vadd.f32 s2, v10;
	s26 =	sadd.s32 $0x80, s21;
	s0 =	sadd.f32 s25, s24  }
0x55b: {  	[tilespmem:s26+$0xFFFFFFC0] =	vst v0;
	v0 =	vadd.f32 s22, v16;
	s29 =	spop (v2sf)  }
0x55c: {  	[tilespmem:s26+$0xFFFFFFD0] =	vst v2;
	v2 =	vadd.f32 s23, v7;
	s2 =	sadd.f32 s29, s0  }
0x55d: {  	[tilespmem:s26+$0xFFFFFFE0] =	vst v0;
	v0 =	vadd.f32 s24, v5;
	s30 =	spop (v2sf)  }
0x55e: {  	[tilespmem:s26+$0xFFFFFFF0] =	vst v2;
	v2 =	vadd.f32 s0, v8;
	s21 =	sadd.f32 s30, s2  }
0x55f: {  	[tilespmem:s26+$0x0] =	vst v0;
	v0 =	vadd.f32 s2, v17  }
0x560: {  	[tilespmem:s26+$0x10] =	vst v2;
	v1 =	vadd.f32 s21, v1  }
0x561: {  	[tilespmem:s26+$0x20] =	vst v0  }
0x562: {  	[tilespmem:s26+$0x30] =	vst v1  }
0x563: {  	s31 =	spop (v2sf);
	s2 =	rddreg [dreg:$0x1b]  }
0x564: {  	[hbm4b:s2+s9] =	stream.strided.scatter [tilespmem:s16], [sflag:$0x6], $0x2000, s10, s9, $0x38;
	[tilespmem:$0xC000] =	vst v63  }
0x565: {  	_ =	swait.ge [sflag:s11], $0x2000  }
0x566: {  	[sflag:s11] =	ssyncset.done $0x0  }
0x567: {  	s23 =	rddreg [dreg:$0x1e];
	[sflag:s11] =	ssyncadd.s32 $0xFFFFE000  }
0x568: {  	[tilespmem:s12], [sflag:$0x2] =	stream.strided.gather [hbm4b:s23+s9], $0x2000, s10, s9, $0x38;
	[tilespmem:$0xC000] =	vst v63  }
0x569: {  	_ =	swait.ge [sflag:s17], $0x2000  }
0x56a: {  	[sflag:s17] =	ssyncset.done $0x0  }
0x56b: {  	s25 =	simm.s32 $0x4040;
	[sflag:s17] =	ssyncadd.s32 $0xFFFFE000  }
0x56c: {  	v1 =	vld [tilespmem:s25+$0xFFFFFFC0]  }
0x56d: {  	s24 =	simm.s32 $0x40;
	v2 =	vld [tilespmem:s25+$0xFFFFFFD0]  }
0x56e: {  	v3 =	vld [tilespmem:s24+$0xFFFFFFC0]  }
0x56f: {  	v0 =	vld [tilespmem:s24+$0xFFFFFFD0]  }
0x570: {  	v4 =	vld [tilespmem:s25+$0xFFFFFFF0]  }
0x571: {  	v1 =	vand.u32 $0x10000, v1  }
0x572: {  	v5 =	vld [tilespmem:s25+$0xFFFFFFE0];
	v2 =	vand.u32 $0x10000, v2;
	vm0 =	veq.s32 v1, $0x0  }
0x573: {  	v6 =	vld [tilespmem:s24+$0xFFFFFFF0];
	v3 =	vsel vm0, $0x0, v3;
	vm0 =	veq.s32 v2, $0x0  }
0x574: {  	v1 =	vld [tilespmem:s24+$0xFFFFFFE0];
	(xrf2) =	vadd.scan.msk.f32 $0xffff, v3;
	v0 =	vsel vm0, $0x0, v0  }
0x575: {  	v2 =	vand.u32 $0x10000, v4;
	v3 =	vld [tilespmem:s25+$0x0];
	(xrf2) =	vadd.scan.msk.f32 $0xffff, v0  }
0x576: {  	vm0 =	veq.s32 v2, $0x0;
	v2 =	vld [tilespmem:s25+$0x10]  }
0x577: {  	v4 =	vand.u32 $0x10000, v5;
	v0 =	vld [tilespmem:s24+$0x0]  }
0x578: {  	v5 =	vsel vm0, $0x0, v6;
	vm0 =	veq.s32 v4, $0x0;
	v4 =	vld [tilespmem:s24+$0x10]  }
0x579: {  	(xrf2) =	vadd.scan.msk.f32 $0xffff, v5;
	v1 =	vsel vm0, $0x0, v1  }
0x57a: {  	(xrf2) =	vadd.scan.msk.f32 $0xffff, v1;
	v1 =	vand.u32 $0x10000, v3  }
0x57b: {  	vm0 =	veq.s32 v1, $0x0;
	v1 =	vand.u32 $0x10000, v2  }
0x57c: {  	v0 =	vsel vm0, $0x0, v0;
	vm0 =	veq.s32 v1, $0x0;
	v1 =	vld [tilespmem:s25+$0x20]  }
0x57d: {  	(xrf2) =	vadd.scan.msk.f32 $0xffff, v0;
	v0 =	vsel vm0, $0x0, v4  }
0x57e: {  	v3, _, _ =	vpop (xrf2);
	(xrf2) =	vadd.scan.msk.f32 $0xffff, v0;
	v0 =	vld [tilespmem:s24+$0x20]  }
0x57f: {  	v2 =	vld [tilespmem:s25+$0x30];
	(v2sf) =	vpush v3, $0xF;
	v5, _, _ =	vpop (xrf2)  }
0x580: {  	(v2sf) =	vpush v5, $0xF  }
0x581: {  	s23 =	simm.s32 $0x40C0;
	v4 =	vld [tilespmem:s24+$0x30];
	v1 =	vand.u32 $0x10000, v1  }
0x582: {  	v7 =	vld [tilespmem:s23+$0xFFFFFFC0];
	vm0 =	veq.s32 v1, $0x0  }
0x583: {  	v9 =	vld [tilespmem:s23+$0xFFFFFFD0];
	s24 =	simm.s32 $0xC0;
	v0 =	vsel vm0, $0x0, v0  }
0x584: {  	v10 =	vld [tilespmem:s24+$0xFFFFFFC0];
	v6, _, _ =	vpop (xrf2);
	v1 =	vand.u32 $0x10000, v2;
	(xrf2) =	vadd.scan.msk.f32 $0xffff, v0  }
0x585: {  	v2 =	vld [tilespmem:s24+$0xFFFFFFD0];
	v8, _, _ =	vpop (xrf2);
	vm0 =	veq.s32 v1, $0x0  }
0x586: {  	(v2sf) =	vpush v8, $0xF;
	v0 =	vsel vm0, $0x0, v4;
	v4 =	vld [tilespmem:s23+$0xFFFFFFF0]  }
0x587: {  	(xrf2) =	vadd.scan.msk.f32 $0xffff, v0  }
0x588: {  	v1 =	vand.u32 $0x10000, v7;
	v7 =	vld [tilespmem:s24+$0xFFFFFFF0];
	(v2sf) =	vpush v6, $0xF  }
0x589: {  	vm0 =	veq.s32 v1, $0x0;
	v0 =	vand.u32 $0x10000, v9;
	v11, _, _ =	vpop (xrf2)  }
0x58a: {  	v1 =	vsel vm0, $0x0, v10;
	vm0 =	veq.s32 v0, $0x0;
	v0 =	vld [tilespmem:s23+$0xFFFFFFE0];
	(v2sf) =	vpush v11, $0xF  }
0x58b: {  	v9 =	vld [tilespmem:s24+$0xFFFFFFE0];
	v59, _, _ =	vpop (xrf2);
	(xrf2) =	vadd.scan.msk.f32 $0xffff, v1;
	v1 =	vsel vm0, $0x0, v2;
	v2 =	vand.u32 $0x10000, v4  }
0x58c: {  	(v2sf) =	vpush v59, $0xF;
	v4 =	vld [tilespmem:s23+$0x0];
	vm0 =	veq.s32 v2, $0x0  }
0x58d: {  	(xrf2) =	vadd.scan.msk.f32 $0xffff, v1;
	v1 =	vsel vm0, $0x0, v7;
	v7 =	vld [tilespmem:s23+$0x10]  }
0x58e: {  	s29 =	spop (v2sf);
	v2, _, _ =	vpop (xrf2)  }
0x58f: {  	v0 =	vand.u32 $0x10000, v0;
	s30 =	spop (v2sf);
	(v2sf) =	vpush v2, $0xF  }
0x590: {  	s26 =	sadd.f32 s31, s21;
	v10 =	vld [tilespmem:s24+$0x0];
	vm0 =	veq.s32 v0, $0x0  }
0x591: {  	(xrf2) =	vadd.scan.msk.f32 $0xffff, v1;
	v0 =	vsel vm0, $0x0, v9;
	v4 =	vand.u32 $0x10000, v4;
	v1, _, _ =	vpop (xrf2)  }
0x592: {  	s2 =	sadd.f32 s29, s26;
	vm0 =	veq.s32 v4, $0x0;
	(v2sf) =	vpush v1, $0xF;
	v4 =	vand.u32 $0x10000, v7  }
0x593: {  	v60 =	vld [tilespmem:s24+$0x10];
	v3 =	vadd.f32 s26, v3;
	(xrf2) =	vadd.scan.msk.f32 $0xffff, v0  }
0x594: {  	s21 =	simm.s32 $0x8040;
	v61 =	vld [tilespmem:s23+$0x20];
	s31 =	sadd.f32 s30, s2  }
0x595: {  	v62 =	vld [tilespmem:s23+$0x30];
	[tilespmem:s21+$0xFFFFFFC0] =	vst v3;
	v3 =	vsel vm0, $0x0, v10;
	vm0 =	veq.s32 v4, $0x0;
	s25 =	spop (v2sf);
	v4, _, _ =	vpop (xrf2)  }
0x596: {  	v9 =	vld [tilespmem:s24+$0x20];
	v7 =	vadd.f32 s2, v5;
	s22 =	sadd.f32 s25, s31;
	(xrf2) =	vadd.scan.msk.f32 $0xffff, v3;
	(v2sf) =	vpush v4, $0xF  }
0x597: {  	s26 =	spop (v2sf)  }
0x598: {  	s23 =	simm.s32 $0x140;
	v10 =	vsel vm0, $0x0, v60;
	v8 =	vadd.f32 s31, v8;
	[tilespmem:s21+$0xFFFFFFD0] =	vst v7;
	v7 =	vld [tilespmem:s24+$0x30];
	v0, _, _ =	vpop (xrf2);
	s29 =	sadd.f32 s26, s22  }
0x599: {  	v5 =	vld [tilespmem:s23+$0xFFFFFFD0];
	v3 =	vand.u32 $0x10000, v61;
	s24 =	simm.s32 $0x4140;
	(xrf2) =	vadd.scan.msk.f32 $0xffff, v10;
	v6 =	vadd.f32 s22, v6;
	(v2sf) =	vpush v0, $0xF;
	s30 =	spop (v2sf)  }
0x59a: {  	vm0 =	veq.s32 v3, $0x0;
	[tilespmem:s21+$0xFFFFFFE0] =	vst v8;
	v8 =	vld [tilespmem:s24+$0xFFFFFFC0];
	v11 =	vadd.f32 s29, v11;
	s0 =	sadd.f32 s30, s29  }
0x59b: {  	s25 =	simm.s32 $0x10;
	v63 =	vsel vm0, $0x0, v9;
	v9 =	vld [tilespmem:s24+$0xFFFFFFD0];
	[tilespmem:s21+$0xFFFFFFF0] =	vst v6;
	v6 =	vand.u32 $0x10000, v62;
	s31 =	spop (v2sf)  }
0x59c: {  	v10 =	vld [tilespmem:s23+$0xFFFFFFC0];
	s26 =	simm.s32 $0x1C0;
	s22 =	simm.s32 $0x8040;
	v3, _, _ =	vpop (xrf2);
	(xrf2) =	vadd.scan.msk.f32 $0xffff, v63;
	vm0 =	veq.s32 v6, $0x0;
	[tilespmem:s21+$0x0] =	vst v11;
	v6 =	vadd.f32 s0, v59;
	s28 =	sadd.f32 s31, s0  }
.LBB2_22:
0x59d: {  	v11 =	vld [tilespmem:s26+$0xFFFFFFD0];
	s25 =	sadd.s32 $0x8, s25;
	v7 =	vsel vm0, $0x0, v7;
	v12, _, _ =	vpop (xrf2);
	s21 =	sadd.s32 $0x80, s21  }
0x59e: {  	p0 =	slt.u32 s25, $0x1F8;
	(v2sf) =	vpush v12, $0xF;
	[tilespmem:s22+$0x10] =	vst v6;
	v2 =	vadd.f32 s28, v2;
	s0 =	spop (v2sf)  }
0x59f: {  	v6 =	vand.u32 $0x10000, v8;
	v8 =	vld [tilespmem:s24+$0xFFFFFFE0];
	(v2sf) =	vpush v3, $0xF;
	(xrf2) =	vadd.scan.msk.f32 $0xffff, v7;
	s0 =	sadd.f32 s0, s28  }
0x5a0: {  	vm0 =	veq.s32 v6, $0x0;
	v6 =	vand.u32 $0x10000, v9;
	v7 =	vld [tilespmem:s24+$0xFFFFFFF0];
	v9, _, _ =	vpop (xrf2);
	[tilespmem:s22+$0x20] =	vst v2  }
0x5a1: {  	v2 =	vsel vm0, $0x0, v10;
	vm0 =	veq.s32 v6, $0x0;
	v6 =	vld [tilespmem:s23+$0xFFFFFFE0];
	v1 =	vadd.f32 s0, v1;
	s2 =	spop (v2sf)  }
0x5a2: {  	v10 =	vsel vm0, $0x0, v5;
	v13 =	vld [tilespmem:s23+$0xFFFFFFF0];
	(xrf2) =	vadd.scan.msk.f32 $0xffff, v2;
	(v2sf) =	vpush v9, $0xF;
	s0 =	sadd.f32 s2, s0;
	v5 =	vmov v11  }
0x5a3: {  	v11, _, _ =	vpop (xrf2);
	[tilespmem:s22+$0x30] =	vst v1;
	s22 =	smov.u32 s21  }
0x5a4: {  	v1 =	vand.u32 $0x10000, v8;
	v8 =	vadd.f32 s0, v4;
	(v2sf) =	vpush v11, $0xF  }
0x5a5: {  	vm0 =	veq.s32 v1, $0x0;
	v1 =	vand.u32 $0x10000, v7;
	(xrf2) =	vadd.scan.msk.f32 $0xffff, v10;
	s2 =	spop (v2sf)  }
0x5a6: {  	v4 =	vsel vm0, $0x0, v6;
	vm0 =	veq.s32 v1, $0x0;
	v6 =	vld [tilespmem:s24+$0x0];
	[tilespmem:s21+$0xFFFFFFC0] =	vst v8;
	v2, _, _ =	vpop (xrf2)  }
0x5a7: {  	v13 =	vsel vm0, $0x0, v13;
	v7 =	vld [tilespmem:s24+$0x10];
	(v2sf) =	vpush v2, $0xF  }
0x5a8: {  	v8 =	vld [tilespmem:s23+$0x0];
	(xrf2) =	vadd.scan.msk.f32 $0xffff, v13;
	s28 =	spop (v2sf)  }
0x5a9: {  	v10 =	vld [tilespmem:s23+$0x10];
	v1, _, _ =	vpop (xrf2)  }
0x5aa: {  	s0 =	sadd.f32 s2, s0;
	(v2sf) =	vpush v1, $0xF  }
0x5ab: {  	v6 =	vand.u32 $0x10000, v6;
	v13 =	vld [tilespmem:s24+$0x20];
	(xrf2) =	vadd.scan.msk.f32 $0xffff, v4  }
0x5ac: {  	vm0 =	veq.s32 v6, $0x0;
	v6 =	vand.u32 $0x10000, v7;
	v4, _, _ =	vpop (xrf2);
	v7 =	vadd.f32 s0, v0;
	s0 =	sadd.f32 s28, s0  }
0x5ad: {  	v14 =	vsel vm0, $0x0, v8;
	vm0 =	veq.s32 v6, $0x0;
	v6 =	vld [tilespmem:s23+$0x20];
	s2 =	spop (v2sf)  }
0x5ae: {  	v8 =	vsel vm0, $0x0, v10;
	v10 =	vld [tilespmem:s24+$0x30];
	(v2sf) =	vpush v4, $0xF;
	(xrf2) =	vadd.scan.msk.f32 $0xffff, v14;
	v12 =	vadd.f32 s0, v12;
	s0 =	sadd.f32 s2, s0;
	s2 =	spop (v2sf)  }
0x5af: {  	v0, _, _ =	vpop (xrf2);
	[tilespmem:s21+$0xFFFFFFD0] =	vst v7  }
.Ltmp10:
0x5b0: {  	v13 =	vand.u32 $0x10000, v13;
	v7 =	vld [tilespmem:s23+$0x30];
	[tilespmem:s21+$0xFFFFFFE0] =	vst v12;
	v12 =	vadd.f32 s0, v3;
	s0 =	sadd.f32 s2, s0;
	s23 =	smov.u32 s26;
	(pc) =	sbr.rel @p0 .LBB2_22-.Ltmp10, $4  }
0x5b1: {  	s24 =	sadd.s32 $0x80, s24;
	vm0 =	veq.s32 v13, $0x0;
	(v2sf) =	vpush v0, $0xF;
	(xrf2) =	vadd.scan.msk.f32 $0xffff, v8;
	s2 =	spop (v2sf)  }
0x5b2: {  	v8 =	vld [tilespmem:s24+$0xFFFFFFC0];
	v6 =	vsel vm0, $0x0, v6;
	v3, _, _ =	vpop (xrf2);
	[tilespmem:s21+$0xFFFFFFF0] =	vst v12;
	v12 =	vadd.f32 s0, v9;
	s0 =	sadd.f32 s2, s0  }
0x5b3: {  	v9 =	vld [tilespmem:s24+$0xFFFFFFD0];
	v13 =	vand.u32 $0x10000, v10;
	s2 =	spop (v2sf)  }
0x5b4: {  	s26 =	sadd.s32 $0x80, s26;
	v10 =	vld [tilespmem:s23+$0xFFFFFFC0];
	vm0 =	veq.s32 v13, $0x0;
	(xrf2) =	vadd.scan.msk.f32 $0xffff, v6;
	[tilespmem:s21+$0x0] =	vst v12;
	v6 =	vadd.f32 s0, v11;
	s28 =	sadd.f32 s2, s0  }
0x5b5: {  	_ = 	snop  }
0x5b6: {  	v11 =	vld [tilespmem:s24+$0xFFFFFFF0]  }
0x5b7: {  	v12 =	vld [tilespmem:s24+$0xFFFFFFE0];
	v8 =	vand.u32 $0x10000, v8  }
0x5b8: {  	v7 =	vsel vm0, $0x0, v7;
	v13 =	vld [tilespmem:s23+$0xFFFFFFF0];
	vm0 =	veq.s32 v8, $0x0  }
0x5b9: {  	v14, _, _ =	vpop (xrf2);
	(xrf2) =	vadd.scan.msk.f32 $0xffff, v7;
	v7 =	vld [tilespmem:s23+$0xFFFFFFE0];
	v8 =	vand.u32 $0x10000, v9;
	v9 =	vsel vm0, $0x0, v10  }
0x5ba: {  	(v2sf) =	vpush v14, $0xF;
	(xrf2) =	vadd.scan.msk.f32 $0xffff, v9;
	v9 =	vld [tilespmem:s24+$0x0]  }
0x5bb: {  	v57 =	vld [tilespmem:s24+$0x20];
	(v2sf) =	vpush v3, $0xF;
	vm0 =	veq.s32 v8, $0x0;
	v8 =	vand.u32 $0x10000, v11  }
0x5bc: {  	v5 =	vsel vm0, $0x0, v5;
	v10 =	vand.u32 $0x10000, v12;
	vm0 =	veq.s32 v8, $0x0;
	v8 =	vld [tilespmem:s24+$0x10]  }
0x5bd: {  	v11, _, _ =	vpop (xrf2);
	(xrf2) =	vadd.scan.msk.f32 $0xffff, v5;
	v5 =	vld [tilespmem:s23+$0x0];
	v55 =	vsel vm0, $0x0, v13;
	vm0 =	veq.s32 v10, $0x0  }
0x5be: {  	(v2sf) =	vpush v11, $0xF;
	v10 =	vld [tilespmem:s23+$0x10];
	v7 =	vsel vm0, $0x0, v7;
	(xrf2) =	vadd.scan.msk.f32 $0xffff, v55  }
0x5bf: {  	v56, _, _ =	vpop (xrf2);
	(xrf2) =	vadd.scan.msk.f32 $0xffff, v7;
	v7 =	vand.u32 $0x10000, v9  }
0x5c0: {  	(v2sf) =	vpush v56, $0xF;
	vm0 =	veq.s32 v7, $0x0;
	v7 =	vld [tilespmem:s23+$0x20]  }
0x5c1: {  	s0 =	spop (v2sf);
	v9, _, _ =	vpop (xrf2);
	v8 =	vand.u32 $0x10000, v8  }
0x5c2: {  	s0 =	sadd.f32 s0, s28;
	(v2sf) =	vpush v9, $0xF;
	v5 =	vsel vm0, $0x0, v5;
	vm0 =	veq.s32 v8, $0x0  }
0x5c3: {  	s2 =	spop (v2sf);
	v15, _, _ =	vpop (xrf2);
	v8 =	vld [tilespmem:s24+$0x30];
	(xrf2) =	vadd.scan.msk.f32 $0xffff, v5;
	v5 =	vsel vm0, $0x0, v10;
	v10 =	vand.u32 $0x10000, v57  }
0x5c4: {  	s2 =	sadd.f32 s2, s0;
	(v2sf) =	vpush v15, $0xF;
	vm0 =	veq.s32 v10, $0x0  }
0x5c5: {  	s30 =	spop (v2sf);
	(xrf2) =	vadd.scan.msk.f32 $0xffff, v5;
	v5 =	vld [tilespmem:s23+$0x30];
	v58, _, _ =	vpop (xrf2);
	v7 =	vsel vm0, $0x0, v7  }
0x5c6: {  	s24 =	sadd.f32 s30, s2;
	(v2sf) =	vpush v58, $0xF  }
0x5c7: {  	s31 =	spop (v2sf);
	v10, _, _ =	vpop (xrf2);
	(xrf2) =	vadd.scan.msk.f32 $0xffff, v7  }
0x5c8: {  	s23 =	sadd.f32 s31, s24;
	(v2sf) =	vpush v10, $0xF;
	v8 =	vand.u32 $0x10000, v8;
	v7, _, _ =	vpop (xrf2)  }
0x5c9: {  	s25 =	spop (v2sf);
	vm0 =	veq.s32 v8, $0x0;
	v16, _, _ =	vpop (xrf2)  }
0x5ca: {  	s25 =	sadd.f32 s25, s23;
	v5 =	vsel vm0, $0x0, v5;
	(v2sf) =	vpush v16, $0xF  }
0x5cb: {  	s26 =	spop (v2sf)  }
0x5cc: {  	s26 =	sadd.f32 s26, s25;
	(v2sf) =	vpush v7, $0xF  }
0x5cd: {  	(xrf2) =	vadd.scan.msk.f32 $0xffff, v5;
	s29 =	spop (v2sf);
	v5, _, _ =	vpop (xrf2)  }
0x5ce: {  	s29 =	sadd.f32 s29, s26;
	(v2sf) =	vpush v5, $0xF  }
0x5cf: {  	s30 =	spop (v2sf);
	v8, _, _ =	vpop (xrf2)  }
0x5d0: {  	s30 =	sadd.f32 s30, s29;
	(v2sf) =	vpush v8, $0xF  }
0x5d1: {  	s31 =	spop (v2sf);
	v17, _, _ =	vpop (xrf2)  }
0x5d2: {  	s31 =	sadd.f32 s31, s30;
	(v2sf) =	vpush v17, $0xF  }
0x5d3: {  	v2 =	vadd.f32 s28, v2;
	v1 =	vadd.f32 s0, v1;
	s28 =	spop (v2sf)  }
0x5d4: {  	[tilespmem:s22+$0x10] =	vst v6;
	s0 =	sadd.f32 s28, s31  }
0x5d5: {  	[tilespmem:s22+$0x20] =	vst v2;
	v2 =	vadd.f32 s2, v4;
	s2 =	spop (v2sf)  }
0x5d6: {  	s21 =	sadd.s32 $0x80, s21;
	[tilespmem:s22+$0x30] =	vst v1;
	v0 =	vadd.f32 s24, v0;
	s2 =	sadd.f32 s2, s0  }
0x5d7: {  	[tilespmem:s21+$0xFFFFFFC0] =	vst v2;
	v2 =	vadd.f32 s23, v14;
	v1, _, _ =	vpop (xrf2);
	s24 =	spop (v2sf)  }
0x5d8: {  	[tilespmem:s21+$0xFFFFFFD0] =	vst v0;
	v3 =	vadd.f32 s25, v3;
	(v2sf) =	vpush v1, $0xF;
	s22 =	sadd.f32 s24, s2  }
0x5d9: {  	[tilespmem:s21+$0xFFFFFFE0] =	vst v2;
	v0 =	vadd.f32 s26, v11;
	s26 =	spop (v2sf)  }
0x5da: {  	[tilespmem:s21+$0xFFFFFFF0] =	vst v3;
	v2 =	vadd.f32 s29, v56;
	s23 =	sadd.f32 s26, s22  }
0x5db: {  	[tilespmem:s21+$0x0] =	vst v0;
	v0 =	vadd.f32 s30, v9;
	s30 =	spop (v2sf)  }
0x5dc: {  	[tilespmem:s21+$0x10] =	vst v2;
	v2 =	vadd.f32 s31, v15;
	s24 =	sadd.f32 s30, s23  }
0x5dd: {  	[tilespmem:s21+$0x20] =	vst v0;
	v0 =	vadd.f32 s0, v58;
	s25 =	spop (v2sf)  }
0x5de: {  	[tilespmem:s21+$0x30] =	vst v2;
	v2 =	vadd.f32 s2, v10;
	s26 =	sadd.s32 $0x80, s21;
	s0 =	sadd.f32 s25, s24  }
0x5df: {  	[tilespmem:s26+$0xFFFFFFC0] =	vst v0;
	v0 =	vadd.f32 s22, v16;
	s29 =	spop (v2sf)  }
0x5e0: {  	[tilespmem:s26+$0xFFFFFFD0] =	vst v2;
	v2 =	vadd.f32 s23, v7;
	s2 =	sadd.f32 s29, s0  }
0x5e1: {  	[tilespmem:s26+$0xFFFFFFE0] =	vst v0;
	v0 =	vadd.f32 s24, v5;
	s30 =	spop (v2sf)  }
0x5e2: {  	[tilespmem:s26+$0xFFFFFFF0] =	vst v2;
	v2 =	vadd.f32 s0, v8;
	s21 =	sadd.f32 s30, s2  }
0x5e3: {  	[tilespmem:s26+$0x0] =	vst v0;
	v0 =	vadd.f32 s2, v17  }
0x5e4: {  	[tilespmem:s26+$0x10] =	vst v2;
	v1 =	vadd.f32 s21, v1  }
0x5e5: {  	[tilespmem:s26+$0x20] =	vst v0  }
0x5e6: {  	[tilespmem:s26+$0x30] =	vst v1  }
0x5e7: {  	s31 =	spop (v2sf);
	s2 =	rddreg [dreg:$0x1d]  }
0x5e8: {  	[hbm4b:s2+s9] =	stream.strided.scatter [tilespmem:s14], [sflag:$0x5], $0x2000, s10, s9, $0x38;
	[tilespmem:$0xC000] =	vst v63  }
0x5e9: {  	_ =	swait.ge [sflag:s15], $0x2000  }
0x5ea: {  	s23 =	sld [smem:$0x7FB]  }
0x5eb: {  	[sflag:s15] =	ssyncset.done $0x0  }
0x5ec: {  	[sflag:s15] =	ssyncadd.s32 $0xFFFFE000  }
0x5ed: {  	[tilespmem:s1], [sflag:$0x1] =	stream.strided.gather [hbm4b:s23+s9], $0x2000, s10, s9, $0x38;
	[tilespmem:$0xC000] =	vst v63  }
0x5ee: {  	_ =	swait.ge [sflag:s18], $0x2000  }
0x5ef: {  	[sflag:s18] =	ssyncset.done $0x0  }
0x5f0: {  	s25 =	simm.s32 $0x4040;
	[sflag:s18] =	ssyncadd.s32 $0xFFFFE000  }
0x5f1: {  	v1 =	vld [tilespmem:s25+$0xFFFFFFC0]  }
0x5f2: {  	s24 =	simm.s32 $0x2040;
	v2 =	vld [tilespmem:s25+$0xFFFFFFD0]  }
0x5f3: {  	v3 =	vld [tilespmem:s24+$0xFFFFFFC0]  }
0x5f4: {  	v0 =	vld [tilespmem:s24+$0xFFFFFFD0]  }
0x5f5: {  	v4 =	vld [tilespmem:s25+$0xFFFFFFF0]  }
0x5f6: {  	v1 =	vand.u32 $0x1000000, v1  }
0x5f7: {  	v5 =	vld [tilespmem:s25+$0xFFFFFFE0];
	v2 =	vand.u32 $0x1000000, v2;
	vm0 =	veq.s32 v1, $0x0  }
0x5f8: {  	v6 =	vld [tilespmem:s24+$0xFFFFFFF0];
	v3 =	vsel vm0, $0x0, v3;
	vm0 =	veq.s32 v2, $0x0  }
0x5f9: {  	v1 =	vld [tilespmem:s24+$0xFFFFFFE0];
	(xrf2) =	vadd.scan.msk.f32 $0xffff, v3;
	v0 =	vsel vm0, $0x0, v0  }
0x5fa: {  	v2 =	vand.u32 $0x1000000, v4;
	v3 =	vld [tilespmem:s25+$0x0];
	(xrf2) =	vadd.scan.msk.f32 $0xffff, v0  }
0x5fb: {  	vm0 =	veq.s32 v2, $0x0;
	v2 =	vld [tilespmem:s25+$0x10]  }
0x5fc: {  	v4 =	vand.u32 $0x1000000, v5;
	v0 =	vld [tilespmem:s24+$0x0]  }
0x5fd: {  	v5 =	vsel vm0, $0x0, v6;
	vm0 =	veq.s32 v4, $0x0;
	v4 =	vld [tilespmem:s24+$0x10]  }
0x5fe: {  	(xrf2) =	vadd.scan.msk.f32 $0xffff, v5;
	v1 =	vsel vm0, $0x0, v1  }
0x5ff: {  	(xrf2) =	vadd.scan.msk.f32 $0xffff, v1;
	v1 =	vand.u32 $0x1000000, v3  }
0x600: {  	vm0 =	veq.s32 v1, $0x0;
	v1 =	vand.u32 $0x1000000, v2  }
0x601: {  	v0 =	vsel vm0, $0x0, v0;
	vm0 =	veq.s32 v1, $0x0;
	v1 =	vld [tilespmem:s25+$0x20]  }
0x602: {  	(xrf2) =	vadd.scan.msk.f32 $0xffff, v0;
	v0 =	vsel vm0, $0x0, v4  }
0x603: {  	v3, _, _ =	vpop (xrf2);
	(xrf2) =	vadd.scan.msk.f32 $0xffff, v0;
	v0 =	vld [tilespmem:s24+$0x20]  }
0x604: {  	v2 =	vld [tilespmem:s25+$0x30];
	(v2sf) =	vpush v3, $0xF;
	v5, _, _ =	vpop (xrf2)  }
0x605: {  	(v2sf) =	vpush v5, $0xF  }
0x606: {  	s23 =	simm.s32 $0x40C0;
	v4 =	vld [tilespmem:s24+$0x30];
	v1 =	vand.u32 $0x1000000, v1  }
0x607: {  	v7 =	vld [tilespmem:s23+$0xFFFFFFC0];
	vm0 =	veq.s32 v1, $0x0  }
0x608: {  	v9 =	vld [tilespmem:s23+$0xFFFFFFD0];
	s24 =	simm.s32 $0x20C0;
	v0 =	vsel vm0, $0x0, v0  }
0x609: {  	v10 =	vld [tilespmem:s24+$0xFFFFFFC0];
	v6, _, _ =	vpop (xrf2);
	v1 =	vand.u32 $0x1000000, v2;
	(xrf2) =	vadd.scan.msk.f32 $0xffff, v0  }
0x60a: {  	v2 =	vld [tilespmem:s24+$0xFFFFFFD0];
	v8, _, _ =	vpop (xrf2);
	vm0 =	veq.s32 v1, $0x0  }
0x60b: {  	(v2sf) =	vpush v8, $0xF;
	v0 =	vsel vm0, $0x0, v4;
	v4 =	vld [tilespmem:s23+$0xFFFFFFF0]  }
0x60c: {  	(xrf2) =	vadd.scan.msk.f32 $0xffff, v0  }
0x60d: {  	v1 =	vand.u32 $0x1000000, v7;
	v7 =	vld [tilespmem:s24+$0xFFFFFFF0];
	(v2sf) =	vpush v6, $0xF  }
0x60e: {  	vm0 =	veq.s32 v1, $0x0;
	v0 =	vand.u32 $0x1000000, v9;
	v11, _, _ =	vpop (xrf2)  }
0x60f: {  	v1 =	vsel vm0, $0x0, v10;
	vm0 =	veq.s32 v0, $0x0;
	v0 =	vld [tilespmem:s23+$0xFFFFFFE0];
	(v2sf) =	vpush v11, $0xF  }
0x610: {  	v9 =	vld [tilespmem:s24+$0xFFFFFFE0];
	v59, _, _ =	vpop (xrf2);
	(xrf2) =	vadd.scan.msk.f32 $0xffff, v1;
	v1 =	vsel vm0, $0x0, v2;
	v2 =	vand.u32 $0x1000000, v4  }
0x611: {  	(v2sf) =	vpush v59, $0xF;
	v4 =	vld [tilespmem:s23+$0x0];
	vm0 =	veq.s32 v2, $0x0  }
0x612: {  	(xrf2) =	vadd.scan.msk.f32 $0xffff, v1;
	v1 =	vsel vm0, $0x0, v7;
	v7 =	vld [tilespmem:s23+$0x10]  }
0x613: {  	s29 =	spop (v2sf);
	v2, _, _ =	vpop (xrf2)  }
0x614: {  	v0 =	vand.u32 $0x1000000, v0;
	s30 =	spop (v2sf);
	(v2sf) =	vpush v2, $0xF  }
0x615: {  	s26 =	sadd.f32 s31, s21;
	v10 =	vld [tilespmem:s24+$0x0];
	vm0 =	veq.s32 v0, $0x0  }
0x616: {  	(xrf2) =	vadd.scan.msk.f32 $0xffff, v1;
	v0 =	vsel vm0, $0x0, v9;
	v4 =	vand.u32 $0x1000000, v4;
	v1, _, _ =	vpop (xrf2)  }
0x617: {  	s2 =	sadd.f32 s29, s26;
	vm0 =	veq.s32 v4, $0x0;
	(v2sf) =	vpush v1, $0xF;
	v4 =	vand.u32 $0x1000000, v7  }
0x618: {  	v60 =	vld [tilespmem:s24+$0x10];
	v3 =	vadd.f32 s26, v3;
	(xrf2) =	vadd.scan.msk.f32 $0xffff, v0  }
0x619: {  	s21 =	simm.s32 $0xA040;
	v61 =	vld [tilespmem:s23+$0x20];
	s31 =	sadd.f32 s30, s2  }
0x61a: {  	v62 =	vld [tilespmem:s23+$0x30];
	[tilespmem:s21+$0xFFFFFFC0] =	vst v3;
	v3 =	vsel vm0, $0x0, v10;
	vm0 =	veq.s32 v4, $0x0;
	s25 =	spop (v2sf);
	v4, _, _ =	vpop (xrf2)  }
0x61b: {  	v9 =	vld [tilespmem:s24+$0x20];
	v7 =	vadd.f32 s2, v5;
	s22 =	sadd.f32 s25, s31;
	(xrf2) =	vadd.scan.msk.f32 $0xffff, v3;
	(v2sf) =	vpush v4, $0xF  }
0x61c: {  	s26 =	spop (v2sf)  }
0x61d: {  	s23 =	simm.s32 $0x2140;
	v10 =	vsel vm0, $0x0, v60;
	v8 =	vadd.f32 s31, v8;
	[tilespmem:s21+$0xFFFFFFD0] =	vst v7;
	v7 =	vld [tilespmem:s24+$0x30];
	v0, _, _ =	vpop (xrf2);
	s29 =	sadd.f32 s26, s22  }
0x61e: {  	v5 =	vld [tilespmem:s23+$0xFFFFFFD0];
	v3 =	vand.u32 $0x1000000, v61;
	s24 =	simm.s32 $0x4140;
	(xrf2) =	vadd.scan.msk.f32 $0xffff, v10;
	v6 =	vadd.f32 s22, v6;
	(v2sf) =	vpush v0, $0xF;
	s30 =	spop (v2sf)  }
0x61f: {  	vm0 =	veq.s32 v3, $0x0;
	[tilespmem:s21+$0xFFFFFFE0] =	vst v8;
	v8 =	vld [tilespmem:s24+$0xFFFFFFC0];
	v11 =	vadd.f32 s29, v11;
	s0 =	sadd.f32 s30, s29  }
0x620: {  	s25 =	simm.s32 $0x10;
	v63 =	vsel vm0, $0x0, v9;
	v9 =	vld [tilespmem:s24+$0xFFFFFFD0];
	[tilespmem:s21+$0xFFFFFFF0] =	vst v6;
	v6 =	vand.u32 $0x1000000, v62;
	s31 =	spop (v2sf)  }
0x621: {  	v10 =	vld [tilespmem:s23+$0xFFFFFFC0];
	s26 =	simm.s32 $0x21C0;
	s22 =	simm.s32 $0xA040;
	v3, _, _ =	vpop (xrf2);
	(xrf2) =	vadd.scan.msk.f32 $0xffff, v63;
	vm0 =	veq.s32 v6, $0x0;
	[tilespmem:s21+$0x0] =	vst v11;
	v6 =	vadd.f32 s0, v59;
	s28 =	sadd.f32 s31, s0  }
.LBB2_24:
0x622: {  	v11 =	vld [tilespmem:s26+$0xFFFFFFD0];
	s25 =	sadd.s32 $0x8, s25;
	v7 =	vsel vm0, $0x0, v7;
	v12, _, _ =	vpop (xrf2);
	s21 =	sadd.s32 $0x80, s21  }
0x623: {  	p0 =	slt.u32 s25, $0x1F8;
	(v2sf) =	vpush v12, $0xF;
	[tilespmem:s22+$0x10] =	vst v6;
	v2 =	vadd.f32 s28, v2;
	s0 =	spop (v2sf)  }
0x624: {  	v6 =	vand.u32 $0x1000000, v8;
	v8 =	vld [tilespmem:s24+$0xFFFFFFE0];
	(v2sf) =	vpush v3, $0xF;
	(xrf2) =	vadd.scan.msk.f32 $0xffff, v7;
	s0 =	sadd.f32 s0, s28  }
0x625: {  	vm0 =	veq.s32 v6, $0x0;
	v6 =	vand.u32 $0x1000000, v9;
	v7 =	vld [tilespmem:s24+$0xFFFFFFF0];
	v9, _, _ =	vpop (xrf2);
	[tilespmem:s22+$0x20] =	vst v2  }
0x626: {  	v2 =	vsel vm0, $0x0, v10;
	vm0 =	veq.s32 v6, $0x0;
	v6 =	vld [tilespmem:s23+$0xFFFFFFE0];
	v1 =	vadd.f32 s0, v1;
	s2 =	spop (v2sf)  }
0x627: {  	v10 =	vsel vm0, $0x0, v5;
	v13 =	vld [tilespmem:s23+$0xFFFFFFF0];
	(xrf2) =	vadd.scan.msk.f32 $0xffff, v2;
	(v2sf) =	vpush v9, $0xF;
	s0 =	sadd.f32 s2, s0;
	v5 =	vmov v11  }
0x628: {  	v11, _, _ =	vpop (xrf2);
	[tilespmem:s22+$0x30] =	vst v1;
	s22 =	smov.u32 s21  }
0x629: {  	v1 =	vand.u32 $0x1000000, v8;
	v8 =	vadd.f32 s0, v4;
	(v2sf) =	vpush v11, $0xF  }
0x62a: {  	vm0 =	veq.s32 v1, $0x0;
	v1 =	vand.u32 $0x1000000, v7;
	(xrf2) =	vadd.scan.msk.f32 $0xffff, v10;
	s2 =	spop (v2sf)  }
0x62b: {  	v4 =	vsel vm0, $0x0, v6;
	vm0 =	veq.s32 v1, $0x0;
	v6 =	vld [tilespmem:s24+$0x0];
	[tilespmem:s21+$0xFFFFFFC0] =	vst v8;
	v2, _, _ =	vpop (xrf2)  }
0x62c: {  	v13 =	vsel vm0, $0x0, v13;
	v7 =	vld [tilespmem:s24+$0x10];
	(v2sf) =	vpush v2, $0xF  }
0x62d: {  	v8 =	vld [tilespmem:s23+$0x0];
	(xrf2) =	vadd.scan.msk.f32 $0xffff, v13;
	s28 =	spop (v2sf)  }
0x62e: {  	v10 =	vld [tilespmem:s23+$0x10];
	v1, _, _ =	vpop (xrf2)  }
0x62f: {  	s0 =	sadd.f32 s2, s0;
	(v2sf) =	vpush v1, $0xF  }
0x630: {  	v6 =	vand.u32 $0x1000000, v6;
	v13 =	vld [tilespmem:s24+$0x20];
	(xrf2) =	vadd.scan.msk.f32 $0xffff, v4  }
0x631: {  	vm0 =	veq.s32 v6, $0x0;
	v6 =	vand.u32 $0x1000000, v7;
	v4, _, _ =	vpop (xrf2);
	v7 =	vadd.f32 s0, v0;
	s0 =	sadd.f32 s28, s0  }
0x632: {  	v14 =	vsel vm0, $0x0, v8;
	vm0 =	veq.s32 v6, $0x0;
	v6 =	vld [tilespmem:s23+$0x20];
	s2 =	spop (v2sf)  }
0x633: {  	v8 =	vsel vm0, $0x0, v10;
	v10 =	vld [tilespmem:s24+$0x30];
	(v2sf) =	vpush v4, $0xF;
	(xrf2) =	vadd.scan.msk.f32 $0xffff, v14;
	v12 =	vadd.f32 s0, v12;
	s0 =	sadd.f32 s2, s0;
	s2 =	spop (v2sf)  }
0x634: {  	v0, _, _ =	vpop (xrf2);
	[tilespmem:s21+$0xFFFFFFD0] =	vst v7  }
.Ltmp11:
0x635: {  	v13 =	vand.u32 $0x1000000, v13;
	v7 =	vld [tilespmem:s23+$0x30];
	[tilespmem:s21+$0xFFFFFFE0] =	vst v12;
	v12 =	vadd.f32 s0, v3;
	s0 =	sadd.f32 s2, s0;
	s23 =	smov.u32 s26;
	(pc) =	sbr.rel @p0 .LBB2_24-.Ltmp11, $4  }
0x636: {  	s24 =	sadd.s32 $0x80, s24;
	vm0 =	veq.s32 v13, $0x0;
	(v2sf) =	vpush v0, $0xF;
	(xrf2) =	vadd.scan.msk.f32 $0xffff, v8;
	s2 =	spop (v2sf)  }
0x637: {  	v8 =	vld [tilespmem:s24+$0xFFFFFFC0];
	v6 =	vsel vm0, $0x0, v6;
	v3, _, _ =	vpop (xrf2);
	[tilespmem:s21+$0xFFFFFFF0] =	vst v12;
	v12 =	vadd.f32 s0, v9;
	s0 =	sadd.f32 s2, s0  }
0x638: {  	v9 =	vld [tilespmem:s24+$0xFFFFFFD0];
	v13 =	vand.u32 $0x1000000, v10;
	s2 =	spop (v2sf)  }
0x639: {  	s26 =	sadd.s32 $0x80, s26;
	v10 =	vld [tilespmem:s23+$0xFFFFFFC0];
	vm0 =	veq.s32 v13, $0x0;
	(xrf2) =	vadd.scan.msk.f32 $0xffff, v6;
	[tilespmem:s21+$0x0] =	vst v12;
	v6 =	vadd.f32 s0, v11;
	s28 =	sadd.f32 s2, s0  }
0x63a: {  	_ = 	snop  }
0x63b: {  	v11 =	vld [tilespmem:s24+$0xFFFFFFF0]  }
0x63c: {  	v12 =	vld [tilespmem:s24+$0xFFFFFFE0];
	v8 =	vand.u32 $0x1000000, v8  }
0x63d: {  	v7 =	vsel vm0, $0x0, v7;
	v13 =	vld [tilespmem:s23+$0xFFFFFFF0];
	vm0 =	veq.s32 v8, $0x0  }
0x63e: {  	v14, _, _ =	vpop (xrf2);
	(xrf2) =	vadd.scan.msk.f32 $0xffff, v7;
	v7 =	vld [tilespmem:s23+$0xFFFFFFE0];
	v8 =	vand.u32 $0x1000000, v9;
	v9 =	vsel vm0, $0x0, v10  }
0x63f: {  	(v2sf) =	vpush v14, $0xF;
	(xrf2) =	vadd.scan.msk.f32 $0xffff, v9;
	v9 =	vld [tilespmem:s24+$0x0]  }
0x640: {  	v57 =	vld [tilespmem:s24+$0x20];
	(v2sf) =	vpush v3, $0xF;
	vm0 =	veq.s32 v8, $0x0;
	v8 =	vand.u32 $0x1000000, v11  }
0x641: {  	v5 =	vsel vm0, $0x0, v5;
	v10 =	vand.u32 $0x1000000, v12;
	vm0 =	veq.s32 v8, $0x0;
	v8 =	vld [tilespmem:s24+$0x10]  }
0x642: {  	v11, _, _ =	vpop (xrf2);
	(xrf2) =	vadd.scan.msk.f32 $0xffff, v5;
	v5 =	vld [tilespmem:s23+$0x0];
	v55 =	vsel vm0, $0x0, v13;
	vm0 =	veq.s32 v10, $0x0  }
0x643: {  	(v2sf) =	vpush v11, $0xF;
	v10 =	vld [tilespmem:s23+$0x10];
	v7 =	vsel vm0, $0x0, v7;
	(xrf2) =	vadd.scan.msk.f32 $0xffff, v55  }
0x644: {  	v56, _, _ =	vpop (xrf2);
	(xrf2) =	vadd.scan.msk.f32 $0xffff, v7;
	v7 =	vand.u32 $0x1000000, v9  }
0x645: {  	(v2sf) =	vpush v56, $0xF;
	vm0 =	veq.s32 v7, $0x0;
	v7 =	vld [tilespmem:s23+$0x20]  }
0x646: {  	s0 =	spop (v2sf);
	v9, _, _ =	vpop (xrf2);
	v8 =	vand.u32 $0x1000000, v8  }
0x647: {  	s0 =	sadd.f32 s0, s28;
	(v2sf) =	vpush v9, $0xF;
	v5 =	vsel vm0, $0x0, v5;
	vm0 =	veq.s32 v8, $0x0  }
0x648: {  	s2 =	spop (v2sf);
	v15, _, _ =	vpop (xrf2);
	v8 =	vld [tilespmem:s24+$0x30];
	(xrf2) =	vadd.scan.msk.f32 $0xffff, v5;
	v5 =	vsel vm0, $0x0, v10;
	v10 =	vand.u32 $0x1000000, v57  }
0x649: {  	s2 =	sadd.f32 s2, s0;
	(v2sf) =	vpush v15, $0xF;
	vm0 =	veq.s32 v10, $0x0  }
0x64a: {  	s30 =	spop (v2sf);
	(xrf2) =	vadd.scan.msk.f32 $0xffff, v5;
	v5 =	vld [tilespmem:s23+$0x30];
	v58, _, _ =	vpop (xrf2);
	v7 =	vsel vm0, $0x0, v7  }
0x64b: {  	s24 =	sadd.f32 s30, s2;
	(v2sf) =	vpush v58, $0xF  }
0x64c: {  	s31 =	spop (v2sf);
	v10, _, _ =	vpop (xrf2);
	(xrf2) =	vadd.scan.msk.f32 $0xffff, v7  }
0x64d: {  	s23 =	sadd.f32 s31, s24;
	(v2sf) =	vpush v10, $0xF;
	v8 =	vand.u32 $0x1000000, v8;
	v7, _, _ =	vpop (xrf2)  }
0x64e: {  	s25 =	spop (v2sf);
	vm0 =	veq.s32 v8, $0x0;
	v16, _, _ =	vpop (xrf2)  }
0x64f: {  	s25 =	sadd.f32 s25, s23;
	v5 =	vsel vm0, $0x0, v5;
	(v2sf) =	vpush v16, $0xF  }
0x650: {  	s26 =	spop (v2sf)  }
0x651: {  	s26 =	sadd.f32 s26, s25;
	(v2sf) =	vpush v7, $0xF  }
0x652: {  	(xrf2) =	vadd.scan.msk.f32 $0xffff, v5;
	s29 =	spop (v2sf);
	v5, _, _ =	vpop (xrf2)  }
0x653: {  	s29 =	sadd.f32 s29, s26;
	(v2sf) =	vpush v5, $0xF  }
0x654: {  	s30 =	spop (v2sf);
	v8, _, _ =	vpop (xrf2)  }
0x655: {  	s30 =	sadd.f32 s30, s29;
	(v2sf) =	vpush v8, $0xF  }
0x656: {  	s31 =	spop (v2sf);
	v17, _, _ =	vpop (xrf2)  }
0x657: {  	s31 =	sadd.f32 s31, s30;
	(v2sf) =	vpush v17, $0xF  }
0x658: {  	v2 =	vadd.f32 s28, v2;
	v1 =	vadd.f32 s0, v1;
	s28 =	spop (v2sf)  }
0x659: {  	[tilespmem:s22+$0x10] =	vst v6;
	s0 =	sadd.f32 s28, s31  }
0x65a: {  	[tilespmem:s22+$0x20] =	vst v2;
	v2 =	vadd.f32 s2, v4;
	s2 =	spop (v2sf)  }
0x65b: {  	s21 =	sadd.s32 $0x80, s21;
	[tilespmem:s22+$0x30] =	vst v1;
	v0 =	vadd.f32 s24, v0;
	s2 =	sadd.f32 s2, s0  }
0x65c: {  	[tilespmem:s21+$0xFFFFFFC0] =	vst v2;
	v2 =	vadd.f32 s23, v14;
	v1, _, _ =	vpop (xrf2);
	s24 =	spop (v2sf)  }
0x65d: {  	[tilespmem:s21+$0xFFFFFFD0] =	vst v0;
	v3 =	vadd.f32 s25, v3;
	(v2sf) =	vpush v1, $0xF;
	s22 =	sadd.f32 s24, s2  }
0x65e: {  	[tilespmem:s21+$0xFFFFFFE0] =	vst v2;
	v0 =	vadd.f32 s26, v11;
	s26 =	spop (v2sf)  }
0x65f: {  	[tilespmem:s21+$0xFFFFFFF0] =	vst v3;
	v2 =	vadd.f32 s29, v56;
	s23 =	sadd.f32 s26, s22  }
0x660: {  	[tilespmem:s21+$0x0] =	vst v0;
	v0 =	vadd.f32 s30, v9;
	s30 =	spop (v2sf)  }
0x661: {  	[tilespmem:s21+$0x10] =	vst v2;
	v2 =	vadd.f32 s31, v15;
	s24 =	sadd.f32 s30, s23  }
0x662: {  	[tilespmem:s21+$0x20] =	vst v0;
	v0 =	vadd.f32 s0, v58;
	s25 =	spop (v2sf)  }
0x663: {  	[tilespmem:s21+$0x30] =	vst v2;
	v2 =	vadd.f32 s2, v10;
	s26 =	sadd.s32 $0x80, s21;
	s0 =	sadd.f32 s25, s24  }
0x664: {  	[tilespmem:s26+$0xFFFFFFC0] =	vst v0;
	v0 =	vadd.f32 s22, v16;
	s29 =	spop (v2sf)  }
0x665: {  	[tilespmem:s26+$0xFFFFFFD0] =	vst v2;
	v2 =	vadd.f32 s23, v7;
	s2 =	sadd.f32 s29, s0  }
0x666: {  	[tilespmem:s26+$0xFFFFFFE0] =	vst v0;
	v0 =	vadd.f32 s24, v5;
	s30 =	spop (v2sf)  }
0x667: {  	[tilespmem:s26+$0xFFFFFFF0] =	vst v2;
	v2 =	vadd.f32 s0, v8;
	s31 =	sadd.f32 s30, s2  }
0x668: {  	[tilespmem:s26+$0x0] =	vst v0;
	v0 =	vadd.f32 s2, v17  }
0x669: {  	[tilespmem:s26+$0x10] =	vst v2;
	v1 =	vadd.f32 s31, v1  }
0x66a: {  	[tilespmem:s26+$0x20] =	vst v0  }
0x66b: {  	[tilespmem:s26+$0x30] =	vst v1  }
0x66c: {  	s2 =	spop (v2sf);
	s0 =	rddreg [dreg:$0x1f]  }
0x66d: {  	[hbm4b:s0+s9] =	stream.strided.scatter [tilespmem:s16], [sflag:$0x6], $0x2000, s10, s9, $0x38;
	[tilespmem:$0xC000] =	vst v63  }
0x66e: {  	_ =	swait.ge [sflag:s11], $0x2000  }
0x66f: {  	s21 =	sld [smem:$0x7FD]  }
0x670: {  	[sflag:s11] =	ssyncset.done $0x0  }
0x671: {  	[sflag:s11] =	ssyncadd.s32 $0xFFFFE000  }
0x672: {  	[tilespmem:s12], [sflag:$0x2] =	stream.strided.gather [hbm4b:s21+s9], $0x2000, s10, s9, $0x38;
	[tilespmem:$0xC000] =	vst v63  }
0x673: {  	_ =	swait.ge [sflag:s19], $0x2000  }
0x674: {  	[sflag:s19] =	ssyncset.done $0x0  }
0x675: {  	[sflag:s19] =	ssyncadd.s32 $0xFFFFE000  }
0x676: {  	_ =	swait.ge [sflag:s17], $0x2000  }
0x677: {  	[sflag:s17] =	ssyncset.done $0x0  }
0x678: {  	s23 =	simm.s32 $0x6040;
	[sflag:s17] =	ssyncadd.s32 $0xFFFFE000  }
0x679: {  	v1 =	vld [tilespmem:s23+$0xFFFFFFC0]  }
0x67a: {  	s22 =	simm.s32 $0x40;
	v2 =	vld [tilespmem:s23+$0xFFFFFFD0]  }
0x67b: {  	v3 =	vld [tilespmem:s22+$0xFFFFFFC0]  }
0x67c: {  	v0 =	vld [tilespmem:s22+$0xFFFFFFD0]  }
0x67d: {  	v4 =	vld [tilespmem:s23+$0xFFFFFFF0]  }
0x67e: {  	v1 =	vand.u32 $0x1, v1  }
0x67f: {  	v5 =	vld [tilespmem:s23+$0xFFFFFFE0];
	v2 =	vand.u32 $0x1, v2;
	vm0 =	veq.s32 v1, $0x0  }
0x680: {  	v6 =	vld [tilespmem:s22+$0xFFFFFFF0];
	v3 =	vsel vm0, $0x0, v3;
	vm0 =	veq.s32 v2, $0x0  }
0x681: {  	v1 =	vld [tilespmem:s22+$0xFFFFFFE0];
	(xrf2) =	vadd.scan.msk.f32 $0xffff, v3;
	v0 =	vsel vm0, $0x0, v0  }
0x682: {  	v2 =	vand.u32 $0x1, v4;
	v3 =	vld [tilespmem:s23+$0x0];
	(xrf2) =	vadd.scan.msk.f32 $0xffff, v0  }
0x683: {  	vm0 =	veq.s32 v2, $0x0;
	v2 =	vld [tilespmem:s23+$0x10]  }
0x684: {  	v4 =	vand.u32 $0x1, v5;
	v0 =	vld [tilespmem:s22+$0x0]  }
0x685: {  	v5 =	vsel vm0, $0x0, v6;
	vm0 =	veq.s32 v4, $0x0;
	v4 =	vld [tilespmem:s22+$0x10]  }
0x686: {  	(xrf2) =	vadd.scan.msk.f32 $0xffff, v5;
	v1 =	vsel vm0, $0x0, v1  }
0x687: {  	(xrf2) =	vadd.scan.msk.f32 $0xffff, v1;
	v1 =	vand.u32 $0x1, v3  }
0x688: {  	vm0 =	veq.s32 v1, $0x0;
	v1 =	vand.u32 $0x1, v2  }
0x689: {  	v0 =	vsel vm0, $0x0, v0;
	vm0 =	veq.s32 v1, $0x0;
	v1 =	vld [tilespmem:s23+$0x20]  }
0x68a: {  	(xrf2) =	vadd.scan.msk.f32 $0xffff, v0;
	v0 =	vsel vm0, $0x0, v4  }
0x68b: {  	v3, _, _ =	vpop (xrf2);
	(xrf2) =	vadd.scan.msk.f32 $0xffff, v0;
	v0 =	vld [tilespmem:s22+$0x20]  }
0x68c: {  	v2 =	vld [tilespmem:s23+$0x30];
	(v2sf) =	vpush v3, $0xF;
	v5, _, _ =	vpop (xrf2)  }
0x68d: {  	(v2sf) =	vpush v5, $0xF  }
0x68e: {  	s24 =	simm.s32 $0x60C0;
	v4 =	vld [tilespmem:s22+$0x30];
	v1 =	vand.u32 $0x1, v1  }
0x68f: {  	v7 =	vld [tilespmem:s24+$0xFFFFFFC0];
	vm0 =	veq.s32 v1, $0x0  }
0x690: {  	v9 =	vld [tilespmem:s24+$0xFFFFFFD0];
	s22 =	simm.s32 $0xC0;
	v0 =	vsel vm0, $0x0, v0  }
0x691: {  	v10 =	vld [tilespmem:s22+$0xFFFFFFC0];
	v6, _, _ =	vpop (xrf2);
	v1 =	vand.u32 $0x1, v2;
	(xrf2) =	vadd.scan.msk.f32 $0xffff, v0  }
0x692: {  	v2 =	vld [tilespmem:s22+$0xFFFFFFD0];
	v8, _, _ =	vpop (xrf2);
	vm0 =	veq.s32 v1, $0x0  }
0x693: {  	(v2sf) =	vpush v8, $0xF;
	v0 =	vsel vm0, $0x0, v4;
	v4 =	vld [tilespmem:s24+$0xFFFFFFF0]  }
0x694: {  	(xrf2) =	vadd.scan.msk.f32 $0xffff, v0  }
0x695: {  	v1 =	vand.u32 $0x1, v7;
	v7 =	vld [tilespmem:s22+$0xFFFFFFF0];
	(v2sf) =	vpush v6, $0xF  }
0x696: {  	vm0 =	veq.s32 v1, $0x0;
	v0 =	vand.u32 $0x1, v9;
	v11, _, _ =	vpop (xrf2)  }
0x697: {  	v1 =	vsel vm0, $0x0, v10;
	vm0 =	veq.s32 v0, $0x0;
	v0 =	vld [tilespmem:s24+$0xFFFFFFE0];
	(v2sf) =	vpush v11, $0xF  }
0x698: {  	v9 =	vld [tilespmem:s22+$0xFFFFFFE0];
	v59, _, _ =	vpop (xrf2);
	(xrf2) =	vadd.scan.msk.f32 $0xffff, v1;
	v1 =	vsel vm0, $0x0, v2;
	v2 =	vand.u32 $0x1, v4  }
0x699: {  	(v2sf) =	vpush v59, $0xF;
	v4 =	vld [tilespmem:s24+$0x0];
	vm0 =	veq.s32 v2, $0x0  }
0x69a: {  	(xrf2) =	vadd.scan.msk.f32 $0xffff, v1;
	v1 =	vsel vm0, $0x0, v7;
	v7 =	vld [tilespmem:s24+$0x10]  }
0x69b: {  	s29 =	spop (v2sf);
	v2, _, _ =	vpop (xrf2)  }
0x69c: {  	v0 =	vand.u32 $0x1, v0;
	s30 =	spop (v2sf);
	(v2sf) =	vpush v2, $0xF  }
0x69d: {  	v10 =	vld [tilespmem:s22+$0x0];
	vm0 =	veq.s32 v0, $0x0  }
0x69e: {  	s26 =	simm.f32 $0.0e+00;
	(xrf2) =	vadd.scan.msk.f32 $0xffff, v1;
	v0 =	vsel vm0, $0x0, v9;
	v4 =	vand.u32 $0x1, v4;
	v1, _, _ =	vpop (xrf2)  }
0x69f: {  	s2 =	sadd.f32 s29, s26;
	vm0 =	veq.s32 v4, $0x0;
	(v2sf) =	vpush v1, $0xF;
	v4 =	vand.u32 $0x1, v7  }
0x6a0: {  	v60 =	vld [tilespmem:s22+$0x10];
	v3 =	vadd.f32 s26, v3;
	(xrf2) =	vadd.scan.msk.f32 $0xffff, v0  }
0x6a1: {  	s21 =	simm.s32 $0x8040;
	v61 =	vld [tilespmem:s24+$0x20];
	s31 =	sadd.f32 s30, s2  }
0x6a2: {  	v62 =	vld [tilespmem:s24+$0x30];
	[tilespmem:s21+$0xFFFFFFC0] =	vst v3;
	v3 =	vsel vm0, $0x0, v10;
	vm0 =	veq.s32 v4, $0x0;
	s25 =	spop (v2sf);
	v4, _, _ =	vpop (xrf2)  }
0x6a3: {  	v9 =	vld [tilespmem:s22+$0x20];
	v7 =	vadd.f32 s2, v5;
	s24 =	sadd.f32 s25, s31;
	(xrf2) =	vadd.scan.msk.f32 $0xffff, v3;
	(v2sf) =	vpush v4, $0xF  }
0x6a4: {  	s26 =	spop (v2sf)  }
0x6a5: {  	s23 =	simm.s32 $0x140;
	v10 =	vsel vm0, $0x0, v60;
	v8 =	vadd.f32 s31, v8;
	[tilespmem:s21+$0xFFFFFFD0] =	vst v7;
	v7 =	vld [tilespmem:s22+$0x30];
	v0, _, _ =	vpop (xrf2);
	s29 =	sadd.f32 s26, s24  }
0x6a6: {  	v5 =	vld [tilespmem:s23+$0xFFFFFFD0];
	v3 =	vand.u32 $0x1, v61;
	(xrf2) =	vadd.scan.msk.f32 $0xffff, v10;
	v6 =	vadd.f32 s24, v6;
	s24 =	simm.s32 $0x6140;
	(v2sf) =	vpush v0, $0xF;
	s30 =	spop (v2sf)  }
0x6a7: {  	vm0 =	veq.s32 v3, $0x0;
	[tilespmem:s21+$0xFFFFFFE0] =	vst v8;
	v8 =	vld [tilespmem:s24+$0xFFFFFFC0];
	v11 =	vadd.f32 s29, v11;
	s0 =	sadd.f32 s30, s29  }
0x6a8: {  	s25 =	simm.s32 $0x10;
	v63 =	vsel vm0, $0x0, v9;
	v9 =	vld [tilespmem:s24+$0xFFFFFFD0];
	[tilespmem:s21+$0xFFFFFFF0] =	vst v6;
	v6 =	vand.u32 $0x1, v62;
	s31 =	spop (v2sf)  }
0x6a9: {  	s22 =	simm.s32 $0x8040;
	v10 =	vld [tilespmem:s23+$0xFFFFFFC0];
	s26 =	simm.s32 $0x1C0;
	v3, _, _ =	vpop (xrf2);
	(xrf2) =	vadd.scan.msk.f32 $0xffff, v63;
	vm0 =	veq.s32 v6, $0x0;
	[tilespmem:s21+$0x0] =	vst v11;
	v6 =	vadd.f32 s0, v59;
	s28 =	sadd.f32 s31, s0  }
.LBB2_26:
0x6aa: {  	v11 =	vld [tilespmem:s26+$0xFFFFFFD0];
	s25 =	sadd.s32 $0x8, s25;
	v7 =	vsel vm0, $0x0, v7;
	v12, _, _ =	vpop (xrf2);
	s21 =	sadd.s32 $0x80, s21  }
0x6ab: {  	p0 =	slt.u32 s25, $0x1F8;
	(v2sf) =	vpush v12, $0xF;
	[tilespmem:s22+$0x10] =	vst v6;
	v2 =	vadd.f32 s28, v2;
	s0 =	spop (v2sf)  }
0x6ac: {  	v6 =	vand.u32 $0x1, v8;
	v8 =	vld [tilespmem:s24+$0xFFFFFFE0];
	(v2sf) =	vpush v3, $0xF;
	(xrf2) =	vadd.scan.msk.f32 $0xffff, v7;
	s0 =	sadd.f32 s0, s28  }
0x6ad: {  	vm0 =	veq.s32 v6, $0x0;
	v6 =	vand.u32 $0x1, v9;
	v7 =	vld [tilespmem:s24+$0xFFFFFFF0];
	v9, _, _ =	vpop (xrf2);
	[tilespmem:s22+$0x20] =	vst v2  }
0x6ae: {  	v2 =	vsel vm0, $0x0, v10;
	vm0 =	veq.s32 v6, $0x0;
	v6 =	vld [tilespmem:s23+$0xFFFFFFE0];
	v1 =	vadd.f32 s0, v1;
	s2 =	spop (v2sf)  }
0x6af: {  	v10 =	vsel vm0, $0x0, v5;
	v13 =	vld [tilespmem:s23+$0xFFFFFFF0];
	(xrf2) =	vadd.scan.msk.f32 $0xffff, v2;
	(v2sf) =	vpush v9, $0xF;
	s0 =	sadd.f32 s2, s0;
	v5 =	vmov v11  }
0x6b0: {  	v11, _, _ =	vpop (xrf2);
	[tilespmem:s22+$0x30] =	vst v1;
	s22 =	smov.u32 s21  }
0x6b1: {  	v1 =	vand.u32 $0x1, v8;
	v8 =	vadd.f32 s0, v4;
	(v2sf) =	vpush v11, $0xF  }
0x6b2: {  	vm0 =	veq.s32 v1, $0x0;
	v1 =	vand.u32 $0x1, v7;
	(xrf2) =	vadd.scan.msk.f32 $0xffff, v10;
	s2 =	spop (v2sf)  }
0x6b3: {  	v4 =	vsel vm0, $0x0, v6;
	vm0 =	veq.s32 v1, $0x0;
	v6 =	vld [tilespmem:s24+$0x0];
	[tilespmem:s21+$0xFFFFFFC0] =	vst v8;
	v2, _, _ =	vpop (xrf2)  }
0x6b4: {  	v13 =	vsel vm0, $0x0, v13;
	v7 =	vld [tilespmem:s24+$0x10];
	(v2sf) =	vpush v2, $0xF  }
0x6b5: {  	v8 =	vld [tilespmem:s23+$0x0];
	(xrf2) =	vadd.scan.msk.f32 $0xffff, v13;
	s28 =	spop (v2sf)  }
0x6b6: {  	v10 =	vld [tilespmem:s23+$0x10];
	v1, _, _ =	vpop (xrf2)  }
0x6b7: {  	s0 =	sadd.f32 s2, s0;
	(v2sf) =	vpush v1, $0xF  }
0x6b8: {  	v6 =	vand.u32 $0x1, v6;
	v13 =	vld [tilespmem:s24+$0x20];
	(xrf2) =	vadd.scan.msk.f32 $0xffff, v4  }
0x6b9: {  	vm0 =	veq.s32 v6, $0x0;
	v6 =	vand.u32 $0x1, v7;
	v4, _, _ =	vpop (xrf2);
	v7 =	vadd.f32 s0, v0;
	s0 =	sadd.f32 s28, s0  }
0x6ba: {  	v14 =	vsel vm0, $0x0, v8;
	vm0 =	veq.s32 v6, $0x0;
	v6 =	vld [tilespmem:s23+$0x20];
	s2 =	spop (v2sf)  }
0x6bb: {  	v8 =	vsel vm0, $0x0, v10;
	v10 =	vld [tilespmem:s24+$0x30];
	(v2sf) =	vpush v4, $0xF;
	(xrf2) =	vadd.scan.msk.f32 $0xffff, v14;
	v12 =	vadd.f32 s0, v12;
	s0 =	sadd.f32 s2, s0;
	s2 =	spop (v2sf)  }
0x6bc: {  	v0, _, _ =	vpop (xrf2);
	[tilespmem:s21+$0xFFFFFFD0] =	vst v7  }
.Ltmp12:
0x6bd: {  	v13 =	vand.u32 $0x1, v13;
	v7 =	vld [tilespmem:s23+$0x30];
	[tilespmem:s21+$0xFFFFFFE0] =	vst v12;
	v12 =	vadd.f32 s0, v3;
	s0 =	sadd.f32 s2, s0;
	s23 =	smov.u32 s26;
	(pc) =	sbr.rel @p0 .LBB2_26-.Ltmp12, $4  }
0x6be: {  	s24 =	sadd.s32 $0x80, s24;
	vm0 =	veq.s32 v13, $0x0;
	(v2sf) =	vpush v0, $0xF;
	(xrf2) =	vadd.scan.msk.f32 $0xffff, v8;
	s2 =	spop (v2sf)  }
0x6bf: {  	v8 =	vld [tilespmem:s24+$0xFFFFFFC0];
	v6 =	vsel vm0, $0x0, v6;
	v3, _, _ =	vpop (xrf2);
	[tilespmem:s21+$0xFFFFFFF0] =	vst v12;
	v12 =	vadd.f32 s0, v9;
	s0 =	sadd.f32 s2, s0  }
0x6c0: {  	v9 =	vld [tilespmem:s24+$0xFFFFFFD0];
	v13 =	vand.u32 $0x1, v10;
	s2 =	spop (v2sf)  }
0x6c1: {  	s26 =	sadd.s32 $0x80, s26;
	v10 =	vld [tilespmem:s23+$0xFFFFFFC0];
	vm0 =	veq.s32 v13, $0x0;
	(xrf2) =	vadd.scan.msk.f32 $0xffff, v6;
	[tilespmem:s21+$0x0] =	vst v12;
	v6 =	vadd.f32 s0, v11;
	s28 =	sadd.f32 s2, s0  }
0x6c2: {  	_ = 	snop  }
0x6c3: {  	v11 =	vld [tilespmem:s24+$0xFFFFFFF0]  }
0x6c4: {  	v12 =	vld [tilespmem:s24+$0xFFFFFFE0];
	v8 =	vand.u32 $0x1, v8  }
0x6c5: {  	v7 =	vsel vm0, $0x0, v7;
	v13 =	vld [tilespmem:s23+$0xFFFFFFF0];
	vm0 =	veq.s32 v8, $0x0  }
0x6c6: {  	v14, _, _ =	vpop (xrf2);
	(xrf2) =	vadd.scan.msk.f32 $0xffff, v7;
	v7 =	vld [tilespmem:s23+$0xFFFFFFE0];
	v8 =	vand.u32 $0x1, v9;
	v9 =	vsel vm0, $0x0, v10  }
0x6c7: {  	(v2sf) =	vpush v14, $0xF;
	(xrf2) =	vadd.scan.msk.f32 $0xffff, v9;
	v9 =	vld [tilespmem:s24+$0x0]  }
0x6c8: {  	v57 =	vld [tilespmem:s24+$0x20];
	(v2sf) =	vpush v3, $0xF;
	vm0 =	veq.s32 v8, $0x0;
	v8 =	vand.u32 $0x1, v11  }
0x6c9: {  	v5 =	vsel vm0, $0x0, v5;
	v10 =	vand.u32 $0x1, v12;
	vm0 =	veq.s32 v8, $0x0;
	v8 =	vld [tilespmem:s24+$0x10]  }
0x6ca: {  	v11, _, _ =	vpop (xrf2);
	(xrf2) =	vadd.scan.msk.f32 $0xffff, v5;
	v5 =	vld [tilespmem:s23+$0x0];
	v55 =	vsel vm0, $0x0, v13;
	vm0 =	veq.s32 v10, $0x0  }
0x6cb: {  	(v2sf) =	vpush v11, $0xF;
	v10 =	vld [tilespmem:s23+$0x10];
	v7 =	vsel vm0, $0x0, v7;
	(xrf2) =	vadd.scan.msk.f32 $0xffff, v55  }
0x6cc: {  	v56, _, _ =	vpop (xrf2);
	(xrf2) =	vadd.scan.msk.f32 $0xffff, v7;
	v7 =	vand.u32 $0x1, v9  }
0x6cd: {  	(v2sf) =	vpush v56, $0xF;
	vm0 =	veq.s32 v7, $0x0;
	v7 =	vld [tilespmem:s23+$0x20]  }
0x6ce: {  	s0 =	spop (v2sf);
	v9, _, _ =	vpop (xrf2);
	v8 =	vand.u32 $0x1, v8  }
0x6cf: {  	s0 =	sadd.f32 s0, s28;
	(v2sf) =	vpush v9, $0xF;
	v5 =	vsel vm0, $0x0, v5;
	vm0 =	veq.s32 v8, $0x0  }
0x6d0: {  	s2 =	spop (v2sf);
	v15, _, _ =	vpop (xrf2);
	v8 =	vld [tilespmem:s24+$0x30];
	(xrf2) =	vadd.scan.msk.f32 $0xffff, v5;
	v5 =	vsel vm0, $0x0, v10;
	v10 =	vand.u32 $0x1, v57  }
0x6d1: {  	s2 =	sadd.f32 s2, s0;
	(v2sf) =	vpush v15, $0xF;
	vm0 =	veq.s32 v10, $0x0  }
0x6d2: {  	s30 =	spop (v2sf);
	(xrf2) =	vadd.scan.msk.f32 $0xffff, v5;
	v5 =	vld [tilespmem:s23+$0x30];
	v58, _, _ =	vpop (xrf2);
	v7 =	vsel vm0, $0x0, v7  }
0x6d3: {  	s24 =	sadd.f32 s30, s2;
	(v2sf) =	vpush v58, $0xF  }
0x6d4: {  	s31 =	spop (v2sf);
	v10, _, _ =	vpop (xrf2);
	(xrf2) =	vadd.scan.msk.f32 $0xffff, v7  }
0x6d5: {  	s23 =	sadd.f32 s31, s24;
	(v2sf) =	vpush v10, $0xF;
	v8 =	vand.u32 $0x1, v8;
	v7, _, _ =	vpop (xrf2)  }
0x6d6: {  	s25 =	spop (v2sf);
	vm0 =	veq.s32 v8, $0x0;
	v16, _, _ =	vpop (xrf2)  }
0x6d7: {  	s25 =	sadd.f32 s25, s23;
	v5 =	vsel vm0, $0x0, v5;
	(v2sf) =	vpush v16, $0xF  }
0x6d8: {  	s26 =	spop (v2sf)  }
0x6d9: {  	s26 =	sadd.f32 s26, s25;
	(v2sf) =	vpush v7, $0xF  }
0x6da: {  	(xrf2) =	vadd.scan.msk.f32 $0xffff, v5;
	s29 =	spop (v2sf);
	v5, _, _ =	vpop (xrf2)  }
0x6db: {  	s29 =	sadd.f32 s29, s26;
	(v2sf) =	vpush v5, $0xF  }
0x6dc: {  	s30 =	spop (v2sf);
	v8, _, _ =	vpop (xrf2)  }
0x6dd: {  	s30 =	sadd.f32 s30, s29;
	(v2sf) =	vpush v8, $0xF  }
0x6de: {  	s31 =	spop (v2sf);
	v17, _, _ =	vpop (xrf2)  }
0x6df: {  	s31 =	sadd.f32 s31, s30;
	(v2sf) =	vpush v17, $0xF  }
0x6e0: {  	v2 =	vadd.f32 s28, v2;
	s28 =	spop (v2sf)  }
0x6e1: {  	[tilespmem:s22+$0x10] =	vst v6;
	v1 =	vadd.f32 s0, v1;
	s0 =	sadd.f32 s28, s31  }
0x6e2: {  	[tilespmem:s22+$0x20] =	vst v2;
	v2 =	vadd.f32 s2, v4;
	s2 =	spop (v2sf)  }
0x6e3: {  	s21 =	sadd.s32 $0x80, s21;
	[tilespmem:s22+$0x30] =	vst v1;
	v0 =	vadd.f32 s24, v0;
	s2 =	sadd.f32 s2, s0  }
0x6e4: {  	[tilespmem:s21+$0xFFFFFFC0] =	vst v2;
	v2 =	vadd.f32 s23, v14;
	s24 =	spop (v2sf)  }
0x6e5: {  	[tilespmem:s21+$0xFFFFFFD0] =	vst v0;
	v3 =	vadd.f32 s25, v3;
	s22 =	sadd.f32 s24, s2  }
0x6e6: {  	[tilespmem:s21+$0xFFFFFFE0] =	vst v2;
	v0 =	vadd.f32 s26, v11;
	v1, _, _ =	vpop (xrf2);
	s26 =	spop (v2sf)  }
0x6e7: {  	[tilespmem:s21+$0xFFFFFFF0] =	vst v3;
	v2 =	vadd.f32 s29, v56;
	(v2sf) =	vpush v1, $0xF;
	s23 =	sadd.f32 s26, s22  }
0x6e8: {  	[tilespmem:s21+$0x0] =	vst v0;
	v0 =	vadd.f32 s30, v9;
	s30 =	spop (v2sf)  }
0x6e9: {  	[tilespmem:s21+$0x10] =	vst v2;
	v2 =	vadd.f32 s31, v15;
	s24 =	sadd.f32 s30, s23  }
0x6ea: {  	[tilespmem:s21+$0x20] =	vst v0;
	v0 =	vadd.f32 s0, v58;
	s25 =	spop (v2sf)  }
0x6eb: {  	[tilespmem:s21+$0x30] =	vst v2;
	v2 =	vadd.f32 s2, v10;
	s26 =	sadd.s32 $0x80, s21;
	s0 =	sadd.f32 s25, s24  }
0x6ec: {  	[tilespmem:s26+$0xFFFFFFC0] =	vst v0;
	v0 =	vadd.f32 s22, v16;
	s29 =	spop (v2sf)  }
0x6ed: {  	[tilespmem:s26+$0xFFFFFFD0] =	vst v2;
	v2 =	vadd.f32 s23, v7;
	s2 =	sadd.f32 s29, s0  }
0x6ee: {  	[tilespmem:s26+$0xFFFFFFE0] =	vst v0;
	v0 =	vadd.f32 s24, v5;
	s30 =	spop (v2sf)  }
0x6ef: {  	[tilespmem:s26+$0xFFFFFFF0] =	vst v2;
	v2 =	vadd.f32 s0, v8;
	s21 =	sadd.f32 s30, s2  }
0x6f0: {  	[tilespmem:s26+$0x0] =	vst v0;
	v0 =	vadd.f32 s2, v17  }
0x6f1: {  	[tilespmem:s26+$0x10] =	vst v2;
	v1 =	vadd.f32 s21, v1  }
0x6f2: {  	[tilespmem:s26+$0x20] =	vst v0  }
0x6f3: {  	[tilespmem:s26+$0x30] =	vst v1  }
0x6f4: {  	s23 =	sld [smem:$0x7FC];
	_ =	sdelay $0x1  }
0x6f5: {  	s31 =	spop (v2sf)  }
0x6f6: {  	[hbm4b:s23+s9] =	stream.strided.scatter [tilespmem:s14], [sflag:$0x5], $0x2000, s10, s9, $0x38;
	[tilespmem:$0xC000] =	vst v63  }
0x6f7: {  	_ =	swait.ge [sflag:s15], $0x2000  }
0x6f8: {  	[sflag:s15] =	ssyncset.done $0x0  }
0x6f9: {  	[sflag:s15] =	ssyncadd.s32 $0xFFFFE000  }
0x6fa: {  	[tilespmem:s1], [sflag:$0x1] =	stream.strided.gather [hbm4b:s4+s9], $0x2000, s10, s9, $0x38;
	[tilespmem:$0xC000] =	vst v63  }
0x6fb: {  	_ =	swait.ge [sflag:s18], $0x2000  }
0x6fc: {  	[sflag:s18] =	ssyncset.done $0x0  }
0x6fd: {  	s25 =	simm.s32 $0x6040;
	[sflag:s18] =	ssyncadd.s32 $0xFFFFE000  }
0x6fe: {  	v1 =	vld [tilespmem:s25+$0xFFFFFFC0]  }
0x6ff: {  	s24 =	simm.s32 $0x2040;
	v2 =	vld [tilespmem:s25+$0xFFFFFFD0]  }
0x700: {  	v3 =	vld [tilespmem:s24+$0xFFFFFFC0]  }
0x701: {  	v0 =	vld [tilespmem:s24+$0xFFFFFFD0]  }
0x702: {  	v4 =	vld [tilespmem:s25+$0xFFFFFFF0]  }
0x703: {  	v1 =	vand.u32 $0x100, v1  }
0x704: {  	v5 =	vld [tilespmem:s25+$0xFFFFFFE0];
	v2 =	vand.u32 $0x100, v2;
	vm0 =	veq.s32 v1, $0x0  }
0x705: {  	v6 =	vld [tilespmem:s24+$0xFFFFFFF0];
	v3 =	vsel vm0, $0x0, v3;
	vm0 =	veq.s32 v2, $0x0  }
0x706: {  	v1 =	vld [tilespmem:s24+$0xFFFFFFE0];
	(xrf2) =	vadd.scan.msk.f32 $0xffff, v3;
	v0 =	vsel vm0, $0x0, v0  }
0x707: {  	v2 =	vand.u32 $0x100, v4;
	v3 =	vld [tilespmem:s25+$0x0];
	(xrf2) =	vadd.scan.msk.f32 $0xffff, v0  }
0x708: {  	vm0 =	veq.s32 v2, $0x0;
	v2 =	vld [tilespmem:s25+$0x10]  }
0x709: {  	v4 =	vand.u32 $0x100, v5;
	v0 =	vld [tilespmem:s24+$0x0]  }
0x70a: {  	v5 =	vsel vm0, $0x0, v6;
	vm0 =	veq.s32 v4, $0x0;
	v4 =	vld [tilespmem:s24+$0x10]  }
0x70b: {  	(xrf2) =	vadd.scan.msk.f32 $0xffff, v5;
	v1 =	vsel vm0, $0x0, v1  }
0x70c: {  	(xrf2) =	vadd.scan.msk.f32 $0xffff, v1;
	v1 =	vand.u32 $0x100, v3  }
0x70d: {  	vm0 =	veq.s32 v1, $0x0;
	v1 =	vand.u32 $0x100, v2  }
0x70e: {  	v0 =	vsel vm0, $0x0, v0;
	vm0 =	veq.s32 v1, $0x0;
	v1 =	vld [tilespmem:s25+$0x20]  }
0x70f: {  	(xrf2) =	vadd.scan.msk.f32 $0xffff, v0;
	v0 =	vsel vm0, $0x0, v4  }
0x710: {  	v3, _, _ =	vpop (xrf2);
	(xrf2) =	vadd.scan.msk.f32 $0xffff, v0;
	v0 =	vld [tilespmem:s24+$0x20]  }
0x711: {  	v2 =	vld [tilespmem:s25+$0x30];
	(v2sf) =	vpush v3, $0xF;
	v5, _, _ =	vpop (xrf2)  }
0x712: {  	(v2sf) =	vpush v5, $0xF  }
0x713: {  	s23 =	simm.s32 $0x60C0;
	v4 =	vld [tilespmem:s24+$0x30];
	v1 =	vand.u32 $0x100, v1  }
0x714: {  	v7 =	vld [tilespmem:s23+$0xFFFFFFC0];
	vm0 =	veq.s32 v1, $0x0  }
0x715: {  	v9 =	vld [tilespmem:s23+$0xFFFFFFD0];
	s24 =	simm.s32 $0x20C0;
	v0 =	vsel vm0, $0x0, v0  }
0x716: {  	v10 =	vld [tilespmem:s24+$0xFFFFFFC0];
	v6, _, _ =	vpop (xrf2);
	v1 =	vand.u32 $0x100, v2;
	(xrf2) =	vadd.scan.msk.f32 $0xffff, v0  }
0x717: {  	v2 =	vld [tilespmem:s24+$0xFFFFFFD0];
	v8, _, _ =	vpop (xrf2);
	vm0 =	veq.s32 v1, $0x0  }
0x718: {  	(v2sf) =	vpush v8, $0xF;
	v0 =	vsel vm0, $0x0, v4;
	v4 =	vld [tilespmem:s23+$0xFFFFFFF0]  }
0x719: {  	(xrf2) =	vadd.scan.msk.f32 $0xffff, v0  }
0x71a: {  	v1 =	vand.u32 $0x100, v7;
	v7 =	vld [tilespmem:s24+$0xFFFFFFF0];
	(v2sf) =	vpush v6, $0xF  }
0x71b: {  	vm0 =	veq.s32 v1, $0x0;
	v0 =	vand.u32 $0x100, v9;
	v11, _, _ =	vpop (xrf2)  }
0x71c: {  	v1 =	vsel vm0, $0x0, v10;
	vm0 =	veq.s32 v0, $0x0;
	v0 =	vld [tilespmem:s23+$0xFFFFFFE0];
	(v2sf) =	vpush v11, $0xF  }
0x71d: {  	v9 =	vld [tilespmem:s24+$0xFFFFFFE0];
	v59, _, _ =	vpop (xrf2);
	(xrf2) =	vadd.scan.msk.f32 $0xffff, v1;
	v1 =	vsel vm0, $0x0, v2;
	v2 =	vand.u32 $0x100, v4  }
0x71e: {  	(v2sf) =	vpush v59, $0xF;
	v4 =	vld [tilespmem:s23+$0x0];
	vm0 =	veq.s32 v2, $0x0  }
0x71f: {  	(xrf2) =	vadd.scan.msk.f32 $0xffff, v1;
	v1 =	vsel vm0, $0x0, v7;
	v7 =	vld [tilespmem:s23+$0x10]  }
0x720: {  	s29 =	spop (v2sf);
	v2, _, _ =	vpop (xrf2)  }
0x721: {  	v0 =	vand.u32 $0x100, v0;
	s30 =	spop (v2sf);
	(v2sf) =	vpush v2, $0xF  }
0x722: {  	s26 =	sadd.f32 s31, s21;
	v10 =	vld [tilespmem:s24+$0x0];
	vm0 =	veq.s32 v0, $0x0  }
0x723: {  	(xrf2) =	vadd.scan.msk.f32 $0xffff, v1;
	v0 =	vsel vm0, $0x0, v9;
	v4 =	vand.u32 $0x100, v4;
	v1, _, _ =	vpop (xrf2)  }
0x724: {  	s2 =	sadd.f32 s29, s26;
	vm0 =	veq.s32 v4, $0x0;
	(v2sf) =	vpush v1, $0xF;
	v4 =	vand.u32 $0x100, v7  }
0x725: {  	v60 =	vld [tilespmem:s24+$0x10];
	v3 =	vadd.f32 s26, v3;
	(xrf2) =	vadd.scan.msk.f32 $0xffff, v0  }
0x726: {  	s21 =	simm.s32 $0xA040;
	v61 =	vld [tilespmem:s23+$0x20];
	s31 =	sadd.f32 s30, s2  }
0x727: {  	v62 =	vld [tilespmem:s23+$0x30];
	[tilespmem:s21+$0xFFFFFFC0] =	vst v3;
	v3 =	vsel vm0, $0x0, v10;
	vm0 =	veq.s32 v4, $0x0;
	s25 =	spop (v2sf);
	v4, _, _ =	vpop (xrf2)  }
0x728: {  	v9 =	vld [tilespmem:s24+$0x20];
	v7 =	vadd.f32 s2, v5;
	s22 =	sadd.f32 s25, s31;
	(xrf2) =	vadd.scan.msk.f32 $0xffff, v3;
	(v2sf) =	vpush v4, $0xF  }
0x729: {  	s26 =	spop (v2sf)  }
0x72a: {  	s23 =	simm.s32 $0x2140;
	v10 =	vsel vm0, $0x0, v60;
	v8 =	vadd.f32 s31, v8;
	[tilespmem:s21+$0xFFFFFFD0] =	vst v7;
	v7 =	vld [tilespmem:s24+$0x30];
	v0, _, _ =	vpop (xrf2);
	s29 =	sadd.f32 s26, s22  }
0x72b: {  	v5 =	vld [tilespmem:s23+$0xFFFFFFD0];
	v3 =	vand.u32 $0x100, v61;
	s24 =	simm.s32 $0x6140;
	(xrf2) =	vadd.scan.msk.f32 $0xffff, v10;
	v6 =	vadd.f32 s22, v6;
	(v2sf) =	vpush v0, $0xF;
	s30 =	spop (v2sf)  }
0x72c: {  	vm0 =	veq.s32 v3, $0x0;
	[tilespmem:s21+$0xFFFFFFE0] =	vst v8;
	v8 =	vld [tilespmem:s24+$0xFFFFFFC0];
	v11 =	vadd.f32 s29, v11;
	s0 =	sadd.f32 s30, s29  }
0x72d: {  	s25 =	simm.s32 $0x10;
	v63 =	vsel vm0, $0x0, v9;
	v9 =	vld [tilespmem:s24+$0xFFFFFFD0];
	[tilespmem:s21+$0xFFFFFFF0] =	vst v6;
	v6 =	vand.u32 $0x100, v62;
	s31 =	spop (v2sf)  }
0x72e: {  	v10 =	vld [tilespmem:s23+$0xFFFFFFC0];
	s26 =	simm.s32 $0x21C0;
	s22 =	simm.s32 $0xA040;
	v3, _, _ =	vpop (xrf2);
	(xrf2) =	vadd.scan.msk.f32 $0xffff, v63;
	vm0 =	veq.s32 v6, $0x0;
	[tilespmem:s21+$0x0] =	vst v11;
	v6 =	vadd.f32 s0, v59;
	s28 =	sadd.f32 s31, s0  }
.LBB2_28:
0x72f: {  	v11 =	vld [tilespmem:s26+$0xFFFFFFD0];
	s25 =	sadd.s32 $0x8, s25;
	v7 =	vsel vm0, $0x0, v7;
	v12, _, _ =	vpop (xrf2);
	s21 =	sadd.s32 $0x80, s21  }
0x730: {  	p0 =	slt.u32 s25, $0x1F8;
	(v2sf) =	vpush v12, $0xF;
	[tilespmem:s22+$0x10] =	vst v6;
	v2 =	vadd.f32 s28, v2;
	s0 =	spop (v2sf)  }
0x731: {  	v6 =	vand.u32 $0x100, v8;
	v8 =	vld [tilespmem:s24+$0xFFFFFFE0];
	(v2sf) =	vpush v3, $0xF;
	(xrf2) =	vadd.scan.msk.f32 $0xffff, v7;
	s0 =	sadd.f32 s0, s28  }
0x732: {  	vm0 =	veq.s32 v6, $0x0;
	v6 =	vand.u32 $0x100, v9;
	v7 =	vld [tilespmem:s24+$0xFFFFFFF0];
	v9, _, _ =	vpop (xrf2);
	[tilespmem:s22+$0x20] =	vst v2  }
0x733: {  	v2 =	vsel vm0, $0x0, v10;
	vm0 =	veq.s32 v6, $0x0;
	v6 =	vld [tilespmem:s23+$0xFFFFFFE0];
	v1 =	vadd.f32 s0, v1;
	s2 =	spop (v2sf)  }
0x734: {  	v10 =	vsel vm0, $0x0, v5;
	v13 =	vld [tilespmem:s23+$0xFFFFFFF0];
	(xrf2) =	vadd.scan.msk.f32 $0xffff, v2;
	(v2sf) =	vpush v9, $0xF;
	s0 =	sadd.f32 s2, s0;
	v5 =	vmov v11  }
0x735: {  	v11, _, _ =	vpop (xrf2);
	[tilespmem:s22+$0x30] =	vst v1;
	s22 =	smov.u32 s21  }
0x736: {  	v1 =	vand.u32 $0x100, v8;
	v8 =	vadd.f32 s0, v4;
	(v2sf) =	vpush v11, $0xF  }
0x737: {  	vm0 =	veq.s32 v1, $0x0;
	v1 =	vand.u32 $0x100, v7;
	(xrf2) =	vadd.scan.msk.f32 $0xffff, v10;
	s2 =	spop (v2sf)  }
0x738: {  	v4 =	vsel vm0, $0x0, v6;
	vm0 =	veq.s32 v1, $0x0;
	v6 =	vld [tilespmem:s24+$0x0];
	[tilespmem:s21+$0xFFFFFFC0] =	vst v8;
	v2, _, _ =	vpop (xrf2)  }
0x739: {  	v13 =	vsel vm0, $0x0, v13;
	v7 =	vld [tilespmem:s24+$0x10];
	(v2sf) =	vpush v2, $0xF  }
0x73a: {  	v8 =	vld [tilespmem:s23+$0x0];
	(xrf2) =	vadd.scan.msk.f32 $0xffff, v13;
	s28 =	spop (v2sf)  }
0x73b: {  	v10 =	vld [tilespmem:s23+$0x10];
	v1, _, _ =	vpop (xrf2)  }
0x73c: {  	s0 =	sadd.f32 s2, s0;
	(v2sf) =	vpush v1, $0xF  }
0x73d: {  	v6 =	vand.u32 $0x100, v6;
	v13 =	vld [tilespmem:s24+$0x20];
	(xrf2) =	vadd.scan.msk.f32 $0xffff, v4  }
0x73e: {  	vm0 =	veq.s32 v6, $0x0;
	v6 =	vand.u32 $0x100, v7;
	v4, _, _ =	vpop (xrf2);
	v7 =	vadd.f32 s0, v0;
	s0 =	sadd.f32 s28, s0  }
0x73f: {  	v14 =	vsel vm0, $0x0, v8;
	vm0 =	veq.s32 v6, $0x0;
	v6 =	vld [tilespmem:s23+$0x20];
	s2 =	spop (v2sf)  }
0x740: {  	v8 =	vsel vm0, $0x0, v10;
	v10 =	vld [tilespmem:s24+$0x30];
	(v2sf) =	vpush v4, $0xF;
	(xrf2) =	vadd.scan.msk.f32 $0xffff, v14;
	v12 =	vadd.f32 s0, v12;
	s0 =	sadd.f32 s2, s0;
	s2 =	spop (v2sf)  }
0x741: {  	v0, _, _ =	vpop (xrf2);
	[tilespmem:s21+$0xFFFFFFD0] =	vst v7  }
.Ltmp13:
0x742: {  	v13 =	vand.u32 $0x100, v13;
	v7 =	vld [tilespmem:s23+$0x30];
	[tilespmem:s21+$0xFFFFFFE0] =	vst v12;
	v12 =	vadd.f32 s0, v3;
	s0 =	sadd.f32 s2, s0;
	s23 =	smov.u32 s26;
	(pc) =	sbr.rel @p0 .LBB2_28-.Ltmp13, $4  }
0x743: {  	s24 =	sadd.s32 $0x80, s24;
	vm0 =	veq.s32 v13, $0x0;
	(v2sf) =	vpush v0, $0xF;
	(xrf2) =	vadd.scan.msk.f32 $0xffff, v8;
	s2 =	spop (v2sf)  }
0x744: {  	v8 =	vld [tilespmem:s24+$0xFFFFFFC0];
	v6 =	vsel vm0, $0x0, v6;
	v3, _, _ =	vpop (xrf2);
	[tilespmem:s21+$0xFFFFFFF0] =	vst v12;
	v12 =	vadd.f32 s0, v9;
	s0 =	sadd.f32 s2, s0  }
0x745: {  	v9 =	vld [tilespmem:s24+$0xFFFFFFD0];
	v13 =	vand.u32 $0x100, v10;
	s2 =	spop (v2sf)  }
0x746: {  	s26 =	sadd.s32 $0x80, s26;
	v10 =	vld [tilespmem:s23+$0xFFFFFFC0];
	vm0 =	veq.s32 v13, $0x0;
	(xrf2) =	vadd.scan.msk.f32 $0xffff, v6;
	[tilespmem:s21+$0x0] =	vst v12;
	v6 =	vadd.f32 s0, v11;
	s28 =	sadd.f32 s2, s0  }
0x747: {  	_ = 	snop  }
0x748: {  	v11 =	vld [tilespmem:s24+$0xFFFFFFF0]  }
0x749: {  	v12 =	vld [tilespmem:s24+$0xFFFFFFE0];
	v8 =	vand.u32 $0x100, v8  }
0x74a: {  	v7 =	vsel vm0, $0x0, v7;
	v13 =	vld [tilespmem:s23+$0xFFFFFFF0];
	vm0 =	veq.s32 v8, $0x0  }
0x74b: {  	v14, _, _ =	vpop (xrf2);
	(xrf2) =	vadd.scan.msk.f32 $0xffff, v7;
	v7 =	vld [tilespmem:s23+$0xFFFFFFE0];
	v8 =	vand.u32 $0x100, v9;
	v9 =	vsel vm0, $0x0, v10  }
0x74c: {  	(v2sf) =	vpush v14, $0xF;
	(xrf2) =	vadd.scan.msk.f32 $0xffff, v9;
	v9 =	vld [tilespmem:s24+$0x0]  }
0x74d: {  	v57 =	vld [tilespmem:s24+$0x20];
	(v2sf) =	vpush v3, $0xF;
	vm0 =	veq.s32 v8, $0x0;
	v8 =	vand.u32 $0x100, v11  }
0x74e: {  	v5 =	vsel vm0, $0x0, v5;
	v10 =	vand.u32 $0x100, v12;
	vm0 =	veq.s32 v8, $0x0;
	v8 =	vld [tilespmem:s24+$0x10]  }
0x74f: {  	v11, _, _ =	vpop (xrf2);
	(xrf2) =	vadd.scan.msk.f32 $0xffff, v5;
	v5 =	vld [tilespmem:s23+$0x0];
	v55 =	vsel vm0, $0x0, v13;
	vm0 =	veq.s32 v10, $0x0  }
0x750: {  	(v2sf) =	vpush v11, $0xF;
	v10 =	vld [tilespmem:s23+$0x10];
	v7 =	vsel vm0, $0x0, v7;
	(xrf2) =	vadd.scan.msk.f32 $0xffff, v55  }
0x751: {  	v56, _, _ =	vpop (xrf2);
	(xrf2) =	vadd.scan.msk.f32 $0xffff, v7;
	v7 =	vand.u32 $0x100, v9  }
0x752: {  	(v2sf) =	vpush v56, $0xF;
	vm0 =	veq.s32 v7, $0x0;
	v7 =	vld [tilespmem:s23+$0x20]  }
0x753: {  	s0 =	spop (v2sf);
	v9, _, _ =	vpop (xrf2);
	v8 =	vand.u32 $0x100, v8  }
0x754: {  	s0 =	sadd.f32 s0, s28;
	(v2sf) =	vpush v9, $0xF;
	v5 =	vsel vm0, $0x0, v5;
	vm0 =	veq.s32 v8, $0x0  }
0x755: {  	s2 =	spop (v2sf);
	v15, _, _ =	vpop (xrf2);
	v8 =	vld [tilespmem:s24+$0x30];
	(xrf2) =	vadd.scan.msk.f32 $0xffff, v5;
	v5 =	vsel vm0, $0x0, v10;
	v10 =	vand.u32 $0x100, v57  }
0x756: {  	s2 =	sadd.f32 s2, s0;
	(v2sf) =	vpush v15, $0xF;
	vm0 =	veq.s32 v10, $0x0  }
0x757: {  	s30 =	spop (v2sf);
	(xrf2) =	vadd.scan.msk.f32 $0xffff, v5;
	v5 =	vld [tilespmem:s23+$0x30];
	v58, _, _ =	vpop (xrf2);
	v7 =	vsel vm0, $0x0, v7  }
0x758: {  	s24 =	sadd.f32 s30, s2;
	(v2sf) =	vpush v58, $0xF  }
0x759: {  	s31 =	spop (v2sf);
	v10, _, _ =	vpop (xrf2);
	(xrf2) =	vadd.scan.msk.f32 $0xffff, v7  }
0x75a: {  	s23 =	sadd.f32 s31, s24;
	(v2sf) =	vpush v10, $0xF;
	v8 =	vand.u32 $0x100, v8;
	v7, _, _ =	vpop (xrf2)  }
0x75b: {  	s25 =	spop (v2sf);
	vm0 =	veq.s32 v8, $0x0;
	v16, _, _ =	vpop (xrf2)  }
0x75c: {  	s25 =	sadd.f32 s25, s23;
	v5 =	vsel vm0, $0x0, v5;
	(v2sf) =	vpush v16, $0xF  }
0x75d: {  	s26 =	spop (v2sf)  }
0x75e: {  	s26 =	sadd.f32 s26, s25;
	(xrf2) =	vadd.scan.msk.f32 $0xffff, v5;
	(v2sf) =	vpush v7, $0xF  }
0x75f: {  	s29 =	spop (v2sf);
	v5, _, _ =	vpop (xrf2)  }
0x760: {  	s29 =	sadd.f32 s29, s26;
	(v2sf) =	vpush v5, $0xF  }
0x761: {  	s30 =	spop (v2sf);
	v8, _, _ =	vpop (xrf2)  }
0x762: {  	s30 =	sadd.f32 s30, s29;
	(v2sf) =	vpush v8, $0xF  }
0x763: {  	s31 =	spop (v2sf);
	v17, _, _ =	vpop (xrf2)  }
0x764: {  	v1 =	vadd.f32 s0, v1;
	s31 =	sadd.f32 s31, s30;
	(v2sf) =	vpush v17, $0xF  }
0x765: {  	v2 =	vadd.f32 s28, v2;
	s28 =	spop (v2sf)  }
0x766: {  	[tilespmem:s22+$0x10] =	vst v6;
	s0 =	sadd.f32 s28, s31  }
0x767: {  	[tilespmem:s22+$0x20] =	vst v2;
	v2 =	vadd.f32 s2, v4;
	s2 =	spop (v2sf)  }
0x768: {  	s21 =	sadd.s32 $0x80, s21;
	[tilespmem:s22+$0x30] =	vst v1;
	v0 =	vadd.f32 s24, v0;
	v1, _, _ =	vpop (xrf2);
	s2 =	sadd.f32 s2, s0  }
0x769: {  	[tilespmem:s21+$0xFFFFFFC0] =	vst v2;
	v2 =	vadd.f32 s23, v14;
	s24 =	spop (v2sf);
	(v2sf) =	vpush v1, $0xF  }
0x76a: {  	[tilespmem:s21+$0xFFFFFFD0] =	vst v0;
	v3 =	vadd.f32 s25, v3;
	s22 =	sadd.f32 s24, s2  }
0x76b: {  	[tilespmem:s21+$0xFFFFFFE0] =	vst v2;
	v0 =	vadd.f32 s26, v11;
	s26 =	spop (v2sf)  }
0x76c: {  	[tilespmem:s21+$0xFFFFFFF0] =	vst v3;
	v2 =	vadd.f32 s29, v56;
	s23 =	sadd.f32 s26, s22  }
0x76d: {  	[tilespmem:s21+$0x0] =	vst v0;
	v0 =	vadd.f32 s30, v9;
	s30 =	spop (v2sf)  }
0x76e: {  	[tilespmem:s21+$0x10] =	vst v2;
	v2 =	vadd.f32 s31, v15;
	s24 =	sadd.f32 s30, s23  }
0x76f: {  	[tilespmem:s21+$0x20] =	vst v0;
	v0 =	vadd.f32 s0, v58;
	s25 =	spop (v2sf)  }
0x770: {  	[tilespmem:s21+$0x30] =	vst v2;
	v2 =	vadd.f32 s2, v10;
	s26 =	sadd.s32 $0x80, s21;
	s0 =	sadd.f32 s25, s24  }
0x771: {  	[tilespmem:s26+$0xFFFFFFC0] =	vst v0;
	v0 =	vadd.f32 s22, v16;
	s29 =	spop (v2sf)  }
0x772: {  	[tilespmem:s26+$0xFFFFFFD0] =	vst v2;
	v2 =	vadd.f32 s23, v7;
	s2 =	sadd.f32 s29, s0  }
0x773: {  	[tilespmem:s26+$0xFFFFFFE0] =	vst v0;
	v0 =	vadd.f32 s24, v5;
	s30 =	spop (v2sf)  }
0x774: {  	[tilespmem:s26+$0xFFFFFFF0] =	vst v2;
	v2 =	vadd.f32 s0, v8;
	s21 =	sadd.f32 s30, s2  }
0x775: {  	[tilespmem:s26+$0x0] =	vst v0;
	v0 =	vadd.f32 s2, v17  }
0x776: {  	[tilespmem:s26+$0x10] =	vst v2;
	v1 =	vadd.f32 s21, v1  }
0x777: {  	[tilespmem:s26+$0x20] =	vst v0  }
0x778: {  	s31 =	spop (v2sf);
	[tilespmem:s26+$0x30] =	vst v1  }
0x779: {  	[hbm4b:s3+s9] =	stream.strided.scatter [tilespmem:s16], [sflag:$0x6], $0x2000, s10, s9, $0x38;
	[tilespmem:$0xC000] =	vst v63  }
0x77a: {  	_ =	swait.ge [sflag:s11], $0x2000  }
0x77b: {  	[sflag:s11] =	ssyncset.done $0x0  }
0x77c: {  	[sflag:s11] =	ssyncadd.s32 $0xFFFFE000  }
0x77d: {  	[tilespmem:s12], [sflag:$0x2] =	stream.strided.gather [hbm4b:s5+s9], $0x2000, s10, s9, $0x38;
	[tilespmem:$0xC000] =	vst v63  }
0x77e: {  	_ =	swait.ge [sflag:s17], $0x2000  }
0x77f: {  	[sflag:s17] =	ssyncset.done $0x0  }
0x780: {  	s25 =	simm.s32 $0x6040;
	[sflag:s17] =	ssyncadd.s32 $0xFFFFE000  }
0x781: {  	v1 =	vld [tilespmem:s25+$0xFFFFFFC0]  }
0x782: {  	s24 =	simm.s32 $0x40;
	v2 =	vld [tilespmem:s25+$0xFFFFFFD0]  }
0x783: {  	v3 =	vld [tilespmem:s24+$0xFFFFFFC0]  }
0x784: {  	v0 =	vld [tilespmem:s24+$0xFFFFFFD0]  }
0x785: {  	v4 =	vld [tilespmem:s25+$0xFFFFFFF0]  }
0x786: {  	v1 =	vand.u32 $0x10000, v1  }
0x787: {  	v5 =	vld [tilespmem:s25+$0xFFFFFFE0];
	v2 =	vand.u32 $0x10000, v2;
	vm0 =	veq.s32 v1, $0x0  }
0x788: {  	v6 =	vld [tilespmem:s24+$0xFFFFFFF0];
	v3 =	vsel vm0, $0x0, v3;
	vm0 =	veq.s32 v2, $0x0  }
0x789: {  	v1 =	vld [tilespmem:s24+$0xFFFFFFE0];
	(xrf2) =	vadd.scan.msk.f32 $0xffff, v3;
	v0 =	vsel vm0, $0x0, v0  }
0x78a: {  	v2 =	vand.u32 $0x10000, v4;
	v3 =	vld [tilespmem:s25+$0x0];
	(xrf2) =	vadd.scan.msk.f32 $0xffff, v0  }
0x78b: {  	vm0 =	veq.s32 v2, $0x0;
	v2 =	vld [tilespmem:s25+$0x10]  }
0x78c: {  	v4 =	vand.u32 $0x10000, v5;
	v0 =	vld [tilespmem:s24+$0x0]  }
0x78d: {  	v5 =	vsel vm0, $0x0, v6;
	vm0 =	veq.s32 v4, $0x0;
	v4 =	vld [tilespmem:s24+$0x10]  }
0x78e: {  	(xrf2) =	vadd.scan.msk.f32 $0xffff, v5;
	v1 =	vsel vm0, $0x0, v1  }
0x78f: {  	(xrf2) =	vadd.scan.msk.f32 $0xffff, v1;
	v1 =	vand.u32 $0x10000, v3  }
0x790: {  	vm0 =	veq.s32 v1, $0x0;
	v1 =	vand.u32 $0x10000, v2  }
0x791: {  	v0 =	vsel vm0, $0x0, v0;
	vm0 =	veq.s32 v1, $0x0;
	v1 =	vld [tilespmem:s25+$0x20]  }
0x792: {  	(xrf2) =	vadd.scan.msk.f32 $0xffff, v0;
	v0 =	vsel vm0, $0x0, v4  }
0x793: {  	v3, _, _ =	vpop (xrf2);
	(xrf2) =	vadd.scan.msk.f32 $0xffff, v0;
	v0 =	vld [tilespmem:s24+$0x20]  }
0x794: {  	v2 =	vld [tilespmem:s25+$0x30];
	(v2sf) =	vpush v3, $0xF;
	v5, _, _ =	vpop (xrf2)  }
0x795: {  	(v2sf) =	vpush v5, $0xF  }
0x796: {  	s23 =	simm.s32 $0x60C0;
	v4 =	vld [tilespmem:s24+$0x30];
	v1 =	vand.u32 $0x10000, v1  }
0x797: {  	v7 =	vld [tilespmem:s23+$0xFFFFFFC0];
	vm0 =	veq.s32 v1, $0x0  }
0x798: {  	v9 =	vld [tilespmem:s23+$0xFFFFFFD0];
	s24 =	simm.s32 $0xC0;
	v0 =	vsel vm0, $0x0, v0  }
0x799: {  	v10 =	vld [tilespmem:s24+$0xFFFFFFC0];
	v6, _, _ =	vpop (xrf2);
	v1 =	vand.u32 $0x10000, v2;
	(xrf2) =	vadd.scan.msk.f32 $0xffff, v0  }
0x79a: {  	v2 =	vld [tilespmem:s24+$0xFFFFFFD0];
	v8, _, _ =	vpop (xrf2);
	vm0 =	veq.s32 v1, $0x0  }
0x79b: {  	(v2sf) =	vpush v8, $0xF;
	v0 =	vsel vm0, $0x0, v4;
	v4 =	vld [tilespmem:s23+$0xFFFFFFF0]  }
0x79c: {  	(xrf2) =	vadd.scan.msk.f32 $0xffff, v0  }
0x79d: {  	v1 =	vand.u32 $0x10000, v7;
	v7 =	vld [tilespmem:s24+$0xFFFFFFF0];
	(v2sf) =	vpush v6, $0xF  }
0x79e: {  	vm0 =	veq.s32 v1, $0x0;
	v0 =	vand.u32 $0x10000, v9;
	v11, _, _ =	vpop (xrf2)  }
0x79f: {  	v1 =	vsel vm0, $0x0, v10;
	vm0 =	veq.s32 v0, $0x0;
	v0 =	vld [tilespmem:s23+$0xFFFFFFE0];
	(v2sf) =	vpush v11, $0xF  }
0x7a0: {  	v9 =	vld [tilespmem:s24+$0xFFFFFFE0];
	v59, _, _ =	vpop (xrf2);
	(xrf2) =	vadd.scan.msk.f32 $0xffff, v1;
	v1 =	vsel vm0, $0x0, v2;
	v2 =	vand.u32 $0x10000, v4  }
0x7a1: {  	(v2sf) =	vpush v59, $0xF;
	v4 =	vld [tilespmem:s23+$0x0];
	vm0 =	veq.s32 v2, $0x0  }
0x7a2: {  	(xrf2) =	vadd.scan.msk.f32 $0xffff, v1;
	v1 =	vsel vm0, $0x0, v7;
	v7 =	vld [tilespmem:s23+$0x10]  }
0x7a3: {  	s29 =	spop (v2sf);
	v2, _, _ =	vpop (xrf2)  }
0x7a4: {  	v0 =	vand.u32 $0x10000, v0;
	s30 =	spop (v2sf);
	(v2sf) =	vpush v2, $0xF  }
0x7a5: {  	s26 =	sadd.f32 s31, s21;
	v10 =	vld [tilespmem:s24+$0x0];
	vm0 =	veq.s32 v0, $0x0  }
0x7a6: {  	(xrf2) =	vadd.scan.msk.f32 $0xffff, v1;
	v0 =	vsel vm0, $0x0, v9;
	v4 =	vand.u32 $0x10000, v4;
	v1, _, _ =	vpop (xrf2)  }
0x7a7: {  	s2 =	sadd.f32 s29, s26;
	vm0 =	veq.s32 v4, $0x0;
	(v2sf) =	vpush v1, $0xF;
	v4 =	vand.u32 $0x10000, v7  }
0x7a8: {  	v60 =	vld [tilespmem:s24+$0x10];
	v3 =	vadd.f32 s26, v3;
	(xrf2) =	vadd.scan.msk.f32 $0xffff, v0  }
0x7a9: {  	s21 =	simm.s32 $0x8040;
	v61 =	vld [tilespmem:s23+$0x20];
	s31 =	sadd.f32 s30, s2  }
0x7aa: {  	v62 =	vld [tilespmem:s23+$0x30];
	[tilespmem:s21+$0xFFFFFFC0] =	vst v3;
	v3 =	vsel vm0, $0x0, v10;
	vm0 =	veq.s32 v4, $0x0;
	s25 =	spop (v2sf);
	v4, _, _ =	vpop (xrf2)  }
0x7ab: {  	v9 =	vld [tilespmem:s24+$0x20];
	v7 =	vadd.f32 s2, v5;
	s22 =	sadd.f32 s25, s31;
	(xrf2) =	vadd.scan.msk.f32 $0xffff, v3;
	(v2sf) =	vpush v4, $0xF  }
0x7ac: {  	s26 =	spop (v2sf)  }
0x7ad: {  	s23 =	simm.s32 $0x140;
	v10 =	vsel vm0, $0x0, v60;
	v8 =	vadd.f32 s31, v8;
	[tilespmem:s21+$0xFFFFFFD0] =	vst v7;
	v7 =	vld [tilespmem:s24+$0x30];
	v0, _, _ =	vpop (xrf2);
	s29 =	sadd.f32 s26, s22  }
0x7ae: {  	v5 =	vld [tilespmem:s23+$0xFFFFFFD0];
	v3 =	vand.u32 $0x10000, v61;
	s24 =	simm.s32 $0x6140;
	(xrf2) =	vadd.scan.msk.f32 $0xffff, v10;
	v6 =	vadd.f32 s22, v6;
	(v2sf) =	vpush v0, $0xF;
	s30 =	spop (v2sf)  }
0x7af: {  	vm0 =	veq.s32 v3, $0x0;
	[tilespmem:s21+$0xFFFFFFE0] =	vst v8;
	v8 =	vld [tilespmem:s24+$0xFFFFFFC0];
	v11 =	vadd.f32 s29, v11;
	s0 =	sadd.f32 s30, s29  }
0x7b0: {  	s25 =	simm.s32 $0x10;
	v63 =	vsel vm0, $0x0, v9;
	v9 =	vld [tilespmem:s24+$0xFFFFFFD0];
	[tilespmem:s21+$0xFFFFFFF0] =	vst v6;
	v6 =	vand.u32 $0x10000, v62;
	s31 =	spop (v2sf)  }
0x7b1: {  	v10 =	vld [tilespmem:s23+$0xFFFFFFC0];
	s26 =	simm.s32 $0x1C0;
	s22 =	simm.s32 $0x8040;
	v3, _, _ =	vpop (xrf2);
	(xrf2) =	vadd.scan.msk.f32 $0xffff, v63;
	vm0 =	veq.s32 v6, $0x0;
	[tilespmem:s21+$0x0] =	vst v11;
	v6 =	vadd.f32 s0, v59;
	s28 =	sadd.f32 s31, s0  }
.LBB2_30:
0x7b2: {  	v11 =	vld [tilespmem:s26+$0xFFFFFFD0];
	s25 =	sadd.s32 $0x8, s25;
	v7 =	vsel vm0, $0x0, v7;
	v12, _, _ =	vpop (xrf2);
	s21 =	sadd.s32 $0x80, s21  }
0x7b3: {  	p0 =	slt.u32 s25, $0x1F8;
	(v2sf) =	vpush v12, $0xF;
	[tilespmem:s22+$0x10] =	vst v6;
	v2 =	vadd.f32 s28, v2;
	s0 =	spop (v2sf)  }
0x7b4: {  	v6 =	vand.u32 $0x10000, v8;
	v8 =	vld [tilespmem:s24+$0xFFFFFFE0];
	(v2sf) =	vpush v3, $0xF;
	(xrf2) =	vadd.scan.msk.f32 $0xffff, v7;
	s0 =	sadd.f32 s0, s28  }
0x7b5: {  	vm0 =	veq.s32 v6, $0x0;
	v6 =	vand.u32 $0x10000, v9;
	v7 =	vld [tilespmem:s24+$0xFFFFFFF0];
	v9, _, _ =	vpop (xrf2);
	[tilespmem:s22+$0x20] =	vst v2  }
0x7b6: {  	v2 =	vsel vm0, $0x0, v10;
	vm0 =	veq.s32 v6, $0x0;
	v6 =	vld [tilespmem:s23+$0xFFFFFFE0];
	v1 =	vadd.f32 s0, v1;
	s2 =	spop (v2sf)  }
0x7b7: {  	v10 =	vsel vm0, $0x0, v5;
	v13 =	vld [tilespmem:s23+$0xFFFFFFF0];
	(xrf2) =	vadd.scan.msk.f32 $0xffff, v2;
	(v2sf) =	vpush v9, $0xF;
	s0 =	sadd.f32 s2, s0;
	v5 =	vmov v11  }
0x7b8: {  	v11, _, _ =	vpop (xrf2);
	[tilespmem:s22+$0x30] =	vst v1;
	s22 =	smov.u32 s21  }
0x7b9: {  	v1 =	vand.u32 $0x10000, v8;
	v8 =	vadd.f32 s0, v4;
	(v2sf) =	vpush v11, $0xF  }
0x7ba: {  	vm0 =	veq.s32 v1, $0x0;
	v1 =	vand.u32 $0x10000, v7;
	(xrf2) =	vadd.scan.msk.f32 $0xffff, v10;
	s2 =	spop (v2sf)  }
0x7bb: {  	v4 =	vsel vm0, $0x0, v6;
	vm0 =	veq.s32 v1, $0x0;
	v6 =	vld [tilespmem:s24+$0x0];
	[tilespmem:s21+$0xFFFFFFC0] =	vst v8;
	v2, _, _ =	vpop (xrf2)  }
0x7bc: {  	v13 =	vsel vm0, $0x0, v13;
	v7 =	vld [tilespmem:s24+$0x10];
	(v2sf) =	vpush v2, $0xF  }
0x7bd: {  	v8 =	vld [tilespmem:s23+$0x0];
	(xrf2) =	vadd.scan.msk.f32 $0xffff, v13;
	s28 =	spop (v2sf)  }
0x7be: {  	v10 =	vld [tilespmem:s23+$0x10];
	v1, _, _ =	vpop (xrf2)  }
0x7bf: {  	s0 =	sadd.f32 s2, s0;
	(v2sf) =	vpush v1, $0xF  }
0x7c0: {  	v6 =	vand.u32 $0x10000, v6;
	v13 =	vld [tilespmem:s24+$0x20];
	(xrf2) =	vadd.scan.msk.f32 $0xffff, v4  }
0x7c1: {  	vm0 =	veq.s32 v6, $0x0;
	v6 =	vand.u32 $0x10000, v7;
	v4, _, _ =	vpop (xrf2);
	v7 =	vadd.f32 s0, v0;
	s0 =	sadd.f32 s28, s0  }
0x7c2: {  	v14 =	vsel vm0, $0x0, v8;
	vm0 =	veq.s32 v6, $0x0;
	v6 =	vld [tilespmem:s23+$0x20];
	s2 =	spop (v2sf)  }
0x7c3: {  	v8 =	vsel vm0, $0x0, v10;
	v10 =	vld [tilespmem:s24+$0x30];
	(v2sf) =	vpush v4, $0xF;
	(xrf2) =	vadd.scan.msk.f32 $0xffff, v14;
	v12 =	vadd.f32 s0, v12;
	s0 =	sadd.f32 s2, s0;
	s2 =	spop (v2sf)  }
0x7c4: {  	v0, _, _ =	vpop (xrf2);
	[tilespmem:s21+$0xFFFFFFD0] =	vst v7  }
.Ltmp14:
0x7c5: {  	v13 =	vand.u32 $0x10000, v13;
	v7 =	vld [tilespmem:s23+$0x30];
	[tilespmem:s21+$0xFFFFFFE0] =	vst v12;
	v12 =	vadd.f32 s0, v3;
	s0 =	sadd.f32 s2, s0;
	s23 =	smov.u32 s26;
	(pc) =	sbr.rel @p0 .LBB2_30-.Ltmp14, $4  }
0x7c6: {  	s24 =	sadd.s32 $0x80, s24;
	vm0 =	veq.s32 v13, $0x0;
	(v2sf) =	vpush v0, $0xF;
	(xrf2) =	vadd.scan.msk.f32 $0xffff, v8;
	s2 =	spop (v2sf)  }
0x7c7: {  	v8 =	vld [tilespmem:s24+$0xFFFFFFC0];
	v6 =	vsel vm0, $0x0, v6;
	v3, _, _ =	vpop (xrf2);
	[tilespmem:s21+$0xFFFFFFF0] =	vst v12;
	v12 =	vadd.f32 s0, v9;
	s0 =	sadd.f32 s2, s0  }
0x7c8: {  	v9 =	vld [tilespmem:s24+$0xFFFFFFD0];
	v13 =	vand.u32 $0x10000, v10;
	s2 =	spop (v2sf)  }
0x7c9: {  	s26 =	sadd.s32 $0x80, s26;
	v10 =	vld [tilespmem:s23+$0xFFFFFFC0];
	vm0 =	veq.s32 v13, $0x0;
	(xrf2) =	vadd.scan.msk.f32 $0xffff, v6;
	[tilespmem:s21+$0x0] =	vst v12;
	v6 =	vadd.f32 s0, v11;
	s28 =	sadd.f32 s2, s0  }
0x7ca: {  	_ = 	snop  }
0x7cb: {  	v11 =	vld [tilespmem:s24+$0xFFFFFFF0]  }
0x7cc: {  	v12 =	vld [tilespmem:s24+$0xFFFFFFE0];
	v8 =	vand.u32 $0x10000, v8  }
0x7cd: {  	v7 =	vsel vm0, $0x0, v7;
	v13 =	vld [tilespmem:s23+$0xFFFFFFF0];
	vm0 =	veq.s32 v8, $0x0  }
0x7ce: {  	v14, _, _ =	vpop (xrf2);
	(xrf2) =	vadd.scan.msk.f32 $0xffff, v7;
	v7 =	vld [tilespmem:s23+$0xFFFFFFE0];
	v8 =	vand.u32 $0x10000, v9;
	v9 =	vsel vm0, $0x0, v10  }
0x7cf: {  	(v2sf) =	vpush v14, $0xF;
	(xrf2) =	vadd.scan.msk.f32 $0xffff, v9;
	v9 =	vld [tilespmem:s24+$0x0]  }
0x7d0: {  	v57 =	vld [tilespmem:s24+$0x20];
	(v2sf) =	vpush v3, $0xF;
	vm0 =	veq.s32 v8, $0x0;
	v8 =	vand.u32 $0x10000, v11  }
0x7d1: {  	v5 =	vsel vm0, $0x0, v5;
	v10 =	vand.u32 $0x10000, v12;
	vm0 =	veq.s32 v8, $0x0;
	v8 =	vld [tilespmem:s24+$0x10]  }
0x7d2: {  	v11, _, _ =	vpop (xrf2);
	(xrf2) =	vadd.scan.msk.f32 $0xffff, v5;
	v5 =	vld [tilespmem:s23+$0x0];
	v55 =	vsel vm0, $0x0, v13;
	vm0 =	veq.s32 v10, $0x0  }
0x7d3: {  	(v2sf) =	vpush v11, $0xF;
	v10 =	vld [tilespmem:s23+$0x10];
	v7 =	vsel vm0, $0x0, v7;
	(xrf2) =	vadd.scan.msk.f32 $0xffff, v55  }
0x7d4: {  	v56, _, _ =	vpop (xrf2);
	(xrf2) =	vadd.scan.msk.f32 $0xffff, v7;
	v7 =	vand.u32 $0x10000, v9  }
0x7d5: {  	(v2sf) =	vpush v56, $0xF;
	vm0 =	veq.s32 v7, $0x0;
	v7 =	vld [tilespmem:s23+$0x20]  }
0x7d6: {  	s0 =	spop (v2sf);
	v9, _, _ =	vpop (xrf2);
	v8 =	vand.u32 $0x10000, v8  }
0x7d7: {  	s0 =	sadd.f32 s0, s28;
	(v2sf) =	vpush v9, $0xF;
	v5 =	vsel vm0, $0x0, v5;
	vm0 =	veq.s32 v8, $0x0  }
0x7d8: {  	s2 =	spop (v2sf);
	v15, _, _ =	vpop (xrf2);
	v8 =	vld [tilespmem:s24+$0x30];
	(xrf2) =	vadd.scan.msk.f32 $0xffff, v5;
	v5 =	vsel vm0, $0x0, v10;
	v10 =	vand.u32 $0x10000, v57  }
0x7d9: {  	s2 =	sadd.f32 s2, s0;
	(v2sf) =	vpush v15, $0xF;
	vm0 =	veq.s32 v10, $0x0  }
0x7da: {  	s30 =	spop (v2sf);
	(xrf2) =	vadd.scan.msk.f32 $0xffff, v5;
	v5 =	vld [tilespmem:s23+$0x30];
	v58, _, _ =	vpop (xrf2);
	v7 =	vsel vm0, $0x0, v7  }
0x7db: {  	s24 =	sadd.f32 s30, s2;
	(v2sf) =	vpush v58, $0xF  }
0x7dc: {  	s31 =	spop (v2sf);
	v10, _, _ =	vpop (xrf2);
	(xrf2) =	vadd.scan.msk.f32 $0xffff, v7  }
0x7dd: {  	s23 =	sadd.f32 s31, s24;
	(v2sf) =	vpush v10, $0xF;
	v8 =	vand.u32 $0x10000, v8;
	v7, _, _ =	vpop (xrf2)  }
0x7de: {  	s25 =	spop (v2sf);
	vm0 =	veq.s32 v8, $0x0;
	v16, _, _ =	vpop (xrf2)  }
0x7df: {  	s25 =	sadd.f32 s25, s23;
	v5 =	vsel vm0, $0x0, v5;
	(v2sf) =	vpush v16, $0xF  }
0x7e0: {  	s26 =	spop (v2sf)  }
0x7e1: {  	s26 =	sadd.f32 s26, s25;
	(xrf2) =	vadd.scan.msk.f32 $0xffff, v5;
	(v2sf) =	vpush v7, $0xF  }
0x7e2: {  	s29 =	spop (v2sf);
	v5, _, _ =	vpop (xrf2)  }
0x7e3: {  	s29 =	sadd.f32 s29, s26;
	(v2sf) =	vpush v5, $0xF  }
0x7e4: {  	s30 =	spop (v2sf);
	v8, _, _ =	vpop (xrf2)  }
0x7e5: {  	s30 =	sadd.f32 s30, s29;
	(v2sf) =	vpush v8, $0xF  }
0x7e6: {  	s31 =	spop (v2sf);
	v17, _, _ =	vpop (xrf2)  }
0x7e7: {  	v1 =	vadd.f32 s0, v1;
	s31 =	sadd.f32 s31, s30;
	(v2sf) =	vpush v17, $0xF  }
0x7e8: {  	v2 =	vadd.f32 s28, v2;
	s28 =	spop (v2sf)  }
0x7e9: {  	[tilespmem:s22+$0x10] =	vst v6;
	s0 =	sadd.f32 s28, s31  }
0x7ea: {  	[tilespmem:s22+$0x20] =	vst v2;
	v2 =	vadd.f32 s2, v4;
	s2 =	spop (v2sf)  }
0x7eb: {  	s21 =	sadd.s32 $0x80, s21;
	[tilespmem:s22+$0x30] =	vst v1;
	v0 =	vadd.f32 s24, v0;
	v1, _, _ =	vpop (xrf2);
	s2 =	sadd.f32 s2, s0  }
0x7ec: {  	[tilespmem:s21+$0xFFFFFFC0] =	vst v2;
	v2 =	vadd.f32 s23, v14;
	s24 =	spop (v2sf);
	(v2sf) =	vpush v1, $0xF  }
0x7ed: {  	[tilespmem:s21+$0xFFFFFFD0] =	vst v0;
	v3 =	vadd.f32 s25, v3;
	s22 =	sadd.f32 s24, s2  }
0x7ee: {  	[tilespmem:s21+$0xFFFFFFE0] =	vst v2;
	v0 =	vadd.f32 s26, v11;
	s26 =	spop (v2sf)  }
0x7ef: {  	[tilespmem:s21+$0xFFFFFFF0] =	vst v3;
	v2 =	vadd.f32 s29, v56;
	s23 =	sadd.f32 s26, s22  }
0x7f0: {  	[tilespmem:s21+$0x0] =	vst v0;
	v0 =	vadd.f32 s30, v9;
	s30 =	spop (v2sf)  }
0x7f1: {  	[tilespmem:s21+$0x10] =	vst v2;
	v2 =	vadd.f32 s31, v15;
	s24 =	sadd.f32 s30, s23  }
0x7f2: {  	[tilespmem:s21+$0x20] =	vst v0;
	v0 =	vadd.f32 s0, v58;
	s25 =	spop (v2sf)  }
0x7f3: {  	[tilespmem:s21+$0x30] =	vst v2;
	v2 =	vadd.f32 s2, v10;
	s26 =	sadd.s32 $0x80, s21;
	s0 =	sadd.f32 s25, s24  }
0x7f4: {  	[tilespmem:s26+$0xFFFFFFC0] =	vst v0;
	v0 =	vadd.f32 s22, v16;
	s29 =	spop (v2sf)  }
0x7f5: {  	[tilespmem:s26+$0xFFFFFFD0] =	vst v2;
	v2 =	vadd.f32 s23, v7;
	s2 =	sadd.f32 s29, s0  }
0x7f6: {  	[tilespmem:s26+$0xFFFFFFE0] =	vst v0;
	v0 =	vadd.f32 s24, v5;
	s30 =	spop (v2sf)  }
0x7f7: {  	[tilespmem:s26+$0xFFFFFFF0] =	vst v2;
	v2 =	vadd.f32 s0, v8;
	s21 =	sadd.f32 s30, s2  }
0x7f8: {  	[tilespmem:s26+$0x0] =	vst v0;
	v0 =	vadd.f32 s2, v17  }
0x7f9: {  	[tilespmem:s26+$0x10] =	vst v2;
	v1 =	vadd.f32 s21, v1  }
0x7fa: {  	[tilespmem:s26+$0x20] =	vst v0  }
0x7fb: {  	s31 =	spop (v2sf);
	[tilespmem:s26+$0x30] =	vst v1  }
0x7fc: {  	[hbm4b:s6+s9] =	stream.strided.scatter [tilespmem:s14], [sflag:$0x5], $0x2000, s10, s9, $0x38;
	[tilespmem:$0xC000] =	vst v63  }
0x7fd: {  	_ =	swait.ge [sflag:s15], $0x2000  }
0x7fe: {  	[sflag:s15] =	ssyncset.done $0x0  }
0x7ff: {  	[sflag:s15] =	ssyncadd.s32 $0xFFFFE000  }
0x800: {  	_ =	swait.ge [sflag:s18], $0x2000  }
0x801: {  	[sflag:s18] =	ssyncset.done $0x0  }
0x802: {  	s25 =	simm.s32 $0x6040;
	[sflag:s18] =	ssyncadd.s32 $0xFFFFE000  }
0x803: {  	v1 =	vld [tilespmem:s25+$0xFFFFFFC0]  }
0x804: {  	s24 =	simm.s32 $0x2040;
	v2 =	vld [tilespmem:s25+$0xFFFFFFD0]  }
0x805: {  	v3 =	vld [tilespmem:s24+$0xFFFFFFC0]  }
0x806: {  	v0 =	vld [tilespmem:s24+$0xFFFFFFD0]  }
0x807: {  	v4 =	vld [tilespmem:s25+$0xFFFFFFF0]  }
0x808: {  	v1 =	vand.u32 $0x1000000, v1  }
0x809: {  	v5 =	vld [tilespmem:s25+$0xFFFFFFE0];
	v2 =	vand.u32 $0x1000000, v2;
	vm0 =	veq.s32 v1, $0x0  }
0x80a: {  	v6 =	vld [tilespmem:s24+$0xFFFFFFF0];
	v3 =	vsel vm0, $0x0, v3;
	vm0 =	veq.s32 v2, $0x0  }
0x80b: {  	v1 =	vld [tilespmem:s24+$0xFFFFFFE0];
	(xrf2) =	vadd.scan.msk.f32 $0xffff, v3;
	v0 =	vsel vm0, $0x0, v0  }
0x80c: {  	v2 =	vand.u32 $0x1000000, v4;
	v3 =	vld [tilespmem:s25+$0x0];
	(xrf2) =	vadd.scan.msk.f32 $0xffff, v0  }
0x80d: {  	vm0 =	veq.s32 v2, $0x0;
	v2 =	vld [tilespmem:s25+$0x10]  }
0x80e: {  	v4 =	vand.u32 $0x1000000, v5;
	v0 =	vld [tilespmem:s24+$0x0]  }
0x80f: {  	v5 =	vsel vm0, $0x0, v6;
	vm0 =	veq.s32 v4, $0x0;
	v4 =	vld [tilespmem:s24+$0x10]  }
0x810: {  	(xrf2) =	vadd.scan.msk.f32 $0xffff, v5;
	v1 =	vsel vm0, $0x0, v1  }
0x811: {  	(xrf2) =	vadd.scan.msk.f32 $0xffff, v1;
	v1 =	vand.u32 $0x1000000, v3  }
0x812: {  	vm0 =	veq.s32 v1, $0x0;
	v1 =	vand.u32 $0x1000000, v2  }
0x813: {  	v0 =	vsel vm0, $0x0, v0;
	vm0 =	veq.s32 v1, $0x0;
	v1 =	vld [tilespmem:s25+$0x20]  }
0x814: {  	(xrf2) =	vadd.scan.msk.f32 $0xffff, v0;
	v0 =	vsel vm0, $0x0, v4  }
0x815: {  	v3, _, _ =	vpop (xrf2);
	(xrf2) =	vadd.scan.msk.f32 $0xffff, v0;
	v0 =	vld [tilespmem:s24+$0x20]  }
0x816: {  	v2 =	vld [tilespmem:s25+$0x30];
	(v2sf) =	vpush v3, $0xF;
	v5, _, _ =	vpop (xrf2)  }
0x817: {  	(v2sf) =	vpush v5, $0xF  }
0x818: {  	s23 =	simm.s32 $0x60C0;
	v4 =	vld [tilespmem:s24+$0x30];
	v1 =	vand.u32 $0x1000000, v1  }
0x819: {  	v7 =	vld [tilespmem:s23+$0xFFFFFFC0];
	vm0 =	veq.s32 v1, $0x0  }
0x81a: {  	v9 =	vld [tilespmem:s23+$0xFFFFFFD0];
	s24 =	simm.s32 $0x20C0;
	v0 =	vsel vm0, $0x0, v0  }
0x81b: {  	v10 =	vld [tilespmem:s24+$0xFFFFFFC0];
	v6, _, _ =	vpop (xrf2);
	v1 =	vand.u32 $0x1000000, v2;
	(xrf2) =	vadd.scan.msk.f32 $0xffff, v0  }
0x81c: {  	v2 =	vld [tilespmem:s24+$0xFFFFFFD0];
	v8, _, _ =	vpop (xrf2);
	vm0 =	veq.s32 v1, $0x0  }
0x81d: {  	(v2sf) =	vpush v8, $0xF;
	v0 =	vsel vm0, $0x0, v4;
	v4 =	vld [tilespmem:s23+$0xFFFFFFF0]  }
0x81e: {  	(xrf2) =	vadd.scan.msk.f32 $0xffff, v0  }
0x81f: {  	v1 =	vand.u32 $0x1000000, v7;
	v7 =	vld [tilespmem:s24+$0xFFFFFFF0];
	(v2sf) =	vpush v6, $0xF  }
0x820: {  	vm0 =	veq.s32 v1, $0x0;
	v0 =	vand.u32 $0x1000000, v9;
	v11, _, _ =	vpop (xrf2)  }
0x821: {  	v1 =	vsel vm0, $0x0, v10;
	vm0 =	veq.s32 v0, $0x0;
	v0 =	vld [tilespmem:s23+$0xFFFFFFE0];
	(v2sf) =	vpush v11, $0xF  }
0x822: {  	v9 =	vld [tilespmem:s24+$0xFFFFFFE0];
	v59, _, _ =	vpop (xrf2);
	(xrf2) =	vadd.scan.msk.f32 $0xffff, v1;
	v1 =	vsel vm0, $0x0, v2;
	v2 =	vand.u32 $0x1000000, v4  }
0x823: {  	(v2sf) =	vpush v59, $0xF;
	v4 =	vld [tilespmem:s23+$0x0];
	vm0 =	veq.s32 v2, $0x0  }
0x824: {  	(xrf2) =	vadd.scan.msk.f32 $0xffff, v1;
	v1 =	vsel vm0, $0x0, v7;
	v7 =	vld [tilespmem:s23+$0x10]  }
0x825: {  	s29 =	spop (v2sf);
	v2, _, _ =	vpop (xrf2)  }
0x826: {  	v0 =	vand.u32 $0x1000000, v0;
	s30 =	spop (v2sf);
	(v2sf) =	vpush v2, $0xF  }
0x827: {  	s26 =	sadd.f32 s31, s21;
	v10 =	vld [tilespmem:s24+$0x0];
	vm0 =	veq.s32 v0, $0x0  }
0x828: {  	(xrf2) =	vadd.scan.msk.f32 $0xffff, v1;
	v0 =	vsel vm0, $0x0, v9;
	v4 =	vand.u32 $0x1000000, v4;
	v1, _, _ =	vpop (xrf2)  }
0x829: {  	s2 =	sadd.f32 s29, s26;
	vm0 =	veq.s32 v4, $0x0;
	(v2sf) =	vpush v1, $0xF;
	v4 =	vand.u32 $0x1000000, v7  }
0x82a: {  	v60 =	vld [tilespmem:s24+$0x10];
	v3 =	vadd.f32 s26, v3;
	(xrf2) =	vadd.scan.msk.f32 $0xffff, v0  }
0x82b: {  	s21 =	simm.s32 $0xA040;
	v61 =	vld [tilespmem:s23+$0x20];
	s31 =	sadd.f32 s30, s2  }
0x82c: {  	v62 =	vld [tilespmem:s23+$0x30];
	[tilespmem:s21+$0xFFFFFFC0] =	vst v3;
	v3 =	vsel vm0, $0x0, v10;
	vm0 =	veq.s32 v4, $0x0;
	s25 =	spop (v2sf);
	v4, _, _ =	vpop (xrf2)  }
0x82d: {  	v9 =	vld [tilespmem:s24+$0x20];
	v7 =	vadd.f32 s2, v5;
	s22 =	sadd.f32 s25, s31;
	(xrf2) =	vadd.scan.msk.f32 $0xffff, v3;
	(v2sf) =	vpush v4, $0xF  }
0x82e: {  	s26 =	spop (v2sf)  }
0x82f: {  	s23 =	simm.s32 $0x2140;
	v10 =	vsel vm0, $0x0, v60;
	v8 =	vadd.f32 s31, v8;
	[tilespmem:s21+$0xFFFFFFD0] =	vst v7;
	v7 =	vld [tilespmem:s24+$0x30];
	v0, _, _ =	vpop (xrf2);
	s29 =	sadd.f32 s26, s22  }
0x830: {  	v5 =	vld [tilespmem:s23+$0xFFFFFFD0];
	v3 =	vand.u32 $0x1000000, v61;
	s24 =	simm.s32 $0x6140;
	(xrf2) =	vadd.scan.msk.f32 $0xffff, v10;
	v6 =	vadd.f32 s22, v6;
	(v2sf) =	vpush v0, $0xF;
	s30 =	spop (v2sf)  }
0x831: {  	vm0 =	veq.s32 v3, $0x0;
	[tilespmem:s21+$0xFFFFFFE0] =	vst v8;
	v8 =	vld [tilespmem:s24+$0xFFFFFFC0];
	v11 =	vadd.f32 s29, v11;
	s0 =	sadd.f32 s30, s29  }
0x832: {  	s25 =	simm.s32 $0x10;
	v63 =	vsel vm0, $0x0, v9;
	v9 =	vld [tilespmem:s24+$0xFFFFFFD0];
	[tilespmem:s21+$0xFFFFFFF0] =	vst v6;
	v6 =	vand.u32 $0x1000000, v62;
	s31 =	spop (v2sf)  }
0x833: {  	v10 =	vld [tilespmem:s23+$0xFFFFFFC0];
	s26 =	simm.s32 $0x21C0;
	s22 =	simm.s32 $0xA040;
	v3, _, _ =	vpop (xrf2);
	(xrf2) =	vadd.scan.msk.f32 $0xffff, v63;
	vm0 =	veq.s32 v6, $0x0;
	[tilespmem:s21+$0x0] =	vst v11;
	v6 =	vadd.f32 s0, v59;
	s28 =	sadd.f32 s31, s0  }
.LBB2_32:
0x834: {  	v11 =	vld [tilespmem:s26+$0xFFFFFFD0];
	s25 =	sadd.s32 $0x8, s25;
	v7 =	vsel vm0, $0x0, v7;
	v12, _, _ =	vpop (xrf2);
	s21 =	sadd.s32 $0x80, s21  }
0x835: {  	p0 =	slt.u32 s25, $0x1F8;
	(v2sf) =	vpush v12, $0xF;
	[tilespmem:s22+$0x10] =	vst v6;
	v2 =	vadd.f32 s28, v2;
	s0 =	spop (v2sf)  }
0x836: {  	v6 =	vand.u32 $0x1000000, v8;
	v8 =	vld [tilespmem:s24+$0xFFFFFFE0];
	(v2sf) =	vpush v3, $0xF;
	(xrf2) =	vadd.scan.msk.f32 $0xffff, v7;
	s0 =	sadd.f32 s0, s28  }
0x837: {  	vm0 =	veq.s32 v6, $0x0;
	v6 =	vand.u32 $0x1000000, v9;
	v7 =	vld [tilespmem:s24+$0xFFFFFFF0];
	v9, _, _ =	vpop (xrf2);
	[tilespmem:s22+$0x20] =	vst v2  }
0x838: {  	v2 =	vsel vm0, $0x0, v10;
	vm0 =	veq.s32 v6, $0x0;
	v6 =	vld [tilespmem:s23+$0xFFFFFFE0];
	v1 =	vadd.f32 s0, v1;
	s2 =	spop (v2sf)  }
0x839: {  	v10 =	vsel vm0, $0x0, v5;
	v13 =	vld [tilespmem:s23+$0xFFFFFFF0];
	(xrf2) =	vadd.scan.msk.f32 $0xffff, v2;
	(v2sf) =	vpush v9, $0xF;
	s0 =	sadd.f32 s2, s0;
	v5 =	vmov v11  }
0x83a: {  	v11, _, _ =	vpop (xrf2);
	[tilespmem:s22+$0x30] =	vst v1;
	s22 =	smov.u32 s21  }
0x83b: {  	v1 =	vand.u32 $0x1000000, v8;
	v8 =	vadd.f32 s0, v4;
	(v2sf) =	vpush v11, $0xF  }
0x83c: {  	vm0 =	veq.s32 v1, $0x0;
	v1 =	vand.u32 $0x1000000, v7;
	(xrf2) =	vadd.scan.msk.f32 $0xffff, v10;
	s2 =	spop (v2sf)  }
0x83d: {  	v4 =	vsel vm0, $0x0, v6;
	vm0 =	veq.s32 v1, $0x0;
	v6 =	vld [tilespmem:s24+$0x0];
	[tilespmem:s21+$0xFFFFFFC0] =	vst v8;
	v2, _, _ =	vpop (xrf2)  }
0x83e: {  	v13 =	vsel vm0, $0x0, v13;
	v7 =	vld [tilespmem:s24+$0x10];
	(v2sf) =	vpush v2, $0xF  }
0x83f: {  	v8 =	vld [tilespmem:s23+$0x0];
	(xrf2) =	vadd.scan.msk.f32 $0xffff, v13;
	s28 =	spop (v2sf)  }
0x840: {  	v10 =	vld [tilespmem:s23+$0x10];
	v1, _, _ =	vpop (xrf2)  }
0x841: {  	s0 =	sadd.f32 s2, s0;
	(v2sf) =	vpush v1, $0xF  }
0x842: {  	v6 =	vand.u32 $0x1000000, v6;
	v13 =	vld [tilespmem:s24+$0x20];
	(xrf2) =	vadd.scan.msk.f32 $0xffff, v4  }
0x843: {  	vm0 =	veq.s32 v6, $0x0;
	v6 =	vand.u32 $0x1000000, v7;
	v4, _, _ =	vpop (xrf2);
	v7 =	vadd.f32 s0, v0;
	s0 =	sadd.f32 s28, s0  }
0x844: {  	v14 =	vsel vm0, $0x0, v8;
	vm0 =	veq.s32 v6, $0x0;
	v6 =	vld [tilespmem:s23+$0x20];
	s2 =	spop (v2sf)  }
0x845: {  	v8 =	vsel vm0, $0x0, v10;
	v10 =	vld [tilespmem:s24+$0x30];
	(v2sf) =	vpush v4, $0xF;
	(xrf2) =	vadd.scan.msk.f32 $0xffff, v14;
	v12 =	vadd.f32 s0, v12;
	s0 =	sadd.f32 s2, s0;
	s2 =	spop (v2sf)  }
0x846: {  	v0, _, _ =	vpop (xrf2);
	[tilespmem:s21+$0xFFFFFFD0] =	vst v7  }
.Ltmp15:
0x847: {  	v13 =	vand.u32 $0x1000000, v13;
	v7 =	vld [tilespmem:s23+$0x30];
	[tilespmem:s21+$0xFFFFFFE0] =	vst v12;
	v12 =	vadd.f32 s0, v3;
	s0 =	sadd.f32 s2, s0;
	s23 =	smov.u32 s26;
	(pc) =	sbr.rel @p0 .LBB2_32-.Ltmp15, $4  }
0x848: {  	s24 =	sadd.s32 $0x80, s24;
	vm0 =	veq.s32 v13, $0x0;
	(v2sf) =	vpush v0, $0xF;
	(xrf2) =	vadd.scan.msk.f32 $0xffff, v8;
	s2 =	spop (v2sf)  }
0x849: {  	v8 =	vld [tilespmem:s24+$0xFFFFFFC0];
	v6 =	vsel vm0, $0x0, v6;
	v3, _, _ =	vpop (xrf2);
	[tilespmem:s21+$0xFFFFFFF0] =	vst v12;
	v12 =	vadd.f32 s0, v9;
	s0 =	sadd.f32 s2, s0  }
0x84a: {  	v9 =	vld [tilespmem:s24+$0xFFFFFFD0];
	v13 =	vand.u32 $0x1000000, v10;
	s2 =	spop (v2sf)  }
0x84b: {  	s26 =	sadd.s32 $0x80, s26;
	v10 =	vld [tilespmem:s23+$0xFFFFFFC0];
	vm0 =	veq.s32 v13, $0x0;
	(xrf2) =	vadd.scan.msk.f32 $0xffff, v6;
	[tilespmem:s21+$0x0] =	vst v12;
	v6 =	vadd.f32 s0, v11;
	s28 =	sadd.f32 s2, s0  }
0x84c: {  	v11 =	vld [tilespmem:s24+$0xFFFFFFF0]  }
0x84d: {  	v12 =	vld [tilespmem:s24+$0xFFFFFFE0]  }
0x84e: {  	v7 =	vsel vm0, $0x0, v7;
	v13 =	vld [tilespmem:s23+$0xFFFFFFF0];
	v8 =	vand.u32 $0x1000000, v8  }
0x84f: {  	v14, _, _ =	vpop (xrf2);
	v24 =	vld [tilespmem:s23+$0xFFFFFFE0];
	(xrf2) =	vadd.scan.msk.f32 $0xffff, v7;
	vm8 =	veq.s32 v8, $0x0  }
0x850: {  	(v2sf) =	vpush v14, $0xF;
	v25 =	vand.u32 $0x1000000, v9;
	v26 =	vsel vm8, $0x0, v10  }
0x851: {  	v28 =	vld [tilespmem:s24+$0x0];
	(v2sf) =	vpush v3, $0xF;
	vm9 =	veq.s32 v25, $0x0;
	(xrf2) =	vadd.scan.msk.f32 $0xffff, v26;
	v27 =	vand.u32 $0x1000000, v11  }
0x852: {  	v30 =	vld [tilespmem:s24+$0x10];
	v5 =	vsel vm9, $0x0, v5;
	v29 =	vand.u32 $0x1000000, v12;
	vm10 =	veq.s32 v27, $0x0  }
0x853: {  	v33 =	vld [tilespmem:s23+$0x0];
	v31, _, _ =	vpop (xrf2);
	vm11 =	veq.s32 v29, $0x0;
	(xrf2) =	vadd.scan.msk.f32 $0xffff, v5;
	v32 =	vsel vm10, $0x0, v13  }
0x854: {  	v34 =	vld [tilespmem:s23+$0x10];
	(v2sf) =	vpush v31, $0xF;
	v7 =	vsel vm11, $0x0, v24;
	(xrf2) =	vadd.scan.msk.f32 $0xffff, v32  }
0x855: {  	v36 =	vld [tilespmem:s24+$0x20];
	v35, _, _ =	vpop (xrf2);
	(xrf2) =	vadd.scan.msk.f32 $0xffff, v7  }
0x856: {  	v37 =	vand.u32 $0x1000000, v28;
	(v2sf) =	vpush v35, $0xF  }
0x857: {  	v39 =	vld [tilespmem:s23+$0x20];
	s0 =	spop (v2sf);
	vm12 =	veq.s32 v37, $0x0;
	v38, _, _ =	vpop (xrf2)  }
0x858: {  	s0 =	sadd.f32 s0, s28;
	v8 =	vand.u32 $0x1000000, v30;
	v5 =	vsel vm12, $0x0, v33;
	(v2sf) =	vpush v38, $0xF  }
0x859: {  	s2 =	spop (v2sf);
	vm13 =	veq.s32 v8, $0x0;
	v15, _, _ =	vpop (xrf2);
	(xrf2) =	vadd.scan.msk.f32 $0xffff, v5  }
0x85a: {  	v41 =	vld [tilespmem:s24+$0x30];
	s2 =	sadd.f32 s2, s0;
	v42 =	vand.u32 $0x1000000, v36;
	v40 =	vsel vm13, $0x0, v34;
	(v2sf) =	vpush v15, $0xF  }
0x85b: {  	vm14 =	veq.s32 v42, $0x0;
	s25 =	spop (v2sf);
	(xrf2) =	vadd.scan.msk.f32 $0xffff, v40;
	v43, _, _ =	vpop (xrf2)  }
0x85c: {  	v44 =	vld [tilespmem:s23+$0x30];
	s24 =	sadd.f32 s25, s2;
	v7 =	vsel vm14, $0x0, v39;
	(v2sf) =	vpush v43, $0xF  }
0x85d: {  	s26 =	spop (v2sf);
	v45, _, _ =	vpop (xrf2);
	(xrf2) =	vadd.scan.msk.f32 $0xffff, v7  }
0x85e: {  	s23 =	sadd.f32 s26, s24;
	(v2sf) =	vpush v45, $0xF;
	v46, _, _ =	vpop (xrf2)  }
0x85f: {  	v8 =	vand.u32 $0x1000000, v41;
	s25 =	spop (v2sf);
	v16, _, _ =	vpop (xrf2)  }
0x860: {  	vm15 =	veq.s32 v8, $0x0;
	s25 =	sadd.f32 s25, s23;
	(v2sf) =	vpush v16, $0xF  }
0x861: {  	v5 =	vsel vm15, $0x0, v44;
	s26 =	spop (v2sf)  }
0x862: {  	s26 =	sadd.f32 s26, s25;
	(xrf2) =	vadd.scan.msk.f32 $0xffff, v5;
	(v2sf) =	vpush v46, $0xF  }
0x863: {  	s29 =	spop (v2sf);
	v47, _, _ =	vpop (xrf2)  }
0x864: {  	s29 =	sadd.f32 s29, s26;
	(v2sf) =	vpush v47, $0xF  }
0x865: {  	s30 =	spop (v2sf);
	v48, _, _ =	vpop (xrf2)  }
0x866: {  	s30 =	sadd.f32 s30, s29;
	(v2sf) =	vpush v48, $0xF  }
0x867: {  	s31 =	spop (v2sf);
	v17, _, _ =	vpop (xrf2)  }
0x868: {  	s31 =	sadd.f32 s31, s30;
	(v2sf) =	vpush v17, $0xF  }
0x869: {  	v2 =	vadd.f32 s28, v2;
	s28 =	spop (v2sf)  }
0x86a: {  	[tilespmem:s22+$0x10] =	vst v6;
	v1 =	vadd.f32 s0, v1;
	s0 =	sadd.f32 s28, s31  }
0x86b: {  	[tilespmem:s22+$0x20] =	vst v2;
	v49 =	vadd.f32 s2, v4;
	s28 =	spop (v2sf)  }
0x86c: {  	s21 =	sadd.s32 $0x80, s21;
	[tilespmem:s22+$0x30] =	vst v1;
	v0 =	vadd.f32 s24, v0;
	v50, _, _ =	vpop (xrf2);
	s2 =	sadd.f32 s28, s0  }
0x86d: {  	[tilespmem:s21+$0xFFFFFFC0] =	vst v49;
	v51 =	vadd.f32 s23, v14;
	(v2sf) =	vpush v50, $0xF;
	s23 =	spop (v2sf)  }
0x86e: {  	[tilespmem:s21+$0xFFFFFFD0] =	vst v0;
	v52 =	vadd.f32 s25, v3;
	s22 =	sadd.f32 s23, s2  }
0x86f: {  	[tilespmem:s21+$0xFFFFFFE0] =	vst v51;
	v53 =	vadd.f32 s26, v31;
	s24 =	spop (v2sf)  }
0x870: {  	[tilespmem:s21+$0xFFFFFFF0] =	vst v52;
	v54 =	vadd.f32 s29, v35;
	s23 =	sadd.f32 s24, s22  }
0x871: {  	[tilespmem:s21+$0x0] =	vst v53;
	v55 =	vadd.f32 s30, v38;
	s25 =	spop (v2sf)  }
0x872: {  	[tilespmem:s21+$0x10] =	vst v54;
	v56 =	vadd.f32 s31, v15;
	s24 =	sadd.f32 s25, s23  }
0x873: {  	[tilespmem:s21+$0x20] =	vst v55;
	v57 =	vadd.f32 s0, v43;
	s26 =	spop (v2sf)  }
0x874: {  	[tilespmem:s21+$0x30] =	vst v56;
	s21 =	sadd.s32 $0x80, s21;
	v58 =	vadd.f32 s2, v45;
	s0 =	sadd.f32 s26, s24  }
0x875: {  	[tilespmem:s21+$0xFFFFFFC0] =	vst v57;
	v59 =	vadd.f32 s22, v16;
	s28 =	spop (v2sf)  }
0x876: {  	[tilespmem:s21+$0xFFFFFFD0] =	vst v58;
	v60 =	vadd.f32 s23, v46;
	s2 =	sadd.f32 s28, s0  }
0x877: {  	[tilespmem:s21+$0xFFFFFFE0] =	vst v59;
	v61 =	vadd.f32 s24, v47;
	s29 =	spop (v2sf)  }
0x878: {  	[tilespmem:s21+$0xFFFFFFF0] =	vst v60;
	v62 =	vadd.f32 s0, v48;
	s30 =	sadd.f32 s29, s2  }
0x879: {  	[tilespmem:s21+$0x0] =	vst v61;
	v63 =	vadd.f32 s2, v17  }
0x87a: {  	[tilespmem:s21+$0x10] =	vst v62;
	v1 =	vadd.f32 s30, v50  }
0x87b: {  	[tilespmem:s21+$0x20] =	vst v63  }
0x87c: {  	s20 =	sadd.s32 $0x1, s20;
	s31 =	spop (v2sf);
	[tilespmem:s21+$0x30] =	vst v1  }
0x87d: {  	[hbm4b:s7+s9] =	stream.strided.scatter [tilespmem:s16], [sflag:$0x6], $0x2000, s10, s9, $0x38;
	[tilespmem:$0xC000] =	vst v63  }
0x87e: {  	p0 =	sne.s32 s20, s8;
	_ =	swait.ge [sflag:s17], $0x2000  }
.Ltmp16:
0x87f: {  	[sflag:s17] =	ssyncset.done $0x0;
	(pc) =	sbr.rel @p0 .LBB2_1-.Ltmp16, $4  }
0x880: {  	[sflag:s17] =	ssyncadd.s32 $0xFFFFE000  }
0x881: {  	_ =	swait.ge [sflag:s18], $0x2000  }
0x882: {  	[sflag:s18] =	ssyncset.done $0x0  }
0x883: {  	[sflag:s18] =	ssyncadd.s32 $0xFFFFE000  }
0x884: {  	_ =	sfence.sel $0x180000  }
0x885: {  	[bflag:$0x0] =	sbarrier.arrive $0xFFFF  }
0x886: {  	_ =	strace $0x90000047  }
0x887: {  	s0 =	stileid.u32;
	[bflag:$0x2] =	sbarrier.arrive $0xFFFF  }
0x888: {  	p0 =	sne.s32 s0, $0x0;
	s0 =	rddreg [dreg:$0x3]  }
0x889: {  	s0 =	sadd.s32 @!p0 $0x100000, s0  }
0x88a: {  	[sflag:s0] =	ssyncadd.tile.s32 @!p0 $0x1;
	_ =	shalt  }
.Lfunc_end2:
_tile_overlayer_lowered:
.L_overlay_start_2:
0x88b: {  	(tag) =	ssettag $0x2  }
0x88c: {  	s0 =	rddreg [dreg:$0x0];
	s2 =	stileid.u32  }
0x88d: {  	s1 =	rddreg [dreg:$0x1];
	p0 =	sne.s32 s2, $0x0  }
0x88e: {  	s3 =	rddreg [dreg:$0x2];
	[bflag:$0x3] =	sbarrier.arrive $0xFFFF;
	s2 =	simm.s32 @!p0 $0x1C07  }
0x88f: {  	[timem:s3], [sflag:s2] =	dma.local @!p0 [hbm:s0], s1  }
0x890: {  	s0 =	simm.s32 @!p0 $0x7  }
0x891: {  	_ =	swait.ge @!p0 [sflag:s0], s1  }
0x892: {  	s1 =	ssub.s32 @!p0 $0x0, s1;
	[sflag:s0] =	ssyncset.done @!p0 $0x0  }
0x893: {  	[sflag:s0] =	ssyncadd.s32 @!p0 s1  }
0x894: {  	[bflag:$0x3] =	sbarrier.arrive $0xFFFF  }
0x895: {  	_ =	shalt  }

</sc_bundles>
